<compile_context>
chip_gen: v7x
topology: tpu7x:2x2x1
jax: 0.10.2.dev20260603
libtpu: 0.0.44.dev20260713+nightly
codegen_flags: <defaults>
</compile_context>

<pallas_src>
import functools

import jax
import jax.numpy as jnp
from jax import lax
from jax.experimental import pallas as pl
from jax.experimental.pallas import tpu as pltpu
from jax.experimental.pallas import tpu_sc as plsc

_IMG = 96
_RADIUS = 0.05
_K = 8
_CH = 1024
_NSUB = 32
_BIG = 2 ** 30


def _transform_kernel(params_ref, pts_ref, out_ref):
    pts = pts_ref[0]
    x = pts[0:1, :]
    y = pts[1:2, :]
    z = pts[2:3, :]
    (r00, r01, r02, r10, r11, r12, r20, r21, r22, t0, t1, t2, foc) = [
        params_ref[0, 0, j] for j in range(13)]

    def _b(v):
        return v.astype(jnp.bfloat16).astype(jnp.float32)

    x, y, z = _b(x), _b(y), _b(z)
    r00, r01, r02 = _b(r00), _b(r01), _b(r02)
    r10, r11, r12 = _b(r10), _b(r11), _b(r12)
    r20, r21, r22 = _b(r20), _b(r21), _b(r22)
    xv = x * r00 + y * r10 + z * r20 + t0
    yv = x * r01 + y * r11 + z * r21 + t1
    zv = x * r02 + y * r12 + z * r22 + t2
    z_safe = jnp.where(jnp.abs(zv) < 1e-5, 1e-5, zv)
    px = foc * xv / z_safe
    py = foc * yv / z_safe
    out_ref[0] = jnp.concatenate([px, py, zv], axis=0)


def _sc_bin_kernel(pxyz_hbm, cand_hbm, counts_hbm, pts_v, rpx_v, rdy_v, rpz_v,
                   rid_v, cnt_v, *, n, rows_per):
    wid = lax.axis_index("s") * 2 + lax.axis_index("c")
    row0 = wid * rows_per
    b = row0 // _IMG
    pltpu.sync_copy(pxyz_hbm.at[b], pts_v)
    lane = lax.broadcasted_iota(jnp.int32, (16,), 0)
    counts_reg = jnp.zeros((16,), jnp.int32)
    r2 = _RADIUS * _RADIUS
    for j in range(rows_per):
        flat = row0 + j
        r = flat - b * _IMG
        rf = jnp.full((16,), r, jnp.int32).astype(jnp.float32)
        y_r = 1.0 - 2.0 * (rf + 0.5) / jnp.full((16,), float(_IMG), jnp.float32)

        def chunk_body(c, cnt):
            base = c * 16
            pxv = pts_v[0, pl.ds(base, 16)]
            pyv = pts_v[1, pl.ds(base, 16)]
            pzv = pts_v[2, pl.ds(base, 16)]
            dy = pyv - y_r
            dy2 = dy * dy
            m = (dy2 < r2) & (pzv > 0.0)
            idxf = (lane + base).astype(jnp.float32)
            mi = m.astype(jnp.int32)
            csum = plsc.cumsum(mi)
            pos = jnp.where(m, cnt + csum - 1, n + lane)
            plsc.store_scatter(rpx_v, [pos], pxv)
            plsc.store_scatter(rdy_v, [pos], dy2)
            plsc.store_scatter(rpz_v, [pos], pzv)
            plsc.store_scatter(rid_v, [pos], idxf)
            return cnt + jnp.sum(mi)

        cnt = lax.fori_loop(0, n // 16, chunk_body, jnp.int32(0))
        pltpu.sync_copy(rpx_v.at[pl.ds(0, n)], cand_hbm.at[flat, 0])
        pltpu.sync_copy(rdy_v.at[pl.ds(0, n)], cand_hbm.at[flat, 1])
        pltpu.sync_copy(rpz_v.at[pl.ds(0, n)], cand_hbm.at[flat, 2])
        pltpu.sync_copy(rid_v.at[pl.ds(0, n)], cand_hbm.at[flat, 3])
        counts_reg = jnp.where(lane == j, jnp.full((16,), cnt, jnp.int32),
                               counts_reg)
    cnt_v[...] = counts_reg
    pltpu.sync_copy(cnt_v, counts_hbm.at[wid])


_BIGF = float(2 ** 30)


def _select8(z, ci):
    zs, cs = [], []
    for kk in range(_K):
        mv = jnp.min(z, axis=1, keepdims=True)
        live = mv < jnp.inf
        pos = jnp.min(jnp.where(z == mv, ci, _BIGF), axis=1, keepdims=True)
        pos = jnp.where(live, pos, _BIGF)
        if kk + 1 < _K:
            z = jnp.where(ci == pos, jnp.inf, z)
        zs.append(mv)
        cs.append(pos)
    return zs, cs


def _topk_kernel(counts_ref, cand_ref, idx_ref, zbuf_ref, *, n):
    i = pl.program_id(0)
    count = counts_ref[i]
    nch = lax.div(count + (_CH - 1), _CH)
    r2 = _RADIUS * _RADIUS
    xs = 1.0 - 2.0 * (
        lax.broadcasted_iota(jnp.int32, (_IMG, 1), 0).astype(jnp.float32)
        + 0.5) / _IMG
    iota_c = lax.broadcasted_iota(jnp.int32, (_IMG, _CH), 1)

    state = (jnp.full((_IMG, _K), jnp.inf, jnp.float32),
             jnp.full((_IMG, _K), _BIGF, jnp.float32))

    def chunk(jc, st):
        zs, cs = st
        base = pl.multiple_of(jc * _CH, _CH)
        px = cand_ref[0, 0:1, pl.ds(base, _CH)]
        dy2 = cand_ref[0, 1:2, pl.ds(base, _CH)]
        pz = cand_ref[0, 2:3, pl.ds(base, _CH)]
        ci = cand_ref[0, 3:4, pl.ds(base, _CH)]
        d2 = (px - xs) ** 2 + dy2
        gpos = iota_c + base
        valid = (d2 < r2) & (pz > 0.0) & (gpos < count)
        zm = jnp.where(valid, pz, jnp.inf)
        ciq = jnp.where(valid, ci, _BIGF)
        czs, ccs = _select8(zm, ciq)
        z16 = jnp.concatenate([zs] + czs, axis=1)
        c16 = jnp.concatenate([cs] + ccs, axis=1)
        nzs, ncs = _select8(z16, c16)
        return (jnp.concatenate(nzs, axis=1), jnp.concatenate(ncs, axis=1))

    zs, cs = lax.fori_loop(0, nch, chunk, state)
    fin = zs < jnp.inf
    idx_ref[0, 0] = jnp.where(fin, cs.astype(jnp.int32), -1)
    zbuf_ref[0, 0] = jnp.where(fin, zs, -1.0)


def _sc_dist_kernel(pxyz_hbm, idx_hbm, dist_hbm, pts_v, idx_v, dst_v, *,
                    n, rows_per):
    wid = lax.axis_index("s") * 2 + lax.axis_index("c")
    row0 = wid * rows_per
    b = row0 // _IMG
    pltpu.sync_copy(pxyz_hbm.at[b], pts_v)
    lane = lax.broadcasted_iota(jnp.int32, (16,), 0)
    zero16 = jnp.zeros((16,), jnp.int32)
    one16 = jnp.full((16,), 1, jnp.int32)
    img_f = jnp.full((16,), float(_IMG), jnp.float32)
    rowlen = _IMG * _K
    for j in range(rows_per):
        flat = row0 + j
        r = flat - b * _IMG
        rf = jnp.full((16,), r, jnp.int32).astype(jnp.float32)
        ys = 1.0 - 2.0 * (rf + 0.5) / img_f
        pltpu.sync_copy(idx_hbm.at[flat], idx_v)

        def chunk_body(c, carry):
            base = c * 16
            iv = idx_v[pl.ds(base, 16)]
            icl = jnp.maximum(iv, zero16)
            pxg = plsc.load_gather(pts_v, [zero16, icl])
            pyg = plsc.load_gather(pts_v, [one16, icl])
            wcol = lax.shift_right_logical(lane + base, 3)
            xsv = 1.0 - 2.0 * (wcol.astype(jnp.float32) + 0.5) / img_f
            dx = pxg - xsv
            dyv = pyg - ys
            d = dx * dx + dyv * dyv
            dst_v[pl.ds(base, 16)] = jnp.where(iv < 0, -1.0, d)
            return carry

        lax.fori_loop(0, rowlen // 16, chunk_body, jnp.int32(0))
        pltpu.sync_copy(dst_v, dist_hbm.at[flat])


def kernel(points, R, T, focal):
    B, N, _ = points.shape
    img, k = _IMG, _K
    nrows = B * img
    rows_per = nrows // _NSUB
    pts = jnp.transpose(points, (0, 2, 1))
    params = jnp.concatenate(
        [R.reshape(B, 9), T.reshape(B, 3), focal.reshape(B, 1),
         jnp.zeros((B, 3), jnp.float32)], axis=1).reshape(B, 1, 16)

    pxyz = pl.pallas_call(
        _transform_kernel,
        out_shape=jax.ShapeDtypeStruct((B, 3, N), jnp.float32),
        grid=(B,),
        in_specs=[
            pl.BlockSpec((1, 1, 16), lambda b: (b, 0, 0),
                         memory_space=pltpu.SMEM),
            pl.BlockSpec((1, 3, N), lambda b: (b, 0, 0)),
        ],
        out_specs=pl.BlockSpec((1, 3, N), lambda b: (b, 0, 0)),
    )(params, pts)

    mesh = plsc.VectorSubcoreMesh(core_axis_name="c", subcore_axis_name="s")
    cand, counts2d = pl.kernel(
        functools.partial(_sc_bin_kernel, n=N, rows_per=rows_per),
        out_type=[jax.ShapeDtypeStruct((nrows, 4, N), jnp.float32),
                  jax.ShapeDtypeStruct((_NSUB, 16), jnp.int32)],
        mesh=mesh,
        compiler_params=pltpu.CompilerParams(needs_layout_passes=False),
        scratch_types=[pltpu.VMEM((3, N), jnp.float32),
                       pltpu.VMEM((N + 16,), jnp.float32),
                       pltpu.VMEM((N + 16,), jnp.float32),
                       pltpu.VMEM((N + 16,), jnp.float32),
                       pltpu.VMEM((N + 16,), jnp.float32),
                       pltpu.VMEM((16,), jnp.int32)],
    )(pxyz)

    counts_flat = counts2d[:, :rows_per].reshape(nrows)

    out_shapes = (
        jax.ShapeDtypeStruct((B, img, img, k), jnp.int32),
        jax.ShapeDtypeStruct((B, img, img, k), jnp.float32),
    )
    out_spec = pl.BlockSpec((1, 1, img, k),
                            lambda i, counts: (i // img, i % img, 0, 0))
    idx, zbuf = pl.pallas_call(
        functools.partial(_topk_kernel, n=N),
        out_shape=out_shapes,
        grid_spec=pltpu.PrefetchScalarGridSpec(
            num_scalar_prefetch=1,
            grid=(nrows,),
            in_specs=[pl.BlockSpec((1, 4, N), lambda i, counts: (i, 0, 0))],
            out_specs=(out_spec, out_spec),
        ),
    )(counts_flat, cand)

    rowlen = img * k
    dists = pl.kernel(
        functools.partial(_sc_dist_kernel, n=N, rows_per=rows_per),
        out_type=jax.ShapeDtypeStruct((nrows, rowlen), jnp.float32),
        mesh=mesh,
        compiler_params=pltpu.CompilerParams(needs_layout_passes=False),
        scratch_types=[pltpu.VMEM((3, N), jnp.float32),
                       pltpu.VMEM((rowlen,), jnp.int32),
                       pltpu.VMEM((rowlen,), jnp.float32)],
    )(pxyz, idx.reshape(nrows, rowlen))

    return idx, zbuf, dists.reshape(B, img, img, k)

# --- scband reference (transcript-rebuilt; emitter-appended) ---
"""Pipeline reference for scband-points-rasterizer-3985729650843 (READ-ONLY COPY).

The authoritative reference and input builder live on the scoring server;
editing this copy changes nothing except your own understanding.
"""

import jax, jax.numpy as jnp
import numpy as np

IMAGE_SIZE = 96
RADIUS = 0.05
K = 8


def setup_inputs(seed: int = 0) -> dict:
    key = jax.random.key(seed)
    k1, _ = jax.random.split(key)
    points = jax.random.normal(k1, (2, 8192, 3), dtype=jnp.float32)
    # camera parameters (world-to-view rotation/translation + focal length)
    R = jnp.broadcast_to(jnp.eye(3, dtype=jnp.float32), (2, 3, 3))
    T = jnp.broadcast_to(jnp.array([0.0, 0.0, 3.0], dtype=jnp.float32), (2, 3))
    focal = 1.5 * jnp.ones((2,), dtype=jnp.float32)
    return {"points": points, "R": R, "T": T, "focal": focal}


def _transform(points, R, T, focal):
    # world -> view (cameras.get_world_to_view_transform().transform_points)
    pts_view = jnp.einsum('bnj,bjk->bnk', points, R) + T[:, None, :]
    z = pts_view[..., 2]
    z_safe = jnp.where(jnp.abs(z) < 1e-5, 1e-5, z)
    # view -> NDC perspective projection (projection_transform.transform_points)
    x_ndc = focal[:, None] * pts_view[..., 0] / z_safe
    y_ndc = focal[:, None] * pts_view[..., 1] / z_safe
    # pts_ndc[..., 2] = pts_view[..., 2] (keep view-space depth), as in PointsRasterizer.transform
    return jnp.stack([x_ndc, y_ndc, z], axis=-1)


def _rasterize_points(pts_ndc, image_size, radius, points_per_pixel):
    B, N, _ = pts_ndc.shape
    H = W = image_size
    px = pts_ndc[..., 0]
    py = pts_ndc[..., 1]
    pz = pts_ndc[..., 2]
    # PyTorch3D NDC convention: +x left, +y up, pixel centers
    ys = 1.0 - 2.0 * (jnp.arange(H, dtype=jnp.float32) + 0.5) / H
    xs = 1.0 - 2.0 * (jnp.arange(W, dtype=jnp.float32) + 0.5) / W
    r2 = radius * radius

    def row(y):
        dy2 = (py - y) ** 2                                        # [B, N]
        d2 = (px[:, None, :] - xs[None, :, None]) ** 2 + dy2[:, None, :]  # [B, W, N]
        pz_b = jnp.broadcast_to(pz[:, None, :], d2.shape)
        valid = (d2 < r2) & (pz_b > 0.0)
        zmask = jnp.where(valid, pz_b, jnp.inf)
        neg_top, idx = jax.lax.top_k(-zmask, points_per_pixel)     # K nearest in z
        z_sel = -neg_top
        ok = jnp.isfinite(z_sel)
        idx_out = jnp.where(ok, idx, -1)
        zbuf = jnp.where(ok, z_sel, -1.0)
        d_sel = jnp.take_along_axis(d2, jnp.where(ok, idx, 0), axis=-1)
        d_sel = jnp.where(ok, d_sel, -1.0)
        return idx_out, zbuf, d_sel

    idx, zbuf, dists = jax.lax.map(row, ys)  # each [H, B, W, K]
    perm = (1, 0, 2, 3)
    return (jnp.transpose(idx, perm), jnp.transpose(zbuf, perm), jnp.transpose(dists, perm))


def reference(points, R, T, focal):
    pts_ndc = _transform(points, R, T, focal)
    idx, zbuf, dists = _rasterize_points(pts_ndc, IMAGE_SIZE, RADIUS, K)
    # PointFragments(idx=idx, zbuf=zbuf, dists=dists2)
    return idx, zbuf, dists

if __name__ == "__main__":
    import jax
    _d = setup_inputs()
    print(jax.jit(kernel)(*tuple(_d.values())))

</pallas_src>

<mosaic_0001>
#map = affine_map<(d0, d1) -> (0, 0, 0)>
#map1 = affine_map<(d0, d1) -> (0, 0)>
module attributes {stable_mosaic.version = 14 : i64} {
  func.func @_sc_bin_kernel(%arg0: i32, %arg1: i32, %arg2: memref<2x3x8192xf32, #tpu.memory_space<hbm>>, %arg3: memref<192x4x8192xf32, #tpu.memory_space<hbm>>, %arg4: memref<32x16xi32, #tpu.memory_space<hbm>>, %arg5: memref<3x8192xf32, #tpu.memory_space<vmem>>, %arg6: memref<8208xf32, #tpu.memory_space<vmem>>, %arg7: memref<8208xf32, #tpu.memory_space<vmem>>, %arg8: memref<8208xf32, #tpu.memory_space<vmem>>, %arg9: memref<8208xf32, #tpu.memory_space<vmem>>, %arg10: memref<16xi32, #tpu.memory_space<vmem>>) attributes {dimension_semantics = [#tpu.dimension_semantics<core_parallel>, #tpu.dimension_semantics<subcore_parallel>], iteration_bounds = array<i64: 2, 16>, scalar_prefetch = 0 : i64, scratch_operands = 6 : i64, tpu.core_type = #tpu.core_type<sc_vector_subcore>, window_params = [{transform_indices = #map}, {transform_indices = #map}, {transform_indices = #map1}]} {
    %mul3A = arith.constant 2 : i32
    %mul3A_0 = arith.muli %arg1, %mul3A : i32
    %add3A = arith.addi %mul3A_0, %arg0 : i32
    %mul3A_1 = arith.constant 6 : i32
    %mul3A_2 = arith.muli %add3A, %mul3A_1 : i32
    %jit3A = arith.constant 96 : i32
    %div3A = arith.divsi %mul3A_2, %jit3A : i32
    %sign3A = arith.constant 0 : i32
    %sign3A_3 = arith.cmpi sgt, %mul3A_2, %sign3A : i32
    %sign3A_4 = arith.extui %sign3A_3 : i1 to i32
    %sign3A_5 = arith.constant 0 : i32
    %sign3A_6 = arith.cmpi slt, %mul3A_2, %sign3A_5 : i32
    %sign3A_7 = arith.extui %sign3A_6 : i1 to i32
    %sign3A_8 = arith.subi %sign3A_4, %sign3A_7 : i32
    %sign3A_9 = arith.constant 0 : i32
    %sign3A_10 = arith.cmpi sgt, %jit3A, %sign3A_9 : i32
    %sign3A_11 = arith.extui %sign3A_10 : i1 to i32
    %sign3A_12 = arith.constant 0 : i32
    %sign3A_13 = arith.cmpi slt, %jit3A, %sign3A_12 : i32
    %sign3A_14 = arith.extui %sign3A_13 : i1 to i32
    %sign3A_15 = arith.subi %sign3A_11, %sign3A_14 : i32
    %ne3A = arith.cmpi ne, %sign3A_8, %sign3A_15 : i32
    %rem3A = arith.remsi %mul3A_2, %jit3A : i32
    %ne3A_16 = arith.constant 0 : i32
    %ne3A_17 = arith.cmpi ne, %rem3A, %ne3A_16 : i32
    %and3A = arith.andi %ne3A, %ne3A_17 : i1
    %sub3A = arith.constant 1 : i32
    %sub3A_18 = arith.subi %div3A, %sub3A : i32
    %select_n3A = arith.select %and3A, %sub3A_18, %div3A : i32
    "tpu.region"() ({
      %run_scoped3A_227 = tpu.sem_alloc : memref<!tpu.dma_semaphore, #tpu.memory_space<semaphore_mem>>
      %dma_start3A = arith.constant 0 : i32
      %dma_start3A_228 = arith.constant 0 : i32
      %dma_start3A_229 = tpu.memref_slice %arg2[%select_n3A, %dma_start3A, %dma_start3A_228] : memref<2x3x8192xf32, #tpu.memory_space<hbm>> -> memref<1x3x8192xf32, #tpu.memory_space<hbm>>
      %dma_start3A_230 = tpu.memref_squeeze %dma_start3A_229 : memref<1x3x8192xf32, #tpu.memory_space<hbm>> -> memref<3x8192xf32, #tpu.memory_space<hbm>>
      %dma_start3A_231 = arith.constant 0 : i32
      %dma_start3A_232 = arith.constant 0 : i32
      %dma_start3A_233 = tpu.memref_slice %arg2[%select_n3A, %dma_start3A_231, %dma_start3A_232] : memref<2x3x8192xf32, #tpu.memory_space<hbm>> -> memref<1x3x8192xf32, #tpu.memory_space<hbm>>
      %dma_start3A_234 = tpu.memref_squeeze %dma_start3A_233 : memref<1x3x8192xf32, #tpu.memory_space<hbm>> -> memref<3x8192xf32, #tpu.memory_space<hbm>>
      tpu.enqueue_dma source(%dma_start3A_234 : memref<3x8192xf32, #tpu.memory_space<hbm>>) target(%arg5 : memref<3x8192xf32, #tpu.memory_space<vmem>>) target_semaphore(%run_scoped3A_227 : memref<!tpu.dma_semaphore, #tpu.memory_space<semaphore_mem>>)
      %dma_wait3A = arith.constant 0 : i32
      %dma_wait3A_235 = arith.constant 0 : i32
      %dma_wait3A_236 = tpu.memref_slice %arg2[%select_n3A, %dma_wait3A, %dma_wait3A_235] : memref<2x3x8192xf32, #tpu.memory_space<hbm>> -> memref<1x3x8192xf32, #tpu.memory_space<hbm>>
      %dma_wait3A_237 = tpu.memref_squeeze %dma_wait3A_236 : memref<1x3x8192xf32, #tpu.memory_space<hbm>> -> memref<3x8192xf32, #tpu.memory_space<hbm>>
      %dma_wait3A_238 = arith.constant 0 : i32
      %dma_wait3A_239 = arith.constant 0 : i32
      %dma_wait3A_240 = tpu.memref_slice %arg2[%select_n3A, %dma_wait3A_238, %dma_wait3A_239] : memref<2x3x8192xf32, #tpu.memory_space<hbm>> -> memref<1x3x8192xf32, #tpu.memory_space<hbm>>
      %dma_wait3A_241 = tpu.memref_squeeze %dma_wait3A_240 : memref<1x3x8192xf32, #tpu.memory_space<hbm>> -> memref<3x8192xf32, #tpu.memory_space<hbm>>
      tpu.wait_dma2 semaphore(%run_scoped3A_227 : memref<!tpu.dma_semaphore, #tpu.memory_space<semaphore_mem>>) src(%dma_wait3A_241 : memref<3x8192xf32, #tpu.memory_space<hbm>>) dst(%arg5 : memref<3x8192xf32, #tpu.memory_space<vmem>>)
      tpu.yield
    }) : () -> ()
    %iota3A = tpu.iota {dimensions = array<i32: 0>} : vector<16xi32>
    %broadcast_in_dim3A = arith.constant 0 : i32
    %broadcast_in_dim3A_19 = vector.broadcast %broadcast_in_dim3A : i32 to vector<16xi32>
    %add3A_20 = arith.constant 0 : i32
    %add3A_21 = arith.addi %mul3A_2, %add3A_20 : i32
    %mul3A_22 = arith.constant 96 : i32
    %mul3A_23 = arith.muli %select_n3A, %mul3A_22 : i32
    %sub3A_24 = arith.subi %add3A_21, %mul3A_23 : i32
    %broadcast_in_dim3A_25 = vector.broadcast %sub3A_24 : i32 to vector<16xi32>
    %convert_element_type3A = arith.sitofp %broadcast_in_dim3A_25 : vector<16xi32> to vector<16xf32>
    %add3A_26 = arith.constant 5.000000e-01 : f32
    %add3A_27 = vector.broadcast %add3A_26 : f32 to vector<16xf32>
    %add3A_28 = arith.addf %convert_element_type3A, %add3A_27 : vector<16xf32>
    %mul3A_29 = arith.constant 2.000000e+00 : f32
    %mul3A_30 = vector.broadcast %mul3A_29 : f32 to vector<16xf32>
    %mul3A_31 = arith.mulf %mul3A_30, %add3A_28 : vector<16xf32>
    %broadcast_in_dim3A_32 = arith.constant 9.600000e+01 : f32
    %broadcast_in_dim3A_33 = vector.broadcast %broadcast_in_dim3A_32 : f32 to vector<16xf32>
    %div3A_34 = arith.divf %mul3A_31, %broadcast_in_dim3A_33 : vector<16xf32>
    %sub3A_35 = arith.constant 1.000000e+00 : f32
    %sub3A_36 = vector.broadcast %sub3A_35 : f32 to vector<16xf32>
    %sub3A_37 = arith.subf %sub3A_36, %div3A_34 : vector<16xf32>
    %scan3A = arith.constant 0 : i32
    %scan3A_38 = arith.constant 0 : i32
    %scan3A_39 = arith.constant 512 : i32
    %scan3A_40 = arith.addi %scan3A_38, %scan3A_39 : i32
    %scan3A_41 = arith.constant 1 : i32
    %scan3A_42 = scf.for %scan3A_227 = %scan3A_38 to %scan3A_40 step %scan3A_41 iter_args(%scan3A_228 = %scan3A) -> (i32)  : i32 {
      %mul3A_229 = arith.constant 16 : i32
      %mul3A_230 = arith.muli %scan3A_227, %mul3A_229 : i32
      %get3A = arith.constant 0 : i32
      %get3A_231 = arith.index_cast %get3A : i32 to index
      %get3A_232 = arith.index_cast %mul3A_230 : i32 to index
      %get3A_233 = tpu.vector_load %arg5[%get3A_231, %get3A_232] {strides = array<i32>} : memref<3x8192xf32, #tpu.memory_space<vmem>>, vector<16xf32>,
      %get3A_234 = arith.constant 1 : i32
      %get3A_235 = arith.index_cast %get3A_234 : i32 to index
      %get3A_236 = arith.index_cast %mul3A_230 : i32 to index
      %get3A_237 = tpu.vector_load %arg5[%get3A_235, %get3A_236] {strides = array<i32>} : memref<3x8192xf32, #tpu.memory_space<vmem>>, vector<16xf32>,
      %get3A_238 = arith.constant 2 : i32
      %get3A_239 = arith.index_cast %get3A_238 : i32 to index
      %get3A_240 = arith.index_cast %mul3A_230 : i32 to index
      %get3A_241 = tpu.vector_load %arg5[%get3A_239, %get3A_240] {strides = array<i32>} : memref<3x8192xf32, #tpu.memory_space<vmem>>, vector<16xf32>,
      %sub3A_242 = arith.subf %get3A_237, %sub3A_37 : vector<16xf32>
      %mul3A_243 = arith.mulf %sub3A_242, %sub3A_242 : vector<16xf32>
      %lt3A = arith.constant 2.500000e-03 : f32
      %lt3A_244 = vector.broadcast %lt3A : f32 to vector<16xf32>
      %lt3A_245 = arith.cmpf olt, %mul3A_243, %lt3A_244 : vector<16xf32>
      %gt3A = arith.constant 0.000000e+00 : f32
      %gt3A_246 = vector.broadcast %gt3A : f32 to vector<16xf32>
      %gt3A_247 = arith.cmpf ogt, %get3A_241, %gt3A_246 : vector<16xf32>
      %and3A_248 = arith.andi %lt3A_245, %gt3A_247 : vector<16xi1>
      %add3A_249 = vector.broadcast %mul3A_230 : i32 to vector<16xi32>
      %add3A_250 = arith.addi %iota3A, %add3A_249 : vector<16xi32>
      %convert_element_type3A_251 = arith.sitofp %add3A_250 : vector<16xi32> to vector<16xf32>
      %convert_element_type3A_252 = arith.extui %and3A_248 : vector<16xi1> to vector<16xi32>
      %broadcast_in_dim3A_253 = arith.constant true
      %broadcast_in_dim3A_254 = vector.broadcast %broadcast_in_dim3A_253 : i1 to vector<16xi1>
      %masked_cumsum3A = tpu.scan <sum>, %convert_element_type3A_252 masked %broadcast_in_dim3A_254 : vector<16xi32>, vector<16xi1> -> vector<16xi32>
      %add3A_255 = vector.broadcast %scan3A_228 : i32 to vector<16xi32>
      %add3A_256 = arith.addi %add3A_255, %masked_cumsum3A : vector<16xi32>
      %sub3A_257 = arith.constant 1 : i32
      %sub3A_258 = vector.broadcast %sub3A_257 : i32 to vector<16xi32>
      %sub3A_259 = arith.subi %add3A_256, %sub3A_258 : vector<16xi32>
      %add3A_260 = arith.constant 8192 : i32
      %add3A_261 = vector.broadcast %add3A_260 : i32 to vector<16xi32>
      %add3A_262 = arith.addi %add3A_261, %iota3A : vector<16xi32>
      %select_n3A_263 = arith.select %and3A_248, %sub3A_259, %add3A_262 : vector<16xi1>, vector<16xi32>
      tpu.vector_store_idx %arg6[%select_n3A_263], %get3A_233 : memref<8208xf32, #tpu.memory_space<vmem>>[vector<16xi32>], vector<16xf32>,
      tpu.vector_store_idx %arg7[%select_n3A_263], %mul3A_243 : memref<8208xf32, #tpu.memory_space<vmem>>[vector<16xi32>], vector<16xf32>,
      tpu.vector_store_idx %arg8[%select_n3A_263], %get3A_241 : memref<8208xf32, #tpu.memory_space<vmem>>[vector<16xi32>], vector<16xf32>,
      tpu.vector_store_idx %arg9[%select_n3A_263], %convert_element_type3A_251 : memref<8208xf32, #tpu.memory_space<vmem>>[vector<16xi32>], vector<16xf32>,
      %reduce_sum3A = arith.constant true
      %reduce_sum3A_264 = vector.broadcast %reduce_sum3A : i1 to vector<16xi1>
      %reduce_sum3A_265 = tpu.scan <sum>, %convert_element_type3A_252 masked %reduce_sum3A_264 : vector<16xi32>, vector<16xi1> -> vector<16xi32>
      %reduce_sum3A_266 = vector.extract %reduce_sum3A_265[15] : i32 from vector<16xi32>
      %add3A_267 = arith.addi %scan3A_228, %reduce_sum3A_266 : i32
      scf.yield %add3A_267 : i32
    }
    %scan3A_43 = arith.constant 512 : i32
    %run_scoped3A = arith.constant 0 : i32
    "tpu.region"() ({
      %run_scoped3A_227 = tpu.sem_alloc : memref<!tpu.dma_semaphore, #tpu.memory_space<semaphore_mem>>
      %dma_start3A = arith.constant 0 : i32
      %dma_start3A_228 = tpu.memref_slice %arg6[%dma_start3A] : memref<8208xf32, #tpu.memory_space<vmem>> -> memref<8192xf32, #tpu.memory_space<vmem>>
      %dma_start3A_229 = arith.constant 0 : i32
      %dma_start3A_230 = tpu.memref_slice %arg3[%add3A_21, %run_scoped3A, %dma_start3A_229] : memref<192x4x8192xf32, #tpu.memory_space<hbm>> -> memref<1x1x8192xf32, #tpu.memory_space<hbm>>
      %dma_start3A_231 = tpu.memref_squeeze %dma_start3A_230 : memref<1x1x8192xf32, #tpu.memory_space<hbm>> -> memref<8192xf32, #tpu.memory_space<hbm>>
      %dma_start3A_232 = arith.constant 0 : i32
      %dma_start3A_233 = tpu.memref_slice %arg3[%add3A_21, %run_scoped3A, %dma_start3A_232] : memref<192x4x8192xf32, #tpu.memory_space<hbm>> -> memref<1x1x8192xf32, #tpu.memory_space<hbm>>
      %dma_start3A_234 = tpu.memref_squeeze %dma_start3A_233 : memref<1x1x8192xf32, #tpu.memory_space<hbm>> -> memref<8192xf32, #tpu.memory_space<hbm>>
      %dma_start3A_235 = arith.constant 0 : i32
      %dma_start3A_236 = tpu.memref_slice %arg6[%dma_start3A_235] : memref<8208xf32, #tpu.memory_space<vmem>> -> memref<8192xf32, #tpu.memory_space<vmem>>
      tpu.enqueue_dma source(%dma_start3A_236 : memref<8192xf32, #tpu.memory_space<vmem>>) target(%dma_start3A_234 : memref<8192xf32, #tpu.memory_space<hbm>>) target_semaphore(%run_scoped3A_227 : memref<!tpu.dma_semaphore, #tpu.memory_space<semaphore_mem>>)
      %dma_wait3A = arith.constant 0 : i32
      %dma_wait3A_237 = tpu.memref_slice %arg6[%dma_wait3A] : memref<8208xf32, #tpu.memory_space<vmem>> -> memref<8192xf32, #tpu.memory_space<vmem>>
      %dma_wait3A_238 = arith.constant 0 : i32
      %dma_wait3A_239 = tpu.memref_slice %arg3[%add3A_21, %run_scoped3A, %dma_wait3A_238] : memref<192x4x8192xf32, #tpu.memory_space<hbm>> -> memref<1x1x8192xf32, #tpu.memory_space<hbm>>
      %dma_wait3A_240 = tpu.memref_squeeze %dma_wait3A_239 : memref<1x1x8192xf32, #tpu.memory_space<hbm>> -> memref<8192xf32, #tpu.memory_space<hbm>>
      %dma_wait3A_241 = arith.constant 0 : i32
      %dma_wait3A_242 = tpu.memref_slice %arg3[%add3A_21, %run_scoped3A, %dma_wait3A_241] : memref<192x4x8192xf32, #tpu.memory_space<hbm>> -> memref<1x1x8192xf32, #tpu.memory_space<hbm>>
      %dma_wait3A_243 = tpu.memref_squeeze %dma_wait3A_242 : memref<1x1x8192xf32, #tpu.memory_space<hbm>> -> memref<8192xf32, #tpu.memory_space<hbm>>
      %dma_wait3A_244 = arith.constant 0 : i32
      %dma_wait3A_245 = tpu.memref_slice %arg6[%dma_wait3A_244] : memref<8208xf32, #tpu.memory_space<vmem>> -> memref<8192xf32, #tpu.memory_space<vmem>>
      tpu.wait_dma2 semaphore(%run_scoped3A_227 : memref<!tpu.dma_semaphore, #tpu.memory_space<semaphore_mem>>) src(%dma_wait3A_245 : memref<8192xf32, #tpu.memory_space<vmem>>) dst(%dma_wait3A_243 : memref<8192xf32, #tpu.memory_space<hbm>>)
      tpu.yield
    }) : () -> ()
    %run_scoped3A_44 = arith.constant 1 : i32
    "tpu.region"() ({
      %run_scoped3A_227 = tpu.sem_alloc : memref<!tpu.dma_semaphore, #tpu.memory_space<semaphore_mem>>
      %dma_start3A = arith.constant 0 : i32
      %dma_start3A_228 = tpu.memref_slice %arg7[%dma_start3A] : memref<8208xf32, #tpu.memory_space<vmem>> -> memref<8192xf32, #tpu.memory_space<vmem>>
      %dma_start3A_229 = arith.constant 0 : i32
      %dma_start3A_230 = tpu.memref_slice %arg3[%add3A_21, %run_scoped3A_44, %dma_start3A_229] : memref<192x4x8192xf32, #tpu.memory_space<hbm>> -> memref<1x1x8192xf32, #tpu.memory_space<hbm>>
      %dma_start3A_231 = tpu.memref_squeeze %dma_start3A_230 : memref<1x1x8192xf32, #tpu.memory_space<hbm>> -> memref<8192xf32, #tpu.memory_space<hbm>>
      %dma_start3A_232 = arith.constant 0 : i32
      %dma_start3A_233 = tpu.memref_slice %arg3[%add3A_21, %run_scoped3A_44, %dma_start3A_232] : memref<192x4x8192xf32, #tpu.memory_space<hbm>> -> memref<1x1x8192xf32, #tpu.memory_space<hbm>>
      %dma_start3A_234 = tpu.memref_squeeze %dma_start3A_233 : memref<1x1x8192xf32, #tpu.memory_space<hbm>> -> memref<8192xf32, #tpu.memory_space<hbm>>
      %dma_start3A_235 = arith.constant 0 : i32
      %dma_start3A_236 = tpu.memref_slice %arg7[%dma_start3A_235] : memref<8208xf32, #tpu.memory_space<vmem>> -> memref<8192xf32, #tpu.memory_space<vmem>>
      tpu.enqueue_dma source(%dma_start3A_236 : memref<8192xf32, #tpu.memory_space<vmem>>) target(%dma_start3A_234 : memref<8192xf32, #tpu.memory_space<hbm>>) target_semaphore(%run_scoped3A_227 : memref<!tpu.dma_semaphore, #tpu.memory_space<semaphore_mem>>)
      %dma_wait3A = arith.constant 0 : i32
      %dma_wait3A_237 = tpu.memref_slice %arg7[%dma_wait3A] : memref<8208xf32, #tpu.memory_space<vmem>> -> memref<8192xf32, #tpu.memory_space<vmem>>
      %dma_wait3A_238 = arith.constant 0 : i32
      %dma_wait3A_239 = tpu.memref_slice %arg3[%add3A_21, %run_scoped3A_44, %dma_wait3A_238] : memref<192x4x8192xf32, #tpu.memory_space<hbm>> -> memref<1x1x8192xf32, #tpu.memory_space<hbm>>
      %dma_wait3A_240 = tpu.memref_squeeze %dma_wait3A_239 : memref<1x1x8192xf32, #tpu.memory_space<hbm>> -> memref<8192xf32, #tpu.memory_space<hbm>>
      %dma_wait3A_241 = arith.constant 0 : i32
      %dma_wait3A_242 = tpu.memref_slice %arg3[%add3A_21, %run_scoped3A_44, %dma_wait3A_241] : memref<192x4x8192xf32, #tpu.memory_space<hbm>> -> memref<1x1x8192xf32, #tpu.memory_space<hbm>>
      %dma_wait3A_243 = tpu.memref_squeeze %dma_wait3A_242 : memref<1x1x8192xf32, #tpu.memory_space<hbm>> -> memref<8192xf32, #tpu.memory_space<hbm>>
      %dma_wait3A_244 = arith.constant 0 : i32
      %dma_wait3A_245 = tpu.memref_slice %arg7[%dma_wait3A_244] : memref<8208xf32, #tpu.memory_space<vmem>> -> memref<8192xf32, #tpu.memory_space<vmem>>
      tpu.wait_dma2 semaphore(%run_scoped3A_227 : memref<!tpu.dma_semaphore, #tpu.memory_space<semaphore_mem>>) src(%dma_wait3A_245 : memref<8192xf32, #tpu.memory_space<vmem>>) dst(%dma_wait3A_243 : memref<8192xf32, #tpu.memory_space<hbm>>)
      tpu.yield
    }) : () -> ()
    %run_scoped3A_45 = arith.constant 2 : i32
    "tpu.region"() ({
      %run_scoped3A_227 = tpu.sem_alloc : memref<!tpu.dma_semaphore, #tpu.memory_space<semaphore_mem>>
      %dma_start3A = arith.constant 0 : i32
      %dma_start3A_228 = tpu.memref_slice %arg8[%dma_start3A] : memref<8208xf32, #tpu.memory_space<vmem>> -> memref<8192xf32, #tpu.memory_space<vmem>>
      %dma_start3A_229 = arith.constant 0 : i32
      %dma_start3A_230 = tpu.memref_slice %arg3[%add3A_21, %run_scoped3A_45, %dma_start3A_229] : memref<192x4x8192xf32, #tpu.memory_space<hbm>> -> memref<1x1x8192xf32, #tpu.memory_space<hbm>>
      %dma_start3A_231 = tpu.memref_squeeze %dma_start3A_230 : memref<1x1x8192xf32, #tpu.memory_space<hbm>> -> memref<8192xf32, #tpu.memory_space<hbm>>
      %dma_start3A_232 = arith.constant 0 : i32
      %dma_start3A_233 = tpu.memref_slice %arg3[%add3A_21, %run_scoped3A_45, %dma_start3A_232] : memref<192x4x8192xf32, #tpu.memory_space<hbm>> -> memref<1x1x8192xf32, #tpu.memory_space<hbm>>
      %dma_start3A_234 = tpu.memref_squeeze %dma_start3A_233 : memref<1x1x8192xf32, #tpu.memory_space<hbm>> -> memref<8192xf32, #tpu.memory_space<hbm>>
      %dma_start3A_235 = arith.constant 0 : i32
      %dma_start3A_236 = tpu.memref_slice %arg8[%dma_start3A_235] : memref<8208xf32, #tpu.memory_space<vmem>> -> memref<8192xf32, #tpu.memory_space<vmem>>
      tpu.enqueue_dma source(%dma_start3A_236 : memref<8192xf32, #tpu.memory_space<vmem>>) target(%dma_start3A_234 : memref<8192xf32, #tpu.memory_space<hbm>>) target_semaphore(%run_scoped3A_227 : memref<!tpu.dma_semaphore, #tpu.memory_space<semaphore_mem>>)
      %dma_wait3A = arith.constant 0 : i32
      %dma_wait3A_237 = tpu.memref_slice %arg8[%dma_wait3A] : memref<8208xf32, #tpu.memory_space<vmem>> -> memref<8192xf32, #tpu.memory_space<vmem>>
      %dma_wait3A_238 = arith.constant 0 : i32
      %dma_wait3A_239 = tpu.memref_slice %arg3[%add3A_21, %run_scoped3A_45, %dma_wait3A_238] : memref<192x4x8192xf32, #tpu.memory_space<hbm>> -> memref<1x1x8192xf32, #tpu.memory_space<hbm>>
      %dma_wait3A_240 = tpu.memref_squeeze %dma_wait3A_239 : memref<1x1x8192xf32, #tpu.memory_space<hbm>> -> memref<8192xf32, #tpu.memory_space<hbm>>
      %dma_wait3A_241 = arith.constant 0 : i32
      %dma_wait3A_242 = tpu.memref_slice %arg3[%add3A_21, %run_scoped3A_45, %dma_wait3A_241] : memref<192x4x8192xf32, #tpu.memory_space<hbm>> -> memref<1x1x8192xf32, #tpu.memory_space<hbm>>
      %dma_wait3A_243 = tpu.memref_squeeze %dma_wait3A_242 : memref<1x1x8192xf32, #tpu.memory_space<hbm>> -> memref<8192xf32, #tpu.memory_space<hbm>>
      %dma_wait3A_244 = arith.constant 0 : i32
      %dma_wait3A_245 = tpu.memref_slice %arg8[%dma_wait3A_244] : memref<8208xf32, #tpu.memory_space<vmem>> -> memref<8192xf32, #tpu.memory_space<vmem>>
      tpu.wait_dma2 semaphore(%run_scoped3A_227 : memref<!tpu.dma_semaphore, #tpu.memory_space<semaphore_mem>>) src(%dma_wait3A_245 : memref<8192xf32, #tpu.memory_space<vmem>>) dst(%dma_wait3A_243 : memref<8192xf32, #tpu.memory_space<hbm>>)
      tpu.yield
    }) : () -> ()
    %run_scoped3A_46 = arith.constant 3 : i32
    "tpu.region"() ({
      %run_scoped3A_227 = tpu.sem_alloc : memref<!tpu.dma_semaphore, #tpu.memory_space<semaphore_mem>>
      %dma_start3A = arith.constant 0 : i32
      %dma_start3A_228 = tpu.memref_slice %arg9[%dma_start3A] : memref<8208xf32, #tpu.memory_space<vmem>> -> memref<8192xf32, #tpu.memory_space<vmem>>
      %dma_start3A_229 = arith.constant 0 : i32
      %dma_start3A_230 = tpu.memref_slice %arg3[%add3A_21, %run_scoped3A_46, %dma_start3A_229] : memref<192x4x8192xf32, #tpu.memory_space<hbm>> -> memref<1x1x8192xf32, #tpu.memory_space<hbm>>
      %dma_start3A_231 = tpu.memref_squeeze %dma_start3A_230 : memref<1x1x8192xf32, #tpu.memory_space<hbm>> -> memref<8192xf32, #tpu.memory_space<hbm>>
      %dma_start3A_232 = arith.constant 0 : i32
      %dma_start3A_233 = tpu.memref_slice %arg3[%add3A_21, %run_scoped3A_46, %dma_start3A_232] : memref<192x4x8192xf32, #tpu.memory_space<hbm>> -> memref<1x1x8192xf32, #tpu.memory_space<hbm>>
      %dma_start3A_234 = tpu.memref_squeeze %dma_start3A_233 : memref<1x1x8192xf32, #tpu.memory_space<hbm>> -> memref<8192xf32, #tpu.memory_space<hbm>>
      %dma_start3A_235 = arith.constant 0 : i32
      %dma_start3A_236 = tpu.memref_slice %arg9[%dma_start3A_235] : memref<8208xf32, #tpu.memory_space<vmem>> -> memref<8192xf32, #tpu.memory_space<vmem>>
      tpu.enqueue_dma source(%dma_start3A_236 : memref<8192xf32, #tpu.memory_space<vmem>>) target(%dma_start3A_234 : memref<8192xf32, #tpu.memory_space<hbm>>) target_semaphore(%run_scoped3A_227 : memref<!tpu.dma_semaphore, #tpu.memory_space<semaphore_mem>>)
      %dma_wait3A = arith.constant 0 : i32
      %dma_wait3A_237 = tpu.memref_slice %arg9[%dma_wait3A] : memref<8208xf32, #tpu.memory_space<vmem>> -> memref<8192xf32, #tpu.memory_space<vmem>>
      %dma_wait3A_238 = arith.constant 0 : i32
      %dma_wait3A_239 = tpu.memref_slice %arg3[%add3A_21, %run_scoped3A_46, %dma_wait3A_238] : memref<192x4x8192xf32, #tpu.memory_space<hbm>> -> memref<1x1x8192xf32, #tpu.memory_space<hbm>>
      %dma_wait3A_240 = tpu.memref_squeeze %dma_wait3A_239 : memref<1x1x8192xf32, #tpu.memory_space<hbm>> -> memref<8192xf32, #tpu.memory_space<hbm>>
      %dma_wait3A_241 = arith.constant 0 : i32
      %dma_wait3A_242 = tpu.memref_slice %arg3[%add3A_21, %run_scoped3A_46, %dma_wait3A_241] : memref<192x4x8192xf32, #tpu.memory_space<hbm>> -> memref<1x1x8192xf32, #tpu.memory_space<hbm>>
      %dma_wait3A_243 = tpu.memref_squeeze %dma_wait3A_242 : memref<1x1x8192xf32, #tpu.memory_space<hbm>> -> memref<8192xf32, #tpu.memory_space<hbm>>
      %dma_wait3A_244 = arith.constant 0 : i32
      %dma_wait3A_245 = tpu.memref_slice %arg9[%dma_wait3A_244] : memref<8208xf32, #tpu.memory_space<vmem>> -> memref<8192xf32, #tpu.memory_space<vmem>>
      tpu.wait_dma2 semaphore(%run_scoped3A_227 : memref<!tpu.dma_semaphore, #tpu.memory_space<semaphore_mem>>) src(%dma_wait3A_245 : memref<8192xf32, #tpu.memory_space<vmem>>) dst(%dma_wait3A_243 : memref<8192xf32, #tpu.memory_space<hbm>>)
      tpu.yield
    }) : () -> ()
    %eq3A = arith.constant 0 : i32
    %eq3A_47 = vector.broadcast %eq3A : i32 to vector<16xi32>
    %eq3A_48 = arith.cmpi eq, %iota3A, %eq3A_47 : vector<16xi32>
    %broadcast_in_dim3A_49 = vector.broadcast %scan3A_42 : i32 to vector<16xi32>
    %select_n3A_50 = arith.select %eq3A_48, %broadcast_in_dim3A_49, %broadcast_in_dim3A_19 : vector<16xi1>, vector<16xi32>
    %add3A_51 = arith.constant 1 : i32
    %add3A_52 = arith.addi %mul3A_2, %add3A_51 : i32
    %mul3A_53 = arith.constant 96 : i32
    %mul3A_54 = arith.muli %select_n3A, %mul3A_53 : i32
    %sub3A_55 = arith.subi %add3A_52, %mul3A_54 : i32
    %broadcast_in_dim3A_56 = vector.broadcast %sub3A_55 : i32 to vector<16xi32>
    %convert_element_type3A_57 = arith.sitofp %broadcast_in_dim3A_56 : vector<16xi32> to vector<16xf32>
    %add3A_58 = arith.constant 5.000000e-01 : f32
    %add3A_59 = vector.broadcast %add3A_58 : f32 to vector<16xf32>
    %add3A_60 = arith.addf %convert_element_type3A_57, %add3A_59 : vector<16xf32>
    %mul3A_61 = arith.constant 2.000000e+00 : f32
    %mul3A_62 = vector.broadcast %mul3A_61 : f32 to vector<16xf32>
    %mul3A_63 = arith.mulf %mul3A_62, %add3A_60 : vector<16xf32>
    %broadcast_in_dim3A_64 = arith.constant 9.600000e+01 : f32
    %broadcast_in_dim3A_65 = vector.broadcast %broadcast_in_dim3A_64 : f32 to vector<16xf32>
    %div3A_66 = arith.divf %mul3A_63, %broadcast_in_dim3A_65 : vector<16xf32>
    %sub3A_67 = arith.constant 1.000000e+00 : f32
    %sub3A_68 = vector.broadcast %sub3A_67 : f32 to vector<16xf32>
    %sub3A_69 = arith.subf %sub3A_68, %div3A_66 : vector<16xf32>
    %scan3A_70 = arith.constant 0 : i32
    %scan3A_71 = arith.constant 0 : i32
    %scan3A_72 = arith.constant 512 : i32
    %scan3A_73 = arith.addi %scan3A_71, %scan3A_72 : i32
    %scan3A_74 = arith.constant 1 : i32
    %scan3A_75 = scf.for %scan3A_227 = %scan3A_71 to %scan3A_73 step %scan3A_74 iter_args(%scan3A_228 = %scan3A_70) -> (i32)  : i32 {
      %mul3A_229 = arith.constant 16 : i32
      %mul3A_230 = arith.muli %scan3A_227, %mul3A_229 : i32
      %get3A = arith.constant 0 : i32
      %get3A_231 = arith.index_cast %get3A : i32 to index
      %get3A_232 = arith.index_cast %mul3A_230 : i32 to index
      %get3A_233 = tpu.vector_load %arg5[%get3A_231, %get3A_232] {strides = array<i32>} : memref<3x8192xf32, #tpu.memory_space<vmem>>, vector<16xf32>,
      %get3A_234 = arith.constant 1 : i32
      %get3A_235 = arith.index_cast %get3A_234 : i32 to index
      %get3A_236 = arith.index_cast %mul3A_230 : i32 to index
      %get3A_237 = tpu.vector_load %arg5[%get3A_235, %get3A_236] {strides = array<i32>} : memref<3x8192xf32, #tpu.memory_space<vmem>>, vector<16xf32>,
      %get3A_238 = arith.constant 2 : i32
      %get3A_239 = arith.index_cast %get3A_238 : i32 to index
      %get3A_240 = arith.index_cast %mul3A_230 : i32 to index
      %get3A_241 = tpu.vector_load %arg5[%get3A_239, %get3A_240] {strides = array<i32>} : memref<3x8192xf32, #tpu.memory_space<vmem>>, vector<16xf32>,
      %sub3A_242 = arith.subf %get3A_237, %sub3A_69 : vector<16xf32>
      %mul3A_243 = arith.mulf %sub3A_242, %sub3A_242 : vector<16xf32>
      %lt3A = arith.constant 2.500000e-03 : f32
      %lt3A_244 = vector.broadcast %lt3A : f32 to vector<16xf32>
      %lt3A_245 = arith.cmpf olt, %mul3A_243, %lt3A_244 : vector<16xf32>
      %gt3A = arith.constant 0.000000e+00 : f32
      %gt3A_246 = vector.broadcast %gt3A : f32 to vector<16xf32>
      %gt3A_247 = arith.cmpf ogt, %get3A_241, %gt3A_246 : vector<16xf32>
      %and3A_248 = arith.andi %lt3A_245, %gt3A_247 : vector<16xi1>
      %add3A_249 = vector.broadcast %mul3A_230 : i32 to vector<16xi32>
      %add3A_250 = arith.addi %iota3A, %add3A_249 : vector<16xi32>
      %convert_element_type3A_251 = arith.sitofp %add3A_250 : vector<16xi32> to vector<16xf32>
      %convert_element_type3A_252 = arith.extui %and3A_248 : vector<16xi1> to vector<16xi32>
      %broadcast_in_dim3A_253 = arith.constant true
      %broadcast_in_dim3A_254 = vector.broadcast %broadcast_in_dim3A_253 : i1 to vector<16xi1>
      %masked_cumsum3A = tpu.scan <sum>, %convert_element_type3A_252 masked %broadcast_in_dim3A_254 : vector<16xi32>, vector<16xi1> -> vector<16xi32>
      %add3A_255 = vector.broadcast %scan3A_228 : i32 to vector<16xi32>
      %add3A_256 = arith.addi %add3A_255, %masked_cumsum3A : vector<16xi32>
      %sub3A_257 = arith.constant 1 : i32
      %sub3A_258 = vector.broadcast %sub3A_257 : i32 to vector<16xi32>
      %sub3A_259 = arith.subi %add3A_256, %sub3A_258 : vector<16xi32>
      %add3A_260 = arith.constant 8192 : i32
      %add3A_261 = vector.broadcast %add3A_260 : i32 to vector<16xi32>
      %add3A_262 = arith.addi %add3A_261, %iota3A : vector<16xi32>
      %select_n3A_263 = arith.select %and3A_248, %sub3A_259, %add3A_262 : vector<16xi1>, vector<16xi32>
      tpu.vector_store_idx %arg6[%select_n3A_263], %get3A_233 : memref<8208xf32, #tpu.memory_space<vmem>>[vector<16xi32>], vector<16xf32>,
      tpu.vector_store_idx %arg7[%select_n3A_263], %mul3A_243 : memref<8208xf32, #tpu.memory_space<vmem>>[vector<16xi32>], vector<16xf32>,
      tpu.vector_store_idx %arg8[%select_n3A_263], %get3A_241 : memref<8208xf32, #tpu.memory_space<vmem>>[vector<16xi32>], vector<16xf32>,
      tpu.vector_store_idx %arg9[%select_n3A_263], %convert_element_type3A_251 : memref<8208xf32, #tpu.memory_space<vmem>>[vector<16xi32>], vector<16xf32>,
      %reduce_sum3A = arith.constant true
      %reduce_sum3A_264 = vector.broadcast %reduce_sum3A : i1 to vector<16xi1>
      %reduce_sum3A_265 = tpu.scan <sum>, %convert_element_type3A_252 masked %reduce_sum3A_264 : vector<16xi32>, vector<16xi1> -> vector<16xi32>
      %reduce_sum3A_266 = vector.extract %reduce_sum3A_265[15] : i32 from vector<16xi32>
      %add3A_267 = arith.addi %scan3A_228, %reduce_sum3A_266 : i32
      scf.yield %add3A_267 : i32
    }
    %scan3A_76 = arith.constant 512 : i32
    %run_scoped3A_77 = arith.constant 0 : i32
    "tpu.region"() ({
      %run_scoped3A_227 = tpu.sem_alloc : memref<!tpu.dma_semaphore, #tpu.memory_space<semaphore_mem>>
      %dma_start3A = arith.constant 0 : i32
      %dma_start3A_228 = tpu.memref_slice %arg6[%dma_start3A] : memref<8208xf32, #tpu.memory_space<vmem>> -> memref<8192xf32, #tpu.memory_space<vmem>>
      %dma_start3A_229 = arith.constant 0 : i32
      %dma_start3A_230 = tpu.memref_slice %arg3[%add3A_52, %run_scoped3A_77, %dma_start3A_229] : memref<192x4x8192xf32, #tpu.memory_space<hbm>> -> memref<1x1x8192xf32, #tpu.memory_space<hbm>>
      %dma_start3A_231 = tpu.memref_squeeze %dma_start3A_230 : memref<1x1x8192xf32, #tpu.memory_space<hbm>> -> memref<8192xf32, #tpu.memory_space<hbm>>
      %dma_start3A_232 = arith.constant 0 : i32
      %dma_start3A_233 = tpu.memref_slice %arg3[%add3A_52, %run_scoped3A_77, %dma_start3A_232] : memref<192x4x8192xf32, #tpu.memory_space<hbm>> -> memref<1x1x8192xf32, #tpu.memory_space<hbm>>
      %dma_start3A_234 = tpu.memref_squeeze %dma_start3A_233 : memref<1x1x8192xf32, #tpu.memory_space<hbm>> -> memref<8192xf32, #tpu.memory_space<hbm>>
      %dma_start3A_235 = arith.constant 0 : i32
      %dma_start3A_236 = tpu.memref_slice %arg6[%dma_start3A_235] : memref<8208xf32, #tpu.memory_space<vmem>> -> memref<8192xf32, #tpu.memory_space<vmem>>
      tpu.enqueue_dma source(%dma_start3A_236 : memref<8192xf32, #tpu.memory_space<vmem>>) target(%dma_start3A_234 : memref<8192xf32, #tpu.memory_space<hbm>>) target_semaphore(%run_scoped3A_227 : memref<!tpu.dma_semaphore, #tpu.memory_space<semaphore_mem>>)
      %dma_wait3A = arith.constant 0 : i32
      %dma_wait3A_237 = tpu.memref_slice %arg6[%dma_wait3A] : memref<8208xf32, #tpu.memory_space<vmem>> -> memref<8192xf32, #tpu.memory_space<vmem>>
      %dma_wait3A_238 = arith.constant 0 : i32
      %dma_wait3A_239 = tpu.memref_slice %arg3[%add3A_52, %run_scoped3A_77, %dma_wait3A_238] : memref<192x4x8192xf32, #tpu.memory_space<hbm>> -> memref<1x1x8192xf32, #tpu.memory_space<hbm>>
      %dma_wait3A_240 = tpu.memref_squeeze %dma_wait3A_239 : memref<1x1x8192xf32, #tpu.memory_space<hbm>> -> memref<8192xf32, #tpu.memory_space<hbm>>
      %dma_wait3A_241 = arith.constant 0 : i32
      %dma_wait3A_242 = tpu.memref_slice %arg3[%add3A_52, %run_scoped3A_77, %dma_wait3A_241] : memref<192x4x8192xf32, #tpu.memory_space<hbm>> -> memref<1x1x8192xf32, #tpu.memory_space<hbm>>
      %dma_wait3A_243 = tpu.memref_squeeze %dma_wait3A_242 : memref<1x1x8192xf32, #tpu.memory_space<hbm>> -> memref<8192xf32, #tpu.memory_space<hbm>>
      %dma_wait3A_244 = arith.constant 0 : i32
      %dma_wait3A_245 = tpu.memref_slice %arg6[%dma_wait3A_244] : memref<8208xf32, #tpu.memory_space<vmem>> -> memref<8192xf32, #tpu.memory_space<vmem>>
      tpu.wait_dma2 semaphore(%run_scoped3A_227 : memref<!tpu.dma_semaphore, #tpu.memory_space<semaphore_mem>>) src(%dma_wait3A_245 : memref<8192xf32, #tpu.memory_space<vmem>>) dst(%dma_wait3A_243 : memref<8192xf32, #tpu.memory_space<hbm>>)
      tpu.yield
    }) : () -> ()
    %run_scoped3A_78 = arith.constant 1 : i32
    "tpu.region"() ({
      %run_scoped3A_227 = tpu.sem_alloc : memref<!tpu.dma_semaphore, #tpu.memory_space<semaphore_mem>>
      %dma_start3A = arith.constant 0 : i32
      %dma_start3A_228 = tpu.memref_slice %arg7[%dma_start3A] : memref<8208xf32, #tpu.memory_space<vmem>> -> memref<8192xf32, #tpu.memory_space<vmem>>
      %dma_start3A_229 = arith.constant 0 : i32
      %dma_start3A_230 = tpu.memref_slice %arg3[%add3A_52, %run_scoped3A_78, %dma_start3A_229] : memref<192x4x8192xf32, #tpu.memory_space<hbm>> -> memref<1x1x8192xf32, #tpu.memory_space<hbm>>
      %dma_start3A_231 = tpu.memref_squeeze %dma_start3A_230 : memref<1x1x8192xf32, #tpu.memory_space<hbm>> -> memref<8192xf32, #tpu.memory_space<hbm>>
      %dma_start3A_232 = arith.constant 0 : i32
      %dma_start3A_233 = tpu.memref_slice %arg3[%add3A_52, %run_scoped3A_78, %dma_start3A_232] : memref<192x4x8192xf32, #tpu.memory_space<hbm>> -> memref<1x1x8192xf32, #tpu.memory_space<hbm>>
      %dma_start3A_234 = tpu.memref_squeeze %dma_start3A_233 : memref<1x1x8192xf32, #tpu.memory_space<hbm>> -> memref<8192xf32, #tpu.memory_space<hbm>>
      %dma_start3A_235 = arith.constant 0 : i32
      %dma_start3A_236 = tpu.memref_slice %arg7[%dma_start3A_235] : memref<8208xf32, #tpu.memory_space<vmem>> -> memref<8192xf32, #tpu.memory_space<vmem>>
      tpu.enqueue_dma source(%dma_start3A_236 : memref<8192xf32, #tpu.memory_space<vmem>>) target(%dma_start3A_234 : memref<8192xf32, #tpu.memory_space<hbm>>) target_semaphore(%run_scoped3A_227 : memref<!tpu.dma_semaphore, #tpu.memory_space<semaphore_mem>>)
      %dma_wait3A = arith.constant 0 : i32
      %dma_wait3A_237 = tpu.memref_slice %arg7[%dma_wait3A] : memref<8208xf32, #tpu.memory_space<vmem>> -> memref<8192xf32, #tpu.memory_space<vmem>>
      %dma_wait3A_238 = arith.constant 0 : i32
      %dma_wait3A_239 = tpu.memref_slice %arg3[%add3A_52, %run_scoped3A_78, %dma_wait3A_238] : memref<192x4x8192xf32, #tpu.memory_space<hbm>> -> memref<1x1x8192xf32, #tpu.memory_space<hbm>>
      %dma_wait3A_240 = tpu.memref_squeeze %dma_wait3A_239 : memref<1x1x8192xf32, #tpu.memory_space<hbm>> -> memref<8192xf32, #tpu.memory_space<hbm>>
      %dma_wait3A_241 = arith.constant 0 : i32
      %dma_wait3A_242 = tpu.memref_slice %arg3[%add3A_52, %run_scoped3A_78, %dma_wait3A_241] : memref<192x4x8192xf32, #tpu.memory_space<hbm>> -> memref<1x1x8192xf32, #tpu.memory_space<hbm>>
      %dma_wait3A_243 = tpu.memref_squeeze %dma_wait3A_242 : memref<1x1x8192xf32, #tpu.memory_space<hbm>> -> memref<8192xf32, #tpu.memory_space<hbm>>
      %dma_wait3A_244 = arith.constant 0 : i32
      %dma_wait3A_245 = tpu.memref_slice %arg7[%dma_wait3A_244] : memref<8208xf32, #tpu.memory_space<vmem>> -> memref<8192xf32, #tpu.memory_space<vmem>>
      tpu.wait_dma2 semaphore(%run_scoped3A_227 : memref<!tpu.dma_semaphore, #tpu.memory_space<semaphore_mem>>) src(%dma_wait3A_245 : memref<8192xf32, #tpu.memory_space<vmem>>) dst(%dma_wait3A_243 : memref<8192xf32, #tpu.memory_space<hbm>>)
      tpu.yield
    }) : () -> ()
    %run_scoped3A_79 = arith.constant 2 : i32
    "tpu.region"() ({
      %run_scoped3A_227 = tpu.sem_alloc : memref<!tpu.dma_semaphore, #tpu.memory_space<semaphore_mem>>
      %dma_start3A = arith.constant 0 : i32
      %dma_start3A_228 = tpu.memref_slice %arg8[%dma_start3A] : memref<8208xf32, #tpu.memory_space<vmem>> -> memref<8192xf32, #tpu.memory_space<vmem>>
      %dma_start3A_229 = arith.constant 0 : i32
      %dma_start3A_230 = tpu.memref_slice %arg3[%add3A_52, %run_scoped3A_79, %dma_start3A_229] : memref<192x4x8192xf32, #tpu.memory_space<hbm>> -> memref<1x1x8192xf32, #tpu.memory_space<hbm>>
      %dma_start3A_231 = tpu.memref_squeeze %dma_start3A_230 : memref<1x1x8192xf32, #tpu.memory_space<hbm>> -> memref<8192xf32, #tpu.memory_space<hbm>>
      %dma_start3A_232 = arith.constant 0 : i32
      %dma_start3A_233 = tpu.memref_slice %arg3[%add3A_52, %run_scoped3A_79, %dma_start3A_232] : memref<192x4x8192xf32, #tpu.memory_space<hbm>> -> memref<1x1x8192xf32, #tpu.memory_space<hbm>>
      %dma_start3A_234 = tpu.memref_squeeze %dma_start3A_233 : memref<1x1x8192xf32, #tpu.memory_space<hbm>> -> memref<8192xf32, #tpu.memory_space<hbm>>
      %dma_start3A_235 = arith.constant 0 : i32
      %dma_start3A_236 = tpu.memref_slice %arg8[%dma_start3A_235] : memref<8208xf32, #tpu.memory_space<vmem>> -> memref<8192xf32, #tpu.memory_space<vmem>>
      tpu.enqueue_dma source(%dma_start3A_236 : memref<8192xf32, #tpu.memory_space<vmem>>) target(%dma_start3A_234 : memref<8192xf32, #tpu.memory_space<hbm>>) target_semaphore(%run_scoped3A_227 : memref<!tpu.dma_semaphore, #tpu.memory_space<semaphore_mem>>)
      %dma_wait3A = arith.constant 0 : i32
      %dma_wait3A_237 = tpu.memref_slice %arg8[%dma_wait3A] : memref<8208xf32, #tpu.memory_space<vmem>> -> memref<8192xf32, #tpu.memory_space<vmem>>
      %dma_wait3A_238 = arith.constant 0 : i32
      %dma_wait3A_239 = tpu.memref_slice %arg3[%add3A_52, %run_scoped3A_79, %dma_wait3A_238] : memref<192x4x8192xf32, #tpu.memory_space<hbm>> -> memref<1x1x8192xf32, #tpu.memory_space<hbm>>
      %dma_wait3A_240 = tpu.memref_squeeze %dma_wait3A_239 : memref<1x1x8192xf32, #tpu.memory_space<hbm>> -> memref<8192xf32, #tpu.memory_space<hbm>>
      %dma_wait3A_241 = arith.constant 0 : i32
      %dma_wait3A_242 = tpu.memref_slice %arg3[%add3A_52, %run_scoped3A_79, %dma_wait3A_241] : memref<192x4x8192xf32, #tpu.memory_space<hbm>> -> memref<1x1x8192xf32, #tpu.memory_space<hbm>>
      %dma_wait3A_243 = tpu.memref_squeeze %dma_wait3A_242 : memref<1x1x8192xf32, #tpu.memory_space<hbm>> -> memref<8192xf32, #tpu.memory_space<hbm>>
      %dma_wait3A_244 = arith.constant 0 : i32
      %dma_wait3A_245 = tpu.memref_slice %arg8[%dma_wait3A_244] : memref<8208xf32, #tpu.memory_space<vmem>> -> memref<8192xf32, #tpu.memory_space<vmem>>
      tpu.wait_dma2 semaphore(%run_scoped3A_227 : memref<!tpu.dma_semaphore, #tpu.memory_space<semaphore_mem>>) src(%dma_wait3A_245 : memref<8192xf32, #tpu.memory_space<vmem>>) dst(%dma_wait3A_243 : memref<8192xf32, #tpu.memory_space<hbm>>)
      tpu.yield
    }) : () -> ()
    %run_scoped3A_80 = arith.constant 3 : i32
    "tpu.region"() ({
      %run_scoped3A_227 = tpu.sem_alloc : memref<!tpu.dma_semaphore, #tpu.memory_space<semaphore_mem>>
      %dma_start3A = arith.constant 0 : i32
      %dma_start3A_228 = tpu.memref_slice %arg9[%dma_start3A] : memref<8208xf32, #tpu.memory_space<vmem>> -> memref<8192xf32, #tpu.memory_space<vmem>>
      %dma_start3A_229 = arith.constant 0 : i32
      %dma_start3A_230 = tpu.memref_slice %arg3[%add3A_52, %run_scoped3A_80, %dma_start3A_229] : memref<192x4x8192xf32, #tpu.memory_space<hbm>> -> memref<1x1x8192xf32, #tpu.memory_space<hbm>>
      %dma_start3A_231 = tpu.memref_squeeze %dma_start3A_230 : memref<1x1x8192xf32, #tpu.memory_space<hbm>> -> memref<8192xf32, #tpu.memory_space<hbm>>
      %dma_start3A_232 = arith.constant 0 : i32
      %dma_start3A_233 = tpu.memref_slice %arg3[%add3A_52, %run_scoped3A_80, %dma_start3A_232] : memref<192x4x8192xf32, #tpu.memory_space<hbm>> -> memref<1x1x8192xf32, #tpu.memory_space<hbm>>
      %dma_start3A_234 = tpu.memref_squeeze %dma_start3A_233 : memref<1x1x8192xf32, #tpu.memory_space<hbm>> -> memref<8192xf32, #tpu.memory_space<hbm>>
      %dma_start3A_235 = arith.constant 0 : i32
      %dma_start3A_236 = tpu.memref_slice %arg9[%dma_start3A_235] : memref<8208xf32, #tpu.memory_space<vmem>> -> memref<8192xf32, #tpu.memory_space<vmem>>
      tpu.enqueue_dma source(%dma_start3A_236 : memref<8192xf32, #tpu.memory_space<vmem>>) target(%dma_start3A_234 : memref<8192xf32, #tpu.memory_space<hbm>>) target_semaphore(%run_scoped3A_227 : memref<!tpu.dma_semaphore, #tpu.memory_space<semaphore_mem>>)
      %dma_wait3A = arith.constant 0 : i32
      %dma_wait3A_237 = tpu.memref_slice %arg9[%dma_wait3A] : memref<8208xf32, #tpu.memory_space<vmem>> -> memref<8192xf32, #tpu.memory_space<vmem>>
      %dma_wait3A_238 = arith.constant 0 : i32
      %dma_wait3A_239 = tpu.memref_slice %arg3[%add3A_52, %run_scoped3A_80, %dma_wait3A_238] : memref<192x4x8192xf32, #tpu.memory_space<hbm>> -> memref<1x1x8192xf32, #tpu.memory_space<hbm>>
      %dma_wait3A_240 = tpu.memref_squeeze %dma_wait3A_239 : memref<1x1x8192xf32, #tpu.memory_space<hbm>> -> memref<8192xf32, #tpu.memory_space<hbm>>
      %dma_wait3A_241 = arith.constant 0 : i32
      %dma_wait3A_242 = tpu.memref_slice %arg3[%add3A_52, %run_scoped3A_80, %dma_wait3A_241] : memref<192x4x8192xf32, #tpu.memory_space<hbm>> -> memref<1x1x8192xf32, #tpu.memory_space<hbm>>
      %dma_wait3A_243 = tpu.memref_squeeze %dma_wait3A_242 : memref<1x1x8192xf32, #tpu.memory_space<hbm>> -> memref<8192xf32, #tpu.memory_space<hbm>>
      %dma_wait3A_244 = arith.constant 0 : i32
      %dma_wait3A_245 = tpu.memref_slice %arg9[%dma_wait3A_244] : memref<8208xf32, #tpu.memory_space<vmem>> -> memref<8192xf32, #tpu.memory_space<vmem>>
      tpu.wait_dma2 semaphore(%run_scoped3A_227 : memref<!tpu.dma_semaphore, #tpu.memory_space<semaphore_mem>>) src(%dma_wait3A_245 : memref<8192xf32, #tpu.memory_space<vmem>>) dst(%dma_wait3A_243 : memref<8192xf32, #tpu.memory_space<hbm>>)
      tpu.yield
    }) : () -> ()
    %eq3A_81 = arith.constant 1 : i32
    %eq3A_82 = vector.broadcast %eq3A_81 : i32 to vector<16xi32>
    %eq3A_83 = arith.cmpi eq, %iota3A, %eq3A_82 : vector<16xi32>
    %broadcast_in_dim3A_84 = vector.broadcast %scan3A_75 : i32 to vector<16xi32>
    %select_n3A_85 = arith.select %eq3A_83, %broadcast_in_dim3A_84, %select_n3A_50 : vector<16xi1>, vector<16xi32>
    %add3A_86 = arith.constant 2 : i32
    %add3A_87 = arith.addi %mul3A_2, %add3A_86 : i32
    %mul3A_88 = arith.constant 96 : i32
    %mul3A_89 = arith.muli %select_n3A, %mul3A_88 : i32
    %sub3A_90 = arith.subi %add3A_87, %mul3A_89 : i32
    %broadcast_in_dim3A_91 = vector.broadcast %sub3A_90 : i32 to vector<16xi32>
    %convert_element_type3A_92 = arith.sitofp %broadcast_in_dim3A_91 : vector<16xi32> to vector<16xf32>
    %add3A_93 = arith.constant 5.000000e-01 : f32
    %add3A_94 = vector.broadcast %add3A_93 : f32 to vector<16xf32>
    %add3A_95 = arith.addf %convert_element_type3A_92, %add3A_94 : vector<16xf32>
    %mul3A_96 = arith.constant 2.000000e+00 : f32
    %mul3A_97 = vector.broadcast %mul3A_96 : f32 to vector<16xf32>
    %mul3A_98 = arith.mulf %mul3A_97, %add3A_95 : vector<16xf32>
    %broadcast_in_dim3A_99 = arith.constant 9.600000e+01 : f32
    %broadcast_in_dim3A_100 = vector.broadcast %broadcast_in_dim3A_99 : f32 to vector<16xf32>
    %div3A_101 = arith.divf %mul3A_98, %broadcast_in_dim3A_100 : vector<16xf32>
    %sub3A_102 = arith.constant 1.000000e+00 : f32
    %sub3A_103 = vector.broadcast %sub3A_102 : f32 to vector<16xf32>
    %sub3A_104 = arith.subf %sub3A_103, %div3A_101 : vector<16xf32>
    %scan3A_105 = arith.constant 0 : i32
    %scan3A_106 = arith.constant 0 : i32
    %scan3A_107 = arith.constant 512 : i32
    %scan3A_108 = arith.addi %scan3A_106, %scan3A_107 : i32
    %scan3A_109 = arith.constant 1 : i32
    %scan3A_110 = scf.for %scan3A_227 = %scan3A_106 to %scan3A_108 step %scan3A_109 iter_args(%scan3A_228 = %scan3A_105) -> (i32)  : i32 {
      %mul3A_229 = arith.constant 16 : i32
      %mul3A_230 = arith.muli %scan3A_227, %mul3A_229 : i32
      %get3A = arith.constant 0 : i32
      %get3A_231 = arith.index_cast %get3A : i32 to index
      %get3A_232 = arith.index_cast %mul3A_230 : i32 to index
      %get3A_233 = tpu.vector_load %arg5[%get3A_231, %get3A_232] {strides = array<i32>} : memref<3x8192xf32, #tpu.memory_space<vmem>>, vector<16xf32>,
      %get3A_234 = arith.constant 1 : i32
      %get3A_235 = arith.index_cast %get3A_234 : i32 to index
      %get3A_236 = arith.index_cast %mul3A_230 : i32 to index
      %get3A_237 = tpu.vector_load %arg5[%get3A_235, %get3A_236] {strides = array<i32>} : memref<3x8192xf32, #tpu.memory_space<vmem>>, vector<16xf32>,
      %get3A_238 = arith.constant 2 : i32
      %get3A_239 = arith.index_cast %get3A_238 : i32 to index
      %get3A_240 = arith.index_cast %mul3A_230 : i32 to index
      %get3A_241 = tpu.vector_load %arg5[%get3A_239, %get3A_240] {strides = array<i32>} : memref<3x8192xf32, #tpu.memory_space<vmem>>, vector<16xf32>,
      %sub3A_242 = arith.subf %get3A_237, %sub3A_104 : vector<16xf32>
      %mul3A_243 = arith.mulf %sub3A_242, %sub3A_242 : vector<16xf32>
      %lt3A = arith.constant 2.500000e-03 : f32
      %lt3A_244 = vector.broadcast %lt3A : f32 to vector<16xf32>
      %lt3A_245 = arith.cmpf olt, %mul3A_243, %lt3A_244 : vector<16xf32>
      %gt3A = arith.constant 0.000000e+00 : f32
      %gt3A_246 = vector.broadcast %gt3A : f32 to vector<16xf32>
      %gt3A_247 = arith.cmpf ogt, %get3A_241, %gt3A_246 : vector<16xf32>
      %and3A_248 = arith.andi %lt3A_245, %gt3A_247 : vector<16xi1>
      %add3A_249 = vector.broadcast %mul3A_230 : i32 to vector<16xi32>
      %add3A_250 = arith.addi %iota3A, %add3A_249 : vector<16xi32>
      %convert_element_type3A_251 = arith.sitofp %add3A_250 : vector<16xi32> to vector<16xf32>
      %convert_element_type3A_252 = arith.extui %and3A_248 : vector<16xi1> to vector<16xi32>
      %broadcast_in_dim3A_253 = arith.constant true
      %broadcast_in_dim3A_254 = vector.broadcast %broadcast_in_dim3A_253 : i1 to vector<16xi1>
      %masked_cumsum3A = tpu.scan <sum>, %convert_element_type3A_252 masked %broadcast_in_dim3A_254 : vector<16xi32>, vector<16xi1> -> vector<16xi32>
      %add3A_255 = vector.broadcast %scan3A_228 : i32 to vector<16xi32>
      %add3A_256 = arith.addi %add3A_255, %masked_cumsum3A : vector<16xi32>
      %sub3A_257 = arith.constant 1 : i32
      %sub3A_258 = vector.broadcast %sub3A_257 : i32 to vector<16xi32>
      %sub3A_259 = arith.subi %add3A_256, %sub3A_258 : vector<16xi32>
      %add3A_260 = arith.constant 8192 : i32
      %add3A_261 = vector.broadcast %add3A_260 : i32 to vector<16xi32>
      %add3A_262 = arith.addi %add3A_261, %iota3A : vector<16xi32>
      %select_n3A_263 = arith.select %and3A_248, %sub3A_259, %add3A_262 : vector<16xi1>, vector<16xi32>
      tpu.vector_store_idx %arg6[%select_n3A_263], %get3A_233 : memref<8208xf32, #tpu.memory_space<vmem>>[vector<16xi32>], vector<16xf32>,
      tpu.vector_store_idx %arg7[%select_n3A_263], %mul3A_243 : memref<8208xf32, #tpu.memory_space<vmem>>[vector<16xi32>], vector<16xf32>,
      tpu.vector_store_idx %arg8[%select_n3A_263], %get3A_241 : memref<8208xf32, #tpu.memory_space<vmem>>[vector<16xi32>], vector<16xf32>,
      tpu.vector_store_idx %arg9[%select_n3A_263], %convert_element_type3A_251 : memref<8208xf32, #tpu.memory_space<vmem>>[vector<16xi32>], vector<16xf32>,
      %reduce_sum3A = arith.constant true
      %reduce_sum3A_264 = vector.broadcast %reduce_sum3A : i1 to vector<16xi1>
      %reduce_sum3A_265 = tpu.scan <sum>, %convert_element_type3A_252 masked %reduce_sum3A_264 : vector<16xi32>, vector<16xi1> -> vector<16xi32>
      %reduce_sum3A_266 = vector.extract %reduce_sum3A_265[15] : i32 from vector<16xi32>
      %add3A_267 = arith.addi %scan3A_228, %reduce_sum3A_266 : i32
      scf.yield %add3A_267 : i32
    }
    %scan3A_111 = arith.constant 512 : i32
    %run_scoped3A_112 = arith.constant 0 : i32
    "tpu.region"() ({
      %run_scoped3A_227 = tpu.sem_alloc : memref<!tpu.dma_semaphore, #tpu.memory_space<semaphore_mem>>
      %dma_start3A = arith.constant 0 : i32
      %dma_start3A_228 = tpu.memref_slice %arg6[%dma_start3A] : memref<8208xf32, #tpu.memory_space<vmem>> -> memref<8192xf32, #tpu.memory_space<vmem>>
      %dma_start3A_229 = arith.constant 0 : i32
      %dma_start3A_230 = tpu.memref_slice %arg3[%add3A_87, %run_scoped3A_112, %dma_start3A_229] : memref<192x4x8192xf32, #tpu.memory_space<hbm>> -> memref<1x1x8192xf32, #tpu.memory_space<hbm>>
      %dma_start3A_231 = tpu.memref_squeeze %dma_start3A_230 : memref<1x1x8192xf32, #tpu.memory_space<hbm>> -> memref<8192xf32, #tpu.memory_space<hbm>>
      %dma_start3A_232 = arith.constant 0 : i32
      %dma_start3A_233 = tpu.memref_slice %arg3[%add3A_87, %run_scoped3A_112, %dma_start3A_232] : memref<192x4x8192xf32, #tpu.memory_space<hbm>> -> memref<1x1x8192xf32, #tpu.memory_space<hbm>>
      %dma_start3A_234 = tpu.memref_squeeze %dma_start3A_233 : memref<1x1x8192xf32, #tpu.memory_space<hbm>> -> memref<8192xf32, #tpu.memory_space<hbm>>
      %dma_start3A_235 = arith.constant 0 : i32
      %dma_start3A_236 = tpu.memref_slice %arg6[%dma_start3A_235] : memref<8208xf32, #tpu.memory_space<vmem>> -> memref<8192xf32, #tpu.memory_space<vmem>>
      tpu.enqueue_dma source(%dma_start3A_236 : memref<8192xf32, #tpu.memory_space<vmem>>) target(%dma_start3A_234 : memref<8192xf32, #tpu.memory_space<hbm>>) target_semaphore(%run_scoped3A_227 : memref<!tpu.dma_semaphore, #tpu.memory_space<semaphore_mem>>)
      %dma_wait3A = arith.constant 0 : i32
      %dma_wait3A_237 = tpu.memref_slice %arg6[%dma_wait3A] : memref<8208xf32, #tpu.memory_space<vmem>> -> memref<8192xf32, #tpu.memory_space<vmem>>
      %dma_wait3A_238 = arith.constant 0 : i32
      %dma_wait3A_239 = tpu.memref_slice %arg3[%add3A_87, %run_scoped3A_112, %dma_wait3A_238] : memref<192x4x8192xf32, #tpu.memory_space<hbm>> -> memref<1x1x8192xf32, #tpu.memory_space<hbm>>
      %dma_wait3A_240 = tpu.memref_squeeze %dma_wait3A_239 : memref<1x1x8192xf32, #tpu.memory_space<hbm>> -> memref<8192xf32, #tpu.memory_space<hbm>>
      %dma_wait3A_241 = arith.constant 0 : i32
      %dma_wait3A_242 = tpu.memref_slice %arg3[%add3A_87, %run_scoped3A_112, %dma_wait3A_241] : memref<192x4x8192xf32, #tpu.memory_space<hbm>> -> memref<1x1x8192xf32, #tpu.memory_space<hbm>>
      %dma_wait3A_243 = tpu.memref_squeeze %dma_wait3A_242 : memref<1x1x8192xf32, #tpu.memory_space<hbm>> -> memref<8192xf32, #tpu.memory_space<hbm>>
      %dma_wait3A_244 = arith.constant 0 : i32
      %dma_wait3A_245 = tpu.memref_slice %arg6[%dma_wait3A_244] : memref<8208xf32, #tpu.memory_space<vmem>> -> memref<8192xf32, #tpu.memory_space<vmem>>
      tpu.wait_dma2 semaphore(%run_scoped3A_227 : memref<!tpu.dma_semaphore, #tpu.memory_space<semaphore_mem>>) src(%dma_wait3A_245 : memref<8192xf32, #tpu.memory_space<vmem>>) dst(%dma_wait3A_243 : memref<8192xf32, #tpu.memory_space<hbm>>)
      tpu.yield
    }) : () -> ()
    %run_scoped3A_113 = arith.constant 1 : i32
    "tpu.region"() ({
      %run_scoped3A_227 = tpu.sem_alloc : memref<!tpu.dma_semaphore, #tpu.memory_space<semaphore_mem>>
      %dma_start3A = arith.constant 0 : i32
      %dma_start3A_228 = tpu.memref_slice %arg7[%dma_start3A] : memref<8208xf32, #tpu.memory_space<vmem>> -> memref<8192xf32, #tpu.memory_space<vmem>>
      %dma_start3A_229 = arith.constant 0 : i32
      %dma_start3A_230 = tpu.memref_slice %arg3[%add3A_87, %run_scoped3A_113, %dma_start3A_229] : memref<192x4x8192xf32, #tpu.memory_space<hbm>> -> memref<1x1x8192xf32, #tpu.memory_space<hbm>>
      %dma_start3A_231 = tpu.memref_squeeze %dma_start3A_230 : memref<1x1x8192xf32, #tpu.memory_space<hbm>> -> memref<8192xf32, #tpu.memory_space<hbm>>
      %dma_start3A_232 = arith.constant 0 : i32
      %dma_start3A_233 = tpu.memref_slice %arg3[%add3A_87, %run_scoped3A_113, %dma_start3A_232] : memref<192x4x8192xf32, #tpu.memory_space<hbm>> -> memref<1x1x8192xf32, #tpu.memory_space<hbm>>
      %dma_start3A_234 = tpu.memref_squeeze %dma_start3A_233 : memref<1x1x8192xf32, #tpu.memory_space<hbm>> -> memref<8192xf32, #tpu.memory_space<hbm>>
      %dma_start3A_235 = arith.constant 0 : i32
      %dma_start3A_236 = tpu.memref_slice %arg7[%dma_start3A_235] : memref<8208xf32, #tpu.memory_space<vmem>> -> memref<8192xf32, #tpu.memory_space<vmem>>
      tpu.enqueue_dma source(%dma_start3A_236 : memref<8192xf32, #tpu.memory_space<vmem>>) target(%dma_start3A_234 : memref<8192xf32, #tpu.memory_space<hbm>>) target_semaphore(%run_scoped3A_227 : memref<!tpu.dma_semaphore, #tpu.memory_space<semaphore_mem>>)
      %dma_wait3A = arith.constant 0 : i32
      %dma_wait3A_237 = tpu.memref_slice %arg7[%dma_wait3A] : memref<8208xf32, #tpu.memory_space<vmem>> -> memref<8192xf32, #tpu.memory_space<vmem>>
      %dma_wait3A_238 = arith.constant 0 : i32
      %dma_wait3A_239 = tpu.memref_slice %arg3[%add3A_87, %run_scoped3A_113, %dma_wait3A_238] : memref<192x4x8192xf32, #tpu.memory_space<hbm>> -> memref<1x1x8192xf32, #tpu.memory_space<hbm>>
      %dma_wait3A_240 = tpu.memref_squeeze %dma_wait3A_239 : memref<1x1x8192xf32, #tpu.memory_space<hbm>> -> memref<8192xf32, #tpu.memory_space<hbm>>
      %dma_wait3A_241 = arith.constant 0 : i32
      %dma_wait3A_242 = tpu.memref_slice %arg3[%add3A_87, %run_scoped3A_113, %dma_wait3A_241] : memref<192x4x8192xf32, #tpu.memory_space<hbm>> -> memref<1x1x8192xf32, #tpu.memory_space<hbm>>
      %dma_wait3A_243 = tpu.memref_squeeze %dma_wait3A_242 : memref<1x1x8192xf32, #tpu.memory_space<hbm>> -> memref<8192xf32, #tpu.memory_space<hbm>>
      %dma_wait3A_244 = arith.constant 0 : i32
      %dma_wait3A_245 = tpu.memref_slice %arg7[%dma_wait3A_244] : memref<8208xf32, #tpu.memory_space<vmem>> -> memref<8192xf32, #tpu.memory_space<vmem>>
      tpu.wait_dma2 semaphore(%run_scoped3A_227 : memref<!tpu.dma_semaphore, #tpu.memory_space<semaphore_mem>>) src(%dma_wait3A_245 : memref<8192xf32, #tpu.memory_space<vmem>>) dst(%dma_wait3A_243 : memref<8192xf32, #tpu.memory_space<hbm>>)
      tpu.yield
    }) : () -> ()
    %run_scoped3A_114 = arith.constant 2 : i32
    "tpu.region"() ({
      %run_scoped3A_227 = tpu.sem_alloc : memref<!tpu.dma_semaphore, #tpu.memory_space<semaphore_mem>>
      %dma_start3A = arith.constant 0 : i32
      %dma_start3A_228 = tpu.memref_slice %arg8[%dma_start3A] : memref<8208xf32, #tpu.memory_space<vmem>> -> memref<8192xf32, #tpu.memory_space<vmem>>
      %dma_start3A_229 = arith.constant 0 : i32
      %dma_start3A_230 = tpu.memref_slice %arg3[%add3A_87, %run_scoped3A_114, %dma_start3A_229] : memref<192x4x8192xf32, #tpu.memory_space<hbm>> -> memref<1x1x8192xf32, #tpu.memory_space<hbm>>
      %dma_start3A_231 = tpu.memref_squeeze %dma_start3A_230 : memref<1x1x8192xf32, #tpu.memory_space<hbm>> -> memref<8192xf32, #tpu.memory_space<hbm>>
      %dma_start3A_232 = arith.constant 0 : i32
      %dma_start3A_233 = tpu.memref_slice %arg3[%add3A_87, %run_scoped3A_114, %dma_start3A_232] : memref<192x4x8192xf32, #tpu.memory_space<hbm>> -> memref<1x1x8192xf32, #tpu.memory_space<hbm>>
      %dma_start3A_234 = tpu.memref_squeeze %dma_start3A_233 : memref<1x1x8192xf32, #tpu.memory_space<hbm>> -> memref<8192xf32, #tpu.memory_space<hbm>>
      %dma_start3A_235 = arith.constant 0 : i32
      %dma_start3A_236 = tpu.memref_slice %arg8[%dma_start3A_235] : memref<8208xf32, #tpu.memory_space<vmem>> -> memref<8192xf32, #tpu.memory_space<vmem>>
      tpu.enqueue_dma source(%dma_start3A_236 : memref<8192xf32, #tpu.memory_space<vmem>>) target(%dma_start3A_234 : memref<8192xf32, #tpu.memory_space<hbm>>) target_semaphore(%run_scoped3A_227 : memref<!tpu.dma_semaphore, #tpu.memory_space<semaphore_mem>>)
      %dma_wait3A = arith.constant 0 : i32
      %dma_wait3A_237 = tpu.memref_slice %arg8[%dma_wait3A] : memref<8208xf32, #tpu.memory_space<vmem>> -> memref<8192xf32, #tpu.memory_space<vmem>>
      %dma_wait3A_238 = arith.constant 0 : i32
      %dma_wait3A_239 = tpu.memref_slice %arg3[%add3A_87, %run_scoped3A_114, %dma_wait3A_238] : memref<192x4x8192xf32, #tpu.memory_space<hbm>> -> memref<1x1x8192xf32, #tpu.memory_space<hbm>>
      %dma_wait3A_240 = tpu.memref_squeeze %dma_wait3A_239 : memref<1x1x8192xf32, #tpu.memory_space<hbm>> -> memref<8192xf32, #tpu.memory_space<hbm>>
      %dma_wait3A_241 = arith.constant 0 : i32
      %dma_wait3A_242 = tpu.memref_slice %arg3[%add3A_87, %run_scoped3A_114, %dma_wait3A_241] : memref<192x4x8192xf32, #tpu.memory_space<hbm>> -> memref<1x1x8192xf32, #tpu.memory_space<hbm>>
      %dma_wait3A_243 = tpu.memref_squeeze %dma_wait3A_242 : memref<1x1x8192xf32, #tpu.memory_space<hbm>> -> memref<8192xf32, #tpu.memory_space<hbm>>
      %dma_wait3A_244 = arith.constant 0 : i32
      %dma_wait3A_245 = tpu.memref_slice %arg8[%dma_wait3A_244] : memref<8208xf32, #tpu.memory_space<vmem>> -> memref<8192xf32, #tpu.memory_space<vmem>>
      tpu.wait_dma2 semaphore(%run_scoped3A_227 : memref<!tpu.dma_semaphore, #tpu.memory_space<semaphore_mem>>) src(%dma_wait3A_245 : memref<8192xf32, #tpu.memory_space<vmem>>) dst(%dma_wait3A_243 : memref<8192xf32, #tpu.memory_space<hbm>>)
      tpu.yield
    }) : () -> ()
    %run_scoped3A_115 = arith.constant 3 : i32
    "tpu.region"() ({
      %run_scoped3A_227 = tpu.sem_alloc : memref<!tpu.dma_semaphore, #tpu.memory_space<semaphore_mem>>
      %dma_start3A = arith.constant 0 : i32
      %dma_start3A_228 = tpu.memref_slice %arg9[%dma_start3A] : memref<8208xf32, #tpu.memory_space<vmem>> -> memref<8192xf32, #tpu.memory_space<vmem>>
      %dma_start3A_229 = arith.constant 0 : i32
      %dma_start3A_230 = tpu.memref_slice %arg3[%add3A_87, %run_scoped3A_115, %dma_start3A_229] : memref<192x4x8192xf32, #tpu.memory_space<hbm>> -> memref<1x1x8192xf32, #tpu.memory_space<hbm>>
      %dma_start3A_231 = tpu.memref_squeeze %dma_start3A_230 : memref<1x1x8192xf32, #tpu.memory_space<hbm>> -> memref<8192xf32, #tpu.memory_space<hbm>>
      %dma_start3A_232 = arith.constant 0 : i32
      %dma_start3A_233 = tpu.memref_slice %arg3[%add3A_87, %run_scoped3A_115, %dma_start3A_232] : memref<192x4x8192xf32, #tpu.memory_space<hbm>> -> memref<1x1x8192xf32, #tpu.memory_space<hbm>>
      %dma_start3A_234 = tpu.memref_squeeze %dma_start3A_233 : memref<1x1x8192xf32, #tpu.memory_space<hbm>> -> memref<8192xf32, #tpu.memory_space<hbm>>
      %dma_start3A_235 = arith.constant 0 : i32
      %dma_start3A_236 = tpu.memref_slice %arg9[%dma_start3A_235] : memref<8208xf32, #tpu.memory_space<vmem>> -> memref<8192xf32, #tpu.memory_space<vmem>>
      tpu.enqueue_dma source(%dma_start3A_236 : memref<8192xf32, #tpu.memory_space<vmem>>) target(%dma_start3A_234 : memref<8192xf32, #tpu.memory_space<hbm>>) target_semaphore(%run_scoped3A_227 : memref<!tpu.dma_semaphore, #tpu.memory_space<semaphore_mem>>)
      %dma_wait3A = arith.constant 0 : i32
      %dma_wait3A_237 = tpu.memref_slice %arg9[%dma_wait3A] : memref<8208xf32, #tpu.memory_space<vmem>> -> memref<8192xf32, #tpu.memory_space<vmem>>
      %dma_wait3A_238 = arith.constant 0 : i32
      %dma_wait3A_239 = tpu.memref_slice %arg3[%add3A_87, %run_scoped3A_115, %dma_wait3A_238] : memref<192x4x8192xf32, #tpu.memory_space<hbm>> -> memref<1x1x8192xf32, #tpu.memory_space<hbm>>
      %dma_wait3A_240 = tpu.memref_squeeze %dma_wait3A_239 : memref<1x1x8192xf32, #tpu.memory_space<hbm>> -> memref<8192xf32, #tpu.memory_space<hbm>>
      %dma_wait3A_241 = arith.constant 0 : i32
      %dma_wait3A_242 = tpu.memref_slice %arg3[%add3A_87, %run_scoped3A_115, %dma_wait3A_241] : memref<192x4x8192xf32, #tpu.memory_space<hbm>> -> memref<1x1x8192xf32, #tpu.memory_space<hbm>>
      %dma_wait3A_243 = tpu.memref_squeeze %dma_wait3A_242 : memref<1x1x8192xf32, #tpu.memory_space<hbm>> -> memref<8192xf32, #tpu.memory_space<hbm>>
      %dma_wait3A_244 = arith.constant 0 : i32
      %dma_wait3A_245 = tpu.memref_slice %arg9[%dma_wait3A_244] : memref<8208xf32, #tpu.memory_space<vmem>> -> memref<8192xf32, #tpu.memory_space<vmem>>
      tpu.wait_dma2 semaphore(%run_scoped3A_227 : memref<!tpu.dma_semaphore, #tpu.memory_space<semaphore_mem>>) src(%dma_wait3A_245 : memref<8192xf32, #tpu.memory_space<vmem>>) dst(%dma_wait3A_243 : memref<8192xf32, #tpu.memory_space<hbm>>)
      tpu.yield
    }) : () -> ()
    %eq3A_116 = arith.constant 2 : i32
    %eq3A_117 = vector.broadcast %eq3A_116 : i32 to vector<16xi32>
    %eq3A_118 = arith.cmpi eq, %iota3A, %eq3A_117 : vector<16xi32>
    %broadcast_in_dim3A_119 = vector.broadcast %scan3A_110 : i32 to vector<16xi32>
    %select_n3A_120 = arith.select %eq3A_118, %broadcast_in_dim3A_119, %select_n3A_85 : vector<16xi1>, vector<16xi32>
    %add3A_121 = arith.constant 3 : i32
    %add3A_122 = arith.addi %mul3A_2, %add3A_121 : i32
    %mul3A_123 = arith.constant 96 : i32
    %mul3A_124 = arith.muli %select_n3A, %mul3A_123 : i32
    %sub3A_125 = arith.subi %add3A_122, %mul3A_124 : i32
    %broadcast_in_dim3A_126 = vector.broadcast %sub3A_125 : i32 to vector<16xi32>
    %convert_element_type3A_127 = arith.sitofp %broadcast_in_dim3A_126 : vector<16xi32> to vector<16xf32>
    %add3A_128 = arith.constant 5.000000e-01 : f32
    %add3A_129 = vector.broadcast %add3A_128 : f32 to vector<16xf32>
    %add3A_130 = arith.addf %convert_element_type3A_127, %add3A_129 : vector<16xf32>
    %mul3A_131 = arith.constant 2.000000e+00 : f32
    %mul3A_132 = vector.broadcast %mul3A_131 : f32 to vector<16xf32>
    %mul3A_133 = arith.mulf %mul3A_132, %add3A_130 : vector<16xf32>
    %broadcast_in_dim3A_134 = arith.constant 9.600000e+01 : f32
    %broadcast_in_dim3A_135 = vector.broadcast %broadcast_in_dim3A_134 : f32 to vector<16xf32>
    %div3A_136 = arith.divf %mul3A_133, %broadcast_in_dim3A_135 : vector<16xf32>
    %sub3A_137 = arith.constant 1.000000e+00 : f32
    %sub3A_138 = vector.broadcast %sub3A_137 : f32 to vector<16xf32>
    %sub3A_139 = arith.subf %sub3A_138, %div3A_136 : vector<16xf32>
    %scan3A_140 = arith.constant 0 : i32
    %scan3A_141 = arith.constant 0 : i32
    %scan3A_142 = arith.constant 512 : i32
    %scan3A_143 = arith.addi %scan3A_141, %scan3A_142 : i32
    %scan3A_144 = arith.constant 1 : i32
    %scan3A_145 = scf.for %scan3A_227 = %scan3A_141 to %scan3A_143 step %scan3A_144 iter_args(%scan3A_228 = %scan3A_140) -> (i32)  : i32 {
      %mul3A_229 = arith.constant 16 : i32
      %mul3A_230 = arith.muli %scan3A_227, %mul3A_229 : i32
      %get3A = arith.constant 0 : i32
      %get3A_231 = arith.index_cast %get3A : i32 to index
      %get3A_232 = arith.index_cast %mul3A_230 : i32 to index
      %get3A_233 = tpu.vector_load %arg5[%get3A_231, %get3A_232] {strides = array<i32>} : memref<3x8192xf32, #tpu.memory_space<vmem>>, vector<16xf32>,
      %get3A_234 = arith.constant 1 : i32
      %get3A_235 = arith.index_cast %get3A_234 : i32 to index
      %get3A_236 = arith.index_cast %mul3A_230 : i32 to index
      %get3A_237 = tpu.vector_load %arg5[%get3A_235, %get3A_236] {strides = array<i32>} : memref<3x8192xf32, #tpu.memory_space<vmem>>, vector<16xf32>,
      %get3A_238 = arith.constant 2 : i32
      %get3A_239 = arith.index_cast %get3A_238 : i32 to index
      %get3A_240 = arith.index_cast %mul3A_230 : i32 to index
      %get3A_241 = tpu.vector_load %arg5[%get3A_239, %get3A_240] {strides = array<i32>} : memref<3x8192xf32, #tpu.memory_space<vmem>>, vector<16xf32>,
      %sub3A_242 = arith.subf %get3A_237, %sub3A_139 : vector<16xf32>
      %mul3A_243 = arith.mulf %sub3A_242, %sub3A_242 : vector<16xf32>
      %lt3A = arith.constant 2.500000e-03 : f32
      %lt3A_244 = vector.broadcast %lt3A : f32 to vector<16xf32>
      %lt3A_245 = arith.cmpf olt, %mul3A_243, %lt3A_244 : vector<16xf32>
      %gt3A = arith.constant 0.000000e+00 : f32
      %gt3A_246 = vector.broadcast %gt3A : f32 to vector<16xf32>
      %gt3A_247 = arith.cmpf ogt, %get3A_241, %gt3A_246 : vector<16xf32>
      %and3A_248 = arith.andi %lt3A_245, %gt3A_247 : vector<16xi1>
      %add3A_249 = vector.broadcast %mul3A_230 : i32 to vector<16xi32>
      %add3A_250 = arith.addi %iota3A, %add3A_249 : vector<16xi32>
      %convert_element_type3A_251 = arith.sitofp %add3A_250 : vector<16xi32> to vector<16xf32>
      %convert_element_type3A_252 = arith.extui %and3A_248 : vector<16xi1> to vector<16xi32>
      %broadcast_in_dim3A_253 = arith.constant true
      %broadcast_in_dim3A_254 = vector.broadcast %broadcast_in_dim3A_253 : i1 to vector<16xi1>
      %masked_cumsum3A = tpu.scan <sum>, %convert_element_type3A_252 masked %broadcast_in_dim3A_254 : vector<16xi32>, vector<16xi1> -> vector<16xi32>
      %add3A_255 = vector.broadcast %scan3A_228 : i32 to vector<16xi32>
      %add3A_256 = arith.addi %add3A_255, %masked_cumsum3A : vector<16xi32>
      %sub3A_257 = arith.constant 1 : i32
      %sub3A_258 = vector.broadcast %sub3A_257 : i32 to vector<16xi32>
      %sub3A_259 = arith.subi %add3A_256, %sub3A_258 : vector<16xi32>
      %add3A_260 = arith.constant 8192 : i32
      %add3A_261 = vector.broadcast %add3A_260 : i32 to vector<16xi32>
      %add3A_262 = arith.addi %add3A_261, %iota3A : vector<16xi32>
      %select_n3A_263 = arith.select %and3A_248, %sub3A_259, %add3A_262 : vector<16xi1>, vector<16xi32>
      tpu.vector_store_idx %arg6[%select_n3A_263], %get3A_233 : memref<8208xf32, #tpu.memory_space<vmem>>[vector<16xi32>], vector<16xf32>,
      tpu.vector_store_idx %arg7[%select_n3A_263], %mul3A_243 : memref<8208xf32, #tpu.memory_space<vmem>>[vector<16xi32>], vector<16xf32>,
      tpu.vector_store_idx %arg8[%select_n3A_263], %get3A_241 : memref<8208xf32, #tpu.memory_space<vmem>>[vector<16xi32>], vector<16xf32>,
      tpu.vector_store_idx %arg9[%select_n3A_263], %convert_element_type3A_251 : memref<8208xf32, #tpu.memory_space<vmem>>[vector<16xi32>], vector<16xf32>,
      %reduce_sum3A = arith.constant true
      %reduce_sum3A_264 = vector.broadcast %reduce_sum3A : i1 to vector<16xi1>
      %reduce_sum3A_265 = tpu.scan <sum>, %convert_element_type3A_252 masked %reduce_sum3A_264 : vector<16xi32>, vector<16xi1> -> vector<16xi32>
      %reduce_sum3A_266 = vector.extract %reduce_sum3A_265[15] : i32 from vector<16xi32>
      %add3A_267 = arith.addi %scan3A_228, %reduce_sum3A_266 : i32
      scf.yield %add3A_267 : i32
    }
    %scan3A_146 = arith.constant 512 : i32
    %run_scoped3A_147 = arith.constant 0 : i32
    "tpu.region"() ({
      %run_scoped3A_227 = tpu.sem_alloc : memref<!tpu.dma_semaphore, #tpu.memory_space<semaphore_mem>>
      %dma_start3A = arith.constant 0 : i32
      %dma_start3A_228 = tpu.memref_slice %arg6[%dma_start3A] : memref<8208xf32, #tpu.memory_space<vmem>> -> memref<8192xf32, #tpu.memory_space<vmem>>
      %dma_start3A_229 = arith.constant 0 : i32
      %dma_start3A_230 = tpu.memref_slice %arg3[%add3A_122, %run_scoped3A_147, %dma_start3A_229] : memref<192x4x8192xf32, #tpu.memory_space<hbm>> -> memref<1x1x8192xf32, #tpu.memory_space<hbm>>
      %dma_start3A_231 = tpu.memref_squeeze %dma_start3A_230 : memref<1x1x8192xf32, #tpu.memory_space<hbm>> -> memref<8192xf32, #tpu.memory_space<hbm>>
      %dma_start3A_232 = arith.constant 0 : i32
      %dma_start3A_233 = tpu.memref_slice %arg3[%add3A_122, %run_scoped3A_147, %dma_start3A_232] : memref<192x4x8192xf32, #tpu.memory_space<hbm>> -> memref<1x1x8192xf32, #tpu.memory_space<hbm>>
      %dma_start3A_234 = tpu.memref_squeeze %dma_start3A_233 : memref<1x1x8192xf32, #tpu.memory_space<hbm>> -> memref<8192xf32, #tpu.memory_space<hbm>>
      %dma_start3A_235 = arith.constant 0 : i32
      %dma_start3A_236 = tpu.memref_slice %arg6[%dma_start3A_235] : memref<8208xf32, #tpu.memory_space<vmem>> -> memref<8192xf32, #tpu.memory_space<vmem>>
      tpu.enqueue_dma source(%dma_start3A_236 : memref<8192xf32, #tpu.memory_space<vmem>>) target(%dma_start3A_234 : memref<8192xf32, #tpu.memory_space<hbm>>) target_semaphore(%run_scoped3A_227 : memref<!tpu.dma_semaphore, #tpu.memory_space<semaphore_mem>>)
      %dma_wait3A = arith.constant 0 : i32
      %dma_wait3A_237 = tpu.memref_slice %arg6[%dma_wait3A] : memref<8208xf32, #tpu.memory_space<vmem>> -> memref<8192xf32, #tpu.memory_space<vmem>>
      %dma_wait3A_238 = arith.constant 0 : i32
      %dma_wait3A_239 = tpu.memref_slice %arg3[%add3A_122, %run_scoped3A_147, %dma_wait3A_238] : memref<192x4x8192xf32, #tpu.memory_space<hbm>> -> memref<1x1x8192xf32, #tpu.memory_space<hbm>>
      %dma_wait3A_240 = tpu.memref_squeeze %dma_wait3A_239 : memref<1x1x8192xf32, #tpu.memory_space<hbm>> -> memref<8192xf32, #tpu.memory_space<hbm>>
      %dma_wait3A_241 = arith.constant 0 : i32
      %dma_wait3A_242 = tpu.memref_slice %arg3[%add3A_122, %run_scoped3A_147, %dma_wait3A_241] : memref<192x4x8192xf32, #tpu.memory_space<hbm>> -> memref<1x1x8192xf32, #tpu.memory_space<hbm>>
      %dma_wait3A_243 = tpu.memref_squeeze %dma_wait3A_242 : memref<1x1x8192xf32, #tpu.memory_space<hbm>> -> memref<8192xf32, #tpu.memory_space<hbm>>
      %dma_wait3A_244 = arith.constant 0 : i32
      %dma_wait3A_245 = tpu.memref_slice %arg6[%dma_wait3A_244] : memref<8208xf32, #tpu.memory_space<vmem>> -> memref<8192xf32, #tpu.memory_space<vmem>>
      tpu.wait_dma2 semaphore(%run_scoped3A_227 : memref<!tpu.dma_semaphore, #tpu.memory_space<semaphore_mem>>) src(%dma_wait3A_245 : memref<8192xf32, #tpu.memory_space<vmem>>) dst(%dma_wait3A_243 : memref<8192xf32, #tpu.memory_space<hbm>>)
      tpu.yield
    }) : () -> ()
    %run_scoped3A_148 = arith.constant 1 : i32
    "tpu.region"() ({
      %run_scoped3A_227 = tpu.sem_alloc : memref<!tpu.dma_semaphore, #tpu.memory_space<semaphore_mem>>
      %dma_start3A = arith.constant 0 : i32
      %dma_start3A_228 = tpu.memref_slice %arg7[%dma_start3A] : memref<8208xf32, #tpu.memory_space<vmem>> -> memref<8192xf32, #tpu.memory_space<vmem>>
      %dma_start3A_229 = arith.constant 0 : i32
      %dma_start3A_230 = tpu.memref_slice %arg3[%add3A_122, %run_scoped3A_148, %dma_start3A_229] : memref<192x4x8192xf32, #tpu.memory_space<hbm>> -> memref<1x1x8192xf32, #tpu.memory_space<hbm>>
      %dma_start3A_231 = tpu.memref_squeeze %dma_start3A_230 : memref<1x1x8192xf32, #tpu.memory_space<hbm>> -> memref<8192xf32, #tpu.memory_space<hbm>>
      %dma_start3A_232 = arith.constant 0 : i32
      %dma_start3A_233 = tpu.memref_slice %arg3[%add3A_122, %run_scoped3A_148, %dma_start3A_232] : memref<192x4x8192xf32, #tpu.memory_space<hbm>> -> memref<1x1x8192xf32, #tpu.memory_space<hbm>>
      %dma_start3A_234 = tpu.memref_squeeze %dma_start3A_233 : memref<1x1x8192xf32, #tpu.memory_space<hbm>> -> memref<8192xf32, #tpu.memory_space<hbm>>
      %dma_start3A_235 = arith.constant 0 : i32
      %dma_start3A_236 = tpu.memref_slice %arg7[%dma_start3A_235] : memref<8208xf32, #tpu.memory_space<vmem>> -> memref<8192xf32, #tpu.memory_space<vmem>>
      tpu.enqueue_dma source(%dma_start3A_236 : memref<8192xf32, #tpu.memory_space<vmem>>) target(%dma_start3A_234 : memref<8192xf32, #tpu.memory_space<hbm>>) target_semaphore(%run_scoped3A_227 : memref<!tpu.dma_semaphore, #tpu.memory_space<semaphore_mem>>)
      %dma_wait3A = arith.constant 0 : i32
      %dma_wait3A_237 = tpu.memref_slice %arg7[%dma_wait3A] : memref<8208xf32, #tpu.memory_space<vmem>> -> memref<8192xf32, #tpu.memory_space<vmem>>
      %dma_wait3A_238 = arith.constant 0 : i32
      %dma_wait3A_239 = tpu.memref_slice %arg3[%add3A_122, %run_scoped3A_148, %dma_wait3A_238] : memref<192x4x8192xf32, #tpu.memory_space<hbm>> -> memref<1x1x8192xf32, #tpu.memory_space<hbm>>
      %dma_wait3A_240 = tpu.memref_squeeze %dma_wait3A_239 : memref<1x1x8192xf32, #tpu.memory_space<hbm>> -> memref<8192xf32, #tpu.memory_space<hbm>>
      %dma_wait3A_241 = arith.constant 0 : i32
      %dma_wait3A_242 = tpu.memref_slice %arg3[%add3A_122, %run_scoped3A_148, %dma_wait3A_241] : memref<192x4x8192xf32, #tpu.memory_space<hbm>> -> memref<1x1x8192xf32, #tpu.memory_space<hbm>>
      %dma_wait3A_243 = tpu.memref_squeeze %dma_wait3A_242 : memref<1x1x8192xf32, #tpu.memory_space<hbm>> -> memref<8192xf32, #tpu.memory_space<hbm>>
      %dma_wait3A_244 = arith.constant 0 : i32
      %dma_wait3A_245 = tpu.memref_slice %arg7[%dma_wait3A_244] : memref<8208xf32, #tpu.memory_space<vmem>> -> memref<8192xf32, #tpu.memory_space<vmem>>
      tpu.wait_dma2 semaphore(%run_scoped3A_227 : memref<!tpu.dma_semaphore, #tpu.memory_space<semaphore_mem>>) src(%dma_wait3A_245 : memref<8192xf32, #tpu.memory_space<vmem>>) dst(%dma_wait3A_243 : memref<8192xf32, #tpu.memory_space<hbm>>)
      tpu.yield
    }) : () -> ()
    %run_scoped3A_149 = arith.constant 2 : i32
    "tpu.region"() ({
      %run_scoped3A_227 = tpu.sem_alloc : memref<!tpu.dma_semaphore, #tpu.memory_space<semaphore_mem>>
      %dma_start3A = arith.constant 0 : i32
      %dma_start3A_228 = tpu.memref_slice %arg8[%dma_start3A] : memref<8208xf32, #tpu.memory_space<vmem>> -> memref<8192xf32, #tpu.memory_space<vmem>>
      %dma_start3A_229 = arith.constant 0 : i32
      %dma_start3A_230 = tpu.memref_slice %arg3[%add3A_122, %run_scoped3A_149, %dma_start3A_229] : memref<192x4x8192xf32, #tpu.memory_space<hbm>> -> memref<1x1x8192xf32, #tpu.memory_space<hbm>>
      %dma_start3A_231 = tpu.memref_squeeze %dma_start3A_230 : memref<1x1x8192xf32, #tpu.memory_space<hbm>> -> memref<8192xf32, #tpu.memory_space<hbm>>
      %dma_start3A_232 = arith.constant 0 : i32
      %dma_start3A_233 = tpu.memref_slice %arg3[%add3A_122, %run_scoped3A_149, %dma_start3A_232] : memref<192x4x8192xf32, #tpu.memory_space<hbm>> -> memref<1x1x8192xf32, #tpu.memory_space<hbm>>
      %dma_start3A_234 = tpu.memref_squeeze %dma_start3A_233 : memref<1x1x8192xf32, #tpu.memory_space<hbm>> -> memref<8192xf32, #tpu.memory_space<hbm>>
      %dma_start3A_235 = arith.constant 0 : i32
      %dma_start3A_236 = tpu.memref_slice %arg8[%dma_start3A_235] : memref<8208xf32, #tpu.memory_space<vmem>> -> memref<8192xf32, #tpu.memory_space<vmem>>
      tpu.enqueue_dma source(%dma_start3A_236 : memref<8192xf32, #tpu.memory_space<vmem>>) target(%dma_start3A_234 : memref<8192xf32, #tpu.memory_space<hbm>>) target_semaphore(%run_scoped3A_227 : memref<!tpu.dma_semaphore, #tpu.memory_space<semaphore_mem>>)
      %dma_wait3A = arith.constant 0 : i32
      %dma_wait3A_237 = tpu.memref_slice %arg8[%dma_wait3A] : memref<8208xf32, #tpu.memory_space<vmem>> -> memref<8192xf32, #tpu.memory_space<vmem>>
      %dma_wait3A_238 = arith.constant 0 : i32
      %dma_wait3A_239 = tpu.memref_slice %arg3[%add3A_122, %run_scoped3A_149, %dma_wait3A_238] : memref<192x4x8192xf32, #tpu.memory_space<hbm>> -> memref<1x1x8192xf32, #tpu.memory_space<hbm>>
      %dma_wait3A_240 = tpu.memref_squeeze %dma_wait3A_239 : memref<1x1x8192xf32, #tpu.memory_space<hbm>> -> memref<8192xf32, #tpu.memory_space<hbm>>
      %dma_wait3A_241 = arith.constant 0 : i32
      %dma_wait3A_242 = tpu.memref_slice %arg3[%add3A_122, %run_scoped3A_149, %dma_wait3A_241] : memref<192x4x8192xf32, #tpu.memory_space<hbm>> -> memref<1x1x8192xf32, #tpu.memory_space<hbm>>
      %dma_wait3A_243 = tpu.memref_squeeze %dma_wait3A_242 : memref<1x1x8192xf32, #tpu.memory_space<hbm>> -> memref<8192xf32, #tpu.memory_space<hbm>>
      %dma_wait3A_244 = arith.constant 0 : i32
      %dma_wait3A_245 = tpu.memref_slice %arg8[%dma_wait3A_244] : memref<8208xf32, #tpu.memory_space<vmem>> -> memref<8192xf32, #tpu.memory_space<vmem>>
      tpu.wait_dma2 semaphore(%run_scoped3A_227 : memref<!tpu.dma_semaphore, #tpu.memory_space<semaphore_mem>>) src(%dma_wait3A_245 : memref<8192xf32, #tpu.memory_space<vmem>>) dst(%dma_wait3A_243 : memref<8192xf32, #tpu.memory_space<hbm>>)
      tpu.yield
    }) : () -> ()
    %run_scoped3A_150 = arith.constant 3 : i32
    "tpu.region"() ({
      %run_scoped3A_227 = tpu.sem_alloc : memref<!tpu.dma_semaphore, #tpu.memory_space<semaphore_mem>>
      %dma_start3A = arith.constant 0 : i32
      %dma_start3A_228 = tpu.memref_slice %arg9[%dma_start3A] : memref<8208xf32, #tpu.memory_space<vmem>> -> memref<8192xf32, #tpu.memory_space<vmem>>
      %dma_start3A_229 = arith.constant 0 : i32
      %dma_start3A_230 = tpu.memref_slice %arg3[%add3A_122, %run_scoped3A_150, %dma_start3A_229] : memref<192x4x8192xf32, #tpu.memory_space<hbm>> -> memref<1x1x8192xf32, #tpu.memory_space<hbm>>
      %dma_start3A_231 = tpu.memref_squeeze %dma_start3A_230 : memref<1x1x8192xf32, #tpu.memory_space<hbm>> -> memref<8192xf32, #tpu.memory_space<hbm>>
      %dma_start3A_232 = arith.constant 0 : i32
      %dma_start3A_233 = tpu.memref_slice %arg3[%add3A_122, %run_scoped3A_150, %dma_start3A_232] : memref<192x4x8192xf32, #tpu.memory_space<hbm>> -> memref<1x1x8192xf32, #tpu.memory_space<hbm>>
      %dma_start3A_234 = tpu.memref_squeeze %dma_start3A_233 : memref<1x1x8192xf32, #tpu.memory_space<hbm>> -> memref<8192xf32, #tpu.memory_space<hbm>>
      %dma_start3A_235 = arith.constant 0 : i32
      %dma_start3A_236 = tpu.memref_slice %arg9[%dma_start3A_235] : memref<8208xf32, #tpu.memory_space<vmem>> -> memref<8192xf32, #tpu.memory_space<vmem>>
      tpu.enqueue_dma source(%dma_start3A_236 : memref<8192xf32, #tpu.memory_space<vmem>>) target(%dma_start3A_234 : memref<8192xf32, #tpu.memory_space<hbm>>) target_semaphore(%run_scoped3A_227 : memref<!tpu.dma_semaphore, #tpu.memory_space<semaphore_mem>>)
      %dma_wait3A = arith.constant 0 : i32
      %dma_wait3A_237 = tpu.memref_slice %arg9[%dma_wait3A] : memref<8208xf32, #tpu.memory_space<vmem>> -> memref<8192xf32, #tpu.memory_space<vmem>>
      %dma_wait3A_238 = arith.constant 0 : i32
      %dma_wait3A_239 = tpu.memref_slice %arg3[%add3A_122, %run_scoped3A_150, %dma_wait3A_238] : memref<192x4x8192xf32, #tpu.memory_space<hbm>> -> memref<1x1x8192xf32, #tpu.memory_space<hbm>>
      %dma_wait3A_240 = tpu.memref_squeeze %dma_wait3A_239 : memref<1x1x8192xf32, #tpu.memory_space<hbm>> -> memref<8192xf32, #tpu.memory_space<hbm>>
      %dma_wait3A_241 = arith.constant 0 : i32
      %dma_wait3A_242 = tpu.memref_slice %arg3[%add3A_122, %run_scoped3A_150, %dma_wait3A_241] : memref<192x4x8192xf32, #tpu.memory_space<hbm>> -> memref<1x1x8192xf32, #tpu.memory_space<hbm>>
      %dma_wait3A_243 = tpu.memref_squeeze %dma_wait3A_242 : memref<1x1x8192xf32, #tpu.memory_space<hbm>> -> memref<8192xf32, #tpu.memory_space<hbm>>
      %dma_wait3A_244 = arith.constant 0 : i32
      %dma_wait3A_245 = tpu.memref_slice %arg9[%dma_wait3A_244] : memref<8208xf32, #tpu.memory_space<vmem>> -> memref<8192xf32, #tpu.memory_space<vmem>>
      tpu.wait_dma2 semaphore(%run_scoped3A_227 : memref<!tpu.dma_semaphore, #tpu.memory_space<semaphore_mem>>) src(%dma_wait3A_245 : memref<8192xf32, #tpu.memory_space<vmem>>) dst(%dma_wait3A_243 : memref<8192xf32, #tpu.memory_space<hbm>>)
      tpu.yield
    }) : () -> ()
    %eq3A_151 = arith.constant 3 : i32
    %eq3A_152 = vector.broadcast %eq3A_151 : i32 to vector<16xi32>
    %eq3A_153 = arith.cmpi eq, %iota3A, %eq3A_152 : vector<16xi32>
    %broadcast_in_dim3A_154 = vector.broadcast %scan3A_145 : i32 to vector<16xi32>
    %select_n3A_155 = arith.select %eq3A_153, %broadcast_in_dim3A_154, %select_n3A_120 : vector<16xi1>, vector<16xi32>
    %add3A_156 = arith.constant 4 : i32
    %add3A_157 = arith.addi %mul3A_2, %add3A_156 : i32
    %mul3A_158 = arith.constant 96 : i32
    %mul3A_159 = arith.muli %select_n3A, %mul3A_158 : i32
    %sub3A_160 = arith.subi %add3A_157, %mul3A_159 : i32
    %broadcast_in_dim3A_161 = vector.broadcast %sub3A_160 : i32 to vector<16xi32>
    %convert_element_type3A_162 = arith.sitofp %broadcast_in_dim3A_161 : vector<16xi32> to vector<16xf32>
    %add3A_163 = arith.constant 5.000000e-01 : f32
    %add3A_164 = vector.broadcast %add3A_163 : f32 to vector<16xf32>
    %add3A_165 = arith.addf %convert_element_type3A_162, %add3A_164 : vector<16xf32>
    %mul3A_166 = arith.constant 2.000000e+00 : f32
    %mul3A_167 = vector.broadcast %mul3A_166 : f32 to vector<16xf32>
    %mul3A_168 = arith.mulf %mul3A_167, %add3A_165 : vector<16xf32>
    %broadcast_in_dim3A_169 = arith.constant 9.600000e+01 : f32
    %broadcast_in_dim3A_170 = vector.broadcast %broadcast_in_dim3A_169 : f32 to vector<16xf32>
    %div3A_171 = arith.divf %mul3A_168, %broadcast_in_dim3A_170 : vector<16xf32>
    %sub3A_172 = arith.constant 1.000000e+00 : f32
    %sub3A_173 = vector.broadcast %sub3A_172 : f32 to vector<16xf32>
    %sub3A_174 = arith.subf %sub3A_173, %div3A_171 : vector<16xf32>
    %scan3A_175 = arith.constant 0 : i32
    %scan3A_176 = arith.constant 0 : i32
    %scan3A_177 = arith.constant 512 : i32
    %scan3A_178 = arith.addi %scan3A_176, %scan3A_177 : i32
    %scan3A_179 = arith.constant 1 : i32
    %scan3A_180 = scf.for %scan3A_227 = %scan3A_176 to %scan3A_178 step %scan3A_179 iter_args(%scan3A_228 = %scan3A_175) -> (i32)  : i32 {
      %mul3A_229 = arith.constant 16 : i32
      %mul3A_230 = arith.muli %scan3A_227, %mul3A_229 : i32
      %get3A = arith.constant 0 : i32
      %get3A_231 = arith.index_cast %get3A : i32 to index
      %get3A_232 = arith.index_cast %mul3A_230 : i32 to index
      %get3A_233 = tpu.vector_load %arg5[%get3A_231, %get3A_232] {strides = array<i32>} : memref<3x8192xf32, #tpu.memory_space<vmem>>, vector<16xf32>,
      %get3A_234 = arith.constant 1 : i32
      %get3A_235 = arith.index_cast %get3A_234 : i32 to index
      %get3A_236 = arith.index_cast %mul3A_230 : i32 to index
      %get3A_237 = tpu.vector_load %arg5[%get3A_235, %get3A_236] {strides = array<i32>} : memref<3x8192xf32, #tpu.memory_space<vmem>>, vector<16xf32>,
      %get3A_238 = arith.constant 2 : i32
      %get3A_239 = arith.index_cast %get3A_238 : i32 to index
      %get3A_240 = arith.index_cast %mul3A_230 : i32 to index
      %get3A_241 = tpu.vector_load %arg5[%get3A_239, %get3A_240] {strides = array<i32>} : memref<3x8192xf32, #tpu.memory_space<vmem>>, vector<16xf32>,
      %sub3A_242 = arith.subf %get3A_237, %sub3A_174 : vector<16xf32>
      %mul3A_243 = arith.mulf %sub3A_242, %sub3A_242 : vector<16xf32>
      %lt3A = arith.constant 2.500000e-03 : f32
      %lt3A_244 = vector.broadcast %lt3A : f32 to vector<16xf32>
      %lt3A_245 = arith.cmpf olt, %mul3A_243, %lt3A_244 : vector<16xf32>
      %gt3A = arith.constant 0.000000e+00 : f32
      %gt3A_246 = vector.broadcast %gt3A : f32 to vector<16xf32>
      %gt3A_247 = arith.cmpf ogt, %get3A_241, %gt3A_246 : vector<16xf32>
      %and3A_248 = arith.andi %lt3A_245, %gt3A_247 : vector<16xi1>
      %add3A_249 = vector.broadcast %mul3A_230 : i32 to vector<16xi32>
      %add3A_250 = arith.addi %iota3A, %add3A_249 : vector<16xi32>
      %convert_element_type3A_251 = arith.sitofp %add3A_250 : vector<16xi32> to vector<16xf32>
      %convert_element_type3A_252 = arith.extui %and3A_248 : vector<16xi1> to vector<16xi32>
      %broadcast_in_dim3A_253 = arith.constant true
      %broadcast_in_dim3A_254 = vector.broadcast %broadcast_in_dim3A_253 : i1 to vector<16xi1>
      %masked_cumsum3A = tpu.scan <sum>, %convert_element_type3A_252 masked %broadcast_in_dim3A_254 : vector<16xi32>, vector<16xi1> -> vector<16xi32>
      %add3A_255 = vector.broadcast %scan3A_228 : i32 to vector<16xi32>
      %add3A_256 = arith.addi %add3A_255, %masked_cumsum3A : vector<16xi32>
      %sub3A_257 = arith.constant 1 : i32
      %sub3A_258 = vector.broadcast %sub3A_257 : i32 to vector<16xi32>
      %sub3A_259 = arith.subi %add3A_256, %sub3A_258 : vector<16xi32>
      %add3A_260 = arith.constant 8192 : i32
      %add3A_261 = vector.broadcast %add3A_260 : i32 to vector<16xi32>
      %add3A_262 = arith.addi %add3A_261, %iota3A : vector<16xi32>
      %select_n3A_263 = arith.select %and3A_248, %sub3A_259, %add3A_262 : vector<16xi1>, vector<16xi32>
      tpu.vector_store_idx %arg6[%select_n3A_263], %get3A_233 : memref<8208xf32, #tpu.memory_space<vmem>>[vector<16xi32>], vector<16xf32>,
      tpu.vector_store_idx %arg7[%select_n3A_263], %mul3A_243 : memref<8208xf32, #tpu.memory_space<vmem>>[vector<16xi32>], vector<16xf32>,
      tpu.vector_store_idx %arg8[%select_n3A_263], %get3A_241 : memref<8208xf32, #tpu.memory_space<vmem>>[vector<16xi32>], vector<16xf32>,
      tpu.vector_store_idx %arg9[%select_n3A_263], %convert_element_type3A_251 : memref<8208xf32, #tpu.memory_space<vmem>>[vector<16xi32>], vector<16xf32>,
      %reduce_sum3A = arith.constant true
      %reduce_sum3A_264 = vector.broadcast %reduce_sum3A : i1 to vector<16xi1>
      %reduce_sum3A_265 = tpu.scan <sum>, %convert_element_type3A_252 masked %reduce_sum3A_264 : vector<16xi32>, vector<16xi1> -> vector<16xi32>
      %reduce_sum3A_266 = vector.extract %reduce_sum3A_265[15] : i32 from vector<16xi32>
      %add3A_267 = arith.addi %scan3A_228, %reduce_sum3A_266 : i32
      scf.yield %add3A_267 : i32
    }
    %scan3A_181 = arith.constant 512 : i32
    %run_scoped3A_182 = arith.constant 0 : i32
    "tpu.region"() ({
      %run_scoped3A_227 = tpu.sem_alloc : memref<!tpu.dma_semaphore, #tpu.memory_space<semaphore_mem>>
      %dma_start3A = arith.constant 0 : i32
      %dma_start3A_228 = tpu.memref_slice %arg6[%dma_start3A] : memref<8208xf32, #tpu.memory_space<vmem>> -> memref<8192xf32, #tpu.memory_space<vmem>>
      %dma_start3A_229 = arith.constant 0 : i32
      %dma_start3A_230 = tpu.memref_slice %arg3[%add3A_157, %run_scoped3A_182, %dma_start3A_229] : memref<192x4x8192xf32, #tpu.memory_space<hbm>> -> memref<1x1x8192xf32, #tpu.memory_space<hbm>>
      %dma_start3A_231 = tpu.memref_squeeze %dma_start3A_230 : memref<1x1x8192xf32, #tpu.memory_space<hbm>> -> memref<8192xf32, #tpu.memory_space<hbm>>
      %dma_start3A_232 = arith.constant 0 : i32
      %dma_start3A_233 = tpu.memref_slice %arg3[%add3A_157, %run_scoped3A_182, %dma_start3A_232] : memref<192x4x8192xf32, #tpu.memory_space<hbm>> -> memref<1x1x8192xf32, #tpu.memory_space<hbm>>
      %dma_start3A_234 = tpu.memref_squeeze %dma_start3A_233 : memref<1x1x8192xf32, #tpu.memory_space<hbm>> -> memref<8192xf32, #tpu.memory_space<hbm>>
      %dma_start3A_235 = arith.constant 0 : i32
      %dma_start3A_236 = tpu.memref_slice %arg6[%dma_start3A_235] : memref<8208xf32, #tpu.memory_space<vmem>> -> memref<8192xf32, #tpu.memory_space<vmem>>
      tpu.enqueue_dma source(%dma_start3A_236 : memref<8192xf32, #tpu.memory_space<vmem>>) target(%dma_start3A_234 : memref<8192xf32, #tpu.memory_space<hbm>>) target_semaphore(%run_scoped3A_227 : memref<!tpu.dma_semaphore, #tpu.memory_space<semaphore_mem>>)
      %dma_wait3A = arith.constant 0 : i32
      %dma_wait3A_237 = tpu.memref_slice %arg6[%dma_wait3A] : memref<8208xf32, #tpu.memory_space<vmem>> -> memref<8192xf32, #tpu.memory_space<vmem>>
      %dma_wait3A_238 = arith.constant 0 : i32
      %dma_wait3A_239 = tpu.memref_slice %arg3[%add3A_157, %run_scoped3A_182, %dma_wait3A_238] : memref<192x4x8192xf32, #tpu.memory_space<hbm>> -> memref<1x1x8192xf32, #tpu.memory_space<hbm>>
      %dma_wait3A_240 = tpu.memref_squeeze %dma_wait3A_239 : memref<1x1x8192xf32, #tpu.memory_space<hbm>> -> memref<8192xf32, #tpu.memory_space<hbm>>
      %dma_wait3A_241 = arith.constant 0 : i32
      %dma_wait3A_242 = tpu.memref_slice %arg3[%add3A_157, %run_scoped3A_182, %dma_wait3A_241] : memref<192x4x8192xf32, #tpu.memory_space<hbm>> -> memref<1x1x8192xf32, #tpu.memory_space<hbm>>
      %dma_wait3A_243 = tpu.memref_squeeze %dma_wait3A_242 : memref<1x1x8192xf32, #tpu.memory_space<hbm>> -> memref<8192xf32, #tpu.memory_space<hbm>>
      %dma_wait3A_244 = arith.constant 0 : i32
      %dma_wait3A_245 = tpu.memref_slice %arg6[%dma_wait3A_244] : memref<8208xf32, #tpu.memory_space<vmem>> -> memref<8192xf32, #tpu.memory_space<vmem>>
      tpu.wait_dma2 semaphore(%run_scoped3A_227 : memref<!tpu.dma_semaphore, #tpu.memory_space<semaphore_mem>>) src(%dma_wait3A_245 : memref<8192xf32, #tpu.memory_space<vmem>>) dst(%dma_wait3A_243 : memref<8192xf32, #tpu.memory_space<hbm>>)
      tpu.yield
    }) : () -> ()
    %run_scoped3A_183 = arith.constant 1 : i32
    "tpu.region"() ({
      %run_scoped3A_227 = tpu.sem_alloc : memref<!tpu.dma_semaphore, #tpu.memory_space<semaphore_mem>>
      %dma_start3A = arith.constant 0 : i32
      %dma_start3A_228 = tpu.memref_slice %arg7[%dma_start3A] : memref<8208xf32, #tpu.memory_space<vmem>> -> memref<8192xf32, #tpu.memory_space<vmem>>
      %dma_start3A_229 = arith.constant 0 : i32
      %dma_start3A_230 = tpu.memref_slice %arg3[%add3A_157, %run_scoped3A_183, %dma_start3A_229] : memref<192x4x8192xf32, #tpu.memory_space<hbm>> -> memref<1x1x8192xf32, #tpu.memory_space<hbm>>
      %dma_start3A_231 = tpu.memref_squeeze %dma_start3A_230 : memref<1x1x8192xf32, #tpu.memory_space<hbm>> -> memref<8192xf32, #tpu.memory_space<hbm>>
      %dma_start3A_232 = arith.constant 0 : i32
      %dma_start3A_233 = tpu.memref_slice %arg3[%add3A_157, %run_scoped3A_183, %dma_start3A_232] : memref<192x4x8192xf32, #tpu.memory_space<hbm>> -> memref<1x1x8192xf32, #tpu.memory_space<hbm>>
      %dma_start3A_234 = tpu.memref_squeeze %dma_start3A_233 : memref<1x1x8192xf32, #tpu.memory_space<hbm>> -> memref<8192xf32, #tpu.memory_space<hbm>>
      %dma_start3A_235 = arith.constant 0 : i32
      %dma_start3A_236 = tpu.memref_slice %arg7[%dma_start3A_235] : memref<8208xf32, #tpu.memory_space<vmem>> -> memref<8192xf32, #tpu.memory_space<vmem>>
      tpu.enqueue_dma source(%dma_start3A_236 : memref<8192xf32, #tpu.memory_space<vmem>>) target(%dma_start3A_234 : memref<8192xf32, #tpu.memory_space<hbm>>) target_semaphore(%run_scoped3A_227 : memref<!tpu.dma_semaphore, #tpu.memory_space<semaphore_mem>>)
      %dma_wait3A = arith.constant 0 : i32
      %dma_wait3A_237 = tpu.memref_slice %arg7[%dma_wait3A] : memref<8208xf32, #tpu.memory_space<vmem>> -> memref<8192xf32, #tpu.memory_space<vmem>>
      %dma_wait3A_238 = arith.constant 0 : i32
      %dma_wait3A_239 = tpu.memref_slice %arg3[%add3A_157, %run_scoped3A_183, %dma_wait3A_238] : memref<192x4x8192xf32, #tpu.memory_space<hbm>> -> memref<1x1x8192xf32, #tpu.memory_space<hbm>>
      %dma_wait3A_240 = tpu.memref_squeeze %dma_wait3A_239 : memref<1x1x8192xf32, #tpu.memory_space<hbm>> -> memref<8192xf32, #tpu.memory_space<hbm>>
      %dma_wait3A_241 = arith.constant 0 : i32
      %dma_wait3A_242 = tpu.memref_slice %arg3[%add3A_157, %run_scoped3A_183, %dma_wait3A_241] : memref<192x4x8192xf32, #tpu.memory_space<hbm>> -> memref<1x1x8192xf32, #tpu.memory_space<hbm>>
      %dma_wait3A_243 = tpu.memref_squeeze %dma_wait3A_242 : memref<1x1x8192xf32, #tpu.memory_space<hbm>> -> memref<8192xf32, #tpu.memory_space<hbm>>
      %dma_wait3A_244 = arith.constant 0 : i32
      %dma_wait3A_245 = tpu.memref_slice %arg7[%dma_wait3A_244] : memref<8208xf32, #tpu.memory_space<vmem>> -> memref<8192xf32, #tpu.memory_space<vmem>>
      tpu.wait_dma2 semaphore(%run_scoped3A_227 : memref<!tpu.dma_semaphore, #tpu.memory_space<semaphore_mem>>) src(%dma_wait3A_245 : memref<8192xf32, #tpu.memory_space<vmem>>) dst(%dma_wait3A_243 : memref<8192xf32, #tpu.memory_space<hbm>>)
      tpu.yield
    }) : () -> ()
    %run_scoped3A_184 = arith.constant 2 : i32
    "tpu.region"() ({
      %run_scoped3A_227 = tpu.sem_alloc : memref<!tpu.dma_semaphore, #tpu.memory_space<semaphore_mem>>
      %dma_start3A = arith.constant 0 : i32
      %dma_start3A_228 = tpu.memref_slice %arg8[%dma_start3A] : memref<8208xf32, #tpu.memory_space<vmem>> -> memref<8192xf32, #tpu.memory_space<vmem>>
      %dma_start3A_229 = arith.constant 0 : i32
      %dma_start3A_230 = tpu.memref_slice %arg3[%add3A_157, %run_scoped3A_184, %dma_start3A_229] : memref<192x4x8192xf32, #tpu.memory_space<hbm>> -> memref<1x1x8192xf32, #tpu.memory_space<hbm>>
      %dma_start3A_231 = tpu.memref_squeeze %dma_start3A_230 : memref<1x1x8192xf32, #tpu.memory_space<hbm>> -> memref<8192xf32, #tpu.memory_space<hbm>>
      %dma_start3A_232 = arith.constant 0 : i32
      %dma_start3A_233 = tpu.memref_slice %arg3[%add3A_157, %run_scoped3A_184, %dma_start3A_232] : memref<192x4x8192xf32, #tpu.memory_space<hbm>> -> memref<1x1x8192xf32, #tpu.memory_space<hbm>>
      %dma_start3A_234 = tpu.memref_squeeze %dma_start3A_233 : memref<1x1x8192xf32, #tpu.memory_space<hbm>> -> memref<8192xf32, #tpu.memory_space<hbm>>
      %dma_start3A_235 = arith.constant 0 : i32
      %dma_start3A_236 = tpu.memref_slice %arg8[%dma_start3A_235] : memref<8208xf32, #tpu.memory_space<vmem>> -> memref<8192xf32, #tpu.memory_space<vmem>>
      tpu.enqueue_dma source(%dma_start3A_236 : memref<8192xf32, #tpu.memory_space<vmem>>) target(%dma_start3A_234 : memref<8192xf32, #tpu.memory_space<hbm>>) target_semaphore(%run_scoped3A_227 : memref<!tpu.dma_semaphore, #tpu.memory_space<semaphore_mem>>)
      %dma_wait3A = arith.constant 0 : i32
      %dma_wait3A_237 = tpu.memref_slice %arg8[%dma_wait3A] : memref<8208xf32, #tpu.memory_space<vmem>> -> memref<8192xf32, #tpu.memory_space<vmem>>
      %dma_wait3A_238 = arith.constant 0 : i32
      %dma_wait3A_239 = tpu.memref_slice %arg3[%add3A_157, %run_scoped3A_184, %dma_wait3A_238] : memref<192x4x8192xf32, #tpu.memory_space<hbm>> -> memref<1x1x8192xf32, #tpu.memory_space<hbm>>
      %dma_wait3A_240 = tpu.memref_squeeze %dma_wait3A_239 : memref<1x1x8192xf32, #tpu.memory_space<hbm>> -> memref<8192xf32, #tpu.memory_space<hbm>>
      %dma_wait3A_241 = arith.constant 0 : i32
      %dma_wait3A_242 = tpu.memref_slice %arg3[%add3A_157, %run_scoped3A_184, %dma_wait3A_241] : memref<192x4x8192xf32, #tpu.memory_space<hbm>> -> memref<1x1x8192xf32, #tpu.memory_space<hbm>>
      %dma_wait3A_243 = tpu.memref_squeeze %dma_wait3A_242 : memref<1x1x8192xf32, #tpu.memory_space<hbm>> -> memref<8192xf32, #tpu.memory_space<hbm>>
      %dma_wait3A_244 = arith.constant 0 : i32
      %dma_wait3A_245 = tpu.memref_slice %arg8[%dma_wait3A_244] : memref<8208xf32, #tpu.memory_space<vmem>> -> memref<8192xf32, #tpu.memory_space<vmem>>
      tpu.wait_dma2 semaphore(%run_scoped3A_227 : memref<!tpu.dma_semaphore, #tpu.memory_space<semaphore_mem>>) src(%dma_wait3A_245 : memref<8192xf32, #tpu.memory_space<vmem>>) dst(%dma_wait3A_243 : memref<8192xf32, #tpu.memory_space<hbm>>)
      tpu.yield
    }) : () -> ()
    %run_scoped3A_185 = arith.constant 3 : i32
    "tpu.region"() ({
      %run_scoped3A_227 = tpu.sem_alloc : memref<!tpu.dma_semaphore, #tpu.memory_space<semaphore_mem>>
      %dma_start3A = arith.constant 0 : i32
      %dma_start3A_228 = tpu.memref_slice %arg9[%dma_start3A] : memref<8208xf32, #tpu.memory_space<vmem>> -> memref<8192xf32, #tpu.memory_space<vmem>>
      %dma_start3A_229 = arith.constant 0 : i32
      %dma_start3A_230 = tpu.memref_slice %arg3[%add3A_157, %run_scoped3A_185, %dma_start3A_229] : memref<192x4x8192xf32, #tpu.memory_space<hbm>> -> memref<1x1x8192xf32, #tpu.memory_space<hbm>>
      %dma_start3A_231 = tpu.memref_squeeze %dma_start3A_230 : memref<1x1x8192xf32, #tpu.memory_space<hbm>> -> memref<8192xf32, #tpu.memory_space<hbm>>
      %dma_start3A_232 = arith.constant 0 : i32
      %dma_start3A_233 = tpu.memref_slice %arg3[%add3A_157, %run_scoped3A_185, %dma_start3A_232] : memref<192x4x8192xf32, #tpu.memory_space<hbm>> -> memref<1x1x8192xf32, #tpu.memory_space<hbm>>
      %dma_start3A_234 = tpu.memref_squeeze %dma_start3A_233 : memref<1x1x8192xf32, #tpu.memory_space<hbm>> -> memref<8192xf32, #tpu.memory_space<hbm>>
      %dma_start3A_235 = arith.constant 0 : i32
      %dma_start3A_236 = tpu.memref_slice %arg9[%dma_start3A_235] : memref<8208xf32, #tpu.memory_space<vmem>> -> memref<8192xf32, #tpu.memory_space<vmem>>
      tpu.enqueue_dma source(%dma_start3A_236 : memref<8192xf32, #tpu.memory_space<vmem>>) target(%dma_start3A_234 : memref<8192xf32, #tpu.memory_space<hbm>>) target_semaphore(%run_scoped3A_227 : memref<!tpu.dma_semaphore, #tpu.memory_space<semaphore_mem>>)
      %dma_wait3A = arith.constant 0 : i32
      %dma_wait3A_237 = tpu.memref_slice %arg9[%dma_wait3A] : memref<8208xf32, #tpu.memory_space<vmem>> -> memref<8192xf32, #tpu.memory_space<vmem>>
      %dma_wait3A_238 = arith.constant 0 : i32
      %dma_wait3A_239 = tpu.memref_slice %arg3[%add3A_157, %run_scoped3A_185, %dma_wait3A_238] : memref<192x4x8192xf32, #tpu.memory_space<hbm>> -> memref<1x1x8192xf32, #tpu.memory_space<hbm>>
      %dma_wait3A_240 = tpu.memref_squeeze %dma_wait3A_239 : memref<1x1x8192xf32, #tpu.memory_space<hbm>> -> memref<8192xf32, #tpu.memory_space<hbm>>
      %dma_wait3A_241 = arith.constant 0 : i32
      %dma_wait3A_242 = tpu.memref_slice %arg3[%add3A_157, %run_scoped3A_185, %dma_wait3A_241] : memref<192x4x8192xf32, #tpu.memory_space<hbm>> -> memref<1x1x8192xf32, #tpu.memory_space<hbm>>
      %dma_wait3A_243 = tpu.memref_squeeze %dma_wait3A_242 : memref<1x1x8192xf32, #tpu.memory_space<hbm>> -> memref<8192xf32, #tpu.memory_space<hbm>>
      %dma_wait3A_244 = arith.constant 0 : i32
      %dma_wait3A_245 = tpu.memref_slice %arg9[%dma_wait3A_244] : memref<8208xf32, #tpu.memory_space<vmem>> -> memref<8192xf32, #tpu.memory_space<vmem>>
      tpu.wait_dma2 semaphore(%run_scoped3A_227 : memref<!tpu.dma_semaphore, #tpu.memory_space<semaphore_mem>>) src(%dma_wait3A_245 : memref<8192xf32, #tpu.memory_space<vmem>>) dst(%dma_wait3A_243 : memref<8192xf32, #tpu.memory_space<hbm>>)
      tpu.yield
    }) : () -> ()
    %eq3A_186 = arith.constant 4 : i32
    %eq3A_187 = vector.broadcast %eq3A_186 : i32 to vector<16xi32>
    %eq3A_188 = arith.cmpi eq, %iota3A, %eq3A_187 : vector<16xi32>
    %broadcast_in_dim3A_189 = vector.broadcast %scan3A_180 : i32 to vector<16xi32>
    %select_n3A_190 = arith.select %eq3A_188, %broadcast_in_dim3A_189, %select_n3A_155 : vector<16xi1>, vector<16xi32>
    %add3A_191 = arith.constant 5 : i32
    %add3A_192 = arith.addi %mul3A_2, %add3A_191 : i32
    %mul3A_193 = arith.constant 96 : i32
    %mul3A_194 = arith.muli %select_n3A, %mul3A_193 : i32
    %sub3A_195 = arith.subi %add3A_192, %mul3A_194 : i32
    %broadcast_in_dim3A_196 = vector.broadcast %sub3A_195 : i32 to vector<16xi32>
    %convert_element_type3A_197 = arith.sitofp %broadcast_in_dim3A_196 : vector<16xi32> to vector<16xf32>
    %add3A_198 = arith.constant 5.000000e-01 : f32
    %add3A_199 = vector.broadcast %add3A_198 : f32 to vector<16xf32>
    %add3A_200 = arith.addf %convert_element_type3A_197, %add3A_199 : vector<16xf32>
    %mul3A_201 = arith.constant 2.000000e+00 : f32
    %mul3A_202 = vector.broadcast %mul3A_201 : f32 to vector<16xf32>
    %mul3A_203 = arith.mulf %mul3A_202, %add3A_200 : vector<16xf32>
    %broadcast_in_dim3A_204 = arith.constant 9.600000e+01 : f32
    %broadcast_in_dim3A_205 = vector.broadcast %broadcast_in_dim3A_204 : f32 to vector<16xf32>
    %div3A_206 = arith.divf %mul3A_203, %broadcast_in_dim3A_205 : vector<16xf32>
    %sub3A_207 = arith.constant 1.000000e+00 : f32
    %sub3A_208 = vector.broadcast %sub3A_207 : f32 to vector<16xf32>
    %sub3A_209 = arith.subf %sub3A_208, %div3A_206 : vector<16xf32>
    %scan3A_210 = arith.constant 0 : i32
    %scan3A_211 = arith.constant 0 : i32
    %scan3A_212 = arith.constant 512 : i32
    %scan3A_213 = arith.addi %scan3A_211, %scan3A_212 : i32
    %scan3A_214 = arith.constant 1 : i32
    %scan3A_215 = scf.for %scan3A_227 = %scan3A_211 to %scan3A_213 step %scan3A_214 iter_args(%scan3A_228 = %scan3A_210) -> (i32)  : i32 {
      %mul3A_229 = arith.constant 16 : i32
      %mul3A_230 = arith.muli %scan3A_227, %mul3A_229 : i32
      %get3A = arith.constant 0 : i32
      %get3A_231 = arith.index_cast %get3A : i32 to index
      %get3A_232 = arith.index_cast %mul3A_230 : i32 to index
      %get3A_233 = tpu.vector_load %arg5[%get3A_231, %get3A_232] {strides = array<i32>} : memref<3x8192xf32, #tpu.memory_space<vmem>>, vector<16xf32>,
      %get3A_234 = arith.constant 1 : i32
      %get3A_235 = arith.index_cast %get3A_234 : i32 to index
      %get3A_236 = arith.index_cast %mul3A_230 : i32 to index
      %get3A_237 = tpu.vector_load %arg5[%get3A_235, %get3A_236] {strides = array<i32>} : memref<3x8192xf32, #tpu.memory_space<vmem>>, vector<16xf32>,
      %get3A_238 = arith.constant 2 : i32
      %get3A_239 = arith.index_cast %get3A_238 : i32 to index
      %get3A_240 = arith.index_cast %mul3A_230 : i32 to index
      %get3A_241 = tpu.vector_load %arg5[%get3A_239, %get3A_240] {strides = array<i32>} : memref<3x8192xf32, #tpu.memory_space<vmem>>, vector<16xf32>,
      %sub3A_242 = arith.subf %get3A_237, %sub3A_209 : vector<16xf32>
      %mul3A_243 = arith.mulf %sub3A_242, %sub3A_242 : vector<16xf32>
      %lt3A = arith.constant 2.500000e-03 : f32
      %lt3A_244 = vector.broadcast %lt3A : f32 to vector<16xf32>
      %lt3A_245 = arith.cmpf olt, %mul3A_243, %lt3A_244 : vector<16xf32>
      %gt3A = arith.constant 0.000000e+00 : f32
      %gt3A_246 = vector.broadcast %gt3A : f32 to vector<16xf32>
      %gt3A_247 = arith.cmpf ogt, %get3A_241, %gt3A_246 : vector<16xf32>
      %and3A_248 = arith.andi %lt3A_245, %gt3A_247 : vector<16xi1>
      %add3A_249 = vector.broadcast %mul3A_230 : i32 to vector<16xi32>
      %add3A_250 = arith.addi %iota3A, %add3A_249 : vector<16xi32>
      %convert_element_type3A_251 = arith.sitofp %add3A_250 : vector<16xi32> to vector<16xf32>
      %convert_element_type3A_252 = arith.extui %and3A_248 : vector<16xi1> to vector<16xi32>
      %broadcast_in_dim3A_253 = arith.constant true
      %broadcast_in_dim3A_254 = vector.broadcast %broadcast_in_dim3A_253 : i1 to vector<16xi1>
      %masked_cumsum3A = tpu.scan <sum>, %convert_element_type3A_252 masked %broadcast_in_dim3A_254 : vector<16xi32>, vector<16xi1> -> vector<16xi32>
      %add3A_255 = vector.broadcast %scan3A_228 : i32 to vector<16xi32>
      %add3A_256 = arith.addi %add3A_255, %masked_cumsum3A : vector<16xi32>
      %sub3A_257 = arith.constant 1 : i32
      %sub3A_258 = vector.broadcast %sub3A_257 : i32 to vector<16xi32>
      %sub3A_259 = arith.subi %add3A_256, %sub3A_258 : vector<16xi32>
      %add3A_260 = arith.constant 8192 : i32
      %add3A_261 = vector.broadcast %add3A_260 : i32 to vector<16xi32>
      %add3A_262 = arith.addi %add3A_261, %iota3A : vector<16xi32>
      %select_n3A_263 = arith.select %and3A_248, %sub3A_259, %add3A_262 : vector<16xi1>, vector<16xi32>
      tpu.vector_store_idx %arg6[%select_n3A_263], %get3A_233 : memref<8208xf32, #tpu.memory_space<vmem>>[vector<16xi32>], vector<16xf32>,
      tpu.vector_store_idx %arg7[%select_n3A_263], %mul3A_243 : memref<8208xf32, #tpu.memory_space<vmem>>[vector<16xi32>], vector<16xf32>,
      tpu.vector_store_idx %arg8[%select_n3A_263], %get3A_241 : memref<8208xf32, #tpu.memory_space<vmem>>[vector<16xi32>], vector<16xf32>,
      tpu.vector_store_idx %arg9[%select_n3A_263], %convert_element_type3A_251 : memref<8208xf32, #tpu.memory_space<vmem>>[vector<16xi32>], vector<16xf32>,
      %reduce_sum3A = arith.constant true
      %reduce_sum3A_264 = vector.broadcast %reduce_sum3A : i1 to vector<16xi1>
      %reduce_sum3A_265 = tpu.scan <sum>, %convert_element_type3A_252 masked %reduce_sum3A_264 : vector<16xi32>, vector<16xi1> -> vector<16xi32>
      %reduce_sum3A_266 = vector.extract %reduce_sum3A_265[15] : i32 from vector<16xi32>
      %add3A_267 = arith.addi %scan3A_228, %reduce_sum3A_266 : i32
      scf.yield %add3A_267 : i32
    }
    %scan3A_216 = arith.constant 512 : i32
    %run_scoped3A_217 = arith.constant 0 : i32
    "tpu.region"() ({
      %run_scoped3A_227 = tpu.sem_alloc : memref<!tpu.dma_semaphore, #tpu.memory_space<semaphore_mem>>
      %dma_start3A = arith.constant 0 : i32
      %dma_start3A_228 = tpu.memref_slice %arg6[%dma_start3A] : memref<8208xf32, #tpu.memory_space<vmem>> -> memref<8192xf32, #tpu.memory_space<vmem>>
      %dma_start3A_229 = arith.constant 0 : i32
      %dma_start3A_230 = tpu.memref_slice %arg3[%add3A_192, %run_scoped3A_217, %dma_start3A_229] : memref<192x4x8192xf32, #tpu.memory_space<hbm>> -> memref<1x1x8192xf32, #tpu.memory_space<hbm>>
      %dma_start3A_231 = tpu.memref_squeeze %dma_start3A_230 : memref<1x1x8192xf32, #tpu.memory_space<hbm>> -> memref<8192xf32, #tpu.memory_space<hbm>>
      %dma_start3A_232 = arith.constant 0 : i32
      %dma_start3A_233 = tpu.memref_slice %arg3[%add3A_192, %run_scoped3A_217, %dma_start3A_232] : memref<192x4x8192xf32, #tpu.memory_space<hbm>> -> memref<1x1x8192xf32, #tpu.memory_space<hbm>>
      %dma_start3A_234 = tpu.memref_squeeze %dma_start3A_233 : memref<1x1x8192xf32, #tpu.memory_space<hbm>> -> memref<8192xf32, #tpu.memory_space<hbm>>
      %dma_start3A_235 = arith.constant 0 : i32
      %dma_start3A_236 = tpu.memref_slice %arg6[%dma_start3A_235] : memref<8208xf32, #tpu.memory_space<vmem>> -> memref<8192xf32, #tpu.memory_space<vmem>>
      tpu.enqueue_dma source(%dma_start3A_236 : memref<8192xf32, #tpu.memory_space<vmem>>) target(%dma_start3A_234 : memref<8192xf32, #tpu.memory_space<hbm>>) target_semaphore(%run_scoped3A_227 : memref<!tpu.dma_semaphore, #tpu.memory_space<semaphore_mem>>)
      %dma_wait3A = arith.constant 0 : i32
      %dma_wait3A_237 = tpu.memref_slice %arg6[%dma_wait3A] : memref<8208xf32, #tpu.memory_space<vmem>> -> memref<8192xf32, #tpu.memory_space<vmem>>
      %dma_wait3A_238 = arith.constant 0 : i32
      %dma_wait3A_239 = tpu.memref_slice %arg3[%add3A_192, %run_scoped3A_217, %dma_wait3A_238] : memref<192x4x8192xf32, #tpu.memory_space<hbm>> -> memref<1x1x8192xf32, #tpu.memory_space<hbm>>
      %dma_wait3A_240 = tpu.memref_squeeze %dma_wait3A_239 : memref<1x1x8192xf32, #tpu.memory_space<hbm>> -> memref<8192xf32, #tpu.memory_space<hbm>>
      %dma_wait3A_241 = arith.constant 0 : i32
      %dma_wait3A_242 = tpu.memref_slice %arg3[%add3A_192, %run_scoped3A_217, %dma_wait3A_241] : memref<192x4x8192xf32, #tpu.memory_space<hbm>> -> memref<1x1x8192xf32, #tpu.memory_space<hbm>>
      %dma_wait3A_243 = tpu.memref_squeeze %dma_wait3A_242 : memref<1x1x8192xf32, #tpu.memory_space<hbm>> -> memref<8192xf32, #tpu.memory_space<hbm>>
      %dma_wait3A_244 = arith.constant 0 : i32
      %dma_wait3A_245 = tpu.memref_slice %arg6[%dma_wait3A_244] : memref<8208xf32, #tpu.memory_space<vmem>> -> memref<8192xf32, #tpu.memory_space<vmem>>
      tpu.wait_dma2 semaphore(%run_scoped3A_227 : memref<!tpu.dma_semaphore, #tpu.memory_space<semaphore_mem>>) src(%dma_wait3A_245 : memref<8192xf32, #tpu.memory_space<vmem>>) dst(%dma_wait3A_243 : memref<8192xf32, #tpu.memory_space<hbm>>)
      tpu.yield
    }) : () -> ()
    %run_scoped3A_218 = arith.constant 1 : i32
    "tpu.region"() ({
      %run_scoped3A_227 = tpu.sem_alloc : memref<!tpu.dma_semaphore, #tpu.memory_space<semaphore_mem>>
      %dma_start3A = arith.constant 0 : i32
      %dma_start3A_228 = tpu.memref_slice %arg7[%dma_start3A] : memref<8208xf32, #tpu.memory_space<vmem>> -> memref<8192xf32, #tpu.memory_space<vmem>>
      %dma_start3A_229 = arith.constant 0 : i32
      %dma_start3A_230 = tpu.memref_slice %arg3[%add3A_192, %run_scoped3A_218, %dma_start3A_229] : memref<192x4x8192xf32, #tpu.memory_space<hbm>> -> memref<1x1x8192xf32, #tpu.memory_space<hbm>>
      %dma_start3A_231 = tpu.memref_squeeze %dma_start3A_230 : memref<1x1x8192xf32, #tpu.memory_space<hbm>> -> memref<8192xf32, #tpu.memory_space<hbm>>
      %dma_start3A_232 = arith.constant 0 : i32
      %dma_start3A_233 = tpu.memref_slice %arg3[%add3A_192, %run_scoped3A_218, %dma_start3A_232] : memref<192x4x8192xf32, #tpu.memory_space<hbm>> -> memref<1x1x8192xf32, #tpu.memory_space<hbm>>
      %dma_start3A_234 = tpu.memref_squeeze %dma_start3A_233 : memref<1x1x8192xf32, #tpu.memory_space<hbm>> -> memref<8192xf32, #tpu.memory_space<hbm>>
      %dma_start3A_235 = arith.constant 0 : i32
      %dma_start3A_236 = tpu.memref_slice %arg7[%dma_start3A_235] : memref<8208xf32, #tpu.memory_space<vmem>> -> memref<8192xf32, #tpu.memory_space<vmem>>
      tpu.enqueue_dma source(%dma_start3A_236 : memref<8192xf32, #tpu.memory_space<vmem>>) target(%dma_start3A_234 : memref<8192xf32, #tpu.memory_space<hbm>>) target_semaphore(%run_scoped3A_227 : memref<!tpu.dma_semaphore, #tpu.memory_space<semaphore_mem>>)
      %dma_wait3A = arith.constant 0 : i32
      %dma_wait3A_237 = tpu.memref_slice %arg7[%dma_wait3A] : memref<8208xf32, #tpu.memory_space<vmem>> -> memref<8192xf32, #tpu.memory_space<vmem>>
      %dma_wait3A_238 = arith.constant 0 : i32
      %dma_wait3A_239 = tpu.memref_slice %arg3[%add3A_192, %run_scoped3A_218, %dma_wait3A_238] : memref<192x4x8192xf32, #tpu.memory_space<hbm>> -> memref<1x1x8192xf32, #tpu.memory_space<hbm>>
      %dma_wait3A_240 = tpu.memref_squeeze %dma_wait3A_239 : memref<1x1x8192xf32, #tpu.memory_space<hbm>> -> memref<8192xf32, #tpu.memory_space<hbm>>
      %dma_wait3A_241 = arith.constant 0 : i32
      %dma_wait3A_242 = tpu.memref_slice %arg3[%add3A_192, %run_scoped3A_218, %dma_wait3A_241] : memref<192x4x8192xf32, #tpu.memory_space<hbm>> -> memref<1x1x8192xf32, #tpu.memory_space<hbm>>
      %dma_wait3A_243 = tpu.memref_squeeze %dma_wait3A_242 : memref<1x1x8192xf32, #tpu.memory_space<hbm>> -> memref<8192xf32, #tpu.memory_space<hbm>>
      %dma_wait3A_244 = arith.constant 0 : i32
      %dma_wait3A_245 = tpu.memref_slice %arg7[%dma_wait3A_244] : memref<8208xf32, #tpu.memory_space<vmem>> -> memref<8192xf32, #tpu.memory_space<vmem>>
      tpu.wait_dma2 semaphore(%run_scoped3A_227 : memref<!tpu.dma_semaphore, #tpu.memory_space<semaphore_mem>>) src(%dma_wait3A_245 : memref<8192xf32, #tpu.memory_space<vmem>>) dst(%dma_wait3A_243 : memref<8192xf32, #tpu.memory_space<hbm>>)
      tpu.yield
    }) : () -> ()
    %run_scoped3A_219 = arith.constant 2 : i32
    "tpu.region"() ({
      %run_scoped3A_227 = tpu.sem_alloc : memref<!tpu.dma_semaphore, #tpu.memory_space<semaphore_mem>>
      %dma_start3A = arith.constant 0 : i32
      %dma_start3A_228 = tpu.memref_slice %arg8[%dma_start3A] : memref<8208xf32, #tpu.memory_space<vmem>> -> memref<8192xf32, #tpu.memory_space<vmem>>
      %dma_start3A_229 = arith.constant 0 : i32
      %dma_start3A_230 = tpu.memref_slice %arg3[%add3A_192, %run_scoped3A_219, %dma_start3A_229] : memref<192x4x8192xf32, #tpu.memory_space<hbm>> -> memref<1x1x8192xf32, #tpu.memory_space<hbm>>
      %dma_start3A_231 = tpu.memref_squeeze %dma_start3A_230 : memref<1x1x8192xf32, #tpu.memory_space<hbm>> -> memref<8192xf32, #tpu.memory_space<hbm>>
      %dma_start3A_232 = arith.constant 0 : i32
      %dma_start3A_233 = tpu.memref_slice %arg3[%add3A_192, %run_scoped3A_219, %dma_start3A_232] : memref<192x4x8192xf32, #tpu.memory_space<hbm>> -> memref<1x1x8192xf32, #tpu.memory_space<hbm>>
      %dma_start3A_234 = tpu.memref_squeeze %dma_start3A_233 : memref<1x1x8192xf32, #tpu.memory_space<hbm>> -> memref<8192xf32, #tpu.memory_space<hbm>>
      %dma_start3A_235 = arith.constant 0 : i32
      %dma_start3A_236 = tpu.memref_slice %arg8[%dma_start3A_235] : memref<8208xf32, #tpu.memory_space<vmem>> -> memref<8192xf32, #tpu.memory_space<vmem>>
      tpu.enqueue_dma source(%dma_start3A_236 : memref<8192xf32, #tpu.memory_space<vmem>>) target(%dma_start3A_234 : memref<8192xf32, #tpu.memory_space<hbm>>) target_semaphore(%run_scoped3A_227 : memref<!tpu.dma_semaphore, #tpu.memory_space<semaphore_mem>>)
      %dma_wait3A = arith.constant 0 : i32
      %dma_wait3A_237 = tpu.memref_slice %arg8[%dma_wait3A] : memref<8208xf32, #tpu.memory_space<vmem>> -> memref<8192xf32, #tpu.memory_space<vmem>>
      %dma_wait3A_238 = arith.constant 0 : i32
      %dma_wait3A_239 = tpu.memref_slice %arg3[%add3A_192, %run_scoped3A_219, %dma_wait3A_238] : memref<192x4x8192xf32, #tpu.memory_space<hbm>> -> memref<1x1x8192xf32, #tpu.memory_space<hbm>>
      %dma_wait3A_240 = tpu.memref_squeeze %dma_wait3A_239 : memref<1x1x8192xf32, #tpu.memory_space<hbm>> -> memref<8192xf32, #tpu.memory_space<hbm>>
      %dma_wait3A_241 = arith.constant 0 : i32
      %dma_wait3A_242 = tpu.memref_slice %arg3[%add3A_192, %run_scoped3A_219, %dma_wait3A_241] : memref<192x4x8192xf32, #tpu.memory_space<hbm>> -> memref<1x1x8192xf32, #tpu.memory_space<hbm>>
      %dma_wait3A_243 = tpu.memref_squeeze %dma_wait3A_242 : memref<1x1x8192xf32, #tpu.memory_space<hbm>> -> memref<8192xf32, #tpu.memory_space<hbm>>
      %dma_wait3A_244 = arith.constant 0 : i32
      %dma_wait3A_245 = tpu.memref_slice %arg8[%dma_wait3A_244] : memref<8208xf32, #tpu.memory_space<vmem>> -> memref<8192xf32, #tpu.memory_space<vmem>>
      tpu.wait_dma2 semaphore(%run_scoped3A_227 : memref<!tpu.dma_semaphore, #tpu.memory_space<semaphore_mem>>) src(%dma_wait3A_245 : memref<8192xf32, #tpu.memory_space<vmem>>) dst(%dma_wait3A_243 : memref<8192xf32, #tpu.memory_space<hbm>>)
      tpu.yield
    }) : () -> ()
    %run_scoped3A_220 = arith.constant 3 : i32
    "tpu.region"() ({
      %run_scoped3A_227 = tpu.sem_alloc : memref<!tpu.dma_semaphore, #tpu.memory_space<semaphore_mem>>
      %dma_start3A = arith.constant 0 : i32
      %dma_start3A_228 = tpu.memref_slice %arg9[%dma_start3A] : memref<8208xf32, #tpu.memory_space<vmem>> -> memref<8192xf32, #tpu.memory_space<vmem>>
      %dma_start3A_229 = arith.constant 0 : i32
      %dma_start3A_230 = tpu.memref_slice %arg3[%add3A_192, %run_scoped3A_220, %dma_start3A_229] : memref<192x4x8192xf32, #tpu.memory_space<hbm>> -> memref<1x1x8192xf32, #tpu.memory_space<hbm>>
      %dma_start3A_231 = tpu.memref_squeeze %dma_start3A_230 : memref<1x1x8192xf32, #tpu.memory_space<hbm>> -> memref<8192xf32, #tpu.memory_space<hbm>>
      %dma_start3A_232 = arith.constant 0 : i32
      %dma_start3A_233 = tpu.memref_slice %arg3[%add3A_192, %run_scoped3A_220, %dma_start3A_232] : memref<192x4x8192xf32, #tpu.memory_space<hbm>> -> memref<1x1x8192xf32, #tpu.memory_space<hbm>>
      %dma_start3A_234 = tpu.memref_squeeze %dma_start3A_233 : memref<1x1x8192xf32, #tpu.memory_space<hbm>> -> memref<8192xf32, #tpu.memory_space<hbm>>
      %dma_start3A_235 = arith.constant 0 : i32
      %dma_start3A_236 = tpu.memref_slice %arg9[%dma_start3A_235] : memref<8208xf32, #tpu.memory_space<vmem>> -> memref<8192xf32, #tpu.memory_space<vmem>>
      tpu.enqueue_dma source(%dma_start3A_236 : memref<8192xf32, #tpu.memory_space<vmem>>) target(%dma_start3A_234 : memref<8192xf32, #tpu.memory_space<hbm>>) target_semaphore(%run_scoped3A_227 : memref<!tpu.dma_semaphore, #tpu.memory_space<semaphore_mem>>)
      %dma_wait3A = arith.constant 0 : i32
      %dma_wait3A_237 = tpu.memref_slice %arg9[%dma_wait3A] : memref<8208xf32, #tpu.memory_space<vmem>> -> memref<8192xf32, #tpu.memory_space<vmem>>
      %dma_wait3A_238 = arith.constant 0 : i32
      %dma_wait3A_239 = tpu.memref_slice %arg3[%add3A_192, %run_scoped3A_220, %dma_wait3A_238] : memref<192x4x8192xf32, #tpu.memory_space<hbm>> -> memref<1x1x8192xf32, #tpu.memory_space<hbm>>
      %dma_wait3A_240 = tpu.memref_squeeze %dma_wait3A_239 : memref<1x1x8192xf32, #tpu.memory_space<hbm>> -> memref<8192xf32, #tpu.memory_space<hbm>>
      %dma_wait3A_241 = arith.constant 0 : i32
      %dma_wait3A_242 = tpu.memref_slice %arg3[%add3A_192, %run_scoped3A_220, %dma_wait3A_241] : memref<192x4x8192xf32, #tpu.memory_space<hbm>> -> memref<1x1x8192xf32, #tpu.memory_space<hbm>>
      %dma_wait3A_243 = tpu.memref_squeeze %dma_wait3A_242 : memref<1x1x8192xf32, #tpu.memory_space<hbm>> -> memref<8192xf32, #tpu.memory_space<hbm>>
      %dma_wait3A_244 = arith.constant 0 : i32
      %dma_wait3A_245 = tpu.memref_slice %arg9[%dma_wait3A_244] : memref<8208xf32, #tpu.memory_space<vmem>> -> memref<8192xf32, #tpu.memory_space<vmem>>
      tpu.wait_dma2 semaphore(%run_scoped3A_227 : memref<!tpu.dma_semaphore, #tpu.memory_space<semaphore_mem>>) src(%dma_wait3A_245 : memref<8192xf32, #tpu.memory_space<vmem>>) dst(%dma_wait3A_243 : memref<8192xf32, #tpu.memory_space<hbm>>)
      tpu.yield
    }) : () -> ()
    %eq3A_221 = arith.constant 5 : i32
    %eq3A_222 = vector.broadcast %eq3A_221 : i32 to vector<16xi32>
    %eq3A_223 = arith.cmpi eq, %iota3A, %eq3A_222 : vector<16xi32>
    %broadcast_in_dim3A_224 = vector.broadcast %scan3A_215 : i32 to vector<16xi32>
    %select_n3A_225 = arith.select %eq3A_223, %broadcast_in_dim3A_224, %select_n3A_190 : vector<16xi1>, vector<16xi32>
    %swap3A = arith.constant 0 : index
    %swap3A_226 = tpu.vector_load %arg10[%swap3A] {strides = array<i32>} : memref<16xi32, #tpu.memory_space<vmem>>, vector<16xi32>,
    tpu.vector_store %arg10[%swap3A], %select_n3A_225 {strides = array<i32>} : memref<16xi32, #tpu.memory_space<vmem>>, vector<16xi32>,
    "tpu.region"() ({
      %run_scoped3A_227 = tpu.sem_alloc : memref<!tpu.dma_semaphore, #tpu.memory_space<semaphore_mem>>
      %dma_start3A = arith.constant 0 : i32
      %dma_start3A_228 = tpu.memref_slice %arg4[%add3A, %dma_start3A] : memref<32x16xi32, #tpu.memory_space<hbm>> -> memref<1x16xi32, #tpu.memory_space<hbm>>
      %dma_start3A_229 = tpu.memref_squeeze %dma_start3A_228 : memref<1x16xi32, #tpu.memory_space<hbm>> -> memref<16xi32, #tpu.memory_space<hbm>>
      %dma_start3A_230 = arith.constant 0 : i32
      %dma_start3A_231 = tpu.memref_slice %arg4[%add3A, %dma_start3A_230] : memref<32x16xi32, #tpu.memory_space<hbm>> -> memref<1x16xi32, #tpu.memory_space<hbm>>
      %dma_start3A_232 = tpu.memref_squeeze %dma_start3A_231 : memref<1x16xi32, #tpu.memory_space<hbm>> -> memref<16xi32, #tpu.memory_space<hbm>>
      tpu.enqueue_dma source(%arg10 : memref<16xi32, #tpu.memory_space<vmem>>) target(%dma_start3A_232 : memref<16xi32, #tpu.memory_space<hbm>>) target_semaphore(%run_scoped3A_227 : memref<!tpu.dma_semaphore, #tpu.memory_space<semaphore_mem>>)
      %dma_wait3A = arith.constant 0 : i32
      %dma_wait3A_233 = tpu.memref_slice %arg4[%add3A, %dma_wait3A] : memref<32x16xi32, #tpu.memory_space<hbm>> -> memref<1x16xi32, #tpu.memory_space<hbm>>
      %dma_wait3A_234 = tpu.memref_squeeze %dma_wait3A_233 : memref<1x16xi32, #tpu.memory_space<hbm>> -> memref<16xi32, #tpu.memory_space<hbm>>
      %dma_wait3A_235 = arith.constant 0 : i32
      %dma_wait3A_236 = tpu.memref_slice %arg4[%add3A, %dma_wait3A_235] : memref<32x16xi32, #tpu.memory_space<hbm>> -> memref<1x16xi32, #tpu.memory_space<hbm>>
      %dma_wait3A_237 = tpu.memref_squeeze %dma_wait3A_236 : memref<1x16xi32, #tpu.memory_space<hbm>> -> memref<16xi32, #tpu.memory_space<hbm>>
      tpu.wait_dma2 semaphore(%run_scoped3A_227 : memref<!tpu.dma_semaphore, #tpu.memory_space<semaphore_mem>>) src(%arg10 : memref<16xi32, #tpu.memory_space<vmem>>) dst(%dma_wait3A_237 : memref<16xi32, #tpu.memory_space<hbm>>)
      tpu.yield
    }) : () -> ()
    return
  }
}

#map = affine_map<(d0, d1) -> (0, 0, 0)>
#map1 = affine_map<(d0, d1) -> (0, 0)>
module attributes {stable_mosaic.version = 14 : i64} {
  func.func @_sc_dist_kernel(%arg0: i32, %arg1: i32, %arg2: memref<2x3x8192xf32, #tpu.memory_space<hbm>>, %arg3: memref<192x768xi32, #tpu.memory_space<hbm>>, %arg4: memref<192x768xf32, #tpu.memory_space<hbm>>, %arg5: memref<3x8192xf32, #tpu.memory_space<vmem>>, %arg6: memref<768xi32, #tpu.memory_space<vmem>>, %arg7: memref<768xf32, #tpu.memory_space<vmem>>) attributes {dimension_semantics = [#tpu.dimension_semantics<core_parallel>, #tpu.dimension_semantics<subcore_parallel>], iteration_bounds = array<i64: 2, 16>, scalar_prefetch = 0 : i64, scratch_operands = 3 : i64, tpu.core_type = #tpu.core_type<sc_vector_subcore>, window_params = [{transform_indices = #map}, {transform_indices = #map1}, {transform_indices = #map1}]} {
    %mul3A = arith.constant 2 : i32
    %mul3A_0 = arith.muli %arg1, %mul3A : i32
    %add3A = arith.addi %mul3A_0, %arg0 : i32
    %mul3A_1 = arith.constant 6 : i32
    %mul3A_2 = arith.muli %add3A, %mul3A_1 : i32
    %jit3A = arith.constant 96 : i32
    %div3A = arith.divsi %mul3A_2, %jit3A : i32
    %sign3A = arith.constant 0 : i32
    %sign3A_3 = arith.cmpi sgt, %mul3A_2, %sign3A : i32
    %sign3A_4 = arith.extui %sign3A_3 : i1 to i32
    %sign3A_5 = arith.constant 0 : i32
    %sign3A_6 = arith.cmpi slt, %mul3A_2, %sign3A_5 : i32
    %sign3A_7 = arith.extui %sign3A_6 : i1 to i32
    %sign3A_8 = arith.subi %sign3A_4, %sign3A_7 : i32
    %sign3A_9 = arith.constant 0 : i32
    %sign3A_10 = arith.cmpi sgt, %jit3A, %sign3A_9 : i32
    %sign3A_11 = arith.extui %sign3A_10 : i1 to i32
    %sign3A_12 = arith.constant 0 : i32
    %sign3A_13 = arith.cmpi slt, %jit3A, %sign3A_12 : i32
    %sign3A_14 = arith.extui %sign3A_13 : i1 to i32
    %sign3A_15 = arith.subi %sign3A_11, %sign3A_14 : i32
    %ne3A = arith.cmpi ne, %sign3A_8, %sign3A_15 : i32
    %rem3A = arith.remsi %mul3A_2, %jit3A : i32
    %ne3A_16 = arith.constant 0 : i32
    %ne3A_17 = arith.cmpi ne, %rem3A, %ne3A_16 : i32
    %and3A = arith.andi %ne3A, %ne3A_17 : i1
    %sub3A = arith.constant 1 : i32
    %sub3A_18 = arith.subi %div3A, %sub3A : i32
    %select_n3A = arith.select %and3A, %sub3A_18, %div3A : i32
    "tpu.region"() ({
      %run_scoped3A = tpu.sem_alloc : memref<!tpu.dma_semaphore, #tpu.memory_space<semaphore_mem>>
      %dma_start3A = arith.constant 0 : i32
      %dma_start3A_160 = arith.constant 0 : i32
      %dma_start3A_161 = tpu.memref_slice %arg2[%select_n3A, %dma_start3A, %dma_start3A_160] : memref<2x3x8192xf32, #tpu.memory_space<hbm>> -> memref<1x3x8192xf32, #tpu.memory_space<hbm>>
      %dma_start3A_162 = tpu.memref_squeeze %dma_start3A_161 : memref<1x3x8192xf32, #tpu.memory_space<hbm>> -> memref<3x8192xf32, #tpu.memory_space<hbm>>
      %dma_start3A_163 = arith.constant 0 : i32
      %dma_start3A_164 = arith.constant 0 : i32
      %dma_start3A_165 = tpu.memref_slice %arg2[%select_n3A, %dma_start3A_163, %dma_start3A_164] : memref<2x3x8192xf32, #tpu.memory_space<hbm>> -> memref<1x3x8192xf32, #tpu.memory_space<hbm>>
      %dma_start3A_166 = tpu.memref_squeeze %dma_start3A_165 : memref<1x3x8192xf32, #tpu.memory_space<hbm>> -> memref<3x8192xf32, #tpu.memory_space<hbm>>
      tpu.enqueue_dma source(%dma_start3A_166 : memref<3x8192xf32, #tpu.memory_space<hbm>>) target(%arg5 : memref<3x8192xf32, #tpu.memory_space<vmem>>) target_semaphore(%run_scoped3A : memref<!tpu.dma_semaphore, #tpu.memory_space<semaphore_mem>>)
      %dma_wait3A = arith.constant 0 : i32
      %dma_wait3A_167 = arith.constant 0 : i32
      %dma_wait3A_168 = tpu.memref_slice %arg2[%select_n3A, %dma_wait3A, %dma_wait3A_167] : memref<2x3x8192xf32, #tpu.memory_space<hbm>> -> memref<1x3x8192xf32, #tpu.memory_space<hbm>>
      %dma_wait3A_169 = tpu.memref_squeeze %dma_wait3A_168 : memref<1x3x8192xf32, #tpu.memory_space<hbm>> -> memref<3x8192xf32, #tpu.memory_space<hbm>>
      %dma_wait3A_170 = arith.constant 0 : i32
      %dma_wait3A_171 = arith.constant 0 : i32
      %dma_wait3A_172 = tpu.memref_slice %arg2[%select_n3A, %dma_wait3A_170, %dma_wait3A_171] : memref<2x3x8192xf32, #tpu.memory_space<hbm>> -> memref<1x3x8192xf32, #tpu.memory_space<hbm>>
      %dma_wait3A_173 = tpu.memref_squeeze %dma_wait3A_172 : memref<1x3x8192xf32, #tpu.memory_space<hbm>> -> memref<3x8192xf32, #tpu.memory_space<hbm>>
      tpu.wait_dma2 semaphore(%run_scoped3A : memref<!tpu.dma_semaphore, #tpu.memory_space<semaphore_mem>>) src(%dma_wait3A_173 : memref<3x8192xf32, #tpu.memory_space<hbm>>) dst(%arg5 : memref<3x8192xf32, #tpu.memory_space<vmem>>)
      tpu.yield
    }) : () -> ()
    %iota3A = tpu.iota {dimensions = array<i32: 0>} : vector<16xi32>
    %broadcast_in_dim3A = arith.constant 0 : i32
    %broadcast_in_dim3A_19 = vector.broadcast %broadcast_in_dim3A : i32 to vector<16xi32>
    %broadcast_in_dim3A_20 = arith.constant 1 : i32
    %broadcast_in_dim3A_21 = vector.broadcast %broadcast_in_dim3A_20 : i32 to vector<16xi32>
    %broadcast_in_dim3A_22 = arith.constant 9.600000e+01 : f32
    %broadcast_in_dim3A_23 = vector.broadcast %broadcast_in_dim3A_22 : f32 to vector<16xf32>
    %add3A_24 = arith.constant 0 : i32
    %add3A_25 = arith.addi %mul3A_2, %add3A_24 : i32
    %mul3A_26 = arith.constant 96 : i32
    %mul3A_27 = arith.muli %select_n3A, %mul3A_26 : i32
    %sub3A_28 = arith.subi %add3A_25, %mul3A_27 : i32
    %broadcast_in_dim3A_29 = vector.broadcast %sub3A_28 : i32 to vector<16xi32>
    %convert_element_type3A = arith.sitofp %broadcast_in_dim3A_29 : vector<16xi32> to vector<16xf32>
    %add3A_30 = arith.constant 5.000000e-01 : f32
    %add3A_31 = vector.broadcast %add3A_30 : f32 to vector<16xf32>
    %add3A_32 = arith.addf %convert_element_type3A, %add3A_31 : vector<16xf32>
    %mul3A_33 = arith.constant 2.000000e+00 : f32
    %mul3A_34 = vector.broadcast %mul3A_33 : f32 to vector<16xf32>
    %mul3A_35 = arith.mulf %mul3A_34, %add3A_32 : vector<16xf32>
    %div3A_36 = arith.divf %mul3A_35, %broadcast_in_dim3A_23 : vector<16xf32>
    %sub3A_37 = arith.constant 1.000000e+00 : f32
    %sub3A_38 = vector.broadcast %sub3A_37 : f32 to vector<16xf32>
    %sub3A_39 = arith.subf %sub3A_38, %div3A_36 : vector<16xf32>
    "tpu.region"() ({
      %run_scoped3A = tpu.sem_alloc : memref<!tpu.dma_semaphore, #tpu.memory_space<semaphore_mem>>
      %dma_start3A = arith.constant 0 : i32
      %dma_start3A_160 = tpu.memref_slice %arg3[%add3A_25, %dma_start3A] : memref<192x768xi32, #tpu.memory_space<hbm>> -> memref<1x768xi32, #tpu.memory_space<hbm>>
      %dma_start3A_161 = tpu.memref_squeeze %dma_start3A_160 : memref<1x768xi32, #tpu.memory_space<hbm>> -> memref<768xi32, #tpu.memory_space<hbm>>
      %dma_start3A_162 = arith.constant 0 : i32
      %dma_start3A_163 = tpu.memref_slice %arg3[%add3A_25, %dma_start3A_162] : memref<192x768xi32, #tpu.memory_space<hbm>> -> memref<1x768xi32, #tpu.memory_space<hbm>>
      %dma_start3A_164 = tpu.memref_squeeze %dma_start3A_163 : memref<1x768xi32, #tpu.memory_space<hbm>> -> memref<768xi32, #tpu.memory_space<hbm>>
      tpu.enqueue_dma source(%dma_start3A_164 : memref<768xi32, #tpu.memory_space<hbm>>) target(%arg6 : memref<768xi32, #tpu.memory_space<vmem>>) target_semaphore(%run_scoped3A : memref<!tpu.dma_semaphore, #tpu.memory_space<semaphore_mem>>)
      %dma_wait3A = arith.constant 0 : i32
      %dma_wait3A_165 = tpu.memref_slice %arg3[%add3A_25, %dma_wait3A] : memref<192x768xi32, #tpu.memory_space<hbm>> -> memref<1x768xi32, #tpu.memory_space<hbm>>
      %dma_wait3A_166 = tpu.memref_squeeze %dma_wait3A_165 : memref<1x768xi32, #tpu.memory_space<hbm>> -> memref<768xi32, #tpu.memory_space<hbm>>
      %dma_wait3A_167 = arith.constant 0 : i32
      %dma_wait3A_168 = tpu.memref_slice %arg3[%add3A_25, %dma_wait3A_167] : memref<192x768xi32, #tpu.memory_space<hbm>> -> memref<1x768xi32, #tpu.memory_space<hbm>>
      %dma_wait3A_169 = tpu.memref_squeeze %dma_wait3A_168 : memref<1x768xi32, #tpu.memory_space<hbm>> -> memref<768xi32, #tpu.memory_space<hbm>>
      tpu.wait_dma2 semaphore(%run_scoped3A : memref<!tpu.dma_semaphore, #tpu.memory_space<semaphore_mem>>) src(%dma_wait3A_169 : memref<768xi32, #tpu.memory_space<hbm>>) dst(%arg6 : memref<768xi32, #tpu.memory_space<vmem>>)
      tpu.yield
    }) : () -> ()
    %scan3A = arith.constant 0 : i32
    %scan3A_40 = arith.constant 0 : i32
    %scan3A_41 = arith.constant 48 : i32
    %scan3A_42 = arith.addi %scan3A_40, %scan3A_41 : i32
    %scan3A_43 = arith.constant 1 : i32
    scf.for %scan3A_160 = %scan3A_40 to %scan3A_42 step %scan3A_43  : i32 {
      %mul3A_161 = arith.constant 16 : i32
      %mul3A_162 = arith.muli %scan3A_160, %mul3A_161 : i32
      %get3A = arith.index_cast %mul3A_162 : i32 to index
      %get3A_163 = tpu.vector_load %arg6[%get3A] {strides = array<i32>} : memref<768xi32, #tpu.memory_space<vmem>>, vector<16xi32>,
      %max3A = arith.maxsi %get3A_163, %broadcast_in_dim3A_19 : vector<16xi32>
      %gather3A = tpu.vector_load_idx %arg5[%broadcast_in_dim3A_19, %max3A] : memref<3x8192xf32, #tpu.memory_space<vmem>>[vector<16xi32>, vector<16xi32>], vector<16xf32>,
      %gather3A_164 = tpu.vector_load_idx %arg5[%broadcast_in_dim3A_21, %max3A] : memref<3x8192xf32, #tpu.memory_space<vmem>>[vector<16xi32>, vector<16xi32>], vector<16xf32>,
      %add3A_165 = vector.broadcast %mul3A_162 : i32 to vector<16xi32>
      %add3A_166 = arith.addi %iota3A, %add3A_165 : vector<16xi32>
      %shift_right_logical3A = arith.constant 3 : i32
      %shift_right_logical3A_167 = vector.broadcast %shift_right_logical3A : i32 to vector<16xi32>
      %shift_right_logical3A_168 = arith.shrui %add3A_166, %shift_right_logical3A_167 : vector<16xi32>
      %convert_element_type3A_169 = arith.sitofp %shift_right_logical3A_168 : vector<16xi32> to vector<16xf32>
      %add3A_170 = arith.constant 5.000000e-01 : f32
      %add3A_171 = vector.broadcast %add3A_170 : f32 to vector<16xf32>
      %add3A_172 = arith.addf %convert_element_type3A_169, %add3A_171 : vector<16xf32>
      %mul3A_173 = arith.constant 2.000000e+00 : f32
      %mul3A_174 = vector.broadcast %mul3A_173 : f32 to vector<16xf32>
      %mul3A_175 = arith.mulf %mul3A_174, %add3A_172 : vector<16xf32>
      %div3A_176 = arith.divf %mul3A_175, %broadcast_in_dim3A_23 : vector<16xf32>
      %sub3A_177 = arith.constant 1.000000e+00 : f32
      %sub3A_178 = vector.broadcast %sub3A_177 : f32 to vector<16xf32>
      %sub3A_179 = arith.subf %sub3A_178, %div3A_176 : vector<16xf32>
      %sub3A_180 = arith.subf %gather3A, %sub3A_179 : vector<16xf32>
      %sub3A_181 = arith.subf %gather3A_164, %sub3A_39 : vector<16xf32>
      %mul3A_182 = arith.mulf %sub3A_180, %sub3A_180 : vector<16xf32>
      %mul3A_183 = arith.mulf %sub3A_181, %sub3A_181 : vector<16xf32>
      %add3A_184 = arith.addf %mul3A_182, %mul3A_183 : vector<16xf32>
      %lt3A = arith.constant 0 : i32
      %lt3A_185 = vector.broadcast %lt3A : i32 to vector<16xi32>
      %lt3A_186 = arith.cmpi slt, %get3A_163, %lt3A_185 : vector<16xi32>
      %jit3A_187 = arith.constant -1.000000e+00 : f32
      %broadcast_in_dim3A_188 = vector.broadcast %jit3A_187 : f32 to vector<16xf32>
      %select_n3A_189 = arith.select %lt3A_186, %broadcast_in_dim3A_188, %add3A_184 : vector<16xi1>, vector<16xf32>
      %swap3A = arith.index_cast %mul3A_162 : i32 to index
      %swap3A_190 = tpu.vector_load %arg7[%swap3A] {strides = array<i32>} : memref<768xf32, #tpu.memory_space<vmem>>, vector<16xf32>,
      tpu.vector_store %arg7[%swap3A], %select_n3A_189 {strides = array<i32>} : memref<768xf32, #tpu.memory_space<vmem>>, vector<16xf32>,
    }
    %scan3A_44 = arith.constant 48 : i32
    "tpu.region"() ({
      %run_scoped3A = tpu.sem_alloc : memref<!tpu.dma_semaphore, #tpu.memory_space<semaphore_mem>>
      %dma_start3A = arith.constant 0 : i32
      %dma_start3A_160 = tpu.memref_slice %arg4[%add3A_25, %dma_start3A] : memref<192x768xf32, #tpu.memory_space<hbm>> -> memref<1x768xf32, #tpu.memory_space<hbm>>
      %dma_start3A_161 = tpu.memref_squeeze %dma_start3A_160 : memref<1x768xf32, #tpu.memory_space<hbm>> -> memref<768xf32, #tpu.memory_space<hbm>>
      %dma_start3A_162 = arith.constant 0 : i32
      %dma_start3A_163 = tpu.memref_slice %arg4[%add3A_25, %dma_start3A_162] : memref<192x768xf32, #tpu.memory_space<hbm>> -> memref<1x768xf32, #tpu.memory_space<hbm>>
      %dma_start3A_164 = tpu.memref_squeeze %dma_start3A_163 : memref<1x768xf32, #tpu.memory_space<hbm>> -> memref<768xf32, #tpu.memory_space<hbm>>
      tpu.enqueue_dma source(%arg7 : memref<768xf32, #tpu.memory_space<vmem>>) target(%dma_start3A_164 : memref<768xf32, #tpu.memory_space<hbm>>) target_semaphore(%run_scoped3A : memref<!tpu.dma_semaphore, #tpu.memory_space<semaphore_mem>>)
      %dma_wait3A = arith.constant 0 : i32
      %dma_wait3A_165 = tpu.memref_slice %arg4[%add3A_25, %dma_wait3A] : memref<192x768xf32, #tpu.memory_space<hbm>> -> memref<1x768xf32, #tpu.memory_space<hbm>>
      %dma_wait3A_166 = tpu.memref_squeeze %dma_wait3A_165 : memref<1x768xf32, #tpu.memory_space<hbm>> -> memref<768xf32, #tpu.memory_space<hbm>>
      %dma_wait3A_167 = arith.constant 0 : i32
      %dma_wait3A_168 = tpu.memref_slice %arg4[%add3A_25, %dma_wait3A_167] : memref<192x768xf32, #tpu.memory_space<hbm>> -> memref<1x768xf32, #tpu.memory_space<hbm>>
      %dma_wait3A_169 = tpu.memref_squeeze %dma_wait3A_168 : memref<1x768xf32, #tpu.memory_space<hbm>> -> memref<768xf32, #tpu.memory_space<hbm>>
      tpu.wait_dma2 semaphore(%run_scoped3A : memref<!tpu.dma_semaphore, #tpu.memory_space<semaphore_mem>>) src(%arg7 : memref<768xf32, #tpu.memory_space<vmem>>) dst(%dma_wait3A_169 : memref<768xf32, #tpu.memory_space<hbm>>)
      tpu.yield
    }) : () -> ()
    %add3A_45 = arith.constant 1 : i32
    %add3A_46 = arith.addi %mul3A_2, %add3A_45 : i32
    %mul3A_47 = arith.constant 96 : i32
    %mul3A_48 = arith.muli %select_n3A, %mul3A_47 : i32
    %sub3A_49 = arith.subi %add3A_46, %mul3A_48 : i32
    %broadcast_in_dim3A_50 = vector.broadcast %sub3A_49 : i32 to vector<16xi32>
    %convert_element_type3A_51 = arith.sitofp %broadcast_in_dim3A_50 : vector<16xi32> to vector<16xf32>
    %add3A_52 = arith.constant 5.000000e-01 : f32
    %add3A_53 = vector.broadcast %add3A_52 : f32 to vector<16xf32>
    %add3A_54 = arith.addf %convert_element_type3A_51, %add3A_53 : vector<16xf32>
    %mul3A_55 = arith.constant 2.000000e+00 : f32
    %mul3A_56 = vector.broadcast %mul3A_55 : f32 to vector<16xf32>
    %mul3A_57 = arith.mulf %mul3A_56, %add3A_54 : vector<16xf32>
    %div3A_58 = arith.divf %mul3A_57, %broadcast_in_dim3A_23 : vector<16xf32>
    %sub3A_59 = arith.constant 1.000000e+00 : f32
    %sub3A_60 = vector.broadcast %sub3A_59 : f32 to vector<16xf32>
    %sub3A_61 = arith.subf %sub3A_60, %div3A_58 : vector<16xf32>
    "tpu.region"() ({
      %run_scoped3A = tpu.sem_alloc : memref<!tpu.dma_semaphore, #tpu.memory_space<semaphore_mem>>
      %dma_start3A = arith.constant 0 : i32
      %dma_start3A_160 = tpu.memref_slice %arg3[%add3A_46, %dma_start3A] : memref<192x768xi32, #tpu.memory_space<hbm>> -> memref<1x768xi32, #tpu.memory_space<hbm>>
      %dma_start3A_161 = tpu.memref_squeeze %dma_start3A_160 : memref<1x768xi32, #tpu.memory_space<hbm>> -> memref<768xi32, #tpu.memory_space<hbm>>
      %dma_start3A_162 = arith.constant 0 : i32
      %dma_start3A_163 = tpu.memref_slice %arg3[%add3A_46, %dma_start3A_162] : memref<192x768xi32, #tpu.memory_space<hbm>> -> memref<1x768xi32, #tpu.memory_space<hbm>>
      %dma_start3A_164 = tpu.memref_squeeze %dma_start3A_163 : memref<1x768xi32, #tpu.memory_space<hbm>> -> memref<768xi32, #tpu.memory_space<hbm>>
      tpu.enqueue_dma source(%dma_start3A_164 : memref<768xi32, #tpu.memory_space<hbm>>) target(%arg6 : memref<768xi32, #tpu.memory_space<vmem>>) target_semaphore(%run_scoped3A : memref<!tpu.dma_semaphore, #tpu.memory_space<semaphore_mem>>)
      %dma_wait3A = arith.constant 0 : i32
      %dma_wait3A_165 = tpu.memref_slice %arg3[%add3A_46, %dma_wait3A] : memref<192x768xi32, #tpu.memory_space<hbm>> -> memref<1x768xi32, #tpu.memory_space<hbm>>
      %dma_wait3A_166 = tpu.memref_squeeze %dma_wait3A_165 : memref<1x768xi32, #tpu.memory_space<hbm>> -> memref<768xi32, #tpu.memory_space<hbm>>
      %dma_wait3A_167 = arith.constant 0 : i32
      %dma_wait3A_168 = tpu.memref_slice %arg3[%add3A_46, %dma_wait3A_167] : memref<192x768xi32, #tpu.memory_space<hbm>> -> memref<1x768xi32, #tpu.memory_space<hbm>>
      %dma_wait3A_169 = tpu.memref_squeeze %dma_wait3A_168 : memref<1x768xi32, #tpu.memory_space<hbm>> -> memref<768xi32, #tpu.memory_space<hbm>>
      tpu.wait_dma2 semaphore(%run_scoped3A : memref<!tpu.dma_semaphore, #tpu.memory_space<semaphore_mem>>) src(%dma_wait3A_169 : memref<768xi32, #tpu.memory_space<hbm>>) dst(%arg6 : memref<768xi32, #tpu.memory_space<vmem>>)
      tpu.yield
    }) : () -> ()
    %scan3A_62 = arith.constant 0 : i32
    %scan3A_63 = arith.constant 0 : i32
    %scan3A_64 = arith.constant 48 : i32
    %scan3A_65 = arith.addi %scan3A_63, %scan3A_64 : i32
    %scan3A_66 = arith.constant 1 : i32
    scf.for %scan3A_160 = %scan3A_63 to %scan3A_65 step %scan3A_66  : i32 {
      %mul3A_161 = arith.constant 16 : i32
      %mul3A_162 = arith.muli %scan3A_160, %mul3A_161 : i32
      %get3A = arith.index_cast %mul3A_162 : i32 to index
      %get3A_163 = tpu.vector_load %arg6[%get3A] {strides = array<i32>} : memref<768xi32, #tpu.memory_space<vmem>>, vector<16xi32>,
      %max3A = arith.maxsi %get3A_163, %broadcast_in_dim3A_19 : vector<16xi32>
      %gather3A = tpu.vector_load_idx %arg5[%broadcast_in_dim3A_19, %max3A] : memref<3x8192xf32, #tpu.memory_space<vmem>>[vector<16xi32>, vector<16xi32>], vector<16xf32>,
      %gather3A_164 = tpu.vector_load_idx %arg5[%broadcast_in_dim3A_21, %max3A] : memref<3x8192xf32, #tpu.memory_space<vmem>>[vector<16xi32>, vector<16xi32>], vector<16xf32>,
      %add3A_165 = vector.broadcast %mul3A_162 : i32 to vector<16xi32>
      %add3A_166 = arith.addi %iota3A, %add3A_165 : vector<16xi32>
      %shift_right_logical3A = arith.constant 3 : i32
      %shift_right_logical3A_167 = vector.broadcast %shift_right_logical3A : i32 to vector<16xi32>
      %shift_right_logical3A_168 = arith.shrui %add3A_166, %shift_right_logical3A_167 : vector<16xi32>
      %convert_element_type3A_169 = arith.sitofp %shift_right_logical3A_168 : vector<16xi32> to vector<16xf32>
      %add3A_170 = arith.constant 5.000000e-01 : f32
      %add3A_171 = vector.broadcast %add3A_170 : f32 to vector<16xf32>
      %add3A_172 = arith.addf %convert_element_type3A_169, %add3A_171 : vector<16xf32>
      %mul3A_173 = arith.constant 2.000000e+00 : f32
      %mul3A_174 = vector.broadcast %mul3A_173 : f32 to vector<16xf32>
      %mul3A_175 = arith.mulf %mul3A_174, %add3A_172 : vector<16xf32>
      %div3A_176 = arith.divf %mul3A_175, %broadcast_in_dim3A_23 : vector<16xf32>
      %sub3A_177 = arith.constant 1.000000e+00 : f32
      %sub3A_178 = vector.broadcast %sub3A_177 : f32 to vector<16xf32>
      %sub3A_179 = arith.subf %sub3A_178, %div3A_176 : vector<16xf32>
      %sub3A_180 = arith.subf %gather3A, %sub3A_179 : vector<16xf32>
      %sub3A_181 = arith.subf %gather3A_164, %sub3A_61 : vector<16xf32>
      %mul3A_182 = arith.mulf %sub3A_180, %sub3A_180 : vector<16xf32>
      %mul3A_183 = arith.mulf %sub3A_181, %sub3A_181 : vector<16xf32>
      %add3A_184 = arith.addf %mul3A_182, %mul3A_183 : vector<16xf32>
      %lt3A = arith.constant 0 : i32
      %lt3A_185 = vector.broadcast %lt3A : i32 to vector<16xi32>
      %lt3A_186 = arith.cmpi slt, %get3A_163, %lt3A_185 : vector<16xi32>
      %jit3A_187 = arith.constant -1.000000e+00 : f32
      %broadcast_in_dim3A_188 = vector.broadcast %jit3A_187 : f32 to vector<16xf32>
      %select_n3A_189 = arith.select %lt3A_186, %broadcast_in_dim3A_188, %add3A_184 : vector<16xi1>, vector<16xf32>
      %swap3A = arith.index_cast %mul3A_162 : i32 to index
      %swap3A_190 = tpu.vector_load %arg7[%swap3A] {strides = array<i32>} : memref<768xf32, #tpu.memory_space<vmem>>, vector<16xf32>,
      tpu.vector_store %arg7[%swap3A], %select_n3A_189 {strides = array<i32>} : memref<768xf32, #tpu.memory_space<vmem>>, vector<16xf32>,
    }
    %scan3A_67 = arith.constant 48 : i32
    "tpu.region"() ({
      %run_scoped3A = tpu.sem_alloc : memref<!tpu.dma_semaphore, #tpu.memory_space<semaphore_mem>>
      %dma_start3A = arith.constant 0 : i32
      %dma_start3A_160 = tpu.memref_slice %arg4[%add3A_46, %dma_start3A] : memref<192x768xf32, #tpu.memory_space<hbm>> -> memref<1x768xf32, #tpu.memory_space<hbm>>
      %dma_start3A_161 = tpu.memref_squeeze %dma_start3A_160 : memref<1x768xf32, #tpu.memory_space<hbm>> -> memref<768xf32, #tpu.memory_space<hbm>>
      %dma_start3A_162 = arith.constant 0 : i32
      %dma_start3A_163 = tpu.memref_slice %arg4[%add3A_46, %dma_start3A_162] : memref<192x768xf32, #tpu.memory_space<hbm>> -> memref<1x768xf32, #tpu.memory_space<hbm>>
      %dma_start3A_164 = tpu.memref_squeeze %dma_start3A_163 : memref<1x768xf32, #tpu.memory_space<hbm>> -> memref<768xf32, #tpu.memory_space<hbm>>
      tpu.enqueue_dma source(%arg7 : memref<768xf32, #tpu.memory_space<vmem>>) target(%dma_start3A_164 : memref<768xf32, #tpu.memory_space<hbm>>) target_semaphore(%run_scoped3A : memref<!tpu.dma_semaphore, #tpu.memory_space<semaphore_mem>>)
      %dma_wait3A = arith.constant 0 : i32
      %dma_wait3A_165 = tpu.memref_slice %arg4[%add3A_46, %dma_wait3A] : memref<192x768xf32, #tpu.memory_space<hbm>> -> memref<1x768xf32, #tpu.memory_space<hbm>>
      %dma_wait3A_166 = tpu.memref_squeeze %dma_wait3A_165 : memref<1x768xf32, #tpu.memory_space<hbm>> -> memref<768xf32, #tpu.memory_space<hbm>>
      %dma_wait3A_167 = arith.constant 0 : i32
      %dma_wait3A_168 = tpu.memref_slice %arg4[%add3A_46, %dma_wait3A_167] : memref<192x768xf32, #tpu.memory_space<hbm>> -> memref<1x768xf32, #tpu.memory_space<hbm>>
      %dma_wait3A_169 = tpu.memref_squeeze %dma_wait3A_168 : memref<1x768xf32, #tpu.memory_space<hbm>> -> memref<768xf32, #tpu.memory_space<hbm>>
      tpu.wait_dma2 semaphore(%run_scoped3A : memref<!tpu.dma_semaphore, #tpu.memory_space<semaphore_mem>>) src(%arg7 : memref<768xf32, #tpu.memory_space<vmem>>) dst(%dma_wait3A_169 : memref<768xf32, #tpu.memory_space<hbm>>)
      tpu.yield
    }) : () -> ()
    %add3A_68 = arith.constant 2 : i32
    %add3A_69 = arith.addi %mul3A_2, %add3A_68 : i32
    %mul3A_70 = arith.constant 96 : i32
    %mul3A_71 = arith.muli %select_n3A, %mul3A_70 : i32
    %sub3A_72 = arith.subi %add3A_69, %mul3A_71 : i32
    %broadcast_in_dim3A_73 = vector.broadcast %sub3A_72 : i32 to vector<16xi32>
    %convert_element_type3A_74 = arith.sitofp %broadcast_in_dim3A_73 : vector<16xi32> to vector<16xf32>
    %add3A_75 = arith.constant 5.000000e-01 : f32
    %add3A_76 = vector.broadcast %add3A_75 : f32 to vector<16xf32>
    %add3A_77 = arith.addf %convert_element_type3A_74, %add3A_76 : vector<16xf32>
    %mul3A_78 = arith.constant 2.000000e+00 : f32
    %mul3A_79 = vector.broadcast %mul3A_78 : f32 to vector<16xf32>
    %mul3A_80 = arith.mulf %mul3A_79, %add3A_77 : vector<16xf32>
    %div3A_81 = arith.divf %mul3A_80, %broadcast_in_dim3A_23 : vector<16xf32>
    %sub3A_82 = arith.constant 1.000000e+00 : f32
    %sub3A_83 = vector.broadcast %sub3A_82 : f32 to vector<16xf32>
    %sub3A_84 = arith.subf %sub3A_83, %div3A_81 : vector<16xf32>
    "tpu.region"() ({
      %run_scoped3A = tpu.sem_alloc : memref<!tpu.dma_semaphore, #tpu.memory_space<semaphore_mem>>
      %dma_start3A = arith.constant 0 : i32
      %dma_start3A_160 = tpu.memref_slice %arg3[%add3A_69, %dma_start3A] : memref<192x768xi32, #tpu.memory_space<hbm>> -> memref<1x768xi32, #tpu.memory_space<hbm>>
      %dma_start3A_161 = tpu.memref_squeeze %dma_start3A_160 : memref<1x768xi32, #tpu.memory_space<hbm>> -> memref<768xi32, #tpu.memory_space<hbm>>
      %dma_start3A_162 = arith.constant 0 : i32
      %dma_start3A_163 = tpu.memref_slice %arg3[%add3A_69, %dma_start3A_162] : memref<192x768xi32, #tpu.memory_space<hbm>> -> memref<1x768xi32, #tpu.memory_space<hbm>>
      %dma_start3A_164 = tpu.memref_squeeze %dma_start3A_163 : memref<1x768xi32, #tpu.memory_space<hbm>> -> memref<768xi32, #tpu.memory_space<hbm>>
      tpu.enqueue_dma source(%dma_start3A_164 : memref<768xi32, #tpu.memory_space<hbm>>) target(%arg6 : memref<768xi32, #tpu.memory_space<vmem>>) target_semaphore(%run_scoped3A : memref<!tpu.dma_semaphore, #tpu.memory_space<semaphore_mem>>)
      %dma_wait3A = arith.constant 0 : i32
      %dma_wait3A_165 = tpu.memref_slice %arg3[%add3A_69, %dma_wait3A] : memref<192x768xi32, #tpu.memory_space<hbm>> -> memref<1x768xi32, #tpu.memory_space<hbm>>
      %dma_wait3A_166 = tpu.memref_squeeze %dma_wait3A_165 : memref<1x768xi32, #tpu.memory_space<hbm>> -> memref<768xi32, #tpu.memory_space<hbm>>
      %dma_wait3A_167 = arith.constant 0 : i32
      %dma_wait3A_168 = tpu.memref_slice %arg3[%add3A_69, %dma_wait3A_167] : memref<192x768xi32, #tpu.memory_space<hbm>> -> memref<1x768xi32, #tpu.memory_space<hbm>>
      %dma_wait3A_169 = tpu.memref_squeeze %dma_wait3A_168 : memref<1x768xi32, #tpu.memory_space<hbm>> -> memref<768xi32, #tpu.memory_space<hbm>>
      tpu.wait_dma2 semaphore(%run_scoped3A : memref<!tpu.dma_semaphore, #tpu.memory_space<semaphore_mem>>) src(%dma_wait3A_169 : memref<768xi32, #tpu.memory_space<hbm>>) dst(%arg6 : memref<768xi32, #tpu.memory_space<vmem>>)
      tpu.yield
    }) : () -> ()
    %scan3A_85 = arith.constant 0 : i32
    %scan3A_86 = arith.constant 0 : i32
    %scan3A_87 = arith.constant 48 : i32
    %scan3A_88 = arith.addi %scan3A_86, %scan3A_87 : i32
    %scan3A_89 = arith.constant 1 : i32
    scf.for %scan3A_160 = %scan3A_86 to %scan3A_88 step %scan3A_89  : i32 {
      %mul3A_161 = arith.constant 16 : i32
      %mul3A_162 = arith.muli %scan3A_160, %mul3A_161 : i32
      %get3A = arith.index_cast %mul3A_162 : i32 to index
      %get3A_163 = tpu.vector_load %arg6[%get3A] {strides = array<i32>} : memref<768xi32, #tpu.memory_space<vmem>>, vector<16xi32>,
      %max3A = arith.maxsi %get3A_163, %broadcast_in_dim3A_19 : vector<16xi32>
      %gather3A = tpu.vector_load_idx %arg5[%broadcast_in_dim3A_19, %max3A] : memref<3x8192xf32, #tpu.memory_space<vmem>>[vector<16xi32>, vector<16xi32>], vector<16xf32>,
      %gather3A_164 = tpu.vector_load_idx %arg5[%broadcast_in_dim3A_21, %max3A] : memref<3x8192xf32, #tpu.memory_space<vmem>>[vector<16xi32>, vector<16xi32>], vector<16xf32>,
      %add3A_165 = vector.broadcast %mul3A_162 : i32 to vector<16xi32>
      %add3A_166 = arith.addi %iota3A, %add3A_165 : vector<16xi32>
      %shift_right_logical3A = arith.constant 3 : i32
      %shift_right_logical3A_167 = vector.broadcast %shift_right_logical3A : i32 to vector<16xi32>
      %shift_right_logical3A_168 = arith.shrui %add3A_166, %shift_right_logical3A_167 : vector<16xi32>
      %convert_element_type3A_169 = arith.sitofp %shift_right_logical3A_168 : vector<16xi32> to vector<16xf32>
      %add3A_170 = arith.constant 5.000000e-01 : f32
      %add3A_171 = vector.broadcast %add3A_170 : f32 to vector<16xf32>
      %add3A_172 = arith.addf %convert_element_type3A_169, %add3A_171 : vector<16xf32>
      %mul3A_173 = arith.constant 2.000000e+00 : f32
      %mul3A_174 = vector.broadcast %mul3A_173 : f32 to vector<16xf32>
      %mul3A_175 = arith.mulf %mul3A_174, %add3A_172 : vector<16xf32>
      %div3A_176 = arith.divf %mul3A_175, %broadcast_in_dim3A_23 : vector<16xf32>
      %sub3A_177 = arith.constant 1.000000e+00 : f32
      %sub3A_178 = vector.broadcast %sub3A_177 : f32 to vector<16xf32>
      %sub3A_179 = arith.subf %sub3A_178, %div3A_176 : vector<16xf32>
      %sub3A_180 = arith.subf %gather3A, %sub3A_179 : vector<16xf32>
      %sub3A_181 = arith.subf %gather3A_164, %sub3A_84 : vector<16xf32>
      %mul3A_182 = arith.mulf %sub3A_180, %sub3A_180 : vector<16xf32>
      %mul3A_183 = arith.mulf %sub3A_181, %sub3A_181 : vector<16xf32>
      %add3A_184 = arith.addf %mul3A_182, %mul3A_183 : vector<16xf32>
      %lt3A = arith.constant 0 : i32
      %lt3A_185 = vector.broadcast %lt3A : i32 to vector<16xi32>
      %lt3A_186 = arith.cmpi slt, %get3A_163, %lt3A_185 : vector<16xi32>
      %jit3A_187 = arith.constant -1.000000e+00 : f32
      %broadcast_in_dim3A_188 = vector.broadcast %jit3A_187 : f32 to vector<16xf32>
      %select_n3A_189 = arith.select %lt3A_186, %broadcast_in_dim3A_188, %add3A_184 : vector<16xi1>, vector<16xf32>
      %swap3A = arith.index_cast %mul3A_162 : i32 to index
      %swap3A_190 = tpu.vector_load %arg7[%swap3A] {strides = array<i32>} : memref<768xf32, #tpu.memory_space<vmem>>, vector<16xf32>,
      tpu.vector_store %arg7[%swap3A], %select_n3A_189 {strides = array<i32>} : memref<768xf32, #tpu.memory_space<vmem>>, vector<16xf32>,
    }
    %scan3A_90 = arith.constant 48 : i32
    "tpu.region"() ({
      %run_scoped3A = tpu.sem_alloc : memref<!tpu.dma_semaphore, #tpu.memory_space<semaphore_mem>>
      %dma_start3A = arith.constant 0 : i32
      %dma_start3A_160 = tpu.memref_slice %arg4[%add3A_69, %dma_start3A] : memref<192x768xf32, #tpu.memory_space<hbm>> -> memref<1x768xf32, #tpu.memory_space<hbm>>
      %dma_start3A_161 = tpu.memref_squeeze %dma_start3A_160 : memref<1x768xf32, #tpu.memory_space<hbm>> -> memref<768xf32, #tpu.memory_space<hbm>>
      %dma_start3A_162 = arith.constant 0 : i32
      %dma_start3A_163 = tpu.memref_slice %arg4[%add3A_69, %dma_start3A_162] : memref<192x768xf32, #tpu.memory_space<hbm>> -> memref<1x768xf32, #tpu.memory_space<hbm>>
      %dma_start3A_164 = tpu.memref_squeeze %dma_start3A_163 : memref<1x768xf32, #tpu.memory_space<hbm>> -> memref<768xf32, #tpu.memory_space<hbm>>
      tpu.enqueue_dma source(%arg7 : memref<768xf32, #tpu.memory_space<vmem>>) target(%dma_start3A_164 : memref<768xf32, #tpu.memory_space<hbm>>) target_semaphore(%run_scoped3A : memref<!tpu.dma_semaphore, #tpu.memory_space<semaphore_mem>>)
      %dma_wait3A = arith.constant 0 : i32
      %dma_wait3A_165 = tpu.memref_slice %arg4[%add3A_69, %dma_wait3A] : memref<192x768xf32, #tpu.memory_space<hbm>> -> memref<1x768xf32, #tpu.memory_space<hbm>>
      %dma_wait3A_166 = tpu.memref_squeeze %dma_wait3A_165 : memref<1x768xf32, #tpu.memory_space<hbm>> -> memref<768xf32, #tpu.memory_space<hbm>>
      %dma_wait3A_167 = arith.constant 0 : i32
      %dma_wait3A_168 = tpu.memref_slice %arg4[%add3A_69, %dma_wait3A_167] : memref<192x768xf32, #tpu.memory_space<hbm>> -> memref<1x768xf32, #tpu.memory_space<hbm>>
      %dma_wait3A_169 = tpu.memref_squeeze %dma_wait3A_168 : memref<1x768xf32, #tpu.memory_space<hbm>> -> memref<768xf32, #tpu.memory_space<hbm>>
      tpu.wait_dma2 semaphore(%run_scoped3A : memref<!tpu.dma_semaphore, #tpu.memory_space<semaphore_mem>>) src(%arg7 : memref<768xf32, #tpu.memory_space<vmem>>) dst(%dma_wait3A_169 : memref<768xf32, #tpu.memory_space<hbm>>)
      tpu.yield
    }) : () -> ()
    %add3A_91 = arith.constant 3 : i32
    %add3A_92 = arith.addi %mul3A_2, %add3A_91 : i32
    %mul3A_93 = arith.constant 96 : i32
    %mul3A_94 = arith.muli %select_n3A, %mul3A_93 : i32
    %sub3A_95 = arith.subi %add3A_92, %mul3A_94 : i32
    %broadcast_in_dim3A_96 = vector.broadcast %sub3A_95 : i32 to vector<16xi32>
    %convert_element_type3A_97 = arith.sitofp %broadcast_in_dim3A_96 : vector<16xi32> to vector<16xf32>
    %add3A_98 = arith.constant 5.000000e-01 : f32
    %add3A_99 = vector.broadcast %add3A_98 : f32 to vector<16xf32>
    %add3A_100 = arith.addf %convert_element_type3A_97, %add3A_99 : vector<16xf32>
    %mul3A_101 = arith.constant 2.000000e+00 : f32
    %mul3A_102 = vector.broadcast %mul3A_101 : f32 to vector<16xf32>
    %mul3A_103 = arith.mulf %mul3A_102, %add3A_100 : vector<16xf32>
    %div3A_104 = arith.divf %mul3A_103, %broadcast_in_dim3A_23 : vector<16xf32>
    %sub3A_105 = arith.constant 1.000000e+00 : f32
    %sub3A_106 = vector.broadcast %sub3A_105 : f32 to vector<16xf32>
    %sub3A_107 = arith.subf %sub3A_106, %div3A_104 : vector<16xf32>
    "tpu.region"() ({
      %run_scoped3A = tpu.sem_alloc : memref<!tpu.dma_semaphore, #tpu.memory_space<semaphore_mem>>
      %dma_start3A = arith.constant 0 : i32
      %dma_start3A_160 = tpu.memref_slice %arg3[%add3A_92, %dma_start3A] : memref<192x768xi32, #tpu.memory_space<hbm>> -> memref<1x768xi32, #tpu.memory_space<hbm>>
      %dma_start3A_161 = tpu.memref_squeeze %dma_start3A_160 : memref<1x768xi32, #tpu.memory_space<hbm>> -> memref<768xi32, #tpu.memory_space<hbm>>
      %dma_start3A_162 = arith.constant 0 : i32
      %dma_start3A_163 = tpu.memref_slice %arg3[%add3A_92, %dma_start3A_162] : memref<192x768xi32, #tpu.memory_space<hbm>> -> memref<1x768xi32, #tpu.memory_space<hbm>>
      %dma_start3A_164 = tpu.memref_squeeze %dma_start3A_163 : memref<1x768xi32, #tpu.memory_space<hbm>> -> memref<768xi32, #tpu.memory_space<hbm>>
      tpu.enqueue_dma source(%dma_start3A_164 : memref<768xi32, #tpu.memory_space<hbm>>) target(%arg6 : memref<768xi32, #tpu.memory_space<vmem>>) target_semaphore(%run_scoped3A : memref<!tpu.dma_semaphore, #tpu.memory_space<semaphore_mem>>)
      %dma_wait3A = arith.constant 0 : i32
      %dma_wait3A_165 = tpu.memref_slice %arg3[%add3A_92, %dma_wait3A] : memref<192x768xi32, #tpu.memory_space<hbm>> -> memref<1x768xi32, #tpu.memory_space<hbm>>
      %dma_wait3A_166 = tpu.memref_squeeze %dma_wait3A_165 : memref<1x768xi32, #tpu.memory_space<hbm>> -> memref<768xi32, #tpu.memory_space<hbm>>
      %dma_wait3A_167 = arith.constant 0 : i32
      %dma_wait3A_168 = tpu.memref_slice %arg3[%add3A_92, %dma_wait3A_167] : memref<192x768xi32, #tpu.memory_space<hbm>> -> memref<1x768xi32, #tpu.memory_space<hbm>>
      %dma_wait3A_169 = tpu.memref_squeeze %dma_wait3A_168 : memref<1x768xi32, #tpu.memory_space<hbm>> -> memref<768xi32, #tpu.memory_space<hbm>>
      tpu.wait_dma2 semaphore(%run_scoped3A : memref<!tpu.dma_semaphore, #tpu.memory_space<semaphore_mem>>) src(%dma_wait3A_169 : memref<768xi32, #tpu.memory_space<hbm>>) dst(%arg6 : memref<768xi32, #tpu.memory_space<vmem>>)
      tpu.yield
    }) : () -> ()
    %scan3A_108 = arith.constant 0 : i32
    %scan3A_109 = arith.constant 0 : i32
    %scan3A_110 = arith.constant 48 : i32
    %scan3A_111 = arith.addi %scan3A_109, %scan3A_110 : i32
    %scan3A_112 = arith.constant 1 : i32
    scf.for %scan3A_160 = %scan3A_109 to %scan3A_111 step %scan3A_112  : i32 {
      %mul3A_161 = arith.constant 16 : i32
      %mul3A_162 = arith.muli %scan3A_160, %mul3A_161 : i32
      %get3A = arith.index_cast %mul3A_162 : i32 to index
      %get3A_163 = tpu.vector_load %arg6[%get3A] {strides = array<i32>} : memref<768xi32, #tpu.memory_space<vmem>>, vector<16xi32>,
      %max3A = arith.maxsi %get3A_163, %broadcast_in_dim3A_19 : vector<16xi32>
      %gather3A = tpu.vector_load_idx %arg5[%broadcast_in_dim3A_19, %max3A] : memref<3x8192xf32, #tpu.memory_space<vmem>>[vector<16xi32>, vector<16xi32>], vector<16xf32>,
      %gather3A_164 = tpu.vector_load_idx %arg5[%broadcast_in_dim3A_21, %max3A] : memref<3x8192xf32, #tpu.memory_space<vmem>>[vector<16xi32>, vector<16xi32>], vector<16xf32>,
      %add3A_165 = vector.broadcast %mul3A_162 : i32 to vector<16xi32>
      %add3A_166 = arith.addi %iota3A, %add3A_165 : vector<16xi32>
      %shift_right_logical3A = arith.constant 3 : i32
      %shift_right_logical3A_167 = vector.broadcast %shift_right_logical3A : i32 to vector<16xi32>
      %shift_right_logical3A_168 = arith.shrui %add3A_166, %shift_right_logical3A_167 : vector<16xi32>
      %convert_element_type3A_169 = arith.sitofp %shift_right_logical3A_168 : vector<16xi32> to vector<16xf32>
      %add3A_170 = arith.constant 5.000000e-01 : f32
      %add3A_171 = vector.broadcast %add3A_170 : f32 to vector<16xf32>
      %add3A_172 = arith.addf %convert_element_type3A_169, %add3A_171 : vector<16xf32>
      %mul3A_173 = arith.constant 2.000000e+00 : f32
      %mul3A_174 = vector.broadcast %mul3A_173 : f32 to vector<16xf32>
      %mul3A_175 = arith.mulf %mul3A_174, %add3A_172 : vector<16xf32>
      %div3A_176 = arith.divf %mul3A_175, %broadcast_in_dim3A_23 : vector<16xf32>
      %sub3A_177 = arith.constant 1.000000e+00 : f32
      %sub3A_178 = vector.broadcast %sub3A_177 : f32 to vector<16xf32>
      %sub3A_179 = arith.subf %sub3A_178, %div3A_176 : vector<16xf32>
      %sub3A_180 = arith.subf %gather3A, %sub3A_179 : vector<16xf32>
      %sub3A_181 = arith.subf %gather3A_164, %sub3A_107 : vector<16xf32>
      %mul3A_182 = arith.mulf %sub3A_180, %sub3A_180 : vector<16xf32>
      %mul3A_183 = arith.mulf %sub3A_181, %sub3A_181 : vector<16xf32>
      %add3A_184 = arith.addf %mul3A_182, %mul3A_183 : vector<16xf32>
      %lt3A = arith.constant 0 : i32
      %lt3A_185 = vector.broadcast %lt3A : i32 to vector<16xi32>
      %lt3A_186 = arith.cmpi slt, %get3A_163, %lt3A_185 : vector<16xi32>
      %jit3A_187 = arith.constant -1.000000e+00 : f32
      %broadcast_in_dim3A_188 = vector.broadcast %jit3A_187 : f32 to vector<16xf32>
      %select_n3A_189 = arith.select %lt3A_186, %broadcast_in_dim3A_188, %add3A_184 : vector<16xi1>, vector<16xf32>
      %swap3A = arith.index_cast %mul3A_162 : i32 to index
      %swap3A_190 = tpu.vector_load %arg7[%swap3A] {strides = array<i32>} : memref<768xf32, #tpu.memory_space<vmem>>, vector<16xf32>,
      tpu.vector_store %arg7[%swap3A], %select_n3A_189 {strides = array<i32>} : memref<768xf32, #tpu.memory_space<vmem>>, vector<16xf32>,
    }
    %scan3A_113 = arith.constant 48 : i32
    "tpu.region"() ({
      %run_scoped3A = tpu.sem_alloc : memref<!tpu.dma_semaphore, #tpu.memory_space<semaphore_mem>>
      %dma_start3A = arith.constant 0 : i32
      %dma_start3A_160 = tpu.memref_slice %arg4[%add3A_92, %dma_start3A] : memref<192x768xf32, #tpu.memory_space<hbm>> -> memref<1x768xf32, #tpu.memory_space<hbm>>
      %dma_start3A_161 = tpu.memref_squeeze %dma_start3A_160 : memref<1x768xf32, #tpu.memory_space<hbm>> -> memref<768xf32, #tpu.memory_space<hbm>>
      %dma_start3A_162 = arith.constant 0 : i32
      %dma_start3A_163 = tpu.memref_slice %arg4[%add3A_92, %dma_start3A_162] : memref<192x768xf32, #tpu.memory_space<hbm>> -> memref<1x768xf32, #tpu.memory_space<hbm>>
      %dma_start3A_164 = tpu.memref_squeeze %dma_start3A_163 : memref<1x768xf32, #tpu.memory_space<hbm>> -> memref<768xf32, #tpu.memory_space<hbm>>
      tpu.enqueue_dma source(%arg7 : memref<768xf32, #tpu.memory_space<vmem>>) target(%dma_start3A_164 : memref<768xf32, #tpu.memory_space<hbm>>) target_semaphore(%run_scoped3A : memref<!tpu.dma_semaphore, #tpu.memory_space<semaphore_mem>>)
      %dma_wait3A = arith.constant 0 : i32
      %dma_wait3A_165 = tpu.memref_slice %arg4[%add3A_92, %dma_wait3A] : memref<192x768xf32, #tpu.memory_space<hbm>> -> memref<1x768xf32, #tpu.memory_space<hbm>>
      %dma_wait3A_166 = tpu.memref_squeeze %dma_wait3A_165 : memref<1x768xf32, #tpu.memory_space<hbm>> -> memref<768xf32, #tpu.memory_space<hbm>>
      %dma_wait3A_167 = arith.constant 0 : i32
      %dma_wait3A_168 = tpu.memref_slice %arg4[%add3A_92, %dma_wait3A_167] : memref<192x768xf32, #tpu.memory_space<hbm>> -> memref<1x768xf32, #tpu.memory_space<hbm>>
      %dma_wait3A_169 = tpu.memref_squeeze %dma_wait3A_168 : memref<1x768xf32, #tpu.memory_space<hbm>> -> memref<768xf32, #tpu.memory_space<hbm>>
      tpu.wait_dma2 semaphore(%run_scoped3A : memref<!tpu.dma_semaphore, #tpu.memory_space<semaphore_mem>>) src(%arg7 : memref<768xf32, #tpu.memory_space<vmem>>) dst(%dma_wait3A_169 : memref<768xf32, #tpu.memory_space<hbm>>)
      tpu.yield
    }) : () -> ()
    %add3A_114 = arith.constant 4 : i32
    %add3A_115 = arith.addi %mul3A_2, %add3A_114 : i32
    %mul3A_116 = arith.constant 96 : i32
    %mul3A_117 = arith.muli %select_n3A, %mul3A_116 : i32
    %sub3A_118 = arith.subi %add3A_115, %mul3A_117 : i32
    %broadcast_in_dim3A_119 = vector.broadcast %sub3A_118 : i32 to vector<16xi32>
    %convert_element_type3A_120 = arith.sitofp %broadcast_in_dim3A_119 : vector<16xi32> to vector<16xf32>
    %add3A_121 = arith.constant 5.000000e-01 : f32
    %add3A_122 = vector.broadcast %add3A_121 : f32 to vector<16xf32>
    %add3A_123 = arith.addf %convert_element_type3A_120, %add3A_122 : vector<16xf32>
    %mul3A_124 = arith.constant 2.000000e+00 : f32
    %mul3A_125 = vector.broadcast %mul3A_124 : f32 to vector<16xf32>
    %mul3A_126 = arith.mulf %mul3A_125, %add3A_123 : vector<16xf32>
    %div3A_127 = arith.divf %mul3A_126, %broadcast_in_dim3A_23 : vector<16xf32>
    %sub3A_128 = arith.constant 1.000000e+00 : f32
    %sub3A_129 = vector.broadcast %sub3A_128 : f32 to vector<16xf32>
    %sub3A_130 = arith.subf %sub3A_129, %div3A_127 : vector<16xf32>
    "tpu.region"() ({
      %run_scoped3A = tpu.sem_alloc : memref<!tpu.dma_semaphore, #tpu.memory_space<semaphore_mem>>
      %dma_start3A = arith.constant 0 : i32
      %dma_start3A_160 = tpu.memref_slice %arg3[%add3A_115, %dma_start3A] : memref<192x768xi32, #tpu.memory_space<hbm>> -> memref<1x768xi32, #tpu.memory_space<hbm>>
      %dma_start3A_161 = tpu.memref_squeeze %dma_start3A_160 : memref<1x768xi32, #tpu.memory_space<hbm>> -> memref<768xi32, #tpu.memory_space<hbm>>
      %dma_start3A_162 = arith.constant 0 : i32
      %dma_start3A_163 = tpu.memref_slice %arg3[%add3A_115, %dma_start3A_162] : memref<192x768xi32, #tpu.memory_space<hbm>> -> memref<1x768xi32, #tpu.memory_space<hbm>>
      %dma_start3A_164 = tpu.memref_squeeze %dma_start3A_163 : memref<1x768xi32, #tpu.memory_space<hbm>> -> memref<768xi32, #tpu.memory_space<hbm>>
      tpu.enqueue_dma source(%dma_start3A_164 : memref<768xi32, #tpu.memory_space<hbm>>) target(%arg6 : memref<768xi32, #tpu.memory_space<vmem>>) target_semaphore(%run_scoped3A : memref<!tpu.dma_semaphore, #tpu.memory_space<semaphore_mem>>)
      %dma_wait3A = arith.constant 0 : i32
      %dma_wait3A_165 = tpu.memref_slice %arg3[%add3A_115, %dma_wait3A] : memref<192x768xi32, #tpu.memory_space<hbm>> -> memref<1x768xi32, #tpu.memory_space<hbm>>
      %dma_wait3A_166 = tpu.memref_squeeze %dma_wait3A_165 : memref<1x768xi32, #tpu.memory_space<hbm>> -> memref<768xi32, #tpu.memory_space<hbm>>
      %dma_wait3A_167 = arith.constant 0 : i32
      %dma_wait3A_168 = tpu.memref_slice %arg3[%add3A_115, %dma_wait3A_167] : memref<192x768xi32, #tpu.memory_space<hbm>> -> memref<1x768xi32, #tpu.memory_space<hbm>>
      %dma_wait3A_169 = tpu.memref_squeeze %dma_wait3A_168 : memref<1x768xi32, #tpu.memory_space<hbm>> -> memref<768xi32, #tpu.memory_space<hbm>>
      tpu.wait_dma2 semaphore(%run_scoped3A : memref<!tpu.dma_semaphore, #tpu.memory_space<semaphore_mem>>) src(%dma_wait3A_169 : memref<768xi32, #tpu.memory_space<hbm>>) dst(%arg6 : memref<768xi32, #tpu.memory_space<vmem>>)
      tpu.yield
    }) : () -> ()
    %scan3A_131 = arith.constant 0 : i32
    %scan3A_132 = arith.constant 0 : i32
    %scan3A_133 = arith.constant 48 : i32
    %scan3A_134 = arith.addi %scan3A_132, %scan3A_133 : i32
    %scan3A_135 = arith.constant 1 : i32
    scf.for %scan3A_160 = %scan3A_132 to %scan3A_134 step %scan3A_135  : i32 {
      %mul3A_161 = arith.constant 16 : i32
      %mul3A_162 = arith.muli %scan3A_160, %mul3A_161 : i32
      %get3A = arith.index_cast %mul3A_162 : i32 to index
      %get3A_163 = tpu.vector_load %arg6[%get3A] {strides = array<i32>} : memref<768xi32, #tpu.memory_space<vmem>>, vector<16xi32>,
      %max3A = arith.maxsi %get3A_163, %broadcast_in_dim3A_19 : vector<16xi32>
      %gather3A = tpu.vector_load_idx %arg5[%broadcast_in_dim3A_19, %max3A] : memref<3x8192xf32, #tpu.memory_space<vmem>>[vector<16xi32>, vector<16xi32>], vector<16xf32>,
      %gather3A_164 = tpu.vector_load_idx %arg5[%broadcast_in_dim3A_21, %max3A] : memref<3x8192xf32, #tpu.memory_space<vmem>>[vector<16xi32>, vector<16xi32>], vector<16xf32>,
      %add3A_165 = vector.broadcast %mul3A_162 : i32 to vector<16xi32>
      %add3A_166 = arith.addi %iota3A, %add3A_165 : vector<16xi32>
      %shift_right_logical3A = arith.constant 3 : i32
      %shift_right_logical3A_167 = vector.broadcast %shift_right_logical3A : i32 to vector<16xi32>
      %shift_right_logical3A_168 = arith.shrui %add3A_166, %shift_right_logical3A_167 : vector<16xi32>
      %convert_element_type3A_169 = arith.sitofp %shift_right_logical3A_168 : vector<16xi32> to vector<16xf32>
      %add3A_170 = arith.constant 5.000000e-01 : f32
      %add3A_171 = vector.broadcast %add3A_170 : f32 to vector<16xf32>
      %add3A_172 = arith.addf %convert_element_type3A_169, %add3A_171 : vector<16xf32>
      %mul3A_173 = arith.constant 2.000000e+00 : f32
      %mul3A_174 = vector.broadcast %mul3A_173 : f32 to vector<16xf32>
      %mul3A_175 = arith.mulf %mul3A_174, %add3A_172 : vector<16xf32>
      %div3A_176 = arith.divf %mul3A_175, %broadcast_in_dim3A_23 : vector<16xf32>
      %sub3A_177 = arith.constant 1.000000e+00 : f32
      %sub3A_178 = vector.broadcast %sub3A_177 : f32 to vector<16xf32>
      %sub3A_179 = arith.subf %sub3A_178, %div3A_176 : vector<16xf32>
      %sub3A_180 = arith.subf %gather3A, %sub3A_179 : vector<16xf32>
      %sub3A_181 = arith.subf %gather3A_164, %sub3A_130 : vector<16xf32>
      %mul3A_182 = arith.mulf %sub3A_180, %sub3A_180 : vector<16xf32>
      %mul3A_183 = arith.mulf %sub3A_181, %sub3A_181 : vector<16xf32>
      %add3A_184 = arith.addf %mul3A_182, %mul3A_183 : vector<16xf32>
      %lt3A = arith.constant 0 : i32
      %lt3A_185 = vector.broadcast %lt3A : i32 to vector<16xi32>
      %lt3A_186 = arith.cmpi slt, %get3A_163, %lt3A_185 : vector<16xi32>
      %jit3A_187 = arith.constant -1.000000e+00 : f32
      %broadcast_in_dim3A_188 = vector.broadcast %jit3A_187 : f32 to vector<16xf32>
      %select_n3A_189 = arith.select %lt3A_186, %broadcast_in_dim3A_188, %add3A_184 : vector<16xi1>, vector<16xf32>
      %swap3A = arith.index_cast %mul3A_162 : i32 to index
      %swap3A_190 = tpu.vector_load %arg7[%swap3A] {strides = array<i32>} : memref<768xf32, #tpu.memory_space<vmem>>, vector<16xf32>,
      tpu.vector_store %arg7[%swap3A], %select_n3A_189 {strides = array<i32>} : memref<768xf32, #tpu.memory_space<vmem>>, vector<16xf32>,
    }
    %scan3A_136 = arith.constant 48 : i32
    "tpu.region"() ({
      %run_scoped3A = tpu.sem_alloc : memref<!tpu.dma_semaphore, #tpu.memory_space<semaphore_mem>>
      %dma_start3A = arith.constant 0 : i32
      %dma_start3A_160 = tpu.memref_slice %arg4[%add3A_115, %dma_start3A] : memref<192x768xf32, #tpu.memory_space<hbm>> -> memref<1x768xf32, #tpu.memory_space<hbm>>
      %dma_start3A_161 = tpu.memref_squeeze %dma_start3A_160 : memref<1x768xf32, #tpu.memory_space<hbm>> -> memref<768xf32, #tpu.memory_space<hbm>>
      %dma_start3A_162 = arith.constant 0 : i32
      %dma_start3A_163 = tpu.memref_slice %arg4[%add3A_115, %dma_start3A_162] : memref<192x768xf32, #tpu.memory_space<hbm>> -> memref<1x768xf32, #tpu.memory_space<hbm>>
      %dma_start3A_164 = tpu.memref_squeeze %dma_start3A_163 : memref<1x768xf32, #tpu.memory_space<hbm>> -> memref<768xf32, #tpu.memory_space<hbm>>
      tpu.enqueue_dma source(%arg7 : memref<768xf32, #tpu.memory_space<vmem>>) target(%dma_start3A_164 : memref<768xf32, #tpu.memory_space<hbm>>) target_semaphore(%run_scoped3A : memref<!tpu.dma_semaphore, #tpu.memory_space<semaphore_mem>>)
      %dma_wait3A = arith.constant 0 : i32
      %dma_wait3A_165 = tpu.memref_slice %arg4[%add3A_115, %dma_wait3A] : memref<192x768xf32, #tpu.memory_space<hbm>> -> memref<1x768xf32, #tpu.memory_space<hbm>>
      %dma_wait3A_166 = tpu.memref_squeeze %dma_wait3A_165 : memref<1x768xf32, #tpu.memory_space<hbm>> -> memref<768xf32, #tpu.memory_space<hbm>>
      %dma_wait3A_167 = arith.constant 0 : i32
      %dma_wait3A_168 = tpu.memref_slice %arg4[%add3A_115, %dma_wait3A_167] : memref<192x768xf32, #tpu.memory_space<hbm>> -> memref<1x768xf32, #tpu.memory_space<hbm>>
      %dma_wait3A_169 = tpu.memref_squeeze %dma_wait3A_168 : memref<1x768xf32, #tpu.memory_space<hbm>> -> memref<768xf32, #tpu.memory_space<hbm>>
      tpu.wait_dma2 semaphore(%run_scoped3A : memref<!tpu.dma_semaphore, #tpu.memory_space<semaphore_mem>>) src(%arg7 : memref<768xf32, #tpu.memory_space<vmem>>) dst(%dma_wait3A_169 : memref<768xf32, #tpu.memory_space<hbm>>)
      tpu.yield
    }) : () -> ()
    %add3A_137 = arith.constant 5 : i32
    %add3A_138 = arith.addi %mul3A_2, %add3A_137 : i32
    %mul3A_139 = arith.constant 96 : i32
    %mul3A_140 = arith.muli %select_n3A, %mul3A_139 : i32
    %sub3A_141 = arith.subi %add3A_138, %mul3A_140 : i32
    %broadcast_in_dim3A_142 = vector.broadcast %sub3A_141 : i32 to vector<16xi32>
    %convert_element_type3A_143 = arith.sitofp %broadcast_in_dim3A_142 : vector<16xi32> to vector<16xf32>
    %add3A_144 = arith.constant 5.000000e-01 : f32
    %add3A_145 = vector.broadcast %add3A_144 : f32 to vector<16xf32>
    %add3A_146 = arith.addf %convert_element_type3A_143, %add3A_145 : vector<16xf32>
    %mul3A_147 = arith.constant 2.000000e+00 : f32
    %mul3A_148 = vector.broadcast %mul3A_147 : f32 to vector<16xf32>
    %mul3A_149 = arith.mulf %mul3A_148, %add3A_146 : vector<16xf32>
    %div3A_150 = arith.divf %mul3A_149, %broadcast_in_dim3A_23 : vector<16xf32>
    %sub3A_151 = arith.constant 1.000000e+00 : f32
    %sub3A_152 = vector.broadcast %sub3A_151 : f32 to vector<16xf32>
    %sub3A_153 = arith.subf %sub3A_152, %div3A_150 : vector<16xf32>
    "tpu.region"() ({
      %run_scoped3A = tpu.sem_alloc : memref<!tpu.dma_semaphore, #tpu.memory_space<semaphore_mem>>
      %dma_start3A = arith.constant 0 : i32
      %dma_start3A_160 = tpu.memref_slice %arg3[%add3A_138, %dma_start3A] : memref<192x768xi32, #tpu.memory_space<hbm>> -> memref<1x768xi32, #tpu.memory_space<hbm>>
      %dma_start3A_161 = tpu.memref_squeeze %dma_start3A_160 : memref<1x768xi32, #tpu.memory_space<hbm>> -> memref<768xi32, #tpu.memory_space<hbm>>
      %dma_start3A_162 = arith.constant 0 : i32
      %dma_start3A_163 = tpu.memref_slice %arg3[%add3A_138, %dma_start3A_162] : memref<192x768xi32, #tpu.memory_space<hbm>> -> memref<1x768xi32, #tpu.memory_space<hbm>>
      %dma_start3A_164 = tpu.memref_squeeze %dma_start3A_163 : memref<1x768xi32, #tpu.memory_space<hbm>> -> memref<768xi32, #tpu.memory_space<hbm>>
      tpu.enqueue_dma source(%dma_start3A_164 : memref<768xi32, #tpu.memory_space<hbm>>) target(%arg6 : memref<768xi32, #tpu.memory_space<vmem>>) target_semaphore(%run_scoped3A : memref<!tpu.dma_semaphore, #tpu.memory_space<semaphore_mem>>)
      %dma_wait3A = arith.constant 0 : i32
      %dma_wait3A_165 = tpu.memref_slice %arg3[%add3A_138, %dma_wait3A] : memref<192x768xi32, #tpu.memory_space<hbm>> -> memref<1x768xi32, #tpu.memory_space<hbm>>
      %dma_wait3A_166 = tpu.memref_squeeze %dma_wait3A_165 : memref<1x768xi32, #tpu.memory_space<hbm>> -> memref<768xi32, #tpu.memory_space<hbm>>
      %dma_wait3A_167 = arith.constant 0 : i32
      %dma_wait3A_168 = tpu.memref_slice %arg3[%add3A_138, %dma_wait3A_167] : memref<192x768xi32, #tpu.memory_space<hbm>> -> memref<1x768xi32, #tpu.memory_space<hbm>>
      %dma_wait3A_169 = tpu.memref_squeeze %dma_wait3A_168 : memref<1x768xi32, #tpu.memory_space<hbm>> -> memref<768xi32, #tpu.memory_space<hbm>>
      tpu.wait_dma2 semaphore(%run_scoped3A : memref<!tpu.dma_semaphore, #tpu.memory_space<semaphore_mem>>) src(%dma_wait3A_169 : memref<768xi32, #tpu.memory_space<hbm>>) dst(%arg6 : memref<768xi32, #tpu.memory_space<vmem>>)
      tpu.yield
    }) : () -> ()
    %scan3A_154 = arith.constant 0 : i32
    %scan3A_155 = arith.constant 0 : i32
    %scan3A_156 = arith.constant 48 : i32
    %scan3A_157 = arith.addi %scan3A_155, %scan3A_156 : i32
    %scan3A_158 = arith.constant 1 : i32
    scf.for %scan3A_160 = %scan3A_155 to %scan3A_157 step %scan3A_158  : i32 {
      %mul3A_161 = arith.constant 16 : i32
      %mul3A_162 = arith.muli %scan3A_160, %mul3A_161 : i32
      %get3A = arith.index_cast %mul3A_162 : i32 to index
      %get3A_163 = tpu.vector_load %arg6[%get3A] {strides = array<i32>} : memref<768xi32, #tpu.memory_space<vmem>>, vector<16xi32>,
      %max3A = arith.maxsi %get3A_163, %broadcast_in_dim3A_19 : vector<16xi32>
      %gather3A = tpu.vector_load_idx %arg5[%broadcast_in_dim3A_19, %max3A] : memref<3x8192xf32, #tpu.memory_space<vmem>>[vector<16xi32>, vector<16xi32>], vector<16xf32>,
      %gather3A_164 = tpu.vector_load_idx %arg5[%broadcast_in_dim3A_21, %max3A] : memref<3x8192xf32, #tpu.memory_space<vmem>>[vector<16xi32>, vector<16xi32>], vector<16xf32>,
      %add3A_165 = vector.broadcast %mul3A_162 : i32 to vector<16xi32>
      %add3A_166 = arith.addi %iota3A, %add3A_165 : vector<16xi32>
      %shift_right_logical3A = arith.constant 3 : i32
      %shift_right_logical3A_167 = vector.broadcast %shift_right_logical3A : i32 to vector<16xi32>
      %shift_right_logical3A_168 = arith.shrui %add3A_166, %shift_right_logical3A_167 : vector<16xi32>
      %convert_element_type3A_169 = arith.sitofp %shift_right_logical3A_168 : vector<16xi32> to vector<16xf32>
      %add3A_170 = arith.constant 5.000000e-01 : f32
      %add3A_171 = vector.broadcast %add3A_170 : f32 to vector<16xf32>
      %add3A_172 = arith.addf %convert_element_type3A_169, %add3A_171 : vector<16xf32>
      %mul3A_173 = arith.constant 2.000000e+00 : f32
      %mul3A_174 = vector.broadcast %mul3A_173 : f32 to vector<16xf32>
      %mul3A_175 = arith.mulf %mul3A_174, %add3A_172 : vector<16xf32>
      %div3A_176 = arith.divf %mul3A_175, %broadcast_in_dim3A_23 : vector<16xf32>
      %sub3A_177 = arith.constant 1.000000e+00 : f32
      %sub3A_178 = vector.broadcast %sub3A_177 : f32 to vector<16xf32>
      %sub3A_179 = arith.subf %sub3A_178, %div3A_176 : vector<16xf32>
      %sub3A_180 = arith.subf %gather3A, %sub3A_179 : vector<16xf32>
      %sub3A_181 = arith.subf %gather3A_164, %sub3A_153 : vector<16xf32>
      %mul3A_182 = arith.mulf %sub3A_180, %sub3A_180 : vector<16xf32>
      %mul3A_183 = arith.mulf %sub3A_181, %sub3A_181 : vector<16xf32>
      %add3A_184 = arith.addf %mul3A_182, %mul3A_183 : vector<16xf32>
      %lt3A = arith.constant 0 : i32
      %lt3A_185 = vector.broadcast %lt3A : i32 to vector<16xi32>
      %lt3A_186 = arith.cmpi slt, %get3A_163, %lt3A_185 : vector<16xi32>
      %jit3A_187 = arith.constant -1.000000e+00 : f32
      %broadcast_in_dim3A_188 = vector.broadcast %jit3A_187 : f32 to vector<16xf32>
      %select_n3A_189 = arith.select %lt3A_186, %broadcast_in_dim3A_188, %add3A_184 : vector<16xi1>, vector<16xf32>
      %swap3A = arith.index_cast %mul3A_162 : i32 to index
      %swap3A_190 = tpu.vector_load %arg7[%swap3A] {strides = array<i32>} : memref<768xf32, #tpu.memory_space<vmem>>, vector<16xf32>,
      tpu.vector_store %arg7[%swap3A], %select_n3A_189 {strides = array<i32>} : memref<768xf32, #tpu.memory_space<vmem>>, vector<16xf32>,
    }
    %scan3A_159 = arith.constant 48 : i32
    "tpu.region"() ({
      %run_scoped3A = tpu.sem_alloc : memref<!tpu.dma_semaphore, #tpu.memory_space<semaphore_mem>>
      %dma_start3A = arith.constant 0 : i32
      %dma_start3A_160 = tpu.memref_slice %arg4[%add3A_138, %dma_start3A] : memref<192x768xf32, #tpu.memory_space<hbm>> -> memref<1x768xf32, #tpu.memory_space<hbm>>
      %dma_start3A_161 = tpu.memref_squeeze %dma_start3A_160 : memref<1x768xf32, #tpu.memory_space<hbm>> -> memref<768xf32, #tpu.memory_space<hbm>>
      %dma_start3A_162 = arith.constant 0 : i32
      %dma_start3A_163 = tpu.memref_slice %arg4[%add3A_138, %dma_start3A_162] : memref<192x768xf32, #tpu.memory_space<hbm>> -> memref<1x768xf32, #tpu.memory_space<hbm>>
      %dma_start3A_164 = tpu.memref_squeeze %dma_start3A_163 : memref<1x768xf32, #tpu.memory_space<hbm>> -> memref<768xf32, #tpu.memory_space<hbm>>
      tpu.enqueue_dma source(%arg7 : memref<768xf32, #tpu.memory_space<vmem>>) target(%dma_start3A_164 : memref<768xf32, #tpu.memory_space<hbm>>) target_semaphore(%run_scoped3A : memref<!tpu.dma_semaphore, #tpu.memory_space<semaphore_mem>>)
      %dma_wait3A = arith.constant 0 : i32
      %dma_wait3A_165 = tpu.memref_slice %arg4[%add3A_138, %dma_wait3A] : memref<192x768xf32, #tpu.memory_space<hbm>> -> memref<1x768xf32, #tpu.memory_space<hbm>>
      %dma_wait3A_166 = tpu.memref_squeeze %dma_wait3A_165 : memref<1x768xf32, #tpu.memory_space<hbm>> -> memref<768xf32, #tpu.memory_space<hbm>>
      %dma_wait3A_167 = arith.constant 0 : i32
      %dma_wait3A_168 = tpu.memref_slice %arg4[%add3A_138, %dma_wait3A_167] : memref<192x768xf32, #tpu.memory_space<hbm>> -> memref<1x768xf32, #tpu.memory_space<hbm>>
      %dma_wait3A_169 = tpu.memref_squeeze %dma_wait3A_168 : memref<1x768xf32, #tpu.memory_space<hbm>> -> memref<768xf32, #tpu.memory_space<hbm>>
      tpu.wait_dma2 semaphore(%run_scoped3A : memref<!tpu.dma_semaphore, #tpu.memory_space<semaphore_mem>>) src(%arg7 : memref<768xf32, #tpu.memory_space<vmem>>) dst(%dma_wait3A_169 : memref<768xf32, #tpu.memory_space<hbm>>)
      tpu.yield
    }) : () -> ()
    return
  }
}

module attributes {stable_mosaic.version = 14 : i64} {
  func.func @_transform_kernel(%arg0: i32, %arg1: memref<1x1x16xf32, #tpu.memory_space<smem>>, %arg2: memref<1x3x8192xf32, #tpu.memory_space<vmem>>, %arg3: memref<1x3x8192xf32, #tpu.memory_space<vmem>>) attributes {dimension_semantics = [#tpu.dimension_semantics<arbitrary>], iteration_bounds = array<i64: 2>, scalar_prefetch = 0 : i64, scratch_operands = 0 : i64, tpu.core_type = #tpu.core_type<tc>, window_params = [{transform_indices = @transform_0, window_bounds = array<i64: 1, 1, 16>}, {transform_indices = @transform_1, window_bounds = array<i64: 1, 3, 8192>}, {transform_indices = @transform_2, window_bounds = array<i64: 1, 3, 8192>}]} {
    %get3A = arith.constant 0 : index
    %get3A_0 = arith.constant 0 : index
    %get3A_1 = arith.constant 0 : index
    %get3A_2 = vector.load %arg2[%get3A, %get3A_0, %get3A_1] : memref<1x3x8192xf32, #tpu.memory_space<vmem>>, vector<1x3x8192xf32>
    %get3A_3 = vector.shape_cast %get3A_2 : vector<1x3x8192xf32> to vector<3x8192xf32>
    %slice3A = vector.extract_strided_slice %get3A_3 {offsets = [0, 0], sizes = [1, 8192], strides = [1, 1]} : vector<3x8192xf32> to vector<1x8192xf32>
    %slice3A_4 = vector.extract_strided_slice %get3A_3 {offsets = [1, 0], sizes = [1, 8192], strides = [1, 1]} : vector<3x8192xf32> to vector<1x8192xf32>
    %slice3A_5 = vector.extract_strided_slice %get3A_3 {offsets = [2, 0], sizes = [1, 8192], strides = [1, 1]} : vector<3x8192xf32> to vector<1x8192xf32>
    %get3A_6 = arith.constant 0 : index
    %get3A_7 = arith.constant 0 : index
    %get3A_8 = arith.constant 0 : index
    %get3A_9 = memref.load %arg1[%get3A_6, %get3A_7, %get3A_8] : memref<1x1x16xf32, #tpu.memory_space<smem>>
    %get3A_10 = arith.constant 0 : index
    %get3A_11 = arith.constant 0 : index
    %get3A_12 = arith.constant 1 : index
    %get3A_13 = memref.load %arg1[%get3A_10, %get3A_11, %get3A_12] : memref<1x1x16xf32, #tpu.memory_space<smem>>
    %get3A_14 = arith.constant 0 : index
    %get3A_15 = arith.constant 0 : index
    %get3A_16 = arith.constant 2 : index
    %get3A_17 = memref.load %arg1[%get3A_14, %get3A_15, %get3A_16] : memref<1x1x16xf32, #tpu.memory_space<smem>>
    %get3A_18 = arith.constant 0 : index
    %get3A_19 = arith.constant 0 : index
    %get3A_20 = arith.constant 3 : index
    %get3A_21 = memref.load %arg1[%get3A_18, %get3A_19, %get3A_20] : memref<1x1x16xf32, #tpu.memory_space<smem>>
    %get3A_22 = arith.constant 0 : index
    %get3A_23 = arith.constant 0 : index
    %get3A_24 = arith.constant 4 : index
    %get3A_25 = memref.load %arg1[%get3A_22, %get3A_23, %get3A_24] : memref<1x1x16xf32, #tpu.memory_space<smem>>
    %get3A_26 = arith.constant 0 : index
    %get3A_27 = arith.constant 0 : index
    %get3A_28 = arith.constant 5 : index
    %get3A_29 = memref.load %arg1[%get3A_26, %get3A_27, %get3A_28] : memref<1x1x16xf32, #tpu.memory_space<smem>>
    %get3A_30 = arith.constant 0 : index
    %get3A_31 = arith.constant 0 : index
    %get3A_32 = arith.constant 6 : index
    %get3A_33 = memref.load %arg1[%get3A_30, %get3A_31, %get3A_32] : memref<1x1x16xf32, #tpu.memory_space<smem>>
    %get3A_34 = arith.constant 0 : index
    %get3A_35 = arith.constant 0 : index
    %get3A_36 = arith.constant 7 : index
    %get3A_37 = memref.load %arg1[%get3A_34, %get3A_35, %get3A_36] : memref<1x1x16xf32, #tpu.memory_space<smem>>
    %get3A_38 = arith.constant 0 : index
    %get3A_39 = arith.constant 0 : index
    %get3A_40 = arith.constant 8 : index
    %get3A_41 = memref.load %arg1[%get3A_38, %get3A_39, %get3A_40] : memref<1x1x16xf32, #tpu.memory_space<smem>>
    %get3A_42 = arith.constant 0 : index
    %get3A_43 = arith.constant 0 : index
    %get3A_44 = arith.constant 9 : index
    %get3A_45 = memref.load %arg1[%get3A_42, %get3A_43, %get3A_44] : memref<1x1x16xf32, #tpu.memory_space<smem>>
    %get3A_46 = arith.constant 0 : index
    %get3A_47 = arith.constant 0 : index
    %get3A_48 = arith.constant 10 : index
    %get3A_49 = memref.load %arg1[%get3A_46, %get3A_47, %get3A_48] : memref<1x1x16xf32, #tpu.memory_space<smem>>
    %get3A_50 = arith.constant 0 : index
    %get3A_51 = arith.constant 0 : index
    %get3A_52 = arith.constant 11 : index
    %get3A_53 = memref.load %arg1[%get3A_50, %get3A_51, %get3A_52] : memref<1x1x16xf32, #tpu.memory_space<smem>>
    %get3A_54 = arith.constant 0 : index
    %get3A_55 = arith.constant 0 : index
    %get3A_56 = arith.constant 12 : index
    %get3A_57 = memref.load %arg1[%get3A_54, %get3A_55, %get3A_56] : memref<1x1x16xf32, #tpu.memory_space<smem>>
    %convert_element_type3A = arith.truncf %slice3A : vector<1x8192xf32> to vector<1x8192xbf16>
    %convert_element_type3A_58 = arith.extf %convert_element_type3A : vector<1x8192xbf16> to vector<1x8192xf32>
    %convert_element_type3A_59 = arith.truncf %slice3A_4 : vector<1x8192xf32> to vector<1x8192xbf16>
    %convert_element_type3A_60 = arith.extf %convert_element_type3A_59 : vector<1x8192xbf16> to vector<1x8192xf32>
    %convert_element_type3A_61 = arith.truncf %slice3A_5 : vector<1x8192xf32> to vector<1x8192xbf16>
    %convert_element_type3A_62 = arith.extf %convert_element_type3A_61 : vector<1x8192xbf16> to vector<1x8192xf32>
    %convert_element_type3A_63 = arith.truncf %get3A_9 : f32 to bf16
    %convert_element_type3A_64 = arith.extf %convert_element_type3A_63 : bf16 to f32
    %convert_element_type3A_65 = arith.truncf %get3A_13 : f32 to bf16
    %convert_element_type3A_66 = arith.extf %convert_element_type3A_65 : bf16 to f32
    %convert_element_type3A_67 = arith.truncf %get3A_17 : f32 to bf16
    %convert_element_type3A_68 = arith.extf %convert_element_type3A_67 : bf16 to f32
    %convert_element_type3A_69 = arith.truncf %get3A_21 : f32 to bf16
    %convert_element_type3A_70 = arith.extf %convert_element_type3A_69 : bf16 to f32
    %convert_element_type3A_71 = arith.truncf %get3A_25 : f32 to bf16
    %convert_element_type3A_72 = arith.extf %convert_element_type3A_71 : bf16 to f32
    %convert_element_type3A_73 = arith.truncf %get3A_29 : f32 to bf16
    %convert_element_type3A_74 = arith.extf %convert_element_type3A_73 : bf16 to f32
    %convert_element_type3A_75 = arith.truncf %get3A_33 : f32 to bf16
    %convert_element_type3A_76 = arith.extf %convert_element_type3A_75 : bf16 to f32
    %convert_element_type3A_77 = arith.truncf %get3A_37 : f32 to bf16
    %convert_element_type3A_78 = arith.extf %convert_element_type3A_77 : bf16 to f32
    %convert_element_type3A_79 = arith.truncf %get3A_41 : f32 to bf16
    %convert_element_type3A_80 = arith.extf %convert_element_type3A_79 : bf16 to f32
    %mul3A = vector.broadcast %convert_element_type3A_64 : f32 to vector<1x8192xf32>
    %mul3A_81 = arith.mulf %convert_element_type3A_58, %mul3A : vector<1x8192xf32>
    %mul3A_82 = vector.broadcast %convert_element_type3A_70 : f32 to vector<1x8192xf32>
    %mul3A_83 = arith.mulf %convert_element_type3A_60, %mul3A_82 : vector<1x8192xf32>
    %add3A = arith.addf %mul3A_81, %mul3A_83 : vector<1x8192xf32>
    %mul3A_84 = vector.broadcast %convert_element_type3A_76 : f32 to vector<1x8192xf32>
    %mul3A_85 = arith.mulf %convert_element_type3A_62, %mul3A_84 : vector<1x8192xf32>
    %add3A_86 = arith.addf %add3A, %mul3A_85 : vector<1x8192xf32>
    %add3A_87 = vector.broadcast %get3A_45 : f32 to vector<1x8192xf32>
    %add3A_88 = arith.addf %add3A_86, %add3A_87 : vector<1x8192xf32>
    %mul3A_89 = vector.broadcast %convert_element_type3A_66 : f32 to vector<1x8192xf32>
    %mul3A_90 = arith.mulf %convert_element_type3A_58, %mul3A_89 : vector<1x8192xf32>
    %mul3A_91 = vector.broadcast %convert_element_type3A_72 : f32 to vector<1x8192xf32>
    %mul3A_92 = arith.mulf %convert_element_type3A_60, %mul3A_91 : vector<1x8192xf32>
    %add3A_93 = arith.addf %mul3A_90, %mul3A_92 : vector<1x8192xf32>
    %mul3A_94 = vector.broadcast %convert_element_type3A_78 : f32 to vector<1x8192xf32>
    %mul3A_95 = arith.mulf %convert_element_type3A_62, %mul3A_94 : vector<1x8192xf32>
    %add3A_96 = arith.addf %add3A_93, %mul3A_95 : vector<1x8192xf32>
    %add3A_97 = vector.broadcast %get3A_49 : f32 to vector<1x8192xf32>
    %add3A_98 = arith.addf %add3A_96, %add3A_97 : vector<1x8192xf32>
    %mul3A_99 = vector.broadcast %convert_element_type3A_68 : f32 to vector<1x8192xf32>
    %mul3A_100 = arith.mulf %convert_element_type3A_58, %mul3A_99 : vector<1x8192xf32>
    %mul3A_101 = vector.broadcast %convert_element_type3A_74 : f32 to vector<1x8192xf32>
    %mul3A_102 = arith.mulf %convert_element_type3A_60, %mul3A_101 : vector<1x8192xf32>
    %add3A_103 = arith.addf %mul3A_100, %mul3A_102 : vector<1x8192xf32>
    %mul3A_104 = vector.broadcast %convert_element_type3A_80 : f32 to vector<1x8192xf32>
    %mul3A_105 = arith.mulf %convert_element_type3A_62, %mul3A_104 : vector<1x8192xf32>
    %add3A_106 = arith.addf %add3A_103, %mul3A_105 : vector<1x8192xf32>
    %add3A_107 = vector.broadcast %get3A_53 : f32 to vector<1x8192xf32>
    %add3A_108 = arith.addf %add3A_106, %add3A_107 : vector<1x8192xf32>
    %abs3A = math.absf %add3A_108 : vector<1x8192xf32>
    %lt3A = arith.constant 9.99999974E-6 : f32
    %lt3A_109 = vector.broadcast %lt3A : f32 to vector<1x8192xf32>
    %lt3A_110 = arith.cmpf olt, %abs3A, %lt3A_109 : vector<1x8192xf32>
    %jit3A = arith.constant 9.99999974E-6 : f32
    %broadcast_in_dim3A = vector.broadcast %jit3A : f32 to vector<1x8192xf32>
    %select_n3A = arith.select %lt3A_110, %broadcast_in_dim3A, %add3A_108 : vector<1x8192xi1>, vector<1x8192xf32>
    %mul3A_111 = vector.broadcast %get3A_57 : f32 to vector<1x8192xf32>
    %mul3A_112 = arith.mulf %mul3A_111, %add3A_88 : vector<1x8192xf32>
    %div3A = arith.divf %mul3A_112, %select_n3A : vector<1x8192xf32>
    %mul3A_113 = vector.broadcast %get3A_57 : f32 to vector<1x8192xf32>
    %mul3A_114 = arith.mulf %mul3A_113, %add3A_98 : vector<1x8192xf32>
    %div3A_115 = arith.divf %mul3A_114, %select_n3A : vector<1x8192xf32>
    %concatenate3A = tpu.concatenate %div3A, %div3A_115, %add3A_108 in 0 : vector<1x8192xf32>, vector<1x8192xf32>, vector<1x8192xf32> -> vector<3x8192xf32>
    %swap3A = arith.constant 0 : index
    %swap3A_116 = arith.constant 0 : index
    %swap3A_117 = arith.constant 0 : index
    %swap3A_118 = vector.load %arg3[%swap3A, %swap3A_116, %swap3A_117] : memref<1x3x8192xf32, #tpu.memory_space<vmem>>, vector<1x3x8192xf32>
    %swap3A_119 = vector.shape_cast %swap3A_118 : vector<1x3x8192xf32> to vector<3x8192xf32>
    %swap3A_120 = vector.shape_cast %concatenate3A : vector<3x8192xf32> to vector<1x3x8192xf32>
    tpu.vector_store %arg3[%swap3A, %swap3A_116, %swap3A_117], %swap3A_120 {strides = array<i32>} : memref<1x3x8192xf32, #tpu.memory_space<vmem>>, vector<1x3x8192xf32>,
    return
  }
  func.func @transform_0(%arg0: i32) -> (i32, i32, i32) {
    %c0_i32 = arith.constant 0 : i32
    %c0_i32_0 = arith.constant 0 : i32
    %c0_i32_1 = arith.constant 0 : i32
    return %arg0, %c0_i32, %c0_i32_0 : i32, i32, i32
  }
  func.func @transform_1(%arg0: i32) -> (i32, i32, i32) {
    %c0_i32 = arith.constant 0 : i32
    %c0_i32_0 = arith.constant 0 : i32
    %c0_i32_1 = arith.constant 0 : i32
    return %arg0, %c0_i32, %c0_i32_0 : i32, i32, i32
  }
  func.func @transform_2(%arg0: i32) -> (i32, i32, i32) {
    %c0_i32 = arith.constant 0 : i32
    %c0_i32_0 = arith.constant 0 : i32
    %c0_i32_1 = arith.constant 0 : i32
    return %arg0, %c0_i32, %c0_i32_0 : i32, i32, i32
  }
}

module attributes {stable_mosaic.version = 14 : i64} {
  func.func @_topk_kernel(%arg0: i32, %arg1: memref<192xi32, #tpu.memory_space<smem>>, %arg2: memref<1x4x8192xf32, #tpu.memory_space<vmem>>, %arg3: memref<1x1x96x8xi32, #tpu.memory_space<vmem>>, %arg4: memref<1x1x96x8xf32, #tpu.memory_space<vmem>>) attributes {dimension_semantics = [#tpu.dimension_semantics<arbitrary>], iteration_bounds = array<i64: 192>, scalar_prefetch = 1 : i64, scratch_operands = 0 : i64, tpu.core_type = #tpu.core_type<tc>, window_params = [{transform_indices = @transform_0, window_bounds = array<i64: 1, 4, 8192>}, {transform_indices = @transform_1, window_bounds = array<i64: 1, 1, 96, 8>}, {transform_indices = @transform_2, window_bounds = array<i64: 1, 1, 96, 8>}]} {
    %get3A = arith.index_cast %arg0 : i32 to index
    %get3A_0 = memref.load %arg1[%get3A] : memref<192xi32, #tpu.memory_space<smem>>
    %add3A = arith.constant 1023 : i32
    %add3A_1 = arith.addi %get3A_0, %add3A : i32
    %div3A = arith.constant 1024 : i32
    %div3A_2 = arith.divsi %add3A_1, %div3A : i32
    %iota3A = tpu.iota {dimensions = array<i32: 0>} : vector<96x1xi32>
    %convert_element_type3A = arith.sitofp %iota3A : vector<96x1xi32> to vector<96x1xf32>
    %add3A_3 = arith.constant 5.000000e-01 : f32
    %add3A_4 = vector.broadcast %add3A_3 : f32 to vector<96x1xf32>
    %add3A_5 = arith.addf %convert_element_type3A, %add3A_4 : vector<96x1xf32>
    %mul3A = arith.constant 2.000000e+00 : f32
    %mul3A_6 = vector.broadcast %mul3A : f32 to vector<96x1xf32>
    %mul3A_7 = arith.mulf %mul3A_6, %add3A_5 : vector<96x1xf32>
    %div3A_8 = arith.constant 9.600000e+01 : f32
    %div3A_9 = vector.broadcast %div3A_8 : f32 to vector<96x1xf32>
    %div3A_10 = arith.divf %mul3A_7, %div3A_9 : vector<96x1xf32>
    %sub3A = arith.constant 1.000000e+00 : f32
    %sub3A_11 = vector.broadcast %sub3A : f32 to vector<96x1xf32>
    %sub3A_12 = arith.subf %sub3A_11, %div3A_10 : vector<96x1xf32>
    %iota3A_13 = tpu.iota {dimensions = array<i32: 1>} : vector<96x1024xi32>
    %broadcast_in_dim3A = arith.constant 0x7F800000 : f32
    %broadcast_in_dim3A_14 = vector.broadcast %broadcast_in_dim3A : f32 to vector<96x8xf32>
    %broadcast_in_dim3A_15 = arith.constant 1.07374182E+9 : f32
    %broadcast_in_dim3A_16 = vector.broadcast %broadcast_in_dim3A_15 : f32 to vector<96x8xf32>
    %while3A = arith.constant 0 : i32
    %while3A_17 = arith.subi %div3A_2, %while3A : i32
    %while3A_18 = arith.addi %while3A, %while3A_17 : i32
    %while3A_19 = arith.constant 1 : i32
    %while3A_20 = arith.divsi %while3A_17, %while3A_19 : i32
    %while3A_21 = arith.muli %while3A_20, %while3A_19 : i32
    %while3A_22 = arith.addi %while3A, %while3A_21 : i32
    %while3A_23 = arith.constant 1 : i32
    %while3A_24:2 = scf.for %while3A_47 = %while3A to %while3A_22 step %while3A_23 iter_args(%while3A_48 = %broadcast_in_dim3A_14, %while3A_49 = %broadcast_in_dim3A_16) -> (vector<96x8xf32>, vector<96x8xf32>)  : i32 {
      %mul3A_50 = arith.constant 1024 : i32
      %mul3A_51 = arith.muli %while3A_47, %mul3A_50 : i32
      %multiple_of3A = tpu.assume_multiple %mul3A_51, 1024 : i32
      %get3A_52 = arith.constant 0 : index
      %get3A_53 = arith.constant 0 : index
      %get3A_54 = arith.index_cast %multiple_of3A : i32 to index
      %get3A_55 = vector.load %arg2[%get3A_52, %get3A_53, %get3A_54] : memref<1x4x8192xf32, #tpu.memory_space<vmem>>, vector<1x1x1024xf32>
      %get3A_56 = vector.shape_cast %get3A_55 : vector<1x1x1024xf32> to vector<1x1024xf32>
      %get3A_57 = arith.constant 0 : index
      %get3A_58 = arith.constant 1 : index
      %get3A_59 = arith.index_cast %multiple_of3A : i32 to index
      %get3A_60 = vector.load %arg2[%get3A_57, %get3A_58, %get3A_59] : memref<1x4x8192xf32, #tpu.memory_space<vmem>>, vector<1x1x1024xf32>
      %get3A_61 = vector.shape_cast %get3A_60 : vector<1x1x1024xf32> to vector<1x1024xf32>
      %get3A_62 = arith.constant 0 : index
      %get3A_63 = arith.constant 2 : index
      %get3A_64 = arith.index_cast %multiple_of3A : i32 to index
      %get3A_65 = vector.load %arg2[%get3A_62, %get3A_63, %get3A_64] : memref<1x4x8192xf32, #tpu.memory_space<vmem>>, vector<1x1x1024xf32>
      %get3A_66 = vector.shape_cast %get3A_65 : vector<1x1x1024xf32> to vector<1x1024xf32>
      %get3A_67 = arith.constant 0 : index
      %get3A_68 = arith.constant 3 : index
      %get3A_69 = arith.index_cast %multiple_of3A : i32 to index
      %get3A_70 = vector.load %arg2[%get3A_67, %get3A_68, %get3A_69] : memref<1x4x8192xf32, #tpu.memory_space<vmem>>, vector<1x1x1024xf32>
      %get3A_71 = vector.shape_cast %get3A_70 : vector<1x1x1024xf32> to vector<1x1024xf32>
      %sub3A_72 = vector.broadcast %get3A_56 : vector<1x1024xf32> to vector<96x1024xf32>
      %sub3A_73 = vector.broadcast %sub3A_12 : vector<96x1xf32> to vector<96x1024xf32>
      %sub3A_74 = arith.subf %sub3A_72, %sub3A_73 : vector<96x1024xf32>
      %integer_pow3A = arith.mulf %sub3A_74, %sub3A_74 : vector<96x1024xf32>
      %add3A_75 = vector.broadcast %get3A_61 : vector<1x1024xf32> to vector<96x1024xf32>
      %add3A_76 = arith.addf %integer_pow3A, %add3A_75 : vector<96x1024xf32>
      %add3A_77 = vector.broadcast %multiple_of3A : i32 to vector<96x1024xi32>
      %add3A_78 = arith.addi %iota3A_13, %add3A_77 : vector<96x1024xi32>
      %lt3A_79 = arith.constant 2.500000e-03 : f32
      %lt3A_80 = vector.broadcast %lt3A_79 : f32 to vector<96x1024xf32>
      %lt3A_81 = arith.cmpf olt, %add3A_76, %lt3A_80 : vector<96x1024xf32>
      %gt3A = arith.constant 0.000000e+00 : f32
      %gt3A_82 = vector.broadcast %gt3A : f32 to vector<1x1024xf32>
      %gt3A_83 = arith.cmpf ogt, %get3A_66, %gt3A_82 : vector<1x1024xf32>
      %and3A = vector.broadcast %gt3A_83 : vector<1x1024xi1> to vector<96x1024xi1>
      %and3A_84 = arith.andi %lt3A_81, %and3A : vector<96x1024xi1>
      %lt3A_85 = vector.broadcast %get3A_0 : i32 to vector<96x1024xi32>
      %lt3A_86 = arith.cmpi slt, %add3A_78, %lt3A_85 : vector<96x1024xi32>
      %and3A_87 = arith.andi %and3A_84, %lt3A_86 : vector<96x1024xi1>
      %jit3A_88 = arith.constant 0x7F800000 : f32
      %broadcast_in_dim3A_89 = vector.shape_cast %get3A_66 : vector<1x1024xf32> to vector<1x1024xf32>
      %broadcast_in_dim3A_90 = vector.broadcast %broadcast_in_dim3A_89 : vector<1x1024xf32> to vector<96x1024xf32>
      %broadcast_in_dim3A_91 = vector.broadcast %jit3A_88 : f32 to vector<96x1024xf32>
      %select_n3A_92 = arith.select %and3A_87, %broadcast_in_dim3A_90, %broadcast_in_dim3A_91 : vector<96x1024xi1>, vector<96x1024xf32>
      %jit3A_93 = arith.constant 1.07374182E+9 : f32
      %broadcast_in_dim3A_94 = vector.shape_cast %get3A_71 : vector<1x1024xf32> to vector<1x1024xf32>
      %broadcast_in_dim3A_95 = vector.broadcast %broadcast_in_dim3A_94 : vector<1x1024xf32> to vector<96x1024xf32>
      %broadcast_in_dim3A_96 = vector.broadcast %jit3A_93 : f32 to vector<96x1024xf32>
      %select_n3A_97 = arith.select %and3A_87, %broadcast_in_dim3A_95, %broadcast_in_dim3A_96 : vector<96x1024xi1>, vector<96x1024xf32>
      %reduce_min3A = arith.constant dense<0x7F800000> : vector<96xf32>
      %reduce_min3A_98 = vector.multi_reduction <minimumf>, %select_n3A_92, %reduce_min3A [1] : vector<96x1024xf32> to vector<96xf32>
      %broadcast_in_dim3A_99 = vector.shape_cast %reduce_min3A_98 : vector<96xf32> to vector<96x1xf32>
      %lt3A_100 = arith.constant 0x7F800000 : f32
      %lt3A_101 = vector.broadcast %lt3A_100 : f32 to vector<96x1xf32>
      %lt3A_102 = arith.cmpf olt, %broadcast_in_dim3A_99, %lt3A_101 : vector<96x1xf32>
      %eq3A = vector.broadcast %broadcast_in_dim3A_99 : vector<96x1xf32> to vector<96x1024xf32>
      %eq3A_103 = arith.cmpf oeq, %select_n3A_92, %eq3A : vector<96x1024xf32>
      %jit3A_104 = arith.constant 1.07374182E+9 : f32
      %broadcast_in_dim3A_105 = vector.broadcast %jit3A_104 : f32 to vector<96x1024xf32>
      %select_n3A_106 = arith.select %eq3A_103, %select_n3A_97, %broadcast_in_dim3A_105 : vector<96x1024xi1>, vector<96x1024xf32>
      %reduce_min3A_107 = arith.constant dense<0x7F800000> : vector<96xf32>
      %reduce_min3A_108 = vector.multi_reduction <minimumf>, %select_n3A_106, %reduce_min3A_107 [1] : vector<96x1024xf32> to vector<96xf32>
      %broadcast_in_dim3A_109 = vector.shape_cast %reduce_min3A_108 : vector<96xf32> to vector<96x1xf32>
      %jit3A_110 = arith.constant 1.07374182E+9 : f32
      %broadcast_in_dim3A_111 = vector.broadcast %jit3A_110 : f32 to vector<96x1xf32>
      %select_n3A_112 = arith.select %lt3A_102, %broadcast_in_dim3A_109, %broadcast_in_dim3A_111 : vector<96x1xi1>, vector<96x1xf32>
      %eq3A_113 = vector.broadcast %select_n3A_112 : vector<96x1xf32> to vector<96x1024xf32>
      %eq3A_114 = arith.cmpf oeq, %select_n3A_97, %eq3A_113 : vector<96x1024xf32>
      %jit3A_115 = arith.constant 0x7F800000 : f32
      %broadcast_in_dim3A_116 = vector.broadcast %jit3A_115 : f32 to vector<96x1024xf32>
      %select_n3A_117 = arith.select %eq3A_114, %broadcast_in_dim3A_116, %select_n3A_92 : vector<96x1024xi1>, vector<96x1024xf32>
      %reduce_min3A_118 = arith.constant dense<0x7F800000> : vector<96xf32>
      %reduce_min3A_119 = vector.multi_reduction <minimumf>, %select_n3A_117, %reduce_min3A_118 [1] : vector<96x1024xf32> to vector<96xf32>
      %broadcast_in_dim3A_120 = vector.shape_cast %reduce_min3A_119 : vector<96xf32> to vector<96x1xf32>
      %lt3A_121 = arith.constant 0x7F800000 : f32
      %lt3A_122 = vector.broadcast %lt3A_121 : f32 to vector<96x1xf32>
      %lt3A_123 = arith.cmpf olt, %broadcast_in_dim3A_120, %lt3A_122 : vector<96x1xf32>
      %eq3A_124 = vector.broadcast %broadcast_in_dim3A_120 : vector<96x1xf32> to vector<96x1024xf32>
      %eq3A_125 = arith.cmpf oeq, %select_n3A_117, %eq3A_124 : vector<96x1024xf32>
      %jit3A_126 = arith.constant 1.07374182E+9 : f32
      %broadcast_in_dim3A_127 = vector.broadcast %jit3A_126 : f32 to vector<96x1024xf32>
      %select_n3A_128 = arith.select %eq3A_125, %select_n3A_97, %broadcast_in_dim3A_127 : vector<96x1024xi1>, vector<96x1024xf32>
      %reduce_min3A_129 = arith.constant dense<0x7F800000> : vector<96xf32>
      %reduce_min3A_130 = vector.multi_reduction <minimumf>, %select_n3A_128, %reduce_min3A_129 [1] : vector<96x1024xf32> to vector<96xf32>
      %broadcast_in_dim3A_131 = vector.shape_cast %reduce_min3A_130 : vector<96xf32> to vector<96x1xf32>
      %jit3A_132 = arith.constant 1.07374182E+9 : f32
      %broadcast_in_dim3A_133 = vector.broadcast %jit3A_132 : f32 to vector<96x1xf32>
      %select_n3A_134 = arith.select %lt3A_123, %broadcast_in_dim3A_131, %broadcast_in_dim3A_133 : vector<96x1xi1>, vector<96x1xf32>
      %eq3A_135 = vector.broadcast %select_n3A_134 : vector<96x1xf32> to vector<96x1024xf32>
      %eq3A_136 = arith.cmpf oeq, %select_n3A_97, %eq3A_135 : vector<96x1024xf32>
      %jit3A_137 = arith.constant 0x7F800000 : f32
      %broadcast_in_dim3A_138 = vector.broadcast %jit3A_137 : f32 to vector<96x1024xf32>
      %select_n3A_139 = arith.select %eq3A_136, %broadcast_in_dim3A_138, %select_n3A_117 : vector<96x1024xi1>, vector<96x1024xf32>
      %reduce_min3A_140 = arith.constant dense<0x7F800000> : vector<96xf32>
      %reduce_min3A_141 = vector.multi_reduction <minimumf>, %select_n3A_139, %reduce_min3A_140 [1] : vector<96x1024xf32> to vector<96xf32>
      %broadcast_in_dim3A_142 = vector.shape_cast %reduce_min3A_141 : vector<96xf32> to vector<96x1xf32>
      %lt3A_143 = arith.constant 0x7F800000 : f32
      %lt3A_144 = vector.broadcast %lt3A_143 : f32 to vector<96x1xf32>
      %lt3A_145 = arith.cmpf olt, %broadcast_in_dim3A_142, %lt3A_144 : vector<96x1xf32>
      %eq3A_146 = vector.broadcast %broadcast_in_dim3A_142 : vector<96x1xf32> to vector<96x1024xf32>
      %eq3A_147 = arith.cmpf oeq, %select_n3A_139, %eq3A_146 : vector<96x1024xf32>
      %jit3A_148 = arith.constant 1.07374182E+9 : f32
      %broadcast_in_dim3A_149 = vector.broadcast %jit3A_148 : f32 to vector<96x1024xf32>
      %select_n3A_150 = arith.select %eq3A_147, %select_n3A_97, %broadcast_in_dim3A_149 : vector<96x1024xi1>, vector<96x1024xf32>
      %reduce_min3A_151 = arith.constant dense<0x7F800000> : vector<96xf32>
      %reduce_min3A_152 = vector.multi_reduction <minimumf>, %select_n3A_150, %reduce_min3A_151 [1] : vector<96x1024xf32> to vector<96xf32>
      %broadcast_in_dim3A_153 = vector.shape_cast %reduce_min3A_152 : vector<96xf32> to vector<96x1xf32>
      %jit3A_154 = arith.constant 1.07374182E+9 : f32
      %broadcast_in_dim3A_155 = vector.broadcast %jit3A_154 : f32 to vector<96x1xf32>
      %select_n3A_156 = arith.select %lt3A_145, %broadcast_in_dim3A_153, %broadcast_in_dim3A_155 : vector<96x1xi1>, vector<96x1xf32>
      %eq3A_157 = vector.broadcast %select_n3A_156 : vector<96x1xf32> to vector<96x1024xf32>
      %eq3A_158 = arith.cmpf oeq, %select_n3A_97, %eq3A_157 : vector<96x1024xf32>
      %jit3A_159 = arith.constant 0x7F800000 : f32
      %broadcast_in_dim3A_160 = vector.broadcast %jit3A_159 : f32 to vector<96x1024xf32>
      %select_n3A_161 = arith.select %eq3A_158, %broadcast_in_dim3A_160, %select_n3A_139 : vector<96x1024xi1>, vector<96x1024xf32>
      %reduce_min3A_162 = arith.constant dense<0x7F800000> : vector<96xf32>
      %reduce_min3A_163 = vector.multi_reduction <minimumf>, %select_n3A_161, %reduce_min3A_162 [1] : vector<96x1024xf32> to vector<96xf32>
      %broadcast_in_dim3A_164 = vector.shape_cast %reduce_min3A_163 : vector<96xf32> to vector<96x1xf32>
      %lt3A_165 = arith.constant 0x7F800000 : f32
      %lt3A_166 = vector.broadcast %lt3A_165 : f32 to vector<96x1xf32>
      %lt3A_167 = arith.cmpf olt, %broadcast_in_dim3A_164, %lt3A_166 : vector<96x1xf32>
      %eq3A_168 = vector.broadcast %broadcast_in_dim3A_164 : vector<96x1xf32> to vector<96x1024xf32>
      %eq3A_169 = arith.cmpf oeq, %select_n3A_161, %eq3A_168 : vector<96x1024xf32>
      %jit3A_170 = arith.constant 1.07374182E+9 : f32
      %broadcast_in_dim3A_171 = vector.broadcast %jit3A_170 : f32 to vector<96x1024xf32>
      %select_n3A_172 = arith.select %eq3A_169, %select_n3A_97, %broadcast_in_dim3A_171 : vector<96x1024xi1>, vector<96x1024xf32>
      %reduce_min3A_173 = arith.constant dense<0x7F800000> : vector<96xf32>
      %reduce_min3A_174 = vector.multi_reduction <minimumf>, %select_n3A_172, %reduce_min3A_173 [1] : vector<96x1024xf32> to vector<96xf32>
      %broadcast_in_dim3A_175 = vector.shape_cast %reduce_min3A_174 : vector<96xf32> to vector<96x1xf32>
      %jit3A_176 = arith.constant 1.07374182E+9 : f32
      %broadcast_in_dim3A_177 = vector.broadcast %jit3A_176 : f32 to vector<96x1xf32>
      %select_n3A_178 = arith.select %lt3A_167, %broadcast_in_dim3A_175, %broadcast_in_dim3A_177 : vector<96x1xi1>, vector<96x1xf32>
      %eq3A_179 = vector.broadcast %select_n3A_178 : vector<96x1xf32> to vector<96x1024xf32>
      %eq3A_180 = arith.cmpf oeq, %select_n3A_97, %eq3A_179 : vector<96x1024xf32>
      %jit3A_181 = arith.constant 0x7F800000 : f32
      %broadcast_in_dim3A_182 = vector.broadcast %jit3A_181 : f32 to vector<96x1024xf32>
      %select_n3A_183 = arith.select %eq3A_180, %broadcast_in_dim3A_182, %select_n3A_161 : vector<96x1024xi1>, vector<96x1024xf32>
      %reduce_min3A_184 = arith.constant dense<0x7F800000> : vector<96xf32>
      %reduce_min3A_185 = vector.multi_reduction <minimumf>, %select_n3A_183, %reduce_min3A_184 [1] : vector<96x1024xf32> to vector<96xf32>
      %broadcast_in_dim3A_186 = vector.shape_cast %reduce_min3A_185 : vector<96xf32> to vector<96x1xf32>
      %lt3A_187 = arith.constant 0x7F800000 : f32
      %lt3A_188 = vector.broadcast %lt3A_187 : f32 to vector<96x1xf32>
      %lt3A_189 = arith.cmpf olt, %broadcast_in_dim3A_186, %lt3A_188 : vector<96x1xf32>
      %eq3A_190 = vector.broadcast %broadcast_in_dim3A_186 : vector<96x1xf32> to vector<96x1024xf32>
      %eq3A_191 = arith.cmpf oeq, %select_n3A_183, %eq3A_190 : vector<96x1024xf32>
      %jit3A_192 = arith.constant 1.07374182E+9 : f32
      %broadcast_in_dim3A_193 = vector.broadcast %jit3A_192 : f32 to vector<96x1024xf32>
      %select_n3A_194 = arith.select %eq3A_191, %select_n3A_97, %broadcast_in_dim3A_193 : vector<96x1024xi1>, vector<96x1024xf32>
      %reduce_min3A_195 = arith.constant dense<0x7F800000> : vector<96xf32>
      %reduce_min3A_196 = vector.multi_reduction <minimumf>, %select_n3A_194, %reduce_min3A_195 [1] : vector<96x1024xf32> to vector<96xf32>
      %broadcast_in_dim3A_197 = vector.shape_cast %reduce_min3A_196 : vector<96xf32> to vector<96x1xf32>
      %jit3A_198 = arith.constant 1.07374182E+9 : f32
      %broadcast_in_dim3A_199 = vector.broadcast %jit3A_198 : f32 to vector<96x1xf32>
      %select_n3A_200 = arith.select %lt3A_189, %broadcast_in_dim3A_197, %broadcast_in_dim3A_199 : vector<96x1xi1>, vector<96x1xf32>
      %eq3A_201 = vector.broadcast %select_n3A_200 : vector<96x1xf32> to vector<96x1024xf32>
      %eq3A_202 = arith.cmpf oeq, %select_n3A_97, %eq3A_201 : vector<96x1024xf32>
      %jit3A_203 = arith.constant 0x7F800000 : f32
      %broadcast_in_dim3A_204 = vector.broadcast %jit3A_203 : f32 to vector<96x1024xf32>
      %select_n3A_205 = arith.select %eq3A_202, %broadcast_in_dim3A_204, %select_n3A_183 : vector<96x1024xi1>, vector<96x1024xf32>
      %reduce_min3A_206 = arith.constant dense<0x7F800000> : vector<96xf32>
      %reduce_min3A_207 = vector.multi_reduction <minimumf>, %select_n3A_205, %reduce_min3A_206 [1] : vector<96x1024xf32> to vector<96xf32>
      %broadcast_in_dim3A_208 = vector.shape_cast %reduce_min3A_207 : vector<96xf32> to vector<96x1xf32>
      %lt3A_209 = arith.constant 0x7F800000 : f32
      %lt3A_210 = vector.broadcast %lt3A_209 : f32 to vector<96x1xf32>
      %lt3A_211 = arith.cmpf olt, %broadcast_in_dim3A_208, %lt3A_210 : vector<96x1xf32>
      %eq3A_212 = vector.broadcast %broadcast_in_dim3A_208 : vector<96x1xf32> to vector<96x1024xf32>
      %eq3A_213 = arith.cmpf oeq, %select_n3A_205, %eq3A_212 : vector<96x1024xf32>
      %jit3A_214 = arith.constant 1.07374182E+9 : f32
      %broadcast_in_dim3A_215 = vector.broadcast %jit3A_214 : f32 to vector<96x1024xf32>
      %select_n3A_216 = arith.select %eq3A_213, %select_n3A_97, %broadcast_in_dim3A_215 : vector<96x1024xi1>, vector<96x1024xf32>
      %reduce_min3A_217 = arith.constant dense<0x7F800000> : vector<96xf32>
      %reduce_min3A_218 = vector.multi_reduction <minimumf>, %select_n3A_216, %reduce_min3A_217 [1] : vector<96x1024xf32> to vector<96xf32>
      %broadcast_in_dim3A_219 = vector.shape_cast %reduce_min3A_218 : vector<96xf32> to vector<96x1xf32>
      %jit3A_220 = arith.constant 1.07374182E+9 : f32
      %broadcast_in_dim3A_221 = vector.broadcast %jit3A_220 : f32 to vector<96x1xf32>
      %select_n3A_222 = arith.select %lt3A_211, %broadcast_in_dim3A_219, %broadcast_in_dim3A_221 : vector<96x1xi1>, vector<96x1xf32>
      %eq3A_223 = vector.broadcast %select_n3A_222 : vector<96x1xf32> to vector<96x1024xf32>
      %eq3A_224 = arith.cmpf oeq, %select_n3A_97, %eq3A_223 : vector<96x1024xf32>
      %jit3A_225 = arith.constant 0x7F800000 : f32
      %broadcast_in_dim3A_226 = vector.broadcast %jit3A_225 : f32 to vector<96x1024xf32>
      %select_n3A_227 = arith.select %eq3A_224, %broadcast_in_dim3A_226, %select_n3A_205 : vector<96x1024xi1>, vector<96x1024xf32>
      %reduce_min3A_228 = arith.constant dense<0x7F800000> : vector<96xf32>
      %reduce_min3A_229 = vector.multi_reduction <minimumf>, %select_n3A_227, %reduce_min3A_228 [1] : vector<96x1024xf32> to vector<96xf32>
      %broadcast_in_dim3A_230 = vector.shape_cast %reduce_min3A_229 : vector<96xf32> to vector<96x1xf32>
      %lt3A_231 = arith.constant 0x7F800000 : f32
      %lt3A_232 = vector.broadcast %lt3A_231 : f32 to vector<96x1xf32>
      %lt3A_233 = arith.cmpf olt, %broadcast_in_dim3A_230, %lt3A_232 : vector<96x1xf32>
      %eq3A_234 = vector.broadcast %broadcast_in_dim3A_230 : vector<96x1xf32> to vector<96x1024xf32>
      %eq3A_235 = arith.cmpf oeq, %select_n3A_227, %eq3A_234 : vector<96x1024xf32>
      %jit3A_236 = arith.constant 1.07374182E+9 : f32
      %broadcast_in_dim3A_237 = vector.broadcast %jit3A_236 : f32 to vector<96x1024xf32>
      %select_n3A_238 = arith.select %eq3A_235, %select_n3A_97, %broadcast_in_dim3A_237 : vector<96x1024xi1>, vector<96x1024xf32>
      %reduce_min3A_239 = arith.constant dense<0x7F800000> : vector<96xf32>
      %reduce_min3A_240 = vector.multi_reduction <minimumf>, %select_n3A_238, %reduce_min3A_239 [1] : vector<96x1024xf32> to vector<96xf32>
      %broadcast_in_dim3A_241 = vector.shape_cast %reduce_min3A_240 : vector<96xf32> to vector<96x1xf32>
      %jit3A_242 = arith.constant 1.07374182E+9 : f32
      %broadcast_in_dim3A_243 = vector.broadcast %jit3A_242 : f32 to vector<96x1xf32>
      %select_n3A_244 = arith.select %lt3A_233, %broadcast_in_dim3A_241, %broadcast_in_dim3A_243 : vector<96x1xi1>, vector<96x1xf32>
      %eq3A_245 = vector.broadcast %select_n3A_244 : vector<96x1xf32> to vector<96x1024xf32>
      %eq3A_246 = arith.cmpf oeq, %select_n3A_97, %eq3A_245 : vector<96x1024xf32>
      %jit3A_247 = arith.constant 0x7F800000 : f32
      %broadcast_in_dim3A_248 = vector.broadcast %jit3A_247 : f32 to vector<96x1024xf32>
      %select_n3A_249 = arith.select %eq3A_246, %broadcast_in_dim3A_248, %select_n3A_227 : vector<96x1024xi1>, vector<96x1024xf32>
      %reduce_min3A_250 = arith.constant dense<0x7F800000> : vector<96xf32>
      %reduce_min3A_251 = vector.multi_reduction <minimumf>, %select_n3A_249, %reduce_min3A_250 [1] : vector<96x1024xf32> to vector<96xf32>
      %broadcast_in_dim3A_252 = vector.shape_cast %reduce_min3A_251 : vector<96xf32> to vector<96x1xf32>
      %lt3A_253 = arith.constant 0x7F800000 : f32
      %lt3A_254 = vector.broadcast %lt3A_253 : f32 to vector<96x1xf32>
      %lt3A_255 = arith.cmpf olt, %broadcast_in_dim3A_252, %lt3A_254 : vector<96x1xf32>
      %eq3A_256 = vector.broadcast %broadcast_in_dim3A_252 : vector<96x1xf32> to vector<96x1024xf32>
      %eq3A_257 = arith.cmpf oeq, %select_n3A_249, %eq3A_256 : vector<96x1024xf32>
      %jit3A_258 = arith.constant 1.07374182E+9 : f32
      %broadcast_in_dim3A_259 = vector.broadcast %jit3A_258 : f32 to vector<96x1024xf32>
      %select_n3A_260 = arith.select %eq3A_257, %select_n3A_97, %broadcast_in_dim3A_259 : vector<96x1024xi1>, vector<96x1024xf32>
      %reduce_min3A_261 = arith.constant dense<0x7F800000> : vector<96xf32>
      %reduce_min3A_262 = vector.multi_reduction <minimumf>, %select_n3A_260, %reduce_min3A_261 [1] : vector<96x1024xf32> to vector<96xf32>
      %broadcast_in_dim3A_263 = vector.shape_cast %reduce_min3A_262 : vector<96xf32> to vector<96x1xf32>
      %jit3A_264 = arith.constant 1.07374182E+9 : f32
      %broadcast_in_dim3A_265 = vector.broadcast %jit3A_264 : f32 to vector<96x1xf32>
      %select_n3A_266 = arith.select %lt3A_255, %broadcast_in_dim3A_263, %broadcast_in_dim3A_265 : vector<96x1xi1>, vector<96x1xf32>
      %concatenate3A = tpu.concatenate %while3A_48, %broadcast_in_dim3A_99, %broadcast_in_dim3A_120, %broadcast_in_dim3A_142, %broadcast_in_dim3A_164, %broadcast_in_dim3A_186, %broadcast_in_dim3A_208, %broadcast_in_dim3A_230, %broadcast_in_dim3A_252 in 1 : vector<96x8xf32>, vector<96x1xf32>, vector<96x1xf32>, vector<96x1xf32>, vector<96x1xf32>, vector<96x1xf32>, vector<96x1xf32>, vector<96x1xf32>, vector<96x1xf32> -> vector<96x16xf32>
      %concatenate3A_267 = tpu.concatenate %while3A_49, %select_n3A_112, %select_n3A_134, %select_n3A_156, %select_n3A_178, %select_n3A_200, %select_n3A_222, %select_n3A_244, %select_n3A_266 in 1 : vector<96x8xf32>, vector<96x1xf32>, vector<96x1xf32>, vector<96x1xf32>, vector<96x1xf32>, vector<96x1xf32>, vector<96x1xf32>, vector<96x1xf32>, vector<96x1xf32> -> vector<96x16xf32>
      %reduce_min3A_268 = arith.constant dense<0x7F800000> : vector<96xf32>
      %reduce_min3A_269 = vector.multi_reduction <minimumf>, %concatenate3A, %reduce_min3A_268 [1] : vector<96x16xf32> to vector<96xf32>
      %broadcast_in_dim3A_270 = vector.shape_cast %reduce_min3A_269 : vector<96xf32> to vector<96x1xf32>
      %lt3A_271 = arith.constant 0x7F800000 : f32
      %lt3A_272 = vector.broadcast %lt3A_271 : f32 to vector<96x1xf32>
      %lt3A_273 = arith.cmpf olt, %broadcast_in_dim3A_270, %lt3A_272 : vector<96x1xf32>
      %eq3A_274 = vector.broadcast %broadcast_in_dim3A_270 : vector<96x1xf32> to vector<96x16xf32>
      %eq3A_275 = arith.cmpf oeq, %concatenate3A, %eq3A_274 : vector<96x16xf32>
      %jit3A_276 = arith.constant 1.07374182E+9 : f32
      %broadcast_in_dim3A_277 = vector.broadcast %jit3A_276 : f32 to vector<96x16xf32>
      %select_n3A_278 = arith.select %eq3A_275, %concatenate3A_267, %broadcast_in_dim3A_277 : vector<96x16xi1>, vector<96x16xf32>
      %reduce_min3A_279 = arith.constant dense<0x7F800000> : vector<96xf32>
      %reduce_min3A_280 = vector.multi_reduction <minimumf>, %select_n3A_278, %reduce_min3A_279 [1] : vector<96x16xf32> to vector<96xf32>
      %broadcast_in_dim3A_281 = vector.shape_cast %reduce_min3A_280 : vector<96xf32> to vector<96x1xf32>
      %jit3A_282 = arith.constant 1.07374182E+9 : f32
      %broadcast_in_dim3A_283 = vector.broadcast %jit3A_282 : f32 to vector<96x1xf32>
      %select_n3A_284 = arith.select %lt3A_273, %broadcast_in_dim3A_281, %broadcast_in_dim3A_283 : vector<96x1xi1>, vector<96x1xf32>
      %eq3A_285 = vector.broadcast %select_n3A_284 : vector<96x1xf32> to vector<96x16xf32>
      %eq3A_286 = arith.cmpf oeq, %concatenate3A_267, %eq3A_285 : vector<96x16xf32>
      %jit3A_287 = arith.constant 0x7F800000 : f32
      %broadcast_in_dim3A_288 = vector.broadcast %jit3A_287 : f32 to vector<96x16xf32>
      %select_n3A_289 = arith.select %eq3A_286, %broadcast_in_dim3A_288, %concatenate3A : vector<96x16xi1>, vector<96x16xf32>
      %reduce_min3A_290 = arith.constant dense<0x7F800000> : vector<96xf32>
      %reduce_min3A_291 = vector.multi_reduction <minimumf>, %select_n3A_289, %reduce_min3A_290 [1] : vector<96x16xf32> to vector<96xf32>
      %broadcast_in_dim3A_292 = vector.shape_cast %reduce_min3A_291 : vector<96xf32> to vector<96x1xf32>
      %lt3A_293 = arith.constant 0x7F800000 : f32
      %lt3A_294 = vector.broadcast %lt3A_293 : f32 to vector<96x1xf32>
      %lt3A_295 = arith.cmpf olt, %broadcast_in_dim3A_292, %lt3A_294 : vector<96x1xf32>
      %eq3A_296 = vector.broadcast %broadcast_in_dim3A_292 : vector<96x1xf32> to vector<96x16xf32>
      %eq3A_297 = arith.cmpf oeq, %select_n3A_289, %eq3A_296 : vector<96x16xf32>
      %jit3A_298 = arith.constant 1.07374182E+9 : f32
      %broadcast_in_dim3A_299 = vector.broadcast %jit3A_298 : f32 to vector<96x16xf32>
      %select_n3A_300 = arith.select %eq3A_297, %concatenate3A_267, %broadcast_in_dim3A_299 : vector<96x16xi1>, vector<96x16xf32>
      %reduce_min3A_301 = arith.constant dense<0x7F800000> : vector<96xf32>
      %reduce_min3A_302 = vector.multi_reduction <minimumf>, %select_n3A_300, %reduce_min3A_301 [1] : vector<96x16xf32> to vector<96xf32>
      %broadcast_in_dim3A_303 = vector.shape_cast %reduce_min3A_302 : vector<96xf32> to vector<96x1xf32>
      %jit3A_304 = arith.constant 1.07374182E+9 : f32
      %broadcast_in_dim3A_305 = vector.broadcast %jit3A_304 : f32 to vector<96x1xf32>
      %select_n3A_306 = arith.select %lt3A_295, %broadcast_in_dim3A_303, %broadcast_in_dim3A_305 : vector<96x1xi1>, vector<96x1xf32>
      %eq3A_307 = vector.broadcast %select_n3A_306 : vector<96x1xf32> to vector<96x16xf32>
      %eq3A_308 = arith.cmpf oeq, %concatenate3A_267, %eq3A_307 : vector<96x16xf32>
      %jit3A_309 = arith.constant 0x7F800000 : f32
      %broadcast_in_dim3A_310 = vector.broadcast %jit3A_309 : f32 to vector<96x16xf32>
      %select_n3A_311 = arith.select %eq3A_308, %broadcast_in_dim3A_310, %select_n3A_289 : vector<96x16xi1>, vector<96x16xf32>
      %reduce_min3A_312 = arith.constant dense<0x7F800000> : vector<96xf32>
      %reduce_min3A_313 = vector.multi_reduction <minimumf>, %select_n3A_311, %reduce_min3A_312 [1] : vector<96x16xf32> to vector<96xf32>
      %broadcast_in_dim3A_314 = vector.shape_cast %reduce_min3A_313 : vector<96xf32> to vector<96x1xf32>
      %lt3A_315 = arith.constant 0x7F800000 : f32
      %lt3A_316 = vector.broadcast %lt3A_315 : f32 to vector<96x1xf32>
      %lt3A_317 = arith.cmpf olt, %broadcast_in_dim3A_314, %lt3A_316 : vector<96x1xf32>
      %eq3A_318 = vector.broadcast %broadcast_in_dim3A_314 : vector<96x1xf32> to vector<96x16xf32>
      %eq3A_319 = arith.cmpf oeq, %select_n3A_311, %eq3A_318 : vector<96x16xf32>
      %jit3A_320 = arith.constant 1.07374182E+9 : f32
      %broadcast_in_dim3A_321 = vector.broadcast %jit3A_320 : f32 to vector<96x16xf32>
      %select_n3A_322 = arith.select %eq3A_319, %concatenate3A_267, %broadcast_in_dim3A_321 : vector<96x16xi1>, vector<96x16xf32>
      %reduce_min3A_323 = arith.constant dense<0x7F800000> : vector<96xf32>
      %reduce_min3A_324 = vector.multi_reduction <minimumf>, %select_n3A_322, %reduce_min3A_323 [1] : vector<96x16xf32> to vector<96xf32>
      %broadcast_in_dim3A_325 = vector.shape_cast %reduce_min3A_324 : vector<96xf32> to vector<96x1xf32>
      %jit3A_326 = arith.constant 1.07374182E+9 : f32
      %broadcast_in_dim3A_327 = vector.broadcast %jit3A_326 : f32 to vector<96x1xf32>
      %select_n3A_328 = arith.select %lt3A_317, %broadcast_in_dim3A_325, %broadcast_in_dim3A_327 : vector<96x1xi1>, vector<96x1xf32>
      %eq3A_329 = vector.broadcast %select_n3A_328 : vector<96x1xf32> to vector<96x16xf32>
      %eq3A_330 = arith.cmpf oeq, %concatenate3A_267, %eq3A_329 : vector<96x16xf32>
      %jit3A_331 = arith.constant 0x7F800000 : f32
      %broadcast_in_dim3A_332 = vector.broadcast %jit3A_331 : f32 to vector<96x16xf32>
      %select_n3A_333 = arith.select %eq3A_330, %broadcast_in_dim3A_332, %select_n3A_311 : vector<96x16xi1>, vector<96x16xf32>
      %reduce_min3A_334 = arith.constant dense<0x7F800000> : vector<96xf32>
      %reduce_min3A_335 = vector.multi_reduction <minimumf>, %select_n3A_333, %reduce_min3A_334 [1] : vector<96x16xf32> to vector<96xf32>
      %broadcast_in_dim3A_336 = vector.shape_cast %reduce_min3A_335 : vector<96xf32> to vector<96x1xf32>
      %lt3A_337 = arith.constant 0x7F800000 : f32
      %lt3A_338 = vector.broadcast %lt3A_337 : f32 to vector<96x1xf32>
      %lt3A_339 = arith.cmpf olt, %broadcast_in_dim3A_336, %lt3A_338 : vector<96x1xf32>
      %eq3A_340 = vector.broadcast %broadcast_in_dim3A_336 : vector<96x1xf32> to vector<96x16xf32>
      %eq3A_341 = arith.cmpf oeq, %select_n3A_333, %eq3A_340 : vector<96x16xf32>
      %jit3A_342 = arith.constant 1.07374182E+9 : f32
      %broadcast_in_dim3A_343 = vector.broadcast %jit3A_342 : f32 to vector<96x16xf32>
      %select_n3A_344 = arith.select %eq3A_341, %concatenate3A_267, %broadcast_in_dim3A_343 : vector<96x16xi1>, vector<96x16xf32>
      %reduce_min3A_345 = arith.constant dense<0x7F800000> : vector<96xf32>
      %reduce_min3A_346 = vector.multi_reduction <minimumf>, %select_n3A_344, %reduce_min3A_345 [1] : vector<96x16xf32> to vector<96xf32>
      %broadcast_in_dim3A_347 = vector.shape_cast %reduce_min3A_346 : vector<96xf32> to vector<96x1xf32>
      %jit3A_348 = arith.constant 1.07374182E+9 : f32
      %broadcast_in_dim3A_349 = vector.broadcast %jit3A_348 : f32 to vector<96x1xf32>
      %select_n3A_350 = arith.select %lt3A_339, %broadcast_in_dim3A_347, %broadcast_in_dim3A_349 : vector<96x1xi1>, vector<96x1xf32>
      %eq3A_351 = vector.broadcast %select_n3A_350 : vector<96x1xf32> to vector<96x16xf32>
      %eq3A_352 = arith.cmpf oeq, %concatenate3A_267, %eq3A_351 : vector<96x16xf32>
      %jit3A_353 = arith.constant 0x7F800000 : f32
      %broadcast_in_dim3A_354 = vector.broadcast %jit3A_353 : f32 to vector<96x16xf32>
      %select_n3A_355 = arith.select %eq3A_352, %broadcast_in_dim3A_354, %select_n3A_333 : vector<96x16xi1>, vector<96x16xf32>
      %reduce_min3A_356 = arith.constant dense<0x7F800000> : vector<96xf32>
      %reduce_min3A_357 = vector.multi_reduction <minimumf>, %select_n3A_355, %reduce_min3A_356 [1] : vector<96x16xf32> to vector<96xf32>
      %broadcast_in_dim3A_358 = vector.shape_cast %reduce_min3A_357 : vector<96xf32> to vector<96x1xf32>
      %lt3A_359 = arith.constant 0x7F800000 : f32
      %lt3A_360 = vector.broadcast %lt3A_359 : f32 to vector<96x1xf32>
      %lt3A_361 = arith.cmpf olt, %broadcast_in_dim3A_358, %lt3A_360 : vector<96x1xf32>
      %eq3A_362 = vector.broadcast %broadcast_in_dim3A_358 : vector<96x1xf32> to vector<96x16xf32>
      %eq3A_363 = arith.cmpf oeq, %select_n3A_355, %eq3A_362 : vector<96x16xf32>
      %jit3A_364 = arith.constant 1.07374182E+9 : f32
      %broadcast_in_dim3A_365 = vector.broadcast %jit3A_364 : f32 to vector<96x16xf32>
      %select_n3A_366 = arith.select %eq3A_363, %concatenate3A_267, %broadcast_in_dim3A_365 : vector<96x16xi1>, vector<96x16xf32>
      %reduce_min3A_367 = arith.constant dense<0x7F800000> : vector<96xf32>
      %reduce_min3A_368 = vector.multi_reduction <minimumf>, %select_n3A_366, %reduce_min3A_367 [1] : vector<96x16xf32> to vector<96xf32>
      %broadcast_in_dim3A_369 = vector.shape_cast %reduce_min3A_368 : vector<96xf32> to vector<96x1xf32>
      %jit3A_370 = arith.constant 1.07374182E+9 : f32
      %broadcast_in_dim3A_371 = vector.broadcast %jit3A_370 : f32 to vector<96x1xf32>
      %select_n3A_372 = arith.select %lt3A_361, %broadcast_in_dim3A_369, %broadcast_in_dim3A_371 : vector<96x1xi1>, vector<96x1xf32>
      %eq3A_373 = vector.broadcast %select_n3A_372 : vector<96x1xf32> to vector<96x16xf32>
      %eq3A_374 = arith.cmpf oeq, %concatenate3A_267, %eq3A_373 : vector<96x16xf32>
      %jit3A_375 = arith.constant 0x7F800000 : f32
      %broadcast_in_dim3A_376 = vector.broadcast %jit3A_375 : f32 to vector<96x16xf32>
      %select_n3A_377 = arith.select %eq3A_374, %broadcast_in_dim3A_376, %select_n3A_355 : vector<96x16xi1>, vector<96x16xf32>
      %reduce_min3A_378 = arith.constant dense<0x7F800000> : vector<96xf32>
      %reduce_min3A_379 = vector.multi_reduction <minimumf>, %select_n3A_377, %reduce_min3A_378 [1] : vector<96x16xf32> to vector<96xf32>
      %broadcast_in_dim3A_380 = vector.shape_cast %reduce_min3A_379 : vector<96xf32> to vector<96x1xf32>
      %lt3A_381 = arith.constant 0x7F800000 : f32
      %lt3A_382 = vector.broadcast %lt3A_381 : f32 to vector<96x1xf32>
      %lt3A_383 = arith.cmpf olt, %broadcast_in_dim3A_380, %lt3A_382 : vector<96x1xf32>
      %eq3A_384 = vector.broadcast %broadcast_in_dim3A_380 : vector<96x1xf32> to vector<96x16xf32>
      %eq3A_385 = arith.cmpf oeq, %select_n3A_377, %eq3A_384 : vector<96x16xf32>
      %jit3A_386 = arith.constant 1.07374182E+9 : f32
      %broadcast_in_dim3A_387 = vector.broadcast %jit3A_386 : f32 to vector<96x16xf32>
      %select_n3A_388 = arith.select %eq3A_385, %concatenate3A_267, %broadcast_in_dim3A_387 : vector<96x16xi1>, vector<96x16xf32>
      %reduce_min3A_389 = arith.constant dense<0x7F800000> : vector<96xf32>
      %reduce_min3A_390 = vector.multi_reduction <minimumf>, %select_n3A_388, %reduce_min3A_389 [1] : vector<96x16xf32> to vector<96xf32>
      %broadcast_in_dim3A_391 = vector.shape_cast %reduce_min3A_390 : vector<96xf32> to vector<96x1xf32>
      %jit3A_392 = arith.constant 1.07374182E+9 : f32
      %broadcast_in_dim3A_393 = vector.broadcast %jit3A_392 : f32 to vector<96x1xf32>
      %select_n3A_394 = arith.select %lt3A_383, %broadcast_in_dim3A_391, %broadcast_in_dim3A_393 : vector<96x1xi1>, vector<96x1xf32>
      %eq3A_395 = vector.broadcast %select_n3A_394 : vector<96x1xf32> to vector<96x16xf32>
      %eq3A_396 = arith.cmpf oeq, %concatenate3A_267, %eq3A_395 : vector<96x16xf32>
      %jit3A_397 = arith.constant 0x7F800000 : f32
      %broadcast_in_dim3A_398 = vector.broadcast %jit3A_397 : f32 to vector<96x16xf32>
      %select_n3A_399 = arith.select %eq3A_396, %broadcast_in_dim3A_398, %select_n3A_377 : vector<96x16xi1>, vector<96x16xf32>
      %reduce_min3A_400 = arith.constant dense<0x7F800000> : vector<96xf32>
      %reduce_min3A_401 = vector.multi_reduction <minimumf>, %select_n3A_399, %reduce_min3A_400 [1] : vector<96x16xf32> to vector<96xf32>
      %broadcast_in_dim3A_402 = vector.shape_cast %reduce_min3A_401 : vector<96xf32> to vector<96x1xf32>
      %lt3A_403 = arith.constant 0x7F800000 : f32
      %lt3A_404 = vector.broadcast %lt3A_403 : f32 to vector<96x1xf32>
      %lt3A_405 = arith.cmpf olt, %broadcast_in_dim3A_402, %lt3A_404 : vector<96x1xf32>
      %eq3A_406 = vector.broadcast %broadcast_in_dim3A_402 : vector<96x1xf32> to vector<96x16xf32>
      %eq3A_407 = arith.cmpf oeq, %select_n3A_399, %eq3A_406 : vector<96x16xf32>
      %jit3A_408 = arith.constant 1.07374182E+9 : f32
      %broadcast_in_dim3A_409 = vector.broadcast %jit3A_408 : f32 to vector<96x16xf32>
      %select_n3A_410 = arith.select %eq3A_407, %concatenate3A_267, %broadcast_in_dim3A_409 : vector<96x16xi1>, vector<96x16xf32>
      %reduce_min3A_411 = arith.constant dense<0x7F800000> : vector<96xf32>
      %reduce_min3A_412 = vector.multi_reduction <minimumf>, %select_n3A_410, %reduce_min3A_411 [1] : vector<96x16xf32> to vector<96xf32>
      %broadcast_in_dim3A_413 = vector.shape_cast %reduce_min3A_412 : vector<96xf32> to vector<96x1xf32>
      %jit3A_414 = arith.constant 1.07374182E+9 : f32
      %broadcast_in_dim3A_415 = vector.broadcast %jit3A_414 : f32 to vector<96x1xf32>
      %select_n3A_416 = arith.select %lt3A_405, %broadcast_in_dim3A_413, %broadcast_in_dim3A_415 : vector<96x1xi1>, vector<96x1xf32>
      %eq3A_417 = vector.broadcast %select_n3A_416 : vector<96x1xf32> to vector<96x16xf32>
      %eq3A_418 = arith.cmpf oeq, %concatenate3A_267, %eq3A_417 : vector<96x16xf32>
      %jit3A_419 = arith.constant 0x7F800000 : f32
      %broadcast_in_dim3A_420 = vector.broadcast %jit3A_419 : f32 to vector<96x16xf32>
      %select_n3A_421 = arith.select %eq3A_418, %broadcast_in_dim3A_420, %select_n3A_399 : vector<96x16xi1>, vector<96x16xf32>
      %reduce_min3A_422 = arith.constant dense<0x7F800000> : vector<96xf32>
      %reduce_min3A_423 = vector.multi_reduction <minimumf>, %select_n3A_421, %reduce_min3A_422 [1] : vector<96x16xf32> to vector<96xf32>
      %broadcast_in_dim3A_424 = vector.shape_cast %reduce_min3A_423 : vector<96xf32> to vector<96x1xf32>
      %lt3A_425 = arith.constant 0x7F800000 : f32
      %lt3A_426 = vector.broadcast %lt3A_425 : f32 to vector<96x1xf32>
      %lt3A_427 = arith.cmpf olt, %broadcast_in_dim3A_424, %lt3A_426 : vector<96x1xf32>
      %eq3A_428 = vector.broadcast %broadcast_in_dim3A_424 : vector<96x1xf32> to vector<96x16xf32>
      %eq3A_429 = arith.cmpf oeq, %select_n3A_421, %eq3A_428 : vector<96x16xf32>
      %jit3A_430 = arith.constant 1.07374182E+9 : f32
      %broadcast_in_dim3A_431 = vector.broadcast %jit3A_430 : f32 to vector<96x16xf32>
      %select_n3A_432 = arith.select %eq3A_429, %concatenate3A_267, %broadcast_in_dim3A_431 : vector<96x16xi1>, vector<96x16xf32>
      %reduce_min3A_433 = arith.constant dense<0x7F800000> : vector<96xf32>
      %reduce_min3A_434 = vector.multi_reduction <minimumf>, %select_n3A_432, %reduce_min3A_433 [1] : vector<96x16xf32> to vector<96xf32>
      %broadcast_in_dim3A_435 = vector.shape_cast %reduce_min3A_434 : vector<96xf32> to vector<96x1xf32>
      %jit3A_436 = arith.constant 1.07374182E+9 : f32
      %broadcast_in_dim3A_437 = vector.broadcast %jit3A_436 : f32 to vector<96x1xf32>
      %select_n3A_438 = arith.select %lt3A_427, %broadcast_in_dim3A_435, %broadcast_in_dim3A_437 : vector<96x1xi1>, vector<96x1xf32>
      %concatenate3A_439 = tpu.concatenate %broadcast_in_dim3A_270, %broadcast_in_dim3A_292, %broadcast_in_dim3A_314, %broadcast_in_dim3A_336, %broadcast_in_dim3A_358, %broadcast_in_dim3A_380, %broadcast_in_dim3A_402, %broadcast_in_dim3A_424 in 1 : vector<96x1xf32>, vector<96x1xf32>, vector<96x1xf32>, vector<96x1xf32>, vector<96x1xf32>, vector<96x1xf32>, vector<96x1xf32>, vector<96x1xf32> -> vector<96x8xf32>
      %concatenate3A_440 = tpu.concatenate %select_n3A_284, %select_n3A_306, %select_n3A_328, %select_n3A_350, %select_n3A_372, %select_n3A_394, %select_n3A_416, %select_n3A_438 in 1 : vector<96x1xf32>, vector<96x1xf32>, vector<96x1xf32>, vector<96x1xf32>, vector<96x1xf32>, vector<96x1xf32>, vector<96x1xf32>, vector<96x1xf32> -> vector<96x8xf32>
      scf.yield %concatenate3A_439, %concatenate3A_440 : vector<96x8xf32>, vector<96x8xf32>
    }
    %while3A_25 = arith.constant 1 : i32
    %while3A_26:2 = scf.for %while3A_47 = %while3A_22 to %while3A_18 step %while3A_25 iter_args(%while3A_48 = %while3A_24#0, %while3A_49 = %while3A_24#1) -> (vector<96x8xf32>, vector<96x8xf32>)  : i32 {
      %mul3A_50 = arith.constant 1024 : i32
      %mul3A_51 = arith.muli %while3A_47, %mul3A_50 : i32
      %multiple_of3A = tpu.assume_multiple %mul3A_51, 1024 : i32
      %get3A_52 = arith.constant 0 : index
      %get3A_53 = arith.constant 0 : index
      %get3A_54 = arith.index_cast %multiple_of3A : i32 to index
      %get3A_55 = vector.load %arg2[%get3A_52, %get3A_53, %get3A_54] : memref<1x4x8192xf32, #tpu.memory_space<vmem>>, vector<1x1x1024xf32>
      %get3A_56 = vector.shape_cast %get3A_55 : vector<1x1x1024xf32> to vector<1x1024xf32>
      %get3A_57 = arith.constant 0 : index
      %get3A_58 = arith.constant 1 : index
      %get3A_59 = arith.index_cast %multiple_of3A : i32 to index
      %get3A_60 = vector.load %arg2[%get3A_57, %get3A_58, %get3A_59] : memref<1x4x8192xf32, #tpu.memory_space<vmem>>, vector<1x1x1024xf32>
      %get3A_61 = vector.shape_cast %get3A_60 : vector<1x1x1024xf32> to vector<1x1024xf32>
      %get3A_62 = arith.constant 0 : index
      %get3A_63 = arith.constant 2 : index
      %get3A_64 = arith.index_cast %multiple_of3A : i32 to index
      %get3A_65 = vector.load %arg2[%get3A_62, %get3A_63, %get3A_64] : memref<1x4x8192xf32, #tpu.memory_space<vmem>>, vector<1x1x1024xf32>
      %get3A_66 = vector.shape_cast %get3A_65 : vector<1x1x1024xf32> to vector<1x1024xf32>
      %get3A_67 = arith.constant 0 : index
      %get3A_68 = arith.constant 3 : index
      %get3A_69 = arith.index_cast %multiple_of3A : i32 to index
      %get3A_70 = vector.load %arg2[%get3A_67, %get3A_68, %get3A_69] : memref<1x4x8192xf32, #tpu.memory_space<vmem>>, vector<1x1x1024xf32>
      %get3A_71 = vector.shape_cast %get3A_70 : vector<1x1x1024xf32> to vector<1x1024xf32>
      %sub3A_72 = vector.broadcast %get3A_56 : vector<1x1024xf32> to vector<96x1024xf32>
      %sub3A_73 = vector.broadcast %sub3A_12 : vector<96x1xf32> to vector<96x1024xf32>
      %sub3A_74 = arith.subf %sub3A_72, %sub3A_73 : vector<96x1024xf32>
      %integer_pow3A = arith.mulf %sub3A_74, %sub3A_74 : vector<96x1024xf32>
      %add3A_75 = vector.broadcast %get3A_61 : vector<1x1024xf32> to vector<96x1024xf32>
      %add3A_76 = arith.addf %integer_pow3A, %add3A_75 : vector<96x1024xf32>
      %add3A_77 = vector.broadcast %multiple_of3A : i32 to vector<96x1024xi32>
      %add3A_78 = arith.addi %iota3A_13, %add3A_77 : vector<96x1024xi32>
      %lt3A_79 = arith.constant 2.500000e-03 : f32
      %lt3A_80 = vector.broadcast %lt3A_79 : f32 to vector<96x1024xf32>
      %lt3A_81 = arith.cmpf olt, %add3A_76, %lt3A_80 : vector<96x1024xf32>
      %gt3A = arith.constant 0.000000e+00 : f32
      %gt3A_82 = vector.broadcast %gt3A : f32 to vector<1x1024xf32>
      %gt3A_83 = arith.cmpf ogt, %get3A_66, %gt3A_82 : vector<1x1024xf32>
      %and3A = vector.broadcast %gt3A_83 : vector<1x1024xi1> to vector<96x1024xi1>
      %and3A_84 = arith.andi %lt3A_81, %and3A : vector<96x1024xi1>
      %lt3A_85 = vector.broadcast %get3A_0 : i32 to vector<96x1024xi32>
      %lt3A_86 = arith.cmpi slt, %add3A_78, %lt3A_85 : vector<96x1024xi32>
      %and3A_87 = arith.andi %and3A_84, %lt3A_86 : vector<96x1024xi1>
      %jit3A_88 = arith.constant 0x7F800000 : f32
      %broadcast_in_dim3A_89 = vector.shape_cast %get3A_66 : vector<1x1024xf32> to vector<1x1024xf32>
      %broadcast_in_dim3A_90 = vector.broadcast %broadcast_in_dim3A_89 : vector<1x1024xf32> to vector<96x1024xf32>
      %broadcast_in_dim3A_91 = vector.broadcast %jit3A_88 : f32 to vector<96x1024xf32>
      %select_n3A_92 = arith.select %and3A_87, %broadcast_in_dim3A_90, %broadcast_in_dim3A_91 : vector<96x1024xi1>, vector<96x1024xf32>
      %jit3A_93 = arith.constant 1.07374182E+9 : f32
      %broadcast_in_dim3A_94 = vector.shape_cast %get3A_71 : vector<1x1024xf32> to vector<1x1024xf32>
      %broadcast_in_dim3A_95 = vector.broadcast %broadcast_in_dim3A_94 : vector<1x1024xf32> to vector<96x1024xf32>
      %broadcast_in_dim3A_96 = vector.broadcast %jit3A_93 : f32 to vector<96x1024xf32>
      %select_n3A_97 = arith.select %and3A_87, %broadcast_in_dim3A_95, %broadcast_in_dim3A_96 : vector<96x1024xi1>, vector<96x1024xf32>
      %reduce_min3A = arith.constant dense<0x7F800000> : vector<96xf32>
      %reduce_min3A_98 = vector.multi_reduction <minimumf>, %select_n3A_92, %reduce_min3A [1] : vector<96x1024xf32> to vector<96xf32>
      %broadcast_in_dim3A_99 = vector.shape_cast %reduce_min3A_98 : vector<96xf32> to vector<96x1xf32>
      %lt3A_100 = arith.constant 0x7F800000 : f32
      %lt3A_101 = vector.broadcast %lt3A_100 : f32 to vector<96x1xf32>
      %lt3A_102 = arith.cmpf olt, %broadcast_in_dim3A_99, %lt3A_101 : vector<96x1xf32>
      %eq3A = vector.broadcast %broadcast_in_dim3A_99 : vector<96x1xf32> to vector<96x1024xf32>
      %eq3A_103 = arith.cmpf oeq, %select_n3A_92, %eq3A : vector<96x1024xf32>
      %jit3A_104 = arith.constant 1.07374182E+9 : f32
      %broadcast_in_dim3A_105 = vector.broadcast %jit3A_104 : f32 to vector<96x1024xf32>
      %select_n3A_106 = arith.select %eq3A_103, %select_n3A_97, %broadcast_in_dim3A_105 : vector<96x1024xi1>, vector<96x1024xf32>
      %reduce_min3A_107 = arith.constant dense<0x7F800000> : vector<96xf32>
      %reduce_min3A_108 = vector.multi_reduction <minimumf>, %select_n3A_106, %reduce_min3A_107 [1] : vector<96x1024xf32> to vector<96xf32>
      %broadcast_in_dim3A_109 = vector.shape_cast %reduce_min3A_108 : vector<96xf32> to vector<96x1xf32>
      %jit3A_110 = arith.constant 1.07374182E+9 : f32
      %broadcast_in_dim3A_111 = vector.broadcast %jit3A_110 : f32 to vector<96x1xf32>
      %select_n3A_112 = arith.select %lt3A_102, %broadcast_in_dim3A_109, %broadcast_in_dim3A_111 : vector<96x1xi1>, vector<96x1xf32>
      %eq3A_113 = vector.broadcast %select_n3A_112 : vector<96x1xf32> to vector<96x1024xf32>
      %eq3A_114 = arith.cmpf oeq, %select_n3A_97, %eq3A_113 : vector<96x1024xf32>
      %jit3A_115 = arith.constant 0x7F800000 : f32
      %broadcast_in_dim3A_116 = vector.broadcast %jit3A_115 : f32 to vector<96x1024xf32>
      %select_n3A_117 = arith.select %eq3A_114, %broadcast_in_dim3A_116, %select_n3A_92 : vector<96x1024xi1>, vector<96x1024xf32>
      %reduce_min3A_118 = arith.constant dense<0x7F800000> : vector<96xf32>
      %reduce_min3A_119 = vector.multi_reduction <minimumf>, %select_n3A_117, %reduce_min3A_118 [1] : vector<96x1024xf32> to vector<96xf32>
      %broadcast_in_dim3A_120 = vector.shape_cast %reduce_min3A_119 : vector<96xf32> to vector<96x1xf32>
      %lt3A_121 = arith.constant 0x7F800000 : f32
      %lt3A_122 = vector.broadcast %lt3A_121 : f32 to vector<96x1xf32>
      %lt3A_123 = arith.cmpf olt, %broadcast_in_dim3A_120, %lt3A_122 : vector<96x1xf32>
      %eq3A_124 = vector.broadcast %broadcast_in_dim3A_120 : vector<96x1xf32> to vector<96x1024xf32>
      %eq3A_125 = arith.cmpf oeq, %select_n3A_117, %eq3A_124 : vector<96x1024xf32>
      %jit3A_126 = arith.constant 1.07374182E+9 : f32
      %broadcast_in_dim3A_127 = vector.broadcast %jit3A_126 : f32 to vector<96x1024xf32>
      %select_n3A_128 = arith.select %eq3A_125, %select_n3A_97, %broadcast_in_dim3A_127 : vector<96x1024xi1>, vector<96x1024xf32>
      %reduce_min3A_129 = arith.constant dense<0x7F800000> : vector<96xf32>
      %reduce_min3A_130 = vector.multi_reduction <minimumf>, %select_n3A_128, %reduce_min3A_129 [1] : vector<96x1024xf32> to vector<96xf32>
      %broadcast_in_dim3A_131 = vector.shape_cast %reduce_min3A_130 : vector<96xf32> to vector<96x1xf32>
      %jit3A_132 = arith.constant 1.07374182E+9 : f32
      %broadcast_in_dim3A_133 = vector.broadcast %jit3A_132 : f32 to vector<96x1xf32>
      %select_n3A_134 = arith.select %lt3A_123, %broadcast_in_dim3A_131, %broadcast_in_dim3A_133 : vector<96x1xi1>, vector<96x1xf32>
      %eq3A_135 = vector.broadcast %select_n3A_134 : vector<96x1xf32> to vector<96x1024xf32>
      %eq3A_136 = arith.cmpf oeq, %select_n3A_97, %eq3A_135 : vector<96x1024xf32>
      %jit3A_137 = arith.constant 0x7F800000 : f32
      %broadcast_in_dim3A_138 = vector.broadcast %jit3A_137 : f32 to vector<96x1024xf32>
      %select_n3A_139 = arith.select %eq3A_136, %broadcast_in_dim3A_138, %select_n3A_117 : vector<96x1024xi1>, vector<96x1024xf32>
      %reduce_min3A_140 = arith.constant dense<0x7F800000> : vector<96xf32>
      %reduce_min3A_141 = vector.multi_reduction <minimumf>, %select_n3A_139, %reduce_min3A_140 [1] : vector<96x1024xf32> to vector<96xf32>
      %broadcast_in_dim3A_142 = vector.shape_cast %reduce_min3A_141 : vector<96xf32> to vector<96x1xf32>
      %lt3A_143 = arith.constant 0x7F800000 : f32
      %lt3A_144 = vector.broadcast %lt3A_143 : f32 to vector<96x1xf32>
      %lt3A_145 = arith.cmpf olt, %broadcast_in_dim3A_142, %lt3A_144 : vector<96x1xf32>
      %eq3A_146 = vector.broadcast %broadcast_in_dim3A_142 : vector<96x1xf32> to vector<96x1024xf32>
      %eq3A_147 = arith.cmpf oeq, %select_n3A_139, %eq3A_146 : vector<96x1024xf32>
      %jit3A_148 = arith.constant 1.07374182E+9 : f32
      %broadcast_in_dim3A_149 = vector.broadcast %jit3A_148 : f32 to vector<96x1024xf32>
      %select_n3A_150 = arith.select %eq3A_147, %select_n3A_97, %broadcast_in_dim3A_149 : vector<96x1024xi1>, vector<96x1024xf32>
      %reduce_min3A_151 = arith.constant dense<0x7F800000> : vector<96xf32>
      %reduce_min3A_152 = vector.multi_reduction <minimumf>, %select_n3A_150, %reduce_min3A_151 [1] : vector<96x1024xf32> to vector<96xf32>
      %broadcast_in_dim3A_153 = vector.shape_cast %reduce_min3A_152 : vector<96xf32> to vector<96x1xf32>
      %jit3A_154 = arith.constant 1.07374182E+9 : f32
      %broadcast_in_dim3A_155 = vector.broadcast %jit3A_154 : f32 to vector<96x1xf32>
      %select_n3A_156 = arith.select %lt3A_145, %broadcast_in_dim3A_153, %broadcast_in_dim3A_155 : vector<96x1xi1>, vector<96x1xf32>
      %eq3A_157 = vector.broadcast %select_n3A_156 : vector<96x1xf32> to vector<96x1024xf32>
      %eq3A_158 = arith.cmpf oeq, %select_n3A_97, %eq3A_157 : vector<96x1024xf32>
      %jit3A_159 = arith.constant 0x7F800000 : f32
      %broadcast_in_dim3A_160 = vector.broadcast %jit3A_159 : f32 to vector<96x1024xf32>
      %select_n3A_161 = arith.select %eq3A_158, %broadcast_in_dim3A_160, %select_n3A_139 : vector<96x1024xi1>, vector<96x1024xf32>
      %reduce_min3A_162 = arith.constant dense<0x7F800000> : vector<96xf32>
      %reduce_min3A_163 = vector.multi_reduction <minimumf>, %select_n3A_161, %reduce_min3A_162 [1] : vector<96x1024xf32> to vector<96xf32>
      %broadcast_in_dim3A_164 = vector.shape_cast %reduce_min3A_163 : vector<96xf32> to vector<96x1xf32>
      %lt3A_165 = arith.constant 0x7F800000 : f32
      %lt3A_166 = vector.broadcast %lt3A_165 : f32 to vector<96x1xf32>
      %lt3A_167 = arith.cmpf olt, %broadcast_in_dim3A_164, %lt3A_166 : vector<96x1xf32>
      %eq3A_168 = vector.broadcast %broadcast_in_dim3A_164 : vector<96x1xf32> to vector<96x1024xf32>
      %eq3A_169 = arith.cmpf oeq, %select_n3A_161, %eq3A_168 : vector<96x1024xf32>
      %jit3A_170 = arith.constant 1.07374182E+9 : f32
      %broadcast_in_dim3A_171 = vector.broadcast %jit3A_170 : f32 to vector<96x1024xf32>
      %select_n3A_172 = arith.select %eq3A_169, %select_n3A_97, %broadcast_in_dim3A_171 : vector<96x1024xi1>, vector<96x1024xf32>
      %reduce_min3A_173 = arith.constant dense<0x7F800000> : vector<96xf32>
      %reduce_min3A_174 = vector.multi_reduction <minimumf>, %select_n3A_172, %reduce_min3A_173 [1] : vector<96x1024xf32> to vector<96xf32>
      %broadcast_in_dim3A_175 = vector.shape_cast %reduce_min3A_174 : vector<96xf32> to vector<96x1xf32>
      %jit3A_176 = arith.constant 1.07374182E+9 : f32
      %broadcast_in_dim3A_177 = vector.broadcast %jit3A_176 : f32 to vector<96x1xf32>
      %select_n3A_178 = arith.select %lt3A_167, %broadcast_in_dim3A_175, %broadcast_in_dim3A_177 : vector<96x1xi1>, vector<96x1xf32>
      %eq3A_179 = vector.broadcast %select_n3A_178 : vector<96x1xf32> to vector<96x1024xf32>
      %eq3A_180 = arith.cmpf oeq, %select_n3A_97, %eq3A_179 : vector<96x1024xf32>
      %jit3A_181 = arith.constant 0x7F800000 : f32
      %broadcast_in_dim3A_182 = vector.broadcast %jit3A_181 : f32 to vector<96x1024xf32>
      %select_n3A_183 = arith.select %eq3A_180, %broadcast_in_dim3A_182, %select_n3A_161 : vector<96x1024xi1>, vector<96x1024xf32>
      %reduce_min3A_184 = arith.constant dense<0x7F800000> : vector<96xf32>
      %reduce_min3A_185 = vector.multi_reduction <minimumf>, %select_n3A_183, %reduce_min3A_184 [1] : vector<96x1024xf32> to vector<96xf32>
      %broadcast_in_dim3A_186 = vector.shape_cast %reduce_min3A_185 : vector<96xf32> to vector<96x1xf32>
      %lt3A_187 = arith.constant 0x7F800000 : f32
      %lt3A_188 = vector.broadcast %lt3A_187 : f32 to vector<96x1xf32>
      %lt3A_189 = arith.cmpf olt, %broadcast_in_dim3A_186, %lt3A_188 : vector<96x1xf32>
      %eq3A_190 = vector.broadcast %broadcast_in_dim3A_186 : vector<96x1xf32> to vector<96x1024xf32>
      %eq3A_191 = arith.cmpf oeq, %select_n3A_183, %eq3A_190 : vector<96x1024xf32>
      %jit3A_192 = arith.constant 1.07374182E+9 : f32
      %broadcast_in_dim3A_193 = vector.broadcast %jit3A_192 : f32 to vector<96x1024xf32>
      %select_n3A_194 = arith.select %eq3A_191, %select_n3A_97, %broadcast_in_dim3A_193 : vector<96x1024xi1>, vector<96x1024xf32>
      %reduce_min3A_195 = arith.constant dense<0x7F800000> : vector<96xf32>
      %reduce_min3A_196 = vector.multi_reduction <minimumf>, %select_n3A_194, %reduce_min3A_195 [1] : vector<96x1024xf32> to vector<96xf32>
      %broadcast_in_dim3A_197 = vector.shape_cast %reduce_min3A_196 : vector<96xf32> to vector<96x1xf32>
      %jit3A_198 = arith.constant 1.07374182E+9 : f32
      %broadcast_in_dim3A_199 = vector.broadcast %jit3A_198 : f32 to vector<96x1xf32>
      %select_n3A_200 = arith.select %lt3A_189, %broadcast_in_dim3A_197, %broadcast_in_dim3A_199 : vector<96x1xi1>, vector<96x1xf32>
      %eq3A_201 = vector.broadcast %select_n3A_200 : vector<96x1xf32> to vector<96x1024xf32>
      %eq3A_202 = arith.cmpf oeq, %select_n3A_97, %eq3A_201 : vector<96x1024xf32>
      %jit3A_203 = arith.constant 0x7F800000 : f32
      %broadcast_in_dim3A_204 = vector.broadcast %jit3A_203 : f32 to vector<96x1024xf32>
      %select_n3A_205 = arith.select %eq3A_202, %broadcast_in_dim3A_204, %select_n3A_183 : vector<96x1024xi1>, vector<96x1024xf32>
      %reduce_min3A_206 = arith.constant dense<0x7F800000> : vector<96xf32>
      %reduce_min3A_207 = vector.multi_reduction <minimumf>, %select_n3A_205, %reduce_min3A_206 [1] : vector<96x1024xf32> to vector<96xf32>
      %broadcast_in_dim3A_208 = vector.shape_cast %reduce_min3A_207 : vector<96xf32> to vector<96x1xf32>
      %lt3A_209 = arith.constant 0x7F800000 : f32
      %lt3A_210 = vector.broadcast %lt3A_209 : f32 to vector<96x1xf32>
      %lt3A_211 = arith.cmpf olt, %broadcast_in_dim3A_208, %lt3A_210 : vector<96x1xf32>
      %eq3A_212 = vector.broadcast %broadcast_in_dim3A_208 : vector<96x1xf32> to vector<96x1024xf32>
      %eq3A_213 = arith.cmpf oeq, %select_n3A_205, %eq3A_212 : vector<96x1024xf32>
      %jit3A_214 = arith.constant 1.07374182E+9 : f32
      %broadcast_in_dim3A_215 = vector.broadcast %jit3A_214 : f32 to vector<96x1024xf32>
      %select_n3A_216 = arith.select %eq3A_213, %select_n3A_97, %broadcast_in_dim3A_215 : vector<96x1024xi1>, vector<96x1024xf32>
      %reduce_min3A_217 = arith.constant dense<0x7F800000> : vector<96xf32>
      %reduce_min3A_218 = vector.multi_reduction <minimumf>, %select_n3A_216, %reduce_min3A_217 [1] : vector<96x1024xf32> to vector<96xf32>
      %broadcast_in_dim3A_219 = vector.shape_cast %reduce_min3A_218 : vector<96xf32> to vector<96x1xf32>
      %jit3A_220 = arith.constant 1.07374182E+9 : f32
      %broadcast_in_dim3A_221 = vector.broadcast %jit3A_220 : f32 to vector<96x1xf32>
      %select_n3A_222 = arith.select %lt3A_211, %broadcast_in_dim3A_219, %broadcast_in_dim3A_221 : vector<96x1xi1>, vector<96x1xf32>
      %eq3A_223 = vector.broadcast %select_n3A_222 : vector<96x1xf32> to vector<96x1024xf32>
      %eq3A_224 = arith.cmpf oeq, %select_n3A_97, %eq3A_223 : vector<96x1024xf32>
      %jit3A_225 = arith.constant 0x7F800000 : f32
      %broadcast_in_dim3A_226 = vector.broadcast %jit3A_225 : f32 to vector<96x1024xf32>
      %select_n3A_227 = arith.select %eq3A_224, %broadcast_in_dim3A_226, %select_n3A_205 : vector<96x1024xi1>, vector<96x1024xf32>
      %reduce_min3A_228 = arith.constant dense<0x7F800000> : vector<96xf32>
      %reduce_min3A_229 = vector.multi_reduction <minimumf>, %select_n3A_227, %reduce_min3A_228 [1] : vector<96x1024xf32> to vector<96xf32>
      %broadcast_in_dim3A_230 = vector.shape_cast %reduce_min3A_229 : vector<96xf32> to vector<96x1xf32>
      %lt3A_231 = arith.constant 0x7F800000 : f32
      %lt3A_232 = vector.broadcast %lt3A_231 : f32 to vector<96x1xf32>
      %lt3A_233 = arith.cmpf olt, %broadcast_in_dim3A_230, %lt3A_232 : vector<96x1xf32>
      %eq3A_234 = vector.broadcast %broadcast_in_dim3A_230 : vector<96x1xf32> to vector<96x1024xf32>
      %eq3A_235 = arith.cmpf oeq, %select_n3A_227, %eq3A_234 : vector<96x1024xf32>
      %jit3A_236 = arith.constant 1.07374182E+9 : f32
      %broadcast_in_dim3A_237 = vector.broadcast %jit3A_236 : f32 to vector<96x1024xf32>
      %select_n3A_238 = arith.select %eq3A_235, %select_n3A_97, %broadcast_in_dim3A_237 : vector<96x1024xi1>, vector<96x1024xf32>
      %reduce_min3A_239 = arith.constant dense<0x7F800000> : vector<96xf32>
      %reduce_min3A_240 = vector.multi_reduction <minimumf>, %select_n3A_238, %reduce_min3A_239 [1] : vector<96x1024xf32> to vector<96xf32>
      %broadcast_in_dim3A_241 = vector.shape_cast %reduce_min3A_240 : vector<96xf32> to vector<96x1xf32>
      %jit3A_242 = arith.constant 1.07374182E+9 : f32
      %broadcast_in_dim3A_243 = vector.broadcast %jit3A_242 : f32 to vector<96x1xf32>
      %select_n3A_244 = arith.select %lt3A_233, %broadcast_in_dim3A_241, %broadcast_in_dim3A_243 : vector<96x1xi1>, vector<96x1xf32>
      %eq3A_245 = vector.broadcast %select_n3A_244 : vector<96x1xf32> to vector<96x1024xf32>
      %eq3A_246 = arith.cmpf oeq, %select_n3A_97, %eq3A_245 : vector<96x1024xf32>
      %jit3A_247 = arith.constant 0x7F800000 : f32
      %broadcast_in_dim3A_248 = vector.broadcast %jit3A_247 : f32 to vector<96x1024xf32>
      %select_n3A_249 = arith.select %eq3A_246, %broadcast_in_dim3A_248, %select_n3A_227 : vector<96x1024xi1>, vector<96x1024xf32>
      %reduce_min3A_250 = arith.constant dense<0x7F800000> : vector<96xf32>
      %reduce_min3A_251 = vector.multi_reduction <minimumf>, %select_n3A_249, %reduce_min3A_250 [1] : vector<96x1024xf32> to vector<96xf32>
      %broadcast_in_dim3A_252 = vector.shape_cast %reduce_min3A_251 : vector<96xf32> to vector<96x1xf32>
      %lt3A_253 = arith.constant 0x7F800000 : f32
      %lt3A_254 = vector.broadcast %lt3A_253 : f32 to vector<96x1xf32>
      %lt3A_255 = arith.cmpf olt, %broadcast_in_dim3A_252, %lt3A_254 : vector<96x1xf32>
      %eq3A_256 = vector.broadcast %broadcast_in_dim3A_252 : vector<96x1xf32> to vector<96x1024xf32>
      %eq3A_257 = arith.cmpf oeq, %select_n3A_249, %eq3A_256 : vector<96x1024xf32>
      %jit3A_258 = arith.constant 1.07374182E+9 : f32
      %broadcast_in_dim3A_259 = vector.broadcast %jit3A_258 : f32 to vector<96x1024xf32>
      %select_n3A_260 = arith.select %eq3A_257, %select_n3A_97, %broadcast_in_dim3A_259 : vector<96x1024xi1>, vector<96x1024xf32>
      %reduce_min3A_261 = arith.constant dense<0x7F800000> : vector<96xf32>
      %reduce_min3A_262 = vector.multi_reduction <minimumf>, %select_n3A_260, %reduce_min3A_261 [1] : vector<96x1024xf32> to vector<96xf32>
      %broadcast_in_dim3A_263 = vector.shape_cast %reduce_min3A_262 : vector<96xf32> to vector<96x1xf32>
      %jit3A_264 = arith.constant 1.07374182E+9 : f32
      %broadcast_in_dim3A_265 = vector.broadcast %jit3A_264 : f32 to vector<96x1xf32>
      %select_n3A_266 = arith.select %lt3A_255, %broadcast_in_dim3A_263, %broadcast_in_dim3A_265 : vector<96x1xi1>, vector<96x1xf32>
      %concatenate3A = tpu.concatenate %while3A_48, %broadcast_in_dim3A_99, %broadcast_in_dim3A_120, %broadcast_in_dim3A_142, %broadcast_in_dim3A_164, %broadcast_in_dim3A_186, %broadcast_in_dim3A_208, %broadcast_in_dim3A_230, %broadcast_in_dim3A_252 in 1 : vector<96x8xf32>, vector<96x1xf32>, vector<96x1xf32>, vector<96x1xf32>, vector<96x1xf32>, vector<96x1xf32>, vector<96x1xf32>, vector<96x1xf32>, vector<96x1xf32> -> vector<96x16xf32>
      %concatenate3A_267 = tpu.concatenate %while3A_49, %select_n3A_112, %select_n3A_134, %select_n3A_156, %select_n3A_178, %select_n3A_200, %select_n3A_222, %select_n3A_244, %select_n3A_266 in 1 : vector<96x8xf32>, vector<96x1xf32>, vector<96x1xf32>, vector<96x1xf32>, vector<96x1xf32>, vector<96x1xf32>, vector<96x1xf32>, vector<96x1xf32>, vector<96x1xf32> -> vector<96x16xf32>
      %reduce_min3A_268 = arith.constant dense<0x7F800000> : vector<96xf32>
      %reduce_min3A_269 = vector.multi_reduction <minimumf>, %concatenate3A, %reduce_min3A_268 [1] : vector<96x16xf32> to vector<96xf32>
      %broadcast_in_dim3A_270 = vector.shape_cast %reduce_min3A_269 : vector<96xf32> to vector<96x1xf32>
      %lt3A_271 = arith.constant 0x7F800000 : f32
      %lt3A_272 = vector.broadcast %lt3A_271 : f32 to vector<96x1xf32>
      %lt3A_273 = arith.cmpf olt, %broadcast_in_dim3A_270, %lt3A_272 : vector<96x1xf32>
      %eq3A_274 = vector.broadcast %broadcast_in_dim3A_270 : vector<96x1xf32> to vector<96x16xf32>
      %eq3A_275 = arith.cmpf oeq, %concatenate3A, %eq3A_274 : vector<96x16xf32>
      %jit3A_276 = arith.constant 1.07374182E+9 : f32
      %broadcast_in_dim3A_277 = vector.broadcast %jit3A_276 : f32 to vector<96x16xf32>
      %select_n3A_278 = arith.select %eq3A_275, %concatenate3A_267, %broadcast_in_dim3A_277 : vector<96x16xi1>, vector<96x16xf32>
      %reduce_min3A_279 = arith.constant dense<0x7F800000> : vector<96xf32>
      %reduce_min3A_280 = vector.multi_reduction <minimumf>, %select_n3A_278, %reduce_min3A_279 [1] : vector<96x16xf32> to vector<96xf32>
      %broadcast_in_dim3A_281 = vector.shape_cast %reduce_min3A_280 : vector<96xf32> to vector<96x1xf32>
      %jit3A_282 = arith.constant 1.07374182E+9 : f32
      %broadcast_in_dim3A_283 = vector.broadcast %jit3A_282 : f32 to vector<96x1xf32>
      %select_n3A_284 = arith.select %lt3A_273, %broadcast_in_dim3A_281, %broadcast_in_dim3A_283 : vector<96x1xi1>, vector<96x1xf32>
      %eq3A_285 = vector.broadcast %select_n3A_284 : vector<96x1xf32> to vector<96x16xf32>
      %eq3A_286 = arith.cmpf oeq, %concatenate3A_267, %eq3A_285 : vector<96x16xf32>
      %jit3A_287 = arith.constant 0x7F800000 : f32
      %broadcast_in_dim3A_288 = vector.broadcast %jit3A_287 : f32 to vector<96x16xf32>
      %select_n3A_289 = arith.select %eq3A_286, %broadcast_in_dim3A_288, %concatenate3A : vector<96x16xi1>, vector<96x16xf32>
      %reduce_min3A_290 = arith.constant dense<0x7F800000> : vector<96xf32>
      %reduce_min3A_291 = vector.multi_reduction <minimumf>, %select_n3A_289, %reduce_min3A_290 [1] : vector<96x16xf32> to vector<96xf32>
      %broadcast_in_dim3A_292 = vector.shape_cast %reduce_min3A_291 : vector<96xf32> to vector<96x1xf32>
      %lt3A_293 = arith.constant 0x7F800000 : f32
      %lt3A_294 = vector.broadcast %lt3A_293 : f32 to vector<96x1xf32>
      %lt3A_295 = arith.cmpf olt, %broadcast_in_dim3A_292, %lt3A_294 : vector<96x1xf32>
      %eq3A_296 = vector.broadcast %broadcast_in_dim3A_292 : vector<96x1xf32> to vector<96x16xf32>
      %eq3A_297 = arith.cmpf oeq, %select_n3A_289, %eq3A_296 : vector<96x16xf32>
      %jit3A_298 = arith.constant 1.07374182E+9 : f32
      %broadcast_in_dim3A_299 = vector.broadcast %jit3A_298 : f32 to vector<96x16xf32>
      %select_n3A_300 = arith.select %eq3A_297, %concatenate3A_267, %broadcast_in_dim3A_299 : vector<96x16xi1>, vector<96x16xf32>
      %reduce_min3A_301 = arith.constant dense<0x7F800000> : vector<96xf32>
      %reduce_min3A_302 = vector.multi_reduction <minimumf>, %select_n3A_300, %reduce_min3A_301 [1] : vector<96x16xf32> to vector<96xf32>
      %broadcast_in_dim3A_303 = vector.shape_cast %reduce_min3A_302 : vector<96xf32> to vector<96x1xf32>
      %jit3A_304 = arith.constant 1.07374182E+9 : f32
      %broadcast_in_dim3A_305 = vector.broadcast %jit3A_304 : f32 to vector<96x1xf32>
      %select_n3A_306 = arith.select %lt3A_295, %broadcast_in_dim3A_303, %broadcast_in_dim3A_305 : vector<96x1xi1>, vector<96x1xf32>
      %eq3A_307 = vector.broadcast %select_n3A_306 : vector<96x1xf32> to vector<96x16xf32>
      %eq3A_308 = arith.cmpf oeq, %concatenate3A_267, %eq3A_307 : vector<96x16xf32>
      %jit3A_309 = arith.constant 0x7F800000 : f32
      %broadcast_in_dim3A_310 = vector.broadcast %jit3A_309 : f32 to vector<96x16xf32>
      %select_n3A_311 = arith.select %eq3A_308, %broadcast_in_dim3A_310, %select_n3A_289 : vector<96x16xi1>, vector<96x16xf32>
      %reduce_min3A_312 = arith.constant dense<0x7F800000> : vector<96xf32>
      %reduce_min3A_313 = vector.multi_reduction <minimumf>, %select_n3A_311, %reduce_min3A_312 [1] : vector<96x16xf32> to vector<96xf32>
      %broadcast_in_dim3A_314 = vector.shape_cast %reduce_min3A_313 : vector<96xf32> to vector<96x1xf32>
      %lt3A_315 = arith.constant 0x7F800000 : f32
      %lt3A_316 = vector.broadcast %lt3A_315 : f32 to vector<96x1xf32>
      %lt3A_317 = arith.cmpf olt, %broadcast_in_dim3A_314, %lt3A_316 : vector<96x1xf32>
      %eq3A_318 = vector.broadcast %broadcast_in_dim3A_314 : vector<96x1xf32> to vector<96x16xf32>
      %eq3A_319 = arith.cmpf oeq, %select_n3A_311, %eq3A_318 : vector<96x16xf32>
      %jit3A_320 = arith.constant 1.07374182E+9 : f32
      %broadcast_in_dim3A_321 = vector.broadcast %jit3A_320 : f32 to vector<96x16xf32>
      %select_n3A_322 = arith.select %eq3A_319, %concatenate3A_267, %broadcast_in_dim3A_321 : vector<96x16xi1>, vector<96x16xf32>
      %reduce_min3A_323 = arith.constant dense<0x7F800000> : vector<96xf32>
      %reduce_min3A_324 = vector.multi_reduction <minimumf>, %select_n3A_322, %reduce_min3A_323 [1] : vector<96x16xf32> to vector<96xf32>
      %broadcast_in_dim3A_325 = vector.shape_cast %reduce_min3A_324 : vector<96xf32> to vector<96x1xf32>
      %jit3A_326 = arith.constant 1.07374182E+9 : f32
      %broadcast_in_dim3A_327 = vector.broadcast %jit3A_326 : f32 to vector<96x1xf32>
      %select_n3A_328 = arith.select %lt3A_317, %broadcast_in_dim3A_325, %broadcast_in_dim3A_327 : vector<96x1xi1>, vector<96x1xf32>
      %eq3A_329 = vector.broadcast %select_n3A_328 : vector<96x1xf32> to vector<96x16xf32>
      %eq3A_330 = arith.cmpf oeq, %concatenate3A_267, %eq3A_329 : vector<96x16xf32>
      %jit3A_331 = arith.constant 0x7F800000 : f32
      %broadcast_in_dim3A_332 = vector.broadcast %jit3A_331 : f32 to vector<96x16xf32>
      %select_n3A_333 = arith.select %eq3A_330, %broadcast_in_dim3A_332, %select_n3A_311 : vector<96x16xi1>, vector<96x16xf32>
      %reduce_min3A_334 = arith.constant dense<0x7F800000> : vector<96xf32>
      %reduce_min3A_335 = vector.multi_reduction <minimumf>, %select_n3A_333, %reduce_min3A_334 [1] : vector<96x16xf32> to vector<96xf32>
      %broadcast_in_dim3A_336 = vector.shape_cast %reduce_min3A_335 : vector<96xf32> to vector<96x1xf32>
      %lt3A_337 = arith.constant 0x7F800000 : f32
      %lt3A_338 = vector.broadcast %lt3A_337 : f32 to vector<96x1xf32>
      %lt3A_339 = arith.cmpf olt, %broadcast_in_dim3A_336, %lt3A_338 : vector<96x1xf32>
      %eq3A_340 = vector.broadcast %broadcast_in_dim3A_336 : vector<96x1xf32> to vector<96x16xf32>
      %eq3A_341 = arith.cmpf oeq, %select_n3A_333, %eq3A_340 : vector<96x16xf32>
      %jit3A_342 = arith.constant 1.07374182E+9 : f32
      %broadcast_in_dim3A_343 = vector.broadcast %jit3A_342 : f32 to vector<96x16xf32>
      %select_n3A_344 = arith.select %eq3A_341, %concatenate3A_267, %broadcast_in_dim3A_343 : vector<96x16xi1>, vector<96x16xf32>
      %reduce_min3A_345 = arith.constant dense<0x7F800000> : vector<96xf32>
      %reduce_min3A_346 = vector.multi_reduction <minimumf>, %select_n3A_344, %reduce_min3A_345 [1] : vector<96x16xf32> to vector<96xf32>
      %broadcast_in_dim3A_347 = vector.shape_cast %reduce_min3A_346 : vector<96xf32> to vector<96x1xf32>
      %jit3A_348 = arith.constant 1.07374182E+9 : f32
      %broadcast_in_dim3A_349 = vector.broadcast %jit3A_348 : f32 to vector<96x1xf32>
      %select_n3A_350 = arith.select %lt3A_339, %broadcast_in_dim3A_347, %broadcast_in_dim3A_349 : vector<96x1xi1>, vector<96x1xf32>
      %eq3A_351 = vector.broadcast %select_n3A_350 : vector<96x1xf32> to vector<96x16xf32>
      %eq3A_352 = arith.cmpf oeq, %concatenate3A_267, %eq3A_351 : vector<96x16xf32>
      %jit3A_353 = arith.constant 0x7F800000 : f32
      %broadcast_in_dim3A_354 = vector.broadcast %jit3A_353 : f32 to vector<96x16xf32>
      %select_n3A_355 = arith.select %eq3A_352, %broadcast_in_dim3A_354, %select_n3A_333 : vector<96x16xi1>, vector<96x16xf32>
      %reduce_min3A_356 = arith.constant dense<0x7F800000> : vector<96xf32>
      %reduce_min3A_357 = vector.multi_reduction <minimumf>, %select_n3A_355, %reduce_min3A_356 [1] : vector<96x16xf32> to vector<96xf32>
      %broadcast_in_dim3A_358 = vector.shape_cast %reduce_min3A_357 : vector<96xf32> to vector<96x1xf32>
      %lt3A_359 = arith.constant 0x7F800000 : f32
      %lt3A_360 = vector.broadcast %lt3A_359 : f32 to vector<96x1xf32>
      %lt3A_361 = arith.cmpf olt, %broadcast_in_dim3A_358, %lt3A_360 : vector<96x1xf32>
      %eq3A_362 = vector.broadcast %broadcast_in_dim3A_358 : vector<96x1xf32> to vector<96x16xf32>
      %eq3A_363 = arith.cmpf oeq, %select_n3A_355, %eq3A_362 : vector<96x16xf32>
      %jit3A_364 = arith.constant 1.07374182E+9 : f32
      %broadcast_in_dim3A_365 = vector.broadcast %jit3A_364 : f32 to vector<96x16xf32>
      %select_n3A_366 = arith.select %eq3A_363, %concatenate3A_267, %broadcast_in_dim3A_365 : vector<96x16xi1>, vector<96x16xf32>
      %reduce_min3A_367 = arith.constant dense<0x7F800000> : vector<96xf32>
      %reduce_min3A_368 = vector.multi_reduction <minimumf>, %select_n3A_366, %reduce_min3A_367 [1] : vector<96x16xf32> to vector<96xf32>
      %broadcast_in_dim3A_369 = vector.shape_cast %reduce_min3A_368 : vector<96xf32> to vector<96x1xf32>
      %jit3A_370 = arith.constant 1.07374182E+9 : f32
      %broadcast_in_dim3A_371 = vector.broadcast %jit3A_370 : f32 to vector<96x1xf32>
      %select_n3A_372 = arith.select %lt3A_361, %broadcast_in_dim3A_369, %broadcast_in_dim3A_371 : vector<96x1xi1>, vector<96x1xf32>
      %eq3A_373 = vector.broadcast %select_n3A_372 : vector<96x1xf32> to vector<96x16xf32>
      %eq3A_374 = arith.cmpf oeq, %concatenate3A_267, %eq3A_373 : vector<96x16xf32>
      %jit3A_375 = arith.constant 0x7F800000 : f32
      %broadcast_in_dim3A_376 = vector.broadcast %jit3A_375 : f32 to vector<96x16xf32>
      %select_n3A_377 = arith.select %eq3A_374, %broadcast_in_dim3A_376, %select_n3A_355 : vector<96x16xi1>, vector<96x16xf32>
      %reduce_min3A_378 = arith.constant dense<0x7F800000> : vector<96xf32>
      %reduce_min3A_379 = vector.multi_reduction <minimumf>, %select_n3A_377, %reduce_min3A_378 [1] : vector<96x16xf32> to vector<96xf32>
      %broadcast_in_dim3A_380 = vector.shape_cast %reduce_min3A_379 : vector<96xf32> to vector<96x1xf32>
      %lt3A_381 = arith.constant 0x7F800000 : f32
      %lt3A_382 = vector.broadcast %lt3A_381 : f32 to vector<96x1xf32>
      %lt3A_383 = arith.cmpf olt, %broadcast_in_dim3A_380, %lt3A_382 : vector<96x1xf32>
      %eq3A_384 = vector.broadcast %broadcast_in_dim3A_380 : vector<96x1xf32> to vector<96x16xf32>
      %eq3A_385 = arith.cmpf oeq, %select_n3A_377, %eq3A_384 : vector<96x16xf32>
      %jit3A_386 = arith.constant 1.07374182E+9 : f32
      %broadcast_in_dim3A_387 = vector.broadcast %jit3A_386 : f32 to vector<96x16xf32>
      %select_n3A_388 = arith.select %eq3A_385, %concatenate3A_267, %broadcast_in_dim3A_387 : vector<96x16xi1>, vector<96x16xf32>
      %reduce_min3A_389 = arith.constant dense<0x7F800000> : vector<96xf32>
      %reduce_min3A_390 = vector.multi_reduction <minimumf>, %select_n3A_388, %reduce_min3A_389 [1] : vector<96x16xf32> to vector<96xf32>
      %broadcast_in_dim3A_391 = vector.shape_cast %reduce_min3A_390 : vector<96xf32> to vector<96x1xf32>
      %jit3A_392 = arith.constant 1.07374182E+9 : f32
      %broadcast_in_dim3A_393 = vector.broadcast %jit3A_392 : f32 to vector<96x1xf32>
      %select_n3A_394 = arith.select %lt3A_383, %broadcast_in_dim3A_391, %broadcast_in_dim3A_393 : vector<96x1xi1>, vector<96x1xf32>
      %eq3A_395 = vector.broadcast %select_n3A_394 : vector<96x1xf32> to vector<96x16xf32>
      %eq3A_396 = arith.cmpf oeq, %concatenate3A_267, %eq3A_395 : vector<96x16xf32>
      %jit3A_397 = arith.constant 0x7F800000 : f32
      %broadcast_in_dim3A_398 = vector.broadcast %jit3A_397 : f32 to vector<96x16xf32>
      %select_n3A_399 = arith.select %eq3A_396, %broadcast_in_dim3A_398, %select_n3A_377 : vector<96x16xi1>, vector<96x16xf32>
      %reduce_min3A_400 = arith.constant dense<0x7F800000> : vector<96xf32>
      %reduce_min3A_401 = vector.multi_reduction <minimumf>, %select_n3A_399, %reduce_min3A_400 [1] : vector<96x16xf32> to vector<96xf32>
      %broadcast_in_dim3A_402 = vector.shape_cast %reduce_min3A_401 : vector<96xf32> to vector<96x1xf32>
      %lt3A_403 = arith.constant 0x7F800000 : f32
      %lt3A_404 = vector.broadcast %lt3A_403 : f32 to vector<96x1xf32>
      %lt3A_405 = arith.cmpf olt, %broadcast_in_dim3A_402, %lt3A_404 : vector<96x1xf32>
      %eq3A_406 = vector.broadcast %broadcast_in_dim3A_402 : vector<96x1xf32> to vector<96x16xf32>
      %eq3A_407 = arith.cmpf oeq, %select_n3A_399, %eq3A_406 : vector<96x16xf32>
      %jit3A_408 = arith.constant 1.07374182E+9 : f32
      %broadcast_in_dim3A_409 = vector.broadcast %jit3A_408 : f32 to vector<96x16xf32>
      %select_n3A_410 = arith.select %eq3A_407, %concatenate3A_267, %broadcast_in_dim3A_409 : vector<96x16xi1>, vector<96x16xf32>
      %reduce_min3A_411 = arith.constant dense<0x7F800000> : vector<96xf32>
      %reduce_min3A_412 = vector.multi_reduction <minimumf>, %select_n3A_410, %reduce_min3A_411 [1] : vector<96x16xf32> to vector<96xf32>
      %broadcast_in_dim3A_413 = vector.shape_cast %reduce_min3A_412 : vector<96xf32> to vector<96x1xf32>
      %jit3A_414 = arith.constant 1.07374182E+9 : f32
      %broadcast_in_dim3A_415 = vector.broadcast %jit3A_414 : f32 to vector<96x1xf32>
      %select_n3A_416 = arith.select %lt3A_405, %broadcast_in_dim3A_413, %broadcast_in_dim3A_415 : vector<96x1xi1>, vector<96x1xf32>
      %eq3A_417 = vector.broadcast %select_n3A_416 : vector<96x1xf32> to vector<96x16xf32>
      %eq3A_418 = arith.cmpf oeq, %concatenate3A_267, %eq3A_417 : vector<96x16xf32>
      %jit3A_419 = arith.constant 0x7F800000 : f32
      %broadcast_in_dim3A_420 = vector.broadcast %jit3A_419 : f32 to vector<96x16xf32>
      %select_n3A_421 = arith.select %eq3A_418, %broadcast_in_dim3A_420, %select_n3A_399 : vector<96x16xi1>, vector<96x16xf32>
      %reduce_min3A_422 = arith.constant dense<0x7F800000> : vector<96xf32>
      %reduce_min3A_423 = vector.multi_reduction <minimumf>, %select_n3A_421, %reduce_min3A_422 [1] : vector<96x16xf32> to vector<96xf32>
      %broadcast_in_dim3A_424 = vector.shape_cast %reduce_min3A_423 : vector<96xf32> to vector<96x1xf32>
      %lt3A_425 = arith.constant 0x7F800000 : f32
      %lt3A_426 = vector.broadcast %lt3A_425 : f32 to vector<96x1xf32>
      %lt3A_427 = arith.cmpf olt, %broadcast_in_dim3A_424, %lt3A_426 : vector<96x1xf32>
      %eq3A_428 = vector.broadcast %broadcast_in_dim3A_424 : vector<96x1xf32> to vector<96x16xf32>
      %eq3A_429 = arith.cmpf oeq, %select_n3A_421, %eq3A_428 : vector<96x16xf32>
      %jit3A_430 = arith.constant 1.07374182E+9 : f32
      %broadcast_in_dim3A_431 = vector.broadcast %jit3A_430 : f32 to vector<96x16xf32>
      %select_n3A_432 = arith.select %eq3A_429, %concatenate3A_267, %broadcast_in_dim3A_431 : vector<96x16xi1>, vector<96x16xf32>
      %reduce_min3A_433 = arith.constant dense<0x7F800000> : vector<96xf32>
      %reduce_min3A_434 = vector.multi_reduction <minimumf>, %select_n3A_432, %reduce_min3A_433 [1] : vector<96x16xf32> to vector<96xf32>
      %broadcast_in_dim3A_435 = vector.shape_cast %reduce_min3A_434 : vector<96xf32> to vector<96x1xf32>
      %jit3A_436 = arith.constant 1.07374182E+9 : f32
      %broadcast_in_dim3A_437 = vector.broadcast %jit3A_436 : f32 to vector<96x1xf32>
      %select_n3A_438 = arith.select %lt3A_427, %broadcast_in_dim3A_435, %broadcast_in_dim3A_437 : vector<96x1xi1>, vector<96x1xf32>
      %concatenate3A_439 = tpu.concatenate %broadcast_in_dim3A_270, %broadcast_in_dim3A_292, %broadcast_in_dim3A_314, %broadcast_in_dim3A_336, %broadcast_in_dim3A_358, %broadcast_in_dim3A_380, %broadcast_in_dim3A_402, %broadcast_in_dim3A_424 in 1 : vector<96x1xf32>, vector<96x1xf32>, vector<96x1xf32>, vector<96x1xf32>, vector<96x1xf32>, vector<96x1xf32>, vector<96x1xf32>, vector<96x1xf32> -> vector<96x8xf32>
      %concatenate3A_440 = tpu.concatenate %select_n3A_284, %select_n3A_306, %select_n3A_328, %select_n3A_350, %select_n3A_372, %select_n3A_394, %select_n3A_416, %select_n3A_438 in 1 : vector<96x1xf32>, vector<96x1xf32>, vector<96x1xf32>, vector<96x1xf32>, vector<96x1xf32>, vector<96x1xf32>, vector<96x1xf32>, vector<96x1xf32> -> vector<96x8xf32>
      scf.yield %concatenate3A_439, %concatenate3A_440 : vector<96x8xf32>, vector<96x8xf32>
    }
    %lt3A = arith.constant 0x7F800000 : f32
    %lt3A_27 = vector.broadcast %lt3A : f32 to vector<96x8xf32>
    %lt3A_28 = arith.cmpf olt, %while3A_26#0, %lt3A_27 : vector<96x8xf32>
    %convert_element_type3A_29 = arith.fptosi %while3A_26#1 : vector<96x8xf32> to vector<96x8xi32>
    %jit3A = arith.constant -1 : i32
    %broadcast_in_dim3A_30 = vector.broadcast %jit3A : i32 to vector<96x8xi32>
    %select_n3A = arith.select %lt3A_28, %convert_element_type3A_29, %broadcast_in_dim3A_30 : vector<96x8xi1>, vector<96x8xi32>
    %swap3A = arith.constant 0 : index
    %swap3A_31 = arith.constant 0 : index
    %swap3A_32 = arith.constant 0 : index
    %swap3A_33 = arith.constant 0 : index
    %swap3A_34 = vector.load %arg3[%swap3A, %swap3A_31, %swap3A_32, %swap3A_33] : memref<1x1x96x8xi32, #tpu.memory_space<vmem>>, vector<1x1x96x8xi32>
    %swap3A_35 = vector.shape_cast %swap3A_34 : vector<1x1x96x8xi32> to vector<96x8xi32>
    %swap3A_36 = vector.shape_cast %select_n3A : vector<96x8xi32> to vector<1x1x96x8xi32>
    tpu.vector_store %arg3[%swap3A, %swap3A_31, %swap3A_32, %swap3A_33], %swap3A_36 {strides = array<i32>} : memref<1x1x96x8xi32, #tpu.memory_space<vmem>>, vector<1x1x96x8xi32>,
    %jit3A_37 = arith.constant -1.000000e+00 : f32
    %broadcast_in_dim3A_38 = vector.broadcast %jit3A_37 : f32 to vector<96x8xf32>
    %select_n3A_39 = arith.select %lt3A_28, %while3A_26#0, %broadcast_in_dim3A_38 : vector<96x8xi1>, vector<96x8xf32>
    %swap3A_40 = arith.constant 0 : index
    %swap3A_41 = arith.constant 0 : index
    %swap3A_42 = arith.constant 0 : index
    %swap3A_43 = arith.constant 0 : index
    %swap3A_44 = vector.load %arg4[%swap3A_40, %swap3A_41, %swap3A_42, %swap3A_43] : memref<1x1x96x8xf32, #tpu.memory_space<vmem>>, vector<1x1x96x8xf32>
    %swap3A_45 = vector.shape_cast %swap3A_44 : vector<1x1x96x8xf32> to vector<96x8xf32>
    %swap3A_46 = vector.shape_cast %select_n3A_39 : vector<96x8xf32> to vector<1x1x96x8xf32>
    tpu.vector_store %arg4[%swap3A_40, %swap3A_41, %swap3A_42, %swap3A_43], %swap3A_46 {strides = array<i32>} : memref<1x1x96x8xf32, #tpu.memory_space<vmem>>, vector<1x1x96x8xf32>,
    return
  }
  func.func @transform_0(%arg0: i32, %arg1: memref<192xi32, #tpu.memory_space<smem>>) -> (i32, i32, i32) {
    %c0_i32 = arith.constant 0 : i32
    %c0_i32_0 = arith.constant 0 : i32
    %c0_i32_1 = arith.constant 0 : i32
    return %arg0, %c0_i32, %c0_i32_0 : i32, i32, i32
  }
  func.func @transform_1(%arg0: i32, %arg1: memref<192xi32, #tpu.memory_space<smem>>) -> (i32, i32, i32, i32) {
    %jit3A = arith.constant 96 : i32
    %div3A = arith.divsi %arg0, %jit3A : i32
    %sign3A = arith.constant 0 : i32
    %sign3A_0 = arith.cmpi sgt, %arg0, %sign3A : i32
    %sign3A_1 = arith.extui %sign3A_0 : i1 to i32
    %sign3A_2 = arith.constant 0 : i32
    %sign3A_3 = arith.cmpi slt, %arg0, %sign3A_2 : i32
    %sign3A_4 = arith.extui %sign3A_3 : i1 to i32
    %sign3A_5 = arith.subi %sign3A_1, %sign3A_4 : i32
    %sign3A_6 = arith.constant 0 : i32
    %sign3A_7 = arith.cmpi sgt, %jit3A, %sign3A_6 : i32
    %sign3A_8 = arith.extui %sign3A_7 : i1 to i32
    %sign3A_9 = arith.constant 0 : i32
    %sign3A_10 = arith.cmpi slt, %jit3A, %sign3A_9 : i32
    %sign3A_11 = arith.extui %sign3A_10 : i1 to i32
    %sign3A_12 = arith.subi %sign3A_8, %sign3A_11 : i32
    %ne3A = arith.cmpi ne, %sign3A_5, %sign3A_12 : i32
    %rem3A = arith.remsi %arg0, %jit3A : i32
    %ne3A_13 = arith.constant 0 : i32
    %ne3A_14 = arith.cmpi ne, %rem3A, %ne3A_13 : i32
    %and3A = arith.andi %ne3A, %ne3A_14 : i1
    %sub3A = arith.constant 1 : i32
    %sub3A_15 = arith.subi %div3A, %sub3A : i32
    %select_n3A = arith.select %and3A, %sub3A_15, %div3A : i32
    %jit3A_16 = arith.constant 96 : i32
    %eq3A = arith.constant 0 : i32
    %eq3A_17 = arith.cmpi eq, %jit3A_16, %eq3A : i32
    %jit3A_18 = arith.constant 1 : i32
    %select_n3A_19 = arith.select %eq3A_17, %jit3A_18, %jit3A_16 : i32
    %rem3A_20 = arith.remsi %arg0, %select_n3A_19 : i32
    %ne3A_21 = arith.constant 0 : i32
    %ne3A_22 = arith.cmpi ne, %rem3A_20, %ne3A_21 : i32
    %lt3A = arith.constant 0 : i32
    %lt3A_23 = arith.cmpi slt, %rem3A_20, %lt3A : i32
    %lt3A_24 = arith.constant 0 : i32
    %lt3A_25 = arith.cmpi slt, %select_n3A_19, %lt3A_24 : i32
    %ne3A_26 = arith.xori %lt3A_23, %lt3A_25 : i1
    %and3A_27 = arith.andi %ne3A_26, %ne3A_22 : i1
    %add3A = arith.addi %rem3A_20, %select_n3A_19 : i32
    %select_n3A_28 = arith.select %and3A_27, %add3A, %rem3A_20 : i32
    %c0_i32 = arith.constant 0 : i32
    %c0_i32_29 = arith.constant 0 : i32
    %c0_i32_30 = arith.constant 0 : i32
    return %select_n3A, %select_n3A_28, %c0_i32, %c0_i32_29 : i32, i32, i32, i32
  }
  func.func @transform_2(%arg0: i32, %arg1: memref<192xi32, #tpu.memory_space<smem>>) -> (i32, i32, i32, i32) {
    %jit3A = arith.constant 96 : i32
    %div3A = arith.divsi %arg0, %jit3A : i32
    %sign3A = arith.constant 0 : i32
    %sign3A_0 = arith.cmpi sgt, %arg0, %sign3A : i32
    %sign3A_1 = arith.extui %sign3A_0 : i1 to i32
    %sign3A_2 = arith.constant 0 : i32
    %sign3A_3 = arith.cmpi slt, %arg0, %sign3A_2 : i32
    %sign3A_4 = arith.extui %sign3A_3 : i1 to i32
    %sign3A_5 = arith.subi %sign3A_1, %sign3A_4 : i32
    %sign3A_6 = arith.constant 0 : i32
    %sign3A_7 = arith.cmpi sgt, %jit3A, %sign3A_6 : i32
    %sign3A_8 = arith.extui %sign3A_7 : i1 to i32
    %sign3A_9 = arith.constant 0 : i32
    %sign3A_10 = arith.cmpi slt, %jit3A, %sign3A_9 : i32
    %sign3A_11 = arith.extui %sign3A_10 : i1 to i32
    %sign3A_12 = arith.subi %sign3A_8, %sign3A_11 : i32
    %ne3A = arith.cmpi ne, %sign3A_5, %sign3A_12 : i32
    %rem3A = arith.remsi %arg0, %jit3A : i32
    %ne3A_13 = arith.constant 0 : i32
    %ne3A_14 = arith.cmpi ne, %rem3A, %ne3A_13 : i32
    %and3A = arith.andi %ne3A, %ne3A_14 : i1
    %sub3A = arith.constant 1 : i32
    %sub3A_15 = arith.subi %div3A, %sub3A : i32
    %select_n3A = arith.select %and3A, %sub3A_15, %div3A : i32
    %jit3A_16 = arith.constant 96 : i32
    %eq3A = arith.constant 0 : i32
    %eq3A_17 = arith.cmpi eq, %jit3A_16, %eq3A : i32
    %jit3A_18 = arith.constant 1 : i32
    %select_n3A_19 = arith.select %eq3A_17, %jit3A_18, %jit3A_16 : i32
    %rem3A_20 = arith.remsi %arg0, %select_n3A_19 : i32
    %ne3A_21 = arith.constant 0 : i32
    %ne3A_22 = arith.cmpi ne, %rem3A_20, %ne3A_21 : i32
    %lt3A = arith.constant 0 : i32
    %lt3A_23 = arith.cmpi slt, %rem3A_20, %lt3A : i32
    %lt3A_24 = arith.constant 0 : i32
    %lt3A_25 = arith.cmpi slt, %select_n3A_19, %lt3A_24 : i32
    %ne3A_26 = arith.xori %lt3A_23, %lt3A_25 : i1
    %and3A_27 = arith.andi %ne3A_26, %ne3A_22 : i1
    %add3A = arith.addi %rem3A_20, %select_n3A_19 : i32
    %select_n3A_28 = arith.select %and3A_27, %add3A, %rem3A_20 : i32
    %c0_i32 = arith.constant 0 : i32
    %c0_i32_29 = arith.constant 0 : i32
    %c0_i32_30 = arith.constant 0 : i32
    return %select_n3A, %select_n3A_28, %c0_i32, %c0_i32_29 : i32, i32, i32, i32
  }
}

</mosaic_0001>

<sc_bundles>
// kernel: kernel.6.cloned.1.call-start
scs
__scs_entry_jumppad:
0x0: {  	(pc) =	sbr.rel $0x88, $3  }
0x1: {  	(tag) =	ssettag $0x0;
	lr =	simm.s32 $0x1  }
0x2: {  	[smem:$0x3F9D] =	sst lr;
	_ =	strace $0xD0000000  }
0x3: {  	_ = 	snop  }
0x4: {  	_ = 	snop  }
0x5: {  	_ = 	snop  }
0x6: {  	_ = 	snop  }
0x7: {  	_ = 	snop  }
__scs_overlays_trampoline_lowered:
0x8: {  	[smem:$0x3FAC] =	sst s0  }
0x9: {  	[smem:$0x3FAD] =	sst s1  }
0xa: {  	[smem:$0x3FAE] =	sst s2  }
0xb: {  	[smem:$0x3FAF] =	sst s3  }
0xc: {  	[smem:$0x3FB0] =	sst s4  }
0xd: {  	[smem:$0x3FB1] =	sst s5  }
0xe: {  	[smem:$0x3FB2] =	sst s6  }
0xf: {  	[smem:$0x3FB3] =	sst s7  }
0x10: {  	[smem:$0x3FB4] =	sst s8  }
0x11: {  	[smem:$0x3FB5] =	sst s9;
	s0 =	simm.s32 @!p0 $0x0  }
0x12: {  	s1 =	sld [smem:$0x3F9B];
	s0 =	simm.s32 @p0 $0x1  }
0x13: {  	[smem:$0x3FB6] =	sst s0;
	s0 =	simm.s32 @!p1 $0x0  }
0x14: {  	s2 =	sld [smem:$0x3F9A];
	s0 =	simm.s32 @p1 $0x1  }
0x15: {  	[smem:$0x3FB7] =	sst s0;
	s0 =	simm.s32 @!p2 $0x0  }
0x16: {  	s3 =	sld [smem:$0x3FDB];
	s0 =	simm.s32 @p2 $0x1  }
0x17: {  	s4 =	simm.s32 $0x1BF5;
	[smem:$0x3FB9] =	sst s0  }
0x18: {  	s0 =	sld [smem:$0x3F9C];
	_ =	swait.ge [sflag:s4], $0x0  }
0x19: {  	s7 =	sld [smem:$0x3F9D]  }
0x1a: {  	s8 =	sadd.s32 $0xFFFFE003, lr  }
0x1b: {  	s9 =	sadd.s32 $0xFFFFFEF7, lr;
	s5 =	simm.s32 $0xFFFFFFFF;
	p2 =	slt.u32 s8, $0xFFFFF086  }
0x1c: {  	p1 =	slt.u32 s9, $0xF7A;
	s5 =	simm.s32 @!p2 $0x0  }
0x1d: {  	s5 =	simm.s32 @p1 $0x1;
	p0 =	seq.s32 s7, s2  }
0x1e: {  	s7 =	smul.u32 @!p0 $0xF7A, s2;
	p2 =	seq.s32 @!p0 s5, $0x0  }
0x1f: {  	s9 =	smul.u32 $0xF7A, s1;
	s8 =	simm.s32 @!p0 $0x1BF5;
	p2 =	por !p2, p0  }
0x20: {  	[sflag:s8] =	ssyncset.s32 @!p0 $0xFFFFF086;
	s6 =	sadd.s32 @!p0 s3, s7;
	s7 =	simm.s32 @!p0 $0x108  }
0x21: {  	s3 =	sadd.s32 s3, s9;
	s6 =	sadd.s32 @!p0 $0x88, s6;
	s7 =	simm.s32 @p2 $0x1082  }
0x22: {  	[simem:s7], [sflag:s8] =	dma.local @!p0 [hbm:s6], $0xF7A  }
0x23: {  	s9 =	sor.u32 $0xD0000000, s2;
	s6 =	simm.s32 $0x108;
	_ =	swait.ge @!p0 [sflag:s8], $0x0  }
0x24: {  	s3 =	sadd.s32 $0x88, s3;
	s6 =	simm.s32 @!p1 $0x1082;
	[sflag:s4] =	ssyncset.s32 $0xFFFFF086  }
0x25: {  	[simem:s6], [sflag:s4] =	dma.local [hbm:s3], $0xF7A  }
0x26: {  	[smem:$0x3F9D] =	sst s1;
	(tag) =	ssettag s2;
	_ =	strace s9  }
0x27: {  	s1 =	sld [smem:$0x3FAD]  }
0x28: {  	s2 =	sld [smem:$0x3FAE]  }
0x29: {  	s4 =	sld [smem:$0x3FB0]  }
0x2a: {  	p0 =	seq.s32 s5, $0x0;
	s5 =	sld [smem:$0x3FB1]  }
0x2b: {  	s6 =	sld [smem:$0x3FB2]  }
0x2c: {  	s7 =	sld [smem:$0x3FB3]  }
0x2d: {  	s3 =	simm.s32 $0x108;
	s8 =	sld [smem:$0x3FB4]  }
0x2e: {  	s3 =	simm.s32 @!p0 $0x1082;
	s9 =	sld [smem:$0x3FB5]  }
0x2f: {  	lr =	sadd.s32 s0, s3;
	s0 =	sld [smem:$0x3FAC]  }
0x30: {  	s3 =	sld [smem:$0x3FAF]  }
0x31: {  	[smem:$0x3FB8] =	sst s10  }
0x32: {  	s10 =	sld [smem:$0x3FB6];
	_ =	sdelay $0x3  }
0x33: {  	p0 =	seq.s32 s10, $0x1;
	s10 =	sld [smem:$0x3FB8];
	_ =	sdelay $0x3  }
0x34: {  	[smem:$0x3FB8] =	sst s10  }
0x35: {  	s10 =	sld [smem:$0x3FB7];
	_ =	sdelay $0x3  }
0x36: {  	p1 =	seq.s32 s10, $0x1;
	s10 =	sld [smem:$0x3FB8];
	_ =	sdelay $0x3  }
0x37: {  	[smem:$0x3FB8] =	sst s10  }
0x38: {  	s10 =	sld [smem:$0x3FB9]  }
0x39: {  	_ = 	snop;
	(pc) =	sbr.ind lr, $3  }
0x3a: {  	_ = 	snop  }
0x3b: {  	_ = 	snop  }
0x3c: {  	p2 =	seq.s32 s10, $0x1;
	s10 =	sld [smem:$0x3FB8]  }
0x3d: {  	_ =	shalt  }
0x3e: {  	_ =	shalt  }
0x3f: {  	_ =	shalt  }
0x40: {  	_ =	shalt  }
0x41: {  	_ =	shalt  }
0x42: {  	_ =	shalt  }
0x43: {  	_ =	shalt  }
0x44: {  	_ =	shalt  }
0x45: {  	_ =	shalt  }
0x46: {  	_ =	shalt  }
0x47: {  	_ =	shalt  }
0x48: {  	_ =	shalt  }
0x49: {  	_ =	shalt  }
0x4a: {  	_ =	shalt  }
0x4b: {  	_ =	shalt  }
0x4c: {  	_ =	shalt  }
0x4d: {  	_ =	shalt  }
0x4e: {  	_ =	shalt  }
0x4f: {  	_ =	shalt  }
0x50: {  	_ =	shalt  }
0x51: {  	_ =	shalt  }
0x52: {  	_ =	shalt  }
0x53: {  	_ =	shalt  }
0x54: {  	_ =	shalt  }
0x55: {  	_ =	shalt  }
0x56: {  	_ =	shalt  }
0x57: {  	_ =	shalt  }
0x58: {  	_ =	shalt  }
0x59: {  	_ =	shalt  }
0x5a: {  	_ =	shalt  }
0x5b: {  	_ =	shalt  }
0x5c: {  	_ =	shalt  }
0x5d: {  	_ =	shalt  }
0x5e: {  	_ =	shalt  }
0x5f: {  	_ =	shalt  }
0x60: {  	_ =	shalt  }
0x61: {  	_ =	shalt  }
0x62: {  	_ =	shalt  }
0x63: {  	_ =	shalt  }
0x64: {  	_ =	shalt  }
0x65: {  	_ =	shalt  }
0x66: {  	_ =	shalt  }
0x67: {  	_ =	shalt  }
0x68: {  	_ =	shalt  }
0x69: {  	_ =	shalt  }
0x6a: {  	_ =	shalt  }
0x6b: {  	_ =	shalt  }
0x6c: {  	_ =	shalt  }
0x6d: {  	_ =	shalt  }
0x6e: {  	_ =	shalt  }
0x6f: {  	_ =	shalt  }
0x70: {  	_ =	shalt  }
0x71: {  	_ =	shalt  }
0x72: {  	_ =	shalt  }
0x73: {  	_ =	shalt  }
0x74: {  	_ =	shalt  }
0x75: {  	_ =	shalt  }
0x76: {  	_ =	shalt  }
0x77: {  	_ =	shalt  }
0x78: {  	_ =	shalt  }
0x79: {  	_ =	shalt  }
0x7a: {  	_ =	shalt  }
0x7b: {  	_ =	shalt  }
0x7c: {  	_ =	shalt  }
0x7d: {  	_ =	shalt  }
0x7e: {  	_ =	shalt  }
0x7f: {  	_ =	shalt  }
0x80: {  	_ =	shalt  }
0x81: {  	_ =	shalt  }
0x82: {  	_ =	shalt  }
0x83: {  	_ =	shalt  }
0x84: {  	_ =	shalt  }
0x85: {  	_ =	shalt  }
0x86: {  	_ =	shalt  }
0x87: {  	_ =	shalt  }
.Lfunc_end0:
.L_simem_size_0:
called_computation_lowered:
.L_overlay_start_0:
0x88: {  	s2 =	sld [smem:$0x3FD9]  }
0x89: {  	s3 =	sld [smem:$0x3FFE];
	_ =	sdelay $0x1  }
0x8a: {  	s1 =	srdreg.scid  }
0x8b: {  	s0 =	sand.u32 $0x1, s1  }
0x8c: {  	s14 =	sshll.u32 s0, $0xA;
	s2 =	sadd.s32 s3, s2  }
0x8d: {  	s2 =	sadd.s32 s2, s14  }
0x8e: {  	[smem:$0x3FC4] =	sst s2  }
0x8f: {  	_ = 	snop  }
0x90: {  	s2 =	sld [smem:$0x3FD0];
	_ =	sdelay $0x2  }
0x91: {  	s15 =	simm.s32 $0xA;
	s4 =	simm.s32 $0x10  }
0x92: {  	[smem:s4], [sflag:s15] =	dma.local [hbm:s2], $0x1  }
0x93: {  	_ =	swait.eq [sflag:s15], $0x1  }
0x94: {  	[sflag:s15] =	ssyncset.done $0x0  }
0x95: {  	[sflag:s15] =	ssyncadd.s32 $0xFFFFFFFF  }
0x96: {  	s16 =	sld [smem:$0x12];
	(tm) =	ssettm $0x1  }
0x97: {  	s17 =	sld [smem:$0x3FFB];
	_ =	sdelay $0x3  }
0x98: {  	_ =	strace s17  }
0x99: {  	s3 =	sld [smem:$0x3FFC];
	_ =	sdelay $0x3  }
0x9a: {  	_ =	strace s3  }
0x9b: {  	s3 =	sld [smem:$0x3FFD];
	_ =	sdelay $0x3  }
0x9c: {  	_ =	strace s3  }
0x9d: {  	_ =	strace $0x8FFFFFFF  }
0x9e: {  	s18 =	sld [smem:$0x3FDB];
	_ =	sdelay $0x1  }
0x9f: {  	s19 =	simm.s32 $_scs_section_size  }
0xa0: {  	s5 =	simm.s32 $_size__tile_overlayer_lowered;
	s6 =	simm.s32 $_tile_overlayer_lowered  }
0xa1: {  	s22 =	simm.s32 $0x1BFF;
	s21 =	sshll.u32 s6, $0x1;
	s3 =	sadd.s32 s19, s18  }
0xa2: {  	s7 =	simm.s32 $0x0;
	s20 =	sshll.u32 s5, $0x1;
	s5 =	sadd.s32 s21, s3  }
0xa3: {  	[timem:s7], [sflag:s22] =	dma.local [hbm:s5], s20  }
0xa4: {  	_ =	swait.ge [sflag:s22], s20  }
0xa5: {  	s4 =	ssub.s32 $0x0, s20;
	[sflag:s22] =	ssyncset.done $0x0  }
0xa6: {  	[sflag:s22] =	ssyncadd.s32 s4;
	_ =	sdelay $0x1  }
0xa7: {  	s23 =	simm.s32 $0x1B8B  }
0xa8: {  	_ =	swait.ge [sflag:s23], $0x1  }
0xa9: {  	[sflag:s23] =	ssyncset.done $0x0  }
0xaa: {  	s25 =	simm.s32 $0x1B8E;
	s24 =	sld [smem:$0x3FFE];
	[sflag:s23] =	ssyncadd.s32 $0xFFFFFFFF  }
0xab: {  	s26 =	simm.s32 $execute0_lowered;
	[smem:$0x3FD2] =	sst s25  }
0xac: {  	s5 =	sshll.u32 s26, $0x1;
	_ =	strace $0x80000046;
	[dreg:$0x1] =	wrdreg $0xFFFFFFFF  }
0xad: {  	s28 =	simm.s32 $_size_execute0_lowered;
	s3 =	sadd.s32 s3, s5;
	[dreg:$0x0] =	wrdreg $0x0  }
0xae: {  	s5 =	sshll.u32 s28, $0x1;
	[dreg:$0x2] =	wrdreg s3  }
0xaf: {  	[dreg:$0x3] =	wrdreg s5  }
0xb0: {  	[dreg:$0x4] =	wrdreg $0xC0  }
0xb1: {  	_ =	task [dreg:s7], $0x5FFFF  }
0xb2: {  	[dreg:$0x1] =	wrdreg $0xFFFFFFFF  }
0xb3: {  	[dreg:$0x0] =	wrdreg $0x60  }
0xb4: {  	[dreg:$0x2] =	wrdreg s24  }
0xb5: {  	[dreg:$0x3] =	wrdreg s16  }
0xb6: {  	[dreg:$0x4] =	wrdreg $0x9  }
0xb7: {  	_ =	task.clear_ibuf [dreg:s7], $0x5FFFF;
	_ =	strace $0x90000046  }
0xb8: {  	s29 =	simm.s32 $0x9;
	_ =	strace $0x80000048  }
0xb9: {  	_ =	swait.ge [sflag:s29], $0x1  }
0xba: {  	[sflag:s29] =	ssyncadd.s32 $0xFFFFFFFF  }
0xbb: {  	_ =	strace $0x90000048  }
0xbc: {  	_ =	sfence  }
0xbd: {  	s30 =	sld [smem:$0x0];
	_ =	sdelay $0x2  }
0xbe: {  	s31 =	sshll.u32 s1, $0xD;
	s1 =	sshrl.u32 s1, $0x2  }
0xbf: {  	s3 =	sand.u32 $0x4000, s31;
	s1 =	sadd.s32 s1, s30  }
0xc0: {  	s0 =	sor.u32 s3, s0;
	s1 =	sshll.u32 s1, $0x11  }
0xc1: {  	s0 =	sor.u32 s1, s0  }
0xc2: {  	s0 =	sadd.s32 $0x8F2B, s0  }
0xc3: {  	[sflag:s0] =	ssyncadd.remote.s32 $0x1  }
0xc4: {  	_ =	sfence.sel $0xFFFF  }
0xc5: {  	[dreg:$0x0] =	wrdreg $0xFFFFFFFF;
	(pc) =	sbr.abs _section_cstart, $3  }
0xc6: {  	[dreg:$0x1] =	wrdreg $0xFFFFFFFF  }
0xc7: {  	_ =	task.clear_ibuf [dreg:s7], $0x2FFFF;
	_ =	strace $0x9FFFFFFF  }
0xc8: {  	(tm) =	ssettm $0x7FFFFFFF  }
0xc9: {  	_ =	shalt  }
tec
execute0_lowered:
.L_overlay_start_1:
0x0: {  	(tag) =	ssettag $0x1  }
0x1: {  	s1 =	stileid.u32  }
0x2: {  	s0 =	srdreg.scid;
	s7 =	rddreg [dreg:$0x0];
	s2 =	simm.s32 $0x0  }
0x3: {  	s21 =	sshll.u32 s1, $0x1;
	s4 =	sshrl.u32 s1, $0x3;
	s1 =	rddreg [dreg:$0x1]  }
0x4: {  	s31 =	simm.s32 $0x1;
	s3 =	sand.u32 $0x1, s0;
	[smem:$0x7FF] =	sst s2  }
0x5: {  	s0 =	sor.u32 s3, s21;
	s9 =	smul.u32 $0x60, s4;
	_ =	strace $0x80000047  }
0x6: {  	s3 =	ssub.s32 $0x2, s3;
	s4 =	sshll.u32 s4, $0xC;
	s8 =	smul.u32 $0x6, s0  }
0x7: {  	s6 =	sshrl.u32 s3, $0x1;
	s4 =	sadd.s32 s4, s7;
	s22 =	smul.u32 $0x6000, s0  }
0x8: {  	s0 =	sshll.u32 s0, $0x4;
	s3 =	ssub.s32 s3, s6;
	s6 =	sadd.s32 $0x3010, s7  }
0x9: {  	s28 =	sadd.s32 s1, s0;
	s5 =	ssub.s32 s8, s9;
	s10 =	sor.u32 $0x1, s8  }
0xa: {  	s12 =	sadd.s32 $0x2, s8;
	s14 =	sadd.s32 $0x3, s8;
	s15 =	sadd.s32 $0x4, s8  }
0xb: {  	s8 =	sadd.s32 $0x5, s8;
	s24 =	sadd.s32 s22, s6;
	s11 =	ssub.s32 s10, s9  }
0xc: {  	v0 =	vmov s5;
	s5 =	sadd.s32 $0x3000, s7;
	s13 =	ssub.s32 s12, s9;
	s23 =	ssub.s32 s14, s9  }
0xd: {  	v1 =	vimm.f32 $9.600000000e+01;
	[dreg:$0x4] =	wrdreg s24;
	s10 =	sshll.u32 s10, $0xC;
	s17 =	sadd.s32 s5, s22  }
0xe: {  	(erf) = vrcp.f32 v1;
	s16 =	ssub.s32 s15, s9;
	v1 =	vmov s11;
	s11 =	sadd.s32 s5, s10;
	[dreg:$0x3] =	wrdreg s17  }
0xf: {  	s18 =	sshll.u32 s12, $0xC;
	v4 =	vmov s16;
	s16 =	sadd.s32 s10, s6;
	[dreg:$0x7] =	wrdreg s11  }
0x10: {  	s9 =	ssub.s32 s8, s9;
	v0 =	vcvt.s32.f32 v0;
	v2 =	vmov s13;
	v3 =	vmov s23;
	s19 =	sadd.s32 s5, s18;
	[dreg:$0x8] =	wrdreg s16  }
0x11: {  	s13 =	sadd.s32 $0x3020, s7;
	v5 =	vmov s9;
	s20 =	sadd.s32 s18, s6;
	v1 =	vcvt.s32.f32 v1;
	v2 =	vcvt.s32.f32 v2;
	[dreg:$0xb] =	wrdreg s19  }
0x12: {  	s7 =	sadd.s32 $0x3030, s7;
	v3 =	vcvt.s32.f32 v3;
	v4 =	vcvt.s32.f32 v4;
	s25 =	sadd.s32 s22, s13;
	[dreg:$0xc] =	wrdreg s20;
	v0 =	vadd.f32 $5.000000000e-01, v0  }
0x13: {  	s29 =	sadd.s32 $0x1000, s4;
	s26 =	sadd.s32 s22, s7;
	v5 =	vcvt.s32.f32 v5;
	[dreg:$0x5] =	wrdreg s25;
	v1 =	vadd.f32 $5.000000000e-01, v1;
	v2 =	vadd.f32 $5.000000000e-01, v2  }
0x14: {  	v7 =	vimm.s32 $0x0;
	s1 =	simm.s32 $0x8000;
	s17 =	sadd.s32 s10, s13;
	[dreg:$0x6] =	wrdreg s26;
	v3 =	vadd.f32 $5.000000000e-01, v3;
	v4 =	vadd.f32 $5.000000000e-01, v4  }
0x15: {  	vm0 =	vcmask $0x300;
	s0 =	simm.s32 $0xA080;
	s10 =	sadd.s32 s10, s7;
	[dreg:$0x9] =	wrdreg s17;
	v5 =	vadd.f32 $5.000000000e-01, v5;
	v0 =	vadd.f32 v0, v0  }
0x16: {  	vm1 =	vcmask $0x704;
	s4 =	simm.s32 $0xE180;
	s21 =	sadd.s32 s18, s13;
	[dreg:$0xa] =	wrdreg s10;
	v1 =	vadd.f32 v1, v1;
	v2 =	vadd.f32 v2, v2  }
0x17: {  	s9 =	sadd.s32 s18, s7;
	s22 =	sshll.u32 s14, $0xC;
	[dreg:$0xd] =	wrdreg s21;
	v3 =	vadd.f32 v3, v3;
	v4 =	vadd.f32 v4, v4;
	v0 =	vbroadcast v0, $0x0  }
0x18: {  	s30 =	smax.u32 s3, $0x1;
	[dreg:$0xe] =	wrdreg s9;
	s23 =	sadd.s32 s5, s22;
	v5 =	vadd.f32 v5, v5;
	v1 =	vbroadcast v1, $0x0;
	v2 =	vbroadcast v2, $0x0  }
0x19: {  	vm2 =	vcmask $0xB08;
	s3 =	simm.s32 $0xC100;
	s24 =	sadd.s32 s22, s6;
	[dreg:$0xf] =	wrdreg s23;
	v6 =	vpop (erf);
	v3 =	vbroadcast v3, $0x0;
	v4 =	vbroadcast v4, $0x0  }
0x1a: {  	vm3 =	vcmask $0xF0C;
	s8 =	sshll.u32 s8, $0xC;
	s25 =	sadd.s32 s22, s13;
	[dreg:$0x10] =	wrdreg s24;
	v5 =	vbroadcast v5, $0x0;
	v0 =	vmul.f32 v0, v6  }
0x1b: {  	vm4 =	vcmask $0x1310;
	s9 =	sadd.s32 s22, s7;
	s26 =	sshll.u32 s15, $0xC;
	[dreg:$0x11] =	wrdreg s25;
	v1 =	vmul.f32 v1, v6;
	v2 =	vmul.f32 v2, v6  }
0x1c: {  	vm5 =	vcmask $0x1714;
	[dreg:$0x12] =	wrdreg s9;
	s19 =	sadd.s32 s5, s26;
	s20 =	sadd.s32 s26, s6;
	v3 =	vmul.f32 v3, v6;
	v4 =	vmul.f32 v4, v6  }
0x1d: {  	s21 =	sadd.s32 s26, s13;
	s22 =	sadd.s32 s26, s7;
	s23 =	sadd.s32 s5, s8;
	v6 =	vmul.f32 v5, v6;
	v0 =	vsub.f32 $1.000000000e+00, v0;
	v1 =	vsub.f32 $1.000000000e+00, v1  }
0x1e: {  	s24 =	sadd.s32 s8, s6;
	s25 =	sadd.s32 s8, s13;
	s26 =	sadd.s32 s8, s7;
	v5 =	vlaneseq.u32;
	v2 =	vsub.f32 $1.000000000e+00, v2;
	v3 =	vsub.f32 $1.000000000e+00, v3  }
0x1f: {  	s5 =	simm.s32 $0x80;
	s6 =	simm.s32 $0x200;
	s7 =	simm.s32 $0x0;
	v8 =	vor.u32 $0x2000, v5;
	v4 =	vsub.f32 $1.000000000e+00, v4;
	v6 =	vsub.f32 $1.000000000e+00, v6  }
.LBB2_1:
0x20: {  	[tilespmem:s2], [sflag:$0x1] =	stream.linear.gather [hbm4b:s29+s2], $0x8000, $0x38;
	[tilespmem:$0x10280] =	vst v63  }
0x21: {  	_ =	swait.ge [sflag:s31], $0x8000  }
0x22: {  	s8 =	sand.u32 $0x70, s2;
	s9 =	sand.u32 $0x7E00, s2;
	[sflag:s31] =	ssyncset.done $0x0  }
0x23: {  	s8 =	sor.u32 s8, s9;
	[sflag:s31] =	ssyncadd.s32 $0xFFFF8000  }
0x24: {  	v9 =	vld [tilespmem:s8+$0x80];
	_ =	sdelay $0x3  }
0x25: {  	v11 =	vld [tilespmem:s8+$0x100]  }
0x26: {  	v9 =	vsub.f32 v9, v0;
	_ =	sdelay $0x1  }
0x27: {  	v10 =	vmul.f32 v9, v9;
	_ =	sdelay $0x1  }
0x28: {  	vm7 =	vgt.f32 v11, $0.0e+00;
	vm6 =	vlt.f32 v10, $2.499999940e-03  }
0x29: {  	vm6 =	vmand vm7, vm6  }
0x2a: {  	v9 =	vsel vm6, $0x1, v7  }
0x2b: {  	(xrf0) =	vadd.scan.msk.s32 $0xffff, v9;
	_ =	sdelay $0x2  }
0x2c: {  	v9 =	vmov s2  }
0x2d: {  	v9 =	vadd.s32 $0xFFFFFFFF, v9  }
0x2e: {  	v9 =	vbroadcast v9, $0x0  }
0x2f: {  	v12, _, _ =	vpop (xrf0)  }
0x30: {  	v9 =	vadd.s32 v12, v9;
	(v2sf) =	vpush v12, $0xF  }
0x31: {  	v13 =	vld [tilespmem:s8+$0x0];
	v9 =	vsel vm6, v9, v8;
	_ =	sdelay $0x4  }
0x32: {  	v63 =	vor.u32 s2, v5;
	[tilespmem:v9+s1+$0x0] =	vst.idx.msk $0xffff, v13  }
0x33: {  	s10 =	simm.s32 $0x40;
	s11 =	simm.s32 $0x20;
	s8 =	simm.s32 $0x10;
	[tilespmem:v9+s0+$0x0] =	vst.idx.msk $0xffff, v10;
	v10 =	vcvt.s32.f32 v63  }
0x34: {  	s13 =	sand.u32 $0x7E00, s10;
	s9 =	simm.s32 $0x0;
	s12 =	sand.u32 $0x70, s8;
	[tilespmem:v9+s3+$0x0] =	vst.idx.msk $0xffff, v11  }
.LBB2_2:
0x35: {  	p0 =	sne.s32 s11, $0x1FF0;
	s12 =	sor.u32 s12, s13;
	[tilespmem:v9+s4+$0x0] =	vst.idx.msk $0xffff, v10  }
0x36: {  	v9 =	vld [tilespmem:s12+$0x80]  }
0x37: {  	v11 =	vld [tilespmem:s12+$0x100]  }
0x38: {  	v10 =	vld [tilespmem:s12+$0x0];
	_ =	sdelay $0x2  }
0x39: {  	v9 =	vsub.f32 v9, v0;
	s12 =	spop (v2sf)  }
0x3a: {  	s9 =	sadd.s32 s9, s12  }
0x3b: {  	v12 =	vmul.f32 v9, v9;
	v9 =	vmov s9  }
0x3c: {  	v9 =	vadd.s32 $0xFFFFFFFF, v9  }
0x3d: {  	vm7 =	vgt.f32 v11, $0.0e+00;
	vm6 =	vlt.f32 v12, $2.499999940e-03;
	v9 =	vbroadcast v9, $0x0  }
0x3e: {  	vm6 =	vmand vm7, vm6  }
0x3f: {  	v13 =	vsel vm6, $0x1, v7  }
0x40: {  	(xrf0) =	vadd.scan.msk.s32 $0xffff, v13;
	_ =	sdelay $0x5  }
0x41: {  	v13, _, _ =	vpop (xrf0)  }
0x42: {  	v9 =	vadd.s32 v13, v9;
	(v2sf) =	vpush v13, $0xF  }
0x43: {  	v9 =	vsel vm6, v9, v8;
	_ =	sdelay $0x2  }
.Ltmp0:
0x44: {  	(pc) =	sbr.rel @p0 .LBB2_2-.Ltmp0, $4  }
0x45: {  	_ = 	snop  }
0x46: {  	v13 =	vor.u32 s8, v5;
	s8 =	smov.u32 s11;
	[tilespmem:v9+s1+$0x0] =	vst.idx.msk $0xffff, v10  }
0x47: {  	s10 =	sadd.s32 $0x40, s10;
	v10 =	vcvt.s32.f32 v13;
	[tilespmem:v9+s0+$0x0] =	vst.idx.msk $0xffff, v12  }
0x48: {  	s13 =	sand.u32 $0x7E00, s10;
	s11 =	sadd.s32 $0x10, s11;
	s12 =	sand.u32 $0x70, s8;
	[tilespmem:v9+s3+$0x0] =	vst.idx.msk $0xffff, v11  }
0x49: {  	_ =	sdelay $0x3  }
0x4a: {  	s10 =	sor.u32 s12, s13;
	[tilespmem:v9+s4+$0x0] =	vst.idx.msk $0xffff, v10  }
0x4b: {  	v9 =	vld [tilespmem:s10+$0x80];
	_ =	sdelay $0x3  }
0x4c: {  	v10 =	vld [tilespmem:s10+$0x100]  }
0x4d: {  	v9 =	vsub.f32 v9, v0;
	_ =	sdelay $0x1  }
0x4e: {  	v9 =	vmul.f32 v9, v9;
	_ =	sdelay $0x1  }
0x4f: {  	vm7 =	vgt.f32 v10, $0.0e+00;
	vm6 =	vlt.f32 v9, $2.499999940e-03  }
0x50: {  	vm6 =	vmand vm7, vm6  }
0x51: {  	v11 =	vsel vm6, $0x1, v7  }
0x52: {  	(xrf0) =	vadd.scan.msk.s32 $0xffff, v11;
	_ =	sdelay $0x4  }
0x53: {  	s11 =	spop (v2sf)  }
0x54: {  	s11 =	sadd.s32 s9, s11;
	v11, _, _ =	vpop (xrf0)  }
0x55: {  	v12 =	vmov s11;
	(v2sf) =	vpush v11, $0xF  }
0x56: {  	v12 =	vadd.s32 $0xFFFFFFFF, v12  }
0x57: {  	v12 =	vbroadcast v12, $0x0;
	_ =	sdelay $0x1  }
0x58: {  	v11 =	vadd.s32 v11, v12  }
0x59: {  	v59 =	vld [tilespmem:s10+$0x0];
	v11 =	vsel vm6, v11, v8;
	_ =	sdelay $0x4  }
0x5a: {  	v13 =	vor.u32 s8, v5;
	[tilespmem:v11+s1+$0x0] =	vst.idx.msk $0xffff, v59  }
0x5b: {  	v60 =	vcvt.s32.f32 v13;
	[tilespmem:v11+s0+$0x0] =	vst.idx.msk $0xffff, v9  }
0x5c: {  	[tilespmem:v11+s3+$0x0] =	vst.idx.msk $0xffff, v10  }
0x5d: {  	s13 =	rddreg [dreg:$0x3];
	[tilespmem:v11+s4+$0x0] =	vst.idx.msk $0xffff, v60  }
0x5e: {  	[hbm4b:s13+s5] =	stream.strided.scatter [tilespmem:s1], [sflag:$0x1], $0x2000, s6, s5, $0x38;
	[tilespmem:$0x10280] =	vst v63  }
0x5f: {  	s8 =	spop (v2sf)  }
0x60: {  	_ =	swait.ge [sflag:s31], $0x2000  }
0x61: {  	[sflag:s31] =	ssyncset.done $0x0  }
0x62: {  	s14 =	rddreg [dreg:$0x4];
	[sflag:s31] =	ssyncadd.s32 $0xFFFFE000  }
0x63: {  	[hbm4b:s14+s5] =	stream.strided.scatter [tilespmem:s0], [sflag:$0x1], $0x2000, s6, s5, $0x38;
	[tilespmem:$0x10280] =	vst v63  }
0x64: {  	_ =	swait.ge [sflag:s31], $0x2000  }
0x65: {  	[sflag:s31] =	ssyncset.done $0x0  }
0x66: {  	s15 =	rddreg [dreg:$0x5];
	[sflag:s31] =	ssyncadd.s32 $0xFFFFE000  }
0x67: {  	[hbm4b:s15+s5] =	stream.strided.scatter [tilespmem:s3], [sflag:$0x1], $0x2000, s6, s5, $0x38;
	[tilespmem:$0x10280] =	vst v63  }
0x68: {  	_ =	swait.ge [sflag:s31], $0x2000  }
0x69: {  	[sflag:s31] =	ssyncset.done $0x0  }
0x6a: {  	s16 =	rddreg [dreg:$0x6];
	[sflag:s31] =	ssyncadd.s32 $0xFFFFE000  }
0x6b: {  	[hbm4b:s16+s5] =	stream.strided.scatter [tilespmem:s4], [sflag:$0x1], $0x2000, s6, s5, $0x38;
	[tilespmem:$0x10280] =	vst v63  }
0x6c: {  	s9 =	simm.s32 $0x0;
	_ =	swait.ge [sflag:s31], $0x2000  }
0x6d: {  	s17 =	sand.u32 $0x70, s9;
	s18 =	sand.u32 $0x7E00, s9;
	[sflag:s31] =	ssyncset.done $0x0  }
0x6e: {  	s10 =	sor.u32 s17, s18;
	[sflag:s31] =	ssyncadd.s32 $0xFFFFE000  }
0x6f: {  	v9 =	vld [tilespmem:s10+$0x80];
	_ =	sdelay $0x3  }
0x70: {  	v11 =	vld [tilespmem:s10+$0x100]  }
0x71: {  	v9 =	vsub.f32 v9, v1;
	_ =	sdelay $0x1  }
0x72: {  	v10 =	vmul.f32 v9, v9;
	_ =	sdelay $0x1  }
0x73: {  	vm7 =	vgt.f32 v11, $0.0e+00;
	vm6 =	vlt.f32 v10, $2.499999940e-03  }
0x74: {  	vm6 =	vmand vm7, vm6  }
0x75: {  	v9 =	vsel vm6, $0x1, v7  }
0x76: {  	(xrf0) =	vadd.scan.msk.s32 $0xffff, v9;
	_ =	sdelay $0x2  }
0x77: {  	v9 =	vmov s9  }
0x78: {  	v9 =	vadd.s32 $0xFFFFFFFF, v9  }
0x79: {  	v9 =	vbroadcast v9, $0x0  }
0x7a: {  	v61, _, _ =	vpop (xrf0)  }
0x7b: {  	v9 =	vadd.s32 v61, v9;
	(v2sf) =	vpush v61, $0xF  }
0x7c: {  	v62 =	vld [tilespmem:s10+$0x0];
	v9 =	vsel vm6, v9, v8;
	_ =	sdelay $0x4  }
0x7d: {  	v63 =	vor.u32 s9, v5;
	[tilespmem:v9+s1+$0x0] =	vst.idx.msk $0xffff, v62  }
0x7e: {  	s8 =	sadd.s32 s11, s8;
	s11 =	simm.s32 $0x40;
	s10 =	simm.s32 $0x10;
	[tilespmem:v9+s0+$0x0] =	vst.idx.msk $0xffff, v10;
	v10 =	vcvt.s32.f32 v63  }
0x7f: {  	s12 =	simm.s32 $0x20;
	s14 =	sand.u32 $0x7E00, s11;
	s13 =	sand.u32 $0x70, s10;
	[tilespmem:v9+s3+$0x0] =	vst.idx.msk $0xffff, v11  }
.LBB2_4:
0x80: {  	p0 =	sne.s32 s12, $0x1FF0;
	s13 =	sor.u32 s13, s14;
	[tilespmem:v9+s4+$0x0] =	vst.idx.msk $0xffff, v10  }
0x81: {  	v9 =	vld [tilespmem:s13+$0x80]  }
0x82: {  	v11 =	vld [tilespmem:s13+$0x100]  }
0x83: {  	v10 =	vld [tilespmem:s13+$0x0];
	_ =	sdelay $0x2  }
0x84: {  	v9 =	vsub.f32 v9, v1;
	s13 =	spop (v2sf)  }
0x85: {  	s9 =	sadd.s32 s9, s13  }
0x86: {  	v12 =	vmul.f32 v9, v9;
	v9 =	vmov s9  }
0x87: {  	v9 =	vadd.s32 $0xFFFFFFFF, v9  }
0x88: {  	vm7 =	vgt.f32 v11, $0.0e+00;
	vm6 =	vlt.f32 v12, $2.499999940e-03;
	v9 =	vbroadcast v9, $0x0  }
0x89: {  	vm6 =	vmand vm7, vm6  }
0x8a: {  	v13 =	vsel vm6, $0x1, v7  }
0x8b: {  	(xrf0) =	vadd.scan.msk.s32 $0xffff, v13;
	_ =	sdelay $0x5  }
0x8c: {  	v13, _, _ =	vpop (xrf0)  }
0x8d: {  	v9 =	vadd.s32 v13, v9;
	(v2sf) =	vpush v13, $0xF  }
0x8e: {  	v9 =	vsel vm6, v9, v8;
	_ =	sdelay $0x2  }
.Ltmp1:
0x8f: {  	(pc) =	sbr.rel @p0 .LBB2_4-.Ltmp1, $4  }
0x90: {  	_ = 	snop  }
0x91: {  	v13 =	vor.u32 s10, v5;
	s10 =	smov.u32 s12;
	[tilespmem:v9+s1+$0x0] =	vst.idx.msk $0xffff, v10  }
0x92: {  	s11 =	sadd.s32 $0x40, s11;
	v10 =	vcvt.s32.f32 v13;
	[tilespmem:v9+s0+$0x0] =	vst.idx.msk $0xffff, v12  }
0x93: {  	s14 =	sand.u32 $0x7E00, s11;
	s12 =	sadd.s32 $0x10, s12;
	s13 =	sand.u32 $0x70, s10;
	[tilespmem:v9+s3+$0x0] =	vst.idx.msk $0xffff, v11  }
0x94: {  	_ =	sdelay $0x3  }
0x95: {  	s11 =	sor.u32 s13, s14;
	[tilespmem:v9+s4+$0x0] =	vst.idx.msk $0xffff, v10  }
0x96: {  	v9 =	vld [tilespmem:s11+$0x80];
	_ =	sdelay $0x3  }
0x97: {  	v10 =	vld [tilespmem:s11+$0x100]  }
0x98: {  	v9 =	vsub.f32 v9, v1;
	_ =	sdelay $0x1  }
0x99: {  	v9 =	vmul.f32 v9, v9;
	_ =	sdelay $0x1  }
0x9a: {  	vm7 =	vgt.f32 v10, $0.0e+00;
	vm6 =	vlt.f32 v9, $2.499999940e-03  }
0x9b: {  	vm6 =	vmand vm7, vm6  }
0x9c: {  	v11 =	vsel vm6, $0x1, v7  }
0x9d: {  	(xrf0) =	vadd.scan.msk.s32 $0xffff, v11;
	_ =	sdelay $0x4  }
0x9e: {  	s12 =	spop (v2sf)  }
0x9f: {  	s9 =	sadd.s32 s9, s12;
	v11, _, _ =	vpop (xrf0)  }
0xa0: {  	v12 =	vmov s9;
	(v2sf) =	vpush v11, $0xF  }
0xa1: {  	v12 =	vadd.s32 $0xFFFFFFFF, v12  }
0xa2: {  	v12 =	vbroadcast v12, $0x0;
	_ =	sdelay $0x1  }
0xa3: {  	v11 =	vadd.s32 v11, v12  }
0xa4: {  	v59 =	vld [tilespmem:s11+$0x0];
	v11 =	vsel vm6, v11, v8;
	_ =	sdelay $0x4  }
0xa5: {  	v13 =	vor.u32 s10, v5;
	[tilespmem:v11+s1+$0x0] =	vst.idx.msk $0xffff, v59  }
0xa6: {  	v60 =	vcvt.s32.f32 v13;
	[tilespmem:v11+s0+$0x0] =	vst.idx.msk $0xffff, v9  }
0xa7: {  	[tilespmem:v11+s3+$0x0] =	vst.idx.msk $0xffff, v10  }
0xa8: {  	s13 =	rddreg [dreg:$0x7];
	[tilespmem:v11+s4+$0x0] =	vst.idx.msk $0xffff, v60  }
0xa9: {  	[hbm4b:s13+s5] =	stream.strided.scatter [tilespmem:s1], [sflag:$0x1], $0x2000, s6, s5, $0x38;
	[tilespmem:$0x10280] =	vst v63  }
0xaa: {  	s11 =	spop (v2sf)  }
0xab: {  	_ =	swait.ge [sflag:s31], $0x2000  }
0xac: {  	[sflag:s31] =	ssyncset.done $0x0  }
0xad: {  	s14 =	rddreg [dreg:$0x8];
	[sflag:s31] =	ssyncadd.s32 $0xFFFFE000  }
0xae: {  	[hbm4b:s14+s5] =	stream.strided.scatter [tilespmem:s0], [sflag:$0x1], $0x2000, s6, s5, $0x38;
	[tilespmem:$0x10280] =	vst v63  }
0xaf: {  	_ =	swait.ge [sflag:s31], $0x2000  }
0xb0: {  	[sflag:s31] =	ssyncset.done $0x0  }
0xb1: {  	s15 =	rddreg [dreg:$0x9];
	[sflag:s31] =	ssyncadd.s32 $0xFFFFE000  }
0xb2: {  	[hbm4b:s15+s5] =	stream.strided.scatter [tilespmem:s3], [sflag:$0x1], $0x2000, s6, s5, $0x38;
	[tilespmem:$0x10280] =	vst v63  }
0xb3: {  	_ =	swait.ge [sflag:s31], $0x2000  }
0xb4: {  	[sflag:s31] =	ssyncset.done $0x0  }
0xb5: {  	s16 =	rddreg [dreg:$0xa];
	[sflag:s31] =	ssyncadd.s32 $0xFFFFE000  }
0xb6: {  	[hbm4b:s16+s5] =	stream.strided.scatter [tilespmem:s4], [sflag:$0x1], $0x2000, s6, s5, $0x38;
	[tilespmem:$0x10280] =	vst v63  }
0xb7: {  	s10 =	simm.s32 $0x0;
	_ =	swait.ge [sflag:s31], $0x2000  }
0xb8: {  	s17 =	sand.u32 $0x70, s10;
	s18 =	sand.u32 $0x7E00, s10;
	[sflag:s31] =	ssyncset.done $0x0  }
0xb9: {  	s12 =	sor.u32 s17, s18;
	[sflag:s31] =	ssyncadd.s32 $0xFFFFE000  }
0xba: {  	v9 =	vld [tilespmem:s12+$0x80];
	_ =	sdelay $0x3  }
0xbb: {  	v11 =	vld [tilespmem:s12+$0x100]  }
0xbc: {  	v9 =	vsub.f32 v9, v2;
	_ =	sdelay $0x1  }
0xbd: {  	v10 =	vmul.f32 v9, v9;
	_ =	sdelay $0x1  }
0xbe: {  	vm7 =	vgt.f32 v11, $0.0e+00;
	vm6 =	vlt.f32 v10, $2.499999940e-03  }
0xbf: {  	vm6 =	vmand vm7, vm6  }
0xc0: {  	v9 =	vsel vm6, $0x1, v7  }
0xc1: {  	(xrf0) =	vadd.scan.msk.s32 $0xffff, v9;
	_ =	sdelay $0x2  }
0xc2: {  	v9 =	vmov s10  }
0xc3: {  	v9 =	vadd.s32 $0xFFFFFFFF, v9  }
0xc4: {  	v9 =	vbroadcast v9, $0x0  }
0xc5: {  	v61, _, _ =	vpop (xrf0)  }
0xc6: {  	v9 =	vadd.s32 v61, v9;
	(v2sf) =	vpush v61, $0xF  }
0xc7: {  	v62 =	vld [tilespmem:s12+$0x0];
	v9 =	vsel vm6, v9, v8;
	_ =	sdelay $0x4  }
0xc8: {  	v63 =	vor.u32 s10, v5;
	[tilespmem:v9+s1+$0x0] =	vst.idx.msk $0xffff, v62  }
0xc9: {  	s9 =	sadd.s32 s9, s11;
	s11 =	simm.s32 $0x10;
	s12 =	simm.s32 $0x40;
	[tilespmem:v9+s0+$0x0] =	vst.idx.msk $0xffff, v10;
	v10 =	vcvt.s32.f32 v63  }
0xca: {  	s13 =	simm.s32 $0x20;
	s14 =	sand.u32 $0x70, s11;
	s15 =	sand.u32 $0x7E00, s12;
	[tilespmem:v9+s3+$0x0] =	vst.idx.msk $0xffff, v11  }
.LBB2_6:
0xcb: {  	p0 =	sne.s32 s13, $0x1FF0;
	s14 =	sor.u32 s14, s15;
	[tilespmem:v9+s4+$0x0] =	vst.idx.msk $0xffff, v10  }
0xcc: {  	v9 =	vld [tilespmem:s14+$0x80]  }
0xcd: {  	v11 =	vld [tilespmem:s14+$0x100]  }
0xce: {  	v10 =	vld [tilespmem:s14+$0x0];
	_ =	sdelay $0x2  }
0xcf: {  	v9 =	vsub.f32 v9, v2;
	s14 =	spop (v2sf)  }
0xd0: {  	s10 =	sadd.s32 s10, s14  }
0xd1: {  	v12 =	vmul.f32 v9, v9;
	v9 =	vmov s10  }
0xd2: {  	v9 =	vadd.s32 $0xFFFFFFFF, v9  }
0xd3: {  	vm7 =	vgt.f32 v11, $0.0e+00;
	vm6 =	vlt.f32 v12, $2.499999940e-03;
	v9 =	vbroadcast v9, $0x0  }
0xd4: {  	vm6 =	vmand vm7, vm6  }
0xd5: {  	v13 =	vsel vm6, $0x1, v7  }
0xd6: {  	(xrf0) =	vadd.scan.msk.s32 $0xffff, v13;
	_ =	sdelay $0x5  }
0xd7: {  	v13, _, _ =	vpop (xrf0)  }
0xd8: {  	v9 =	vadd.s32 v13, v9;
	(v2sf) =	vpush v13, $0xF  }
0xd9: {  	v9 =	vsel vm6, v9, v8;
	_ =	sdelay $0x2  }
.Ltmp2:
0xda: {  	(pc) =	sbr.rel @p0 .LBB2_6-.Ltmp2, $4  }
0xdb: {  	_ = 	snop  }
0xdc: {  	v13 =	vor.u32 s11, v5;
	s11 =	smov.u32 s13;
	[tilespmem:v9+s1+$0x0] =	vst.idx.msk $0xffff, v10  }
0xdd: {  	s12 =	sadd.s32 $0x40, s12;
	v10 =	vcvt.s32.f32 v13;
	[tilespmem:v9+s0+$0x0] =	vst.idx.msk $0xffff, v12  }
0xde: {  	s15 =	sand.u32 $0x7E00, s12;
	s13 =	sadd.s32 $0x10, s13;
	s14 =	sand.u32 $0x70, s11;
	[tilespmem:v9+s3+$0x0] =	vst.idx.msk $0xffff, v11  }
0xdf: {  	_ =	sdelay $0x3  }
0xe0: {  	s12 =	sor.u32 s14, s15;
	[tilespmem:v9+s4+$0x0] =	vst.idx.msk $0xffff, v10  }
0xe1: {  	v9 =	vld [tilespmem:s12+$0x80];
	_ =	sdelay $0x3  }
0xe2: {  	v10 =	vld [tilespmem:s12+$0x100]  }
0xe3: {  	v9 =	vsub.f32 v9, v2;
	_ =	sdelay $0x1  }
0xe4: {  	v9 =	vmul.f32 v9, v9;
	_ =	sdelay $0x1  }
0xe5: {  	vm7 =	vgt.f32 v10, $0.0e+00;
	vm6 =	vlt.f32 v9, $2.499999940e-03  }
0xe6: {  	vm6 =	vmand vm7, vm6  }
0xe7: {  	v11 =	vsel vm6, $0x1, v7  }
0xe8: {  	(xrf0) =	vadd.scan.msk.s32 $0xffff, v11;
	_ =	sdelay $0x4  }
0xe9: {  	s13 =	spop (v2sf)  }
0xea: {  	s10 =	sadd.s32 s10, s13;
	v11, _, _ =	vpop (xrf0)  }
0xeb: {  	v12 =	vmov s10;
	(v2sf) =	vpush v11, $0xF  }
0xec: {  	v12 =	vadd.s32 $0xFFFFFFFF, v12  }
0xed: {  	v12 =	vbroadcast v12, $0x0;
	_ =	sdelay $0x1  }
0xee: {  	v11 =	vadd.s32 v11, v12  }
0xef: {  	v59 =	vld [tilespmem:s12+$0x0];
	v11 =	vsel vm6, v11, v8;
	_ =	sdelay $0x4  }
0xf0: {  	v13 =	vor.u32 s11, v5;
	[tilespmem:v11+s1+$0x0] =	vst.idx.msk $0xffff, v59  }
0xf1: {  	v60 =	vcvt.s32.f32 v13;
	[tilespmem:v11+s0+$0x0] =	vst.idx.msk $0xffff, v9  }
0xf2: {  	[tilespmem:v11+s3+$0x0] =	vst.idx.msk $0xffff, v10  }
0xf3: {  	s13 =	rddreg [dreg:$0xb];
	[tilespmem:v11+s4+$0x0] =	vst.idx.msk $0xffff, v60  }
0xf4: {  	[hbm4b:s13+s5] =	stream.strided.scatter [tilespmem:s1], [sflag:$0x1], $0x2000, s6, s5, $0x38;
	[tilespmem:$0x10280] =	vst v63  }
0xf5: {  	s12 =	spop (v2sf)  }
0xf6: {  	_ =	swait.ge [sflag:s31], $0x2000  }
0xf7: {  	[sflag:s31] =	ssyncset.done $0x0  }
0xf8: {  	s14 =	rddreg [dreg:$0xc];
	[sflag:s31] =	ssyncadd.s32 $0xFFFFE000  }
0xf9: {  	[hbm4b:s14+s5] =	stream.strided.scatter [tilespmem:s0], [sflag:$0x1], $0x2000, s6, s5, $0x38;
	[tilespmem:$0x10280] =	vst v63  }
0xfa: {  	_ =	swait.ge [sflag:s31], $0x2000  }
0xfb: {  	[sflag:s31] =	ssyncset.done $0x0  }
0xfc: {  	s15 =	rddreg [dreg:$0xd];
	[sflag:s31] =	ssyncadd.s32 $0xFFFFE000  }
0xfd: {  	[hbm4b:s15+s5] =	stream.strided.scatter [tilespmem:s3], [sflag:$0x1], $0x2000, s6, s5, $0x38;
	[tilespmem:$0x10280] =	vst v63  }
0xfe: {  	_ =	swait.ge [sflag:s31], $0x2000  }
0xff: {  	[sflag:s31] =	ssyncset.done $0x0  }
0x100: {  	s16 =	rddreg [dreg:$0xe];
	[sflag:s31] =	ssyncadd.s32 $0xFFFFE000  }
0x101: {  	[hbm4b:s16+s5] =	stream.strided.scatter [tilespmem:s4], [sflag:$0x1], $0x2000, s6, s5, $0x38;
	[tilespmem:$0x10280] =	vst v63  }
0x102: {  	s11 =	simm.s32 $0x0;
	_ =	swait.ge [sflag:s31], $0x2000  }
0x103: {  	s17 =	sand.u32 $0x70, s11;
	s18 =	sand.u32 $0x7E00, s11;
	[sflag:s31] =	ssyncset.done $0x0  }
0x104: {  	s13 =	sor.u32 s17, s18;
	[sflag:s31] =	ssyncadd.s32 $0xFFFFE000  }
0x105: {  	v9 =	vld [tilespmem:s13+$0x80];
	_ =	sdelay $0x3  }
0x106: {  	v11 =	vld [tilespmem:s13+$0x100]  }
0x107: {  	v9 =	vsub.f32 v9, v3;
	_ =	sdelay $0x1  }
0x108: {  	v10 =	vmul.f32 v9, v9;
	_ =	sdelay $0x1  }
0x109: {  	vm7 =	vgt.f32 v11, $0.0e+00;
	vm6 =	vlt.f32 v10, $2.499999940e-03  }
0x10a: {  	vm6 =	vmand vm7, vm6  }
0x10b: {  	v9 =	vsel vm6, $0x1, v7  }
0x10c: {  	(xrf0) =	vadd.scan.msk.s32 $0xffff, v9;
	_ =	sdelay $0x2  }
0x10d: {  	v9 =	vmov s11  }
0x10e: {  	v9 =	vadd.s32 $0xFFFFFFFF, v9  }
0x10f: {  	v9 =	vbroadcast v9, $0x0  }
0x110: {  	v61, _, _ =	vpop (xrf0)  }
0x111: {  	v9 =	vadd.s32 v61, v9;
	(v2sf) =	vpush v61, $0xF  }
0x112: {  	v62 =	vld [tilespmem:s13+$0x0];
	v9 =	vsel vm6, v9, v8;
	_ =	sdelay $0x4  }
0x113: {  	v63 =	vor.u32 s11, v5;
	[tilespmem:v9+s1+$0x0] =	vst.idx.msk $0xffff, v62  }
0x114: {  	s10 =	sadd.s32 s10, s12;
	s12 =	simm.s32 $0x10;
	s13 =	simm.s32 $0x40;
	[tilespmem:v9+s0+$0x0] =	vst.idx.msk $0xffff, v10;
	v10 =	vcvt.s32.f32 v63  }
0x115: {  	s14 =	simm.s32 $0x20;
	s15 =	sand.u32 $0x70, s12;
	s16 =	sand.u32 $0x7E00, s13;
	[tilespmem:v9+s3+$0x0] =	vst.idx.msk $0xffff, v11  }
.LBB2_8:
0x116: {  	p0 =	sne.s32 s14, $0x1FF0;
	s15 =	sor.u32 s15, s16;
	[tilespmem:v9+s4+$0x0] =	vst.idx.msk $0xffff, v10  }
0x117: {  	v9 =	vld [tilespmem:s15+$0x80]  }
0x118: {  	v11 =	vld [tilespmem:s15+$0x100]  }
0x119: {  	v10 =	vld [tilespmem:s15+$0x0];
	_ =	sdelay $0x2  }
0x11a: {  	v9 =	vsub.f32 v9, v3;
	s15 =	spop (v2sf)  }
0x11b: {  	s11 =	sadd.s32 s11, s15  }
0x11c: {  	v12 =	vmul.f32 v9, v9;
	v9 =	vmov s11  }
0x11d: {  	v9 =	vadd.s32 $0xFFFFFFFF, v9  }
0x11e: {  	vm7 =	vgt.f32 v11, $0.0e+00;
	vm6 =	vlt.f32 v12, $2.499999940e-03;
	v9 =	vbroadcast v9, $0x0  }
0x11f: {  	vm6 =	vmand vm7, vm6  }
0x120: {  	v13 =	vsel vm6, $0x1, v7  }
0x121: {  	(xrf0) =	vadd.scan.msk.s32 $0xffff, v13;
	_ =	sdelay $0x5  }
0x122: {  	v13, _, _ =	vpop (xrf0)  }
0x123: {  	v9 =	vadd.s32 v13, v9;
	(v2sf) =	vpush v13, $0xF  }
0x124: {  	v9 =	vsel vm6, v9, v8;
	_ =	sdelay $0x2  }
.Ltmp3:
0x125: {  	(pc) =	sbr.rel @p0 .LBB2_8-.Ltmp3, $4  }
0x126: {  	_ = 	snop  }
0x127: {  	v13 =	vor.u32 s12, v5;
	s12 =	smov.u32 s14;
	[tilespmem:v9+s1+$0x0] =	vst.idx.msk $0xffff, v10  }
0x128: {  	s13 =	sadd.s32 $0x40, s13;
	v10 =	vcvt.s32.f32 v13;
	[tilespmem:v9+s0+$0x0] =	vst.idx.msk $0xffff, v12  }
0x129: {  	s16 =	sand.u32 $0x7E00, s13;
	s14 =	sadd.s32 $0x10, s14;
	s15 =	sand.u32 $0x70, s12;
	[tilespmem:v9+s3+$0x0] =	vst.idx.msk $0xffff, v11  }
0x12a: {  	_ =	sdelay $0x3  }
0x12b: {  	s13 =	sor.u32 s15, s16;
	[tilespmem:v9+s4+$0x0] =	vst.idx.msk $0xffff, v10  }
0x12c: {  	v9 =	vld [tilespmem:s13+$0x80];
	_ =	sdelay $0x3  }
0x12d: {  	v10 =	vld [tilespmem:s13+$0x100]  }
0x12e: {  	v9 =	vsub.f32 v9, v3;
	_ =	sdelay $0x1  }
0x12f: {  	v9 =	vmul.f32 v9, v9;
	_ =	sdelay $0x1  }
0x130: {  	vm7 =	vgt.f32 v10, $0.0e+00;
	vm6 =	vlt.f32 v9, $2.499999940e-03  }
0x131: {  	vm6 =	vmand vm7, vm6  }
0x132: {  	v11 =	vsel vm6, $0x1, v7  }
0x133: {  	(xrf0) =	vadd.scan.msk.s32 $0xffff, v11;
	_ =	sdelay $0x4  }
0x134: {  	s14 =	spop (v2sf)  }
0x135: {  	s11 =	sadd.s32 s11, s14;
	v11, _, _ =	vpop (xrf0)  }
0x136: {  	v12 =	vmov s11;
	(v2sf) =	vpush v11, $0xF  }
0x137: {  	v12 =	vadd.s32 $0xFFFFFFFF, v12  }
0x138: {  	v12 =	vbroadcast v12, $0x0;
	_ =	sdelay $0x1  }
0x139: {  	v11 =	vadd.s32 v11, v12  }
0x13a: {  	v59 =	vld [tilespmem:s13+$0x0];
	v11 =	vsel vm6, v11, v8;
	_ =	sdelay $0x4  }
0x13b: {  	v13 =	vor.u32 s12, v5;
	[tilespmem:v11+s1+$0x0] =	vst.idx.msk $0xffff, v59  }
0x13c: {  	v60 =	vcvt.s32.f32 v13;
	[tilespmem:v11+s0+$0x0] =	vst.idx.msk $0xffff, v9  }
0x13d: {  	[tilespmem:v11+s3+$0x0] =	vst.idx.msk $0xffff, v10  }
0x13e: {  	s18 =	rddreg [dreg:$0xf];
	[tilespmem:v11+s4+$0x0] =	vst.idx.msk $0xffff, v60  }
0x13f: {  	[hbm4b:s18+s5] =	stream.strided.scatter [tilespmem:s1], [sflag:$0x1], $0x2000, s6, s5, $0x38;
	[tilespmem:$0x10280] =	vst v63  }
0x140: {  	s13 =	spop (v2sf)  }
0x141: {  	_ =	swait.ge [sflag:s31], $0x2000  }
0x142: {  	[sflag:s31] =	ssyncset.done $0x0  }
0x143: {  	s14 =	rddreg [dreg:$0x10];
	[sflag:s31] =	ssyncadd.s32 $0xFFFFE000  }
0x144: {  	[hbm4b:s14+s5] =	stream.strided.scatter [tilespmem:s0], [sflag:$0x1], $0x2000, s6, s5, $0x38;
	[tilespmem:$0x10280] =	vst v63  }
0x145: {  	_ =	swait.ge [sflag:s31], $0x2000  }
0x146: {  	[sflag:s31] =	ssyncset.done $0x0  }
0x147: {  	s15 =	rddreg [dreg:$0x11];
	[sflag:s31] =	ssyncadd.s32 $0xFFFFE000  }
0x148: {  	[hbm4b:s15+s5] =	stream.strided.scatter [tilespmem:s3], [sflag:$0x1], $0x2000, s6, s5, $0x38;
	[tilespmem:$0x10280] =	vst v63  }
0x149: {  	_ =	swait.ge [sflag:s31], $0x2000  }
0x14a: {  	[sflag:s31] =	ssyncset.done $0x0  }
0x14b: {  	s16 =	rddreg [dreg:$0x12];
	[sflag:s31] =	ssyncadd.s32 $0xFFFFE000  }
0x14c: {  	[hbm4b:s16+s5] =	stream.strided.scatter [tilespmem:s4], [sflag:$0x1], $0x2000, s6, s5, $0x38;
	[tilespmem:$0x10280] =	vst v63  }
0x14d: {  	s12 =	simm.s32 $0x0;
	_ =	swait.ge [sflag:s31], $0x2000  }
0x14e: {  	s17 =	sand.u32 $0x70, s12;
	s18 =	sand.u32 $0x7E00, s12;
	[sflag:s31] =	ssyncset.done $0x0  }
0x14f: {  	s14 =	sor.u32 s17, s18;
	[sflag:s31] =	ssyncadd.s32 $0xFFFFE000  }
0x150: {  	v9 =	vld [tilespmem:s14+$0x80];
	_ =	sdelay $0x3  }
0x151: {  	v11 =	vld [tilespmem:s14+$0x100]  }
0x152: {  	v9 =	vsub.f32 v9, v4;
	_ =	sdelay $0x1  }
0x153: {  	v10 =	vmul.f32 v9, v9;
	_ =	sdelay $0x1  }
0x154: {  	vm7 =	vgt.f32 v11, $0.0e+00;
	vm6 =	vlt.f32 v10, $2.499999940e-03  }
0x155: {  	vm6 =	vmand vm7, vm6  }
0x156: {  	v9 =	vsel vm6, $0x1, v7  }
0x157: {  	(xrf0) =	vadd.scan.msk.s32 $0xffff, v9;
	_ =	sdelay $0x2  }
0x158: {  	v9 =	vmov s12  }
0x159: {  	v9 =	vadd.s32 $0xFFFFFFFF, v9  }
0x15a: {  	v9 =	vbroadcast v9, $0x0  }
0x15b: {  	v61, _, _ =	vpop (xrf0)  }
0x15c: {  	v9 =	vadd.s32 v61, v9;
	(v2sf) =	vpush v61, $0xF  }
0x15d: {  	v62 =	vld [tilespmem:s14+$0x0];
	v9 =	vsel vm6, v9, v8;
	_ =	sdelay $0x4  }
0x15e: {  	v63 =	vor.u32 s12, v5;
	[tilespmem:v9+s1+$0x0] =	vst.idx.msk $0xffff, v62  }
0x15f: {  	s11 =	sadd.s32 s11, s13;
	s13 =	simm.s32 $0x10;
	s14 =	simm.s32 $0x40;
	[tilespmem:v9+s0+$0x0] =	vst.idx.msk $0xffff, v10;
	v10 =	vcvt.s32.f32 v63  }
0x160: {  	s15 =	simm.s32 $0x20;
	s16 =	sand.u32 $0x70, s13;
	s17 =	sand.u32 $0x7E00, s14;
	[tilespmem:v9+s3+$0x0] =	vst.idx.msk $0xffff, v11  }
.LBB2_10:
0x161: {  	p0 =	sne.s32 s15, $0x1FF0;
	s16 =	sor.u32 s16, s17;
	[tilespmem:v9+s4+$0x0] =	vst.idx.msk $0xffff, v10  }
0x162: {  	v9 =	vld [tilespmem:s16+$0x80]  }
0x163: {  	v11 =	vld [tilespmem:s16+$0x100]  }
0x164: {  	v10 =	vld [tilespmem:s16+$0x0];
	_ =	sdelay $0x2  }
0x165: {  	v9 =	vsub.f32 v9, v4;
	s16 =	spop (v2sf)  }
0x166: {  	s12 =	sadd.s32 s12, s16  }
0x167: {  	v12 =	vmul.f32 v9, v9;
	v9 =	vmov s12  }
0x168: {  	v9 =	vadd.s32 $0xFFFFFFFF, v9  }
0x169: {  	vm7 =	vgt.f32 v11, $0.0e+00;
	vm6 =	vlt.f32 v12, $2.499999940e-03;
	v9 =	vbroadcast v9, $0x0  }
0x16a: {  	vm6 =	vmand vm7, vm6  }
0x16b: {  	v13 =	vsel vm6, $0x1, v7  }
0x16c: {  	(xrf0) =	vadd.scan.msk.s32 $0xffff, v13;
	_ =	sdelay $0x5  }
0x16d: {  	v13, _, _ =	vpop (xrf0)  }
0x16e: {  	v9 =	vadd.s32 v13, v9;
	(v2sf) =	vpush v13, $0xF  }
0x16f: {  	v9 =	vsel vm6, v9, v8;
	_ =	sdelay $0x2  }
.Ltmp4:
0x170: {  	(pc) =	sbr.rel @p0 .LBB2_10-.Ltmp4, $4  }
0x171: {  	_ = 	snop  }
0x172: {  	v13 =	vor.u32 s13, v5;
	s13 =	smov.u32 s15;
	[tilespmem:v9+s1+$0x0] =	vst.idx.msk $0xffff, v10  }
0x173: {  	s14 =	sadd.s32 $0x40, s14;
	v10 =	vcvt.s32.f32 v13;
	[tilespmem:v9+s0+$0x0] =	vst.idx.msk $0xffff, v12  }
0x174: {  	s17 =	sand.u32 $0x7E00, s14;
	s15 =	sadd.s32 $0x10, s15;
	s16 =	sand.u32 $0x70, s13;
	[tilespmem:v9+s3+$0x0] =	vst.idx.msk $0xffff, v11  }
0x175: {  	_ =	sdelay $0x3  }
0x176: {  	s14 =	sor.u32 s16, s17;
	[tilespmem:v9+s4+$0x0] =	vst.idx.msk $0xffff, v10  }
0x177: {  	v9 =	vld [tilespmem:s14+$0x80];
	_ =	sdelay $0x3  }
0x178: {  	v10 =	vld [tilespmem:s14+$0x100]  }
0x179: {  	v9 =	vsub.f32 v9, v4;
	_ =	sdelay $0x1  }
0x17a: {  	v9 =	vmul.f32 v9, v9;
	_ =	sdelay $0x1  }
0x17b: {  	vm7 =	vgt.f32 v10, $0.0e+00;
	vm6 =	vlt.f32 v9, $2.499999940e-03  }
0x17c: {  	vm6 =	vmand vm7, vm6  }
0x17d: {  	v11 =	vsel vm6, $0x1, v7  }
0x17e: {  	(xrf0) =	vadd.scan.msk.s32 $0xffff, v11;
	_ =	sdelay $0x4  }
0x17f: {  	s15 =	spop (v2sf)  }
0x180: {  	s12 =	sadd.s32 s12, s15;
	v11, _, _ =	vpop (xrf0)  }
0x181: {  	v12 =	vmov s12;
	(v2sf) =	vpush v11, $0xF  }
0x182: {  	v12 =	vadd.s32 $0xFFFFFFFF, v12  }
0x183: {  	v12 =	vbroadcast v12, $0x0;
	_ =	sdelay $0x1  }
0x184: {  	v11 =	vadd.s32 v11, v12  }
0x185: {  	v59 =	vld [tilespmem:s14+$0x0];
	v11 =	vsel vm6, v11, v8;
	_ =	sdelay $0x4  }
0x186: {  	v13 =	vor.u32 s13, v5;
	[tilespmem:v11+s1+$0x0] =	vst.idx.msk $0xffff, v59  }
0x187: {  	v60 =	vcvt.s32.f32 v13;
	[tilespmem:v11+s0+$0x0] =	vst.idx.msk $0xffff, v9  }
0x188: {  	[tilespmem:v11+s3+$0x0] =	vst.idx.msk $0xffff, v10  }
0x189: {  	[tilespmem:v11+s4+$0x0] =	vst.idx.msk $0xffff, v60  }
0x18a: {  	[hbm4b:s19+s5] =	stream.strided.scatter [tilespmem:s1], [sflag:$0x1], $0x2000, s6, s5, $0x38;
	[tilespmem:$0x10280] =	vst v63  }
0x18b: {  	s14 =	spop (v2sf)  }
0x18c: {  	_ =	swait.ge [sflag:s31], $0x2000  }
0x18d: {  	[sflag:s31] =	ssyncset.done $0x0  }
0x18e: {  	[sflag:s31] =	ssyncadd.s32 $0xFFFFE000  }
0x18f: {  	[hbm4b:s20+s5] =	stream.strided.scatter [tilespmem:s0], [sflag:$0x1], $0x2000, s6, s5, $0x38;
	[tilespmem:$0x10280] =	vst v63  }
0x190: {  	_ =	swait.ge [sflag:s31], $0x2000  }
0x191: {  	[sflag:s31] =	ssyncset.done $0x0  }
0x192: {  	[sflag:s31] =	ssyncadd.s32 $0xFFFFE000  }
0x193: {  	[hbm4b:s21+s5] =	stream.strided.scatter [tilespmem:s3], [sflag:$0x1], $0x2000, s6, s5, $0x38;
	[tilespmem:$0x10280] =	vst v63  }
0x194: {  	_ =	swait.ge [sflag:s31], $0x2000  }
0x195: {  	[sflag:s31] =	ssyncset.done $0x0  }
0x196: {  	[sflag:s31] =	ssyncadd.s32 $0xFFFFE000  }
0x197: {  	[hbm4b:s22+s5] =	stream.strided.scatter [tilespmem:s4], [sflag:$0x1], $0x2000, s6, s5, $0x38;
	[tilespmem:$0x10280] =	vst v63  }
0x198: {  	s13 =	simm.s32 $0x0;
	_ =	swait.ge [sflag:s31], $0x2000  }
0x199: {  	s17 =	sand.u32 $0x70, s13;
	s18 =	sand.u32 $0x7E00, s13;
	[sflag:s31] =	ssyncset.done $0x0  }
0x19a: {  	s15 =	sor.u32 s17, s18;
	[sflag:s31] =	ssyncadd.s32 $0xFFFFE000  }
0x19b: {  	v9 =	vld [tilespmem:s15+$0x80];
	_ =	sdelay $0x3  }
0x19c: {  	v11 =	vld [tilespmem:s15+$0x100]  }
0x19d: {  	v9 =	vsub.f32 v9, v6;
	_ =	sdelay $0x1  }
0x19e: {  	v10 =	vmul.f32 v9, v9;
	_ =	sdelay $0x1  }
0x19f: {  	vm7 =	vgt.f32 v11, $0.0e+00;
	vm6 =	vlt.f32 v10, $2.499999940e-03  }
0x1a0: {  	vm6 =	vmand vm7, vm6  }
0x1a1: {  	v9 =	vsel vm6, $0x1, v7  }
0x1a2: {  	(xrf0) =	vadd.scan.msk.s32 $0xffff, v9;
	_ =	sdelay $0x2  }
0x1a3: {  	v9 =	vmov s13  }
0x1a4: {  	v9 =	vadd.s32 $0xFFFFFFFF, v9  }
0x1a5: {  	v9 =	vbroadcast v9, $0x0  }
0x1a6: {  	v61, _, _ =	vpop (xrf0)  }
0x1a7: {  	v9 =	vadd.s32 v61, v9;
	(v2sf) =	vpush v61, $0xF  }
0x1a8: {  	v62 =	vld [tilespmem:s15+$0x0];
	v9 =	vsel vm6, v9, v8;
	_ =	sdelay $0x4  }
0x1a9: {  	v63 =	vor.u32 s13, v5;
	[tilespmem:v9+s1+$0x0] =	vst.idx.msk $0xffff, v62  }
0x1aa: {  	s12 =	sadd.s32 s12, s14;
	s14 =	simm.s32 $0x10;
	s15 =	simm.s32 $0x40;
	[tilespmem:v9+s0+$0x0] =	vst.idx.msk $0xffff, v10;
	v10 =	vcvt.s32.f32 v63  }
0x1ab: {  	s16 =	simm.s32 $0x20;
	s17 =	sand.u32 $0x70, s14;
	s18 =	sand.u32 $0x7E00, s15;
	[tilespmem:v9+s3+$0x0] =	vst.idx.msk $0xffff, v11  }
.LBB2_12:
0x1ac: {  	p0 =	sne.s32 s16, $0x1FF0;
	s17 =	sor.u32 s17, s18;
	[tilespmem:v9+s4+$0x0] =	vst.idx.msk $0xffff, v10  }
0x1ad: {  	v9 =	vld [tilespmem:s17+$0x80]  }
0x1ae: {  	v11 =	vld [tilespmem:s17+$0x100]  }
0x1af: {  	v10 =	vld [tilespmem:s17+$0x0];
	_ =	sdelay $0x2  }
0x1b0: {  	v9 =	vsub.f32 v9, v6;
	s17 =	spop (v2sf)  }
0x1b1: {  	s13 =	sadd.s32 s13, s17  }
0x1b2: {  	v12 =	vmul.f32 v9, v9;
	v9 =	vmov s13  }
0x1b3: {  	v9 =	vadd.s32 $0xFFFFFFFF, v9  }
0x1b4: {  	vm7 =	vgt.f32 v11, $0.0e+00;
	vm6 =	vlt.f32 v12, $2.499999940e-03;
	v9 =	vbroadcast v9, $0x0  }
0x1b5: {  	vm6 =	vmand vm7, vm6  }
0x1b6: {  	v13 =	vsel vm6, $0x1, v7  }
0x1b7: {  	(xrf0) =	vadd.scan.msk.s32 $0xffff, v13;
	_ =	sdelay $0x5  }
0x1b8: {  	v13, _, _ =	vpop (xrf0)  }
0x1b9: {  	v9 =	vadd.s32 v13, v9;
	(v2sf) =	vpush v13, $0xF  }
0x1ba: {  	v9 =	vsel vm6, v9, v8;
	_ =	sdelay $0x2  }
.Ltmp5:
0x1bb: {  	(pc) =	sbr.rel @p0 .LBB2_12-.Ltmp5, $4  }
0x1bc: {  	_ = 	snop  }
0x1bd: {  	v13 =	vor.u32 s14, v5;
	s14 =	smov.u32 s16;
	[tilespmem:v9+s1+$0x0] =	vst.idx.msk $0xffff, v10  }
0x1be: {  	s15 =	sadd.s32 $0x40, s15;
	v10 =	vcvt.s32.f32 v13;
	[tilespmem:v9+s0+$0x0] =	vst.idx.msk $0xffff, v12  }
0x1bf: {  	s18 =	sand.u32 $0x7E00, s15;
	s16 =	sadd.s32 $0x10, s16;
	s17 =	sand.u32 $0x70, s14;
	[tilespmem:v9+s3+$0x0] =	vst.idx.msk $0xffff, v11  }
0x1c0: {  	_ =	sdelay $0x3  }
0x1c1: {  	s15 =	sor.u32 s17, s18;
	[tilespmem:v9+s4+$0x0] =	vst.idx.msk $0xffff, v10  }
0x1c2: {  	v9 =	vld [tilespmem:s15+$0x80];
	_ =	sdelay $0x3  }
0x1c3: {  	v10 =	vld [tilespmem:s15+$0x100]  }
0x1c4: {  	v9 =	vsub.f32 v9, v6;
	_ =	sdelay $0x1  }
0x1c5: {  	v9 =	vmul.f32 v9, v9;
	_ =	sdelay $0x1  }
0x1c6: {  	vm7 =	vgt.f32 v10, $0.0e+00;
	vm6 =	vlt.f32 v9, $2.499999940e-03  }
0x1c7: {  	vm6 =	vmand vm7, vm6  }
0x1c8: {  	v11 =	vsel vm6, $0x1, v7  }
0x1c9: {  	(xrf0) =	vadd.scan.msk.s32 $0xffff, v11;
	_ =	sdelay $0x4  }
0x1ca: {  	s16 =	spop (v2sf)  }
0x1cb: {  	s13 =	sadd.s32 s13, s16;
	v11, _, _ =	vpop (xrf0)  }
0x1cc: {  	v12 =	vmov s13;
	(v2sf) =	vpush v11, $0xF  }
0x1cd: {  	v12 =	vadd.s32 $0xFFFFFFFF, v12  }
0x1ce: {  	v12 =	vbroadcast v12, $0x0;
	_ =	sdelay $0x1  }
0x1cf: {  	v11 =	vadd.s32 v11, v12  }
0x1d0: {  	v62 =	vld [tilespmem:s15+$0x0];
	v11 =	vsel vm6, v11, v8;
	_ =	sdelay $0x4  }
0x1d1: {  	v13 =	vor.u32 s14, v5;
	[tilespmem:v11+s1+$0x0] =	vst.idx.msk $0xffff, v62  }
0x1d2: {  	v63 =	vcvt.s32.f32 v13;
	[tilespmem:v11+s0+$0x0] =	vst.idx.msk $0xffff, v9  }
0x1d3: {  	[tilespmem:v11+s3+$0x0] =	vst.idx.msk $0xffff, v10  }
0x1d4: {  	[tilespmem:v11+s4+$0x0] =	vst.idx.msk $0xffff, v63  }
0x1d5: {  	[hbm4b:s23+s5] =	stream.strided.scatter [tilespmem:s1], [sflag:$0x1], $0x2000, s6, s5, $0x38;
	[tilespmem:$0x10280] =	vst v63  }
0x1d6: {  	s16 =	spop (v2sf)  }
0x1d7: {  	_ =	swait.ge [sflag:s31], $0x2000  }
0x1d8: {  	[sflag:s31] =	ssyncset.done $0x0  }
0x1d9: {  	[sflag:s31] =	ssyncadd.s32 $0xFFFFE000  }
0x1da: {  	[hbm4b:s24+s5] =	stream.strided.scatter [tilespmem:s0], [sflag:$0x1], $0x2000, s6, s5, $0x38;
	[tilespmem:$0x10280] =	vst v63  }
0x1db: {  	_ =	swait.ge [sflag:s31], $0x2000  }
0x1dc: {  	[sflag:s31] =	ssyncset.done $0x0  }
0x1dd: {  	[sflag:s31] =	ssyncadd.s32 $0xFFFFE000  }
0x1de: {  	[hbm4b:s25+s5] =	stream.strided.scatter [tilespmem:s3], [sflag:$0x1], $0x2000, s6, s5, $0x38;
	[tilespmem:$0x10280] =	vst v63  }
0x1df: {  	v9 =	vmov s8;
	_ =	swait.ge [sflag:s31], $0x2000  }
0x1e0: {  	v9 =	vnsel vm0, $0x0, v9;
	[sflag:s31] =	ssyncset.done $0x0  }
0x1e1: {  	v9 =	vsel vm1, s9, v9;
	[sflag:s31] =	ssyncadd.s32 $0xFFFFE000  }
0x1e2: {  	v9 =	vsel vm2, s10, v9;
	[hbm4b:s26+s5] =	stream.strided.scatter [tilespmem:s4], [sflag:$0x1], $0x2000, s6, s5, $0x38;
	[tilespmem:$0x10280] =	vst v63  }
0x1e3: {  	v9 =	vsel vm3, s11, v9;
	_ =	swait.ge [sflag:s31], $0x2000  }
0x1e4: {  	s7 =	sadd.s32 $0x1, s7;
	v9 =	vsel vm4, s12, v9;
	s17 =	sadd.s32 s13, s16;
	[sflag:s31] =	ssyncset.done $0x0  }
0x1e5: {  	p0 =	sne.s32 s7, s30;
	v9 =	vsel vm5, s17, v9;
	[sflag:s31] =	ssyncadd.s32 $0xFFFFE000  }
.Ltmp6:
0x1e6: {  	s18 =	simm.s32 $0x10200;
	[tilespmem:$0x10200] =	vst v9;
	(pc) =	sbr.rel @p0 .LBB2_1-.Ltmp6, $4  }
0x1e7: {  	[hbm4b:s28+s2] =	stream.linear.scatter [tilespmem:s18], [sflag:$0x1], $0x80, $0x38;
	[tilespmem:$0x10280] =	vst v63  }
0x1e8: {  	_ =	swait.ge [sflag:s31], $0x80  }
0x1e9: {  	[sflag:s31] =	ssyncset.done $0x0  }
0x1ea: {  	[sflag:s31] =	ssyncadd.s32 $0xFFFFFF80  }
0x1eb: {  	_ =	sfence.sel $0x180000  }
0x1ec: {  	[bflag:$0x0] =	sbarrier.arrive $0xFFFF  }
0x1ed: {  	_ =	strace $0x90000047  }
0x1ee: {  	s0 =	stileid.u32;
	[bflag:$0x2] =	sbarrier.arrive $0xFFFF  }
0x1ef: {  	p0 =	sne.s32 s0, $0x0;
	s0 =	rddreg [dreg:$0x2]  }
0x1f0: {  	s0 =	sadd.s32 @!p0 $0x100000, s0  }
0x1f1: {  	[sflag:s0] =	ssyncadd.tile.s32 @!p0 $0x1;
	_ =	shalt  }
.Lfunc_end2:
_tile_overlayer_lowered:
.L_overlay_start_2:
0x1f2: {  	(tag) =	ssettag $0x2  }
0x1f3: {  	s0 =	rddreg [dreg:$0x0];
	s2 =	stileid.u32  }
0x1f4: {  	s1 =	rddreg [dreg:$0x1];
	p0 =	sne.s32 s2, $0x0  }
0x1f5: {  	s3 =	rddreg [dreg:$0x2];
	[bflag:$0x3] =	sbarrier.arrive $0xFFFF;
	s2 =	simm.s32 @!p0 $0x1C01  }
0x1f6: {  	[timem:s3], [sflag:s2] =	dma.local @!p0 [hbm:s0], s1  }
0x1f7: {  	s0 =	simm.s32 @!p0 $0x1  }
0x1f8: {  	_ =	swait.ge @!p0 [sflag:s0], s1  }
0x1f9: {  	s1 =	ssub.s32 @!p0 $0x0, s1;
	[sflag:s0] =	ssyncset.done @!p0 $0x0  }
0x1fa: {  	[sflag:s0] =	ssyncadd.s32 @!p0 s1  }
0x1fb: {  	[bflag:$0x3] =	sbarrier.arrive $0xFFFF  }
0x1fc: {  	_ =	shalt  }

// kernel: kernel.9.cloned.1.call-start
scs
__scs_entry_jumppad:
0x0: {  	(pc) =	sbr.rel $0x88, $3  }
0x1: {  	(tag) =	ssettag $0x0;
	lr =	simm.s32 $0x1  }
0x2: {  	[smem:$0x3F9D] =	sst lr;
	_ =	strace $0xD0000000  }
0x3: {  	_ = 	snop  }
0x4: {  	_ = 	snop  }
0x5: {  	_ = 	snop  }
0x6: {  	_ = 	snop  }
0x7: {  	_ = 	snop  }
__scs_overlays_trampoline_lowered:
0x8: {  	[smem:$0x3FAC] =	sst s0  }
0x9: {  	[smem:$0x3FAD] =	sst s1  }
0xa: {  	[smem:$0x3FAE] =	sst s2  }
0xb: {  	[smem:$0x3FAF] =	sst s3  }
0xc: {  	[smem:$0x3FB0] =	sst s4  }
0xd: {  	[smem:$0x3FB1] =	sst s5  }
0xe: {  	[smem:$0x3FB2] =	sst s6  }
0xf: {  	[smem:$0x3FB3] =	sst s7  }
0x10: {  	[smem:$0x3FB4] =	sst s8  }
0x11: {  	[smem:$0x3FB5] =	sst s9;
	s0 =	simm.s32 @!p0 $0x0  }
0x12: {  	s1 =	sld [smem:$0x3F9B];
	s0 =	simm.s32 @p0 $0x1  }
0x13: {  	[smem:$0x3FB6] =	sst s0;
	s0 =	simm.s32 @!p1 $0x0  }
0x14: {  	s2 =	sld [smem:$0x3F9A];
	s0 =	simm.s32 @p1 $0x1  }
0x15: {  	[smem:$0x3FB7] =	sst s0;
	s0 =	simm.s32 @!p2 $0x0  }
0x16: {  	s3 =	sld [smem:$0x3FDB];
	s0 =	simm.s32 @p2 $0x1  }
0x17: {  	s4 =	simm.s32 $0x1BF5;
	[smem:$0x3FB9] =	sst s0  }
0x18: {  	s0 =	sld [smem:$0x3F9C];
	_ =	swait.ge [sflag:s4], $0x0  }
0x19: {  	s7 =	sld [smem:$0x3F9D]  }
0x1a: {  	s8 =	sadd.s32 $0xFFFFE003, lr  }
0x1b: {  	s9 =	sadd.s32 $0xFFFFFEF7, lr;
	s5 =	simm.s32 $0xFFFFFFFF;
	p2 =	slt.u32 s8, $0xFFFFF086  }
0x1c: {  	p1 =	slt.u32 s9, $0xF7A;
	s5 =	simm.s32 @!p2 $0x0  }
0x1d: {  	s5 =	simm.s32 @p1 $0x1;
	p0 =	seq.s32 s7, s2  }
0x1e: {  	s7 =	smul.u32 @!p0 $0xF7A, s2;
	p2 =	seq.s32 @!p0 s5, $0x0  }
0x1f: {  	s9 =	smul.u32 $0xF7A, s1;
	s8 =	simm.s32 @!p0 $0x1BF5;
	p2 =	por !p2, p0  }
0x20: {  	[sflag:s8] =	ssyncset.s32 @!p0 $0xFFFFF086;
	s6 =	sadd.s32 @!p0 s3, s7;
	s7 =	simm.s32 @!p0 $0x108  }
0x21: {  	s3 =	sadd.s32 s3, s9;
	s6 =	sadd.s32 @!p0 $0x88, s6;
	s7 =	simm.s32 @p2 $0x1082  }
0x22: {  	[simem:s7], [sflag:s8] =	dma.local @!p0 [hbm:s6], $0xF7A  }
0x23: {  	s9 =	sor.u32 $0xD0000000, s2;
	s6 =	simm.s32 $0x108;
	_ =	swait.ge @!p0 [sflag:s8], $0x0  }
0x24: {  	s3 =	sadd.s32 $0x88, s3;
	s6 =	simm.s32 @!p1 $0x1082;
	[sflag:s4] =	ssyncset.s32 $0xFFFFF086  }
0x25: {  	[simem:s6], [sflag:s4] =	dma.local [hbm:s3], $0xF7A  }
0x26: {  	[smem:$0x3F9D] =	sst s1;
	(tag) =	ssettag s2;
	_ =	strace s9  }
0x27: {  	s1 =	sld [smem:$0x3FAD]  }
0x28: {  	s2 =	sld [smem:$0x3FAE]  }
0x29: {  	s4 =	sld [smem:$0x3FB0]  }
0x2a: {  	p0 =	seq.s32 s5, $0x0;
	s5 =	sld [smem:$0x3FB1]  }
0x2b: {  	s6 =	sld [smem:$0x3FB2]  }
0x2c: {  	s7 =	sld [smem:$0x3FB3]  }
0x2d: {  	s3 =	simm.s32 $0x108;
	s8 =	sld [smem:$0x3FB4]  }
0x2e: {  	s3 =	simm.s32 @!p0 $0x1082;
	s9 =	sld [smem:$0x3FB5]  }
0x2f: {  	lr =	sadd.s32 s0, s3;
	s0 =	sld [smem:$0x3FAC]  }
0x30: {  	s3 =	sld [smem:$0x3FAF]  }
0x31: {  	[smem:$0x3FB8] =	sst s10  }
0x32: {  	s10 =	sld [smem:$0x3FB6];
	_ =	sdelay $0x3  }
0x33: {  	p0 =	seq.s32 s10, $0x1;
	s10 =	sld [smem:$0x3FB8];
	_ =	sdelay $0x3  }
0x34: {  	[smem:$0x3FB8] =	sst s10  }
0x35: {  	s10 =	sld [smem:$0x3FB7];
	_ =	sdelay $0x3  }
0x36: {  	p1 =	seq.s32 s10, $0x1;
	s10 =	sld [smem:$0x3FB8];
	_ =	sdelay $0x3  }
0x37: {  	[smem:$0x3FB8] =	sst s10  }
0x38: {  	s10 =	sld [smem:$0x3FB9]  }
0x39: {  	_ = 	snop;
	(pc) =	sbr.ind lr, $3  }
0x3a: {  	_ = 	snop  }
0x3b: {  	_ = 	snop  }
0x3c: {  	p2 =	seq.s32 s10, $0x1;
	s10 =	sld [smem:$0x3FB8]  }
0x3d: {  	_ =	shalt  }
0x3e: {  	_ =	shalt  }
0x3f: {  	_ =	shalt  }
0x40: {  	_ =	shalt  }
0x41: {  	_ =	shalt  }
0x42: {  	_ =	shalt  }
0x43: {  	_ =	shalt  }
0x44: {  	_ =	shalt  }
0x45: {  	_ =	shalt  }
0x46: {  	_ =	shalt  }
0x47: {  	_ =	shalt  }
0x48: {  	_ =	shalt  }
0x49: {  	_ =	shalt  }
0x4a: {  	_ =	shalt  }
0x4b: {  	_ =	shalt  }
0x4c: {  	_ =	shalt  }
0x4d: {  	_ =	shalt  }
0x4e: {  	_ =	shalt  }
0x4f: {  	_ =	shalt  }
0x50: {  	_ =	shalt  }
0x51: {  	_ =	shalt  }
0x52: {  	_ =	shalt  }
0x53: {  	_ =	shalt  }
0x54: {  	_ =	shalt  }
0x55: {  	_ =	shalt  }
0x56: {  	_ =	shalt  }
0x57: {  	_ =	shalt  }
0x58: {  	_ =	shalt  }
0x59: {  	_ =	shalt  }
0x5a: {  	_ =	shalt  }
0x5b: {  	_ =	shalt  }
0x5c: {  	_ =	shalt  }
0x5d: {  	_ =	shalt  }
0x5e: {  	_ =	shalt  }
0x5f: {  	_ =	shalt  }
0x60: {  	_ =	shalt  }
0x61: {  	_ =	shalt  }
0x62: {  	_ =	shalt  }
0x63: {  	_ =	shalt  }
0x64: {  	_ =	shalt  }
0x65: {  	_ =	shalt  }
0x66: {  	_ =	shalt  }
0x67: {  	_ =	shalt  }
0x68: {  	_ =	shalt  }
0x69: {  	_ =	shalt  }
0x6a: {  	_ =	shalt  }
0x6b: {  	_ =	shalt  }
0x6c: {  	_ =	shalt  }
0x6d: {  	_ =	shalt  }
0x6e: {  	_ =	shalt  }
0x6f: {  	_ =	shalt  }
0x70: {  	_ =	shalt  }
0x71: {  	_ =	shalt  }
0x72: {  	_ =	shalt  }
0x73: {  	_ =	shalt  }
0x74: {  	_ =	shalt  }
0x75: {  	_ =	shalt  }
0x76: {  	_ =	shalt  }
0x77: {  	_ =	shalt  }
0x78: {  	_ =	shalt  }
0x79: {  	_ =	shalt  }
0x7a: {  	_ =	shalt  }
0x7b: {  	_ =	shalt  }
0x7c: {  	_ =	shalt  }
0x7d: {  	_ =	shalt  }
0x7e: {  	_ =	shalt  }
0x7f: {  	_ =	shalt  }
0x80: {  	_ =	shalt  }
0x81: {  	_ =	shalt  }
0x82: {  	_ =	shalt  }
0x83: {  	_ =	shalt  }
0x84: {  	_ =	shalt  }
0x85: {  	_ =	shalt  }
0x86: {  	_ =	shalt  }
0x87: {  	_ =	shalt  }
.Lfunc_end0:
.L_simem_size_0:
called_computation.1_lowered:
.L_overlay_start_0:
0x88: {  	s2 =	sld [smem:$0x3FD9]  }
0x89: {  	s3 =	sld [smem:$0x3FFE];
	_ =	sdelay $0x1  }
0x8a: {  	s1 =	srdreg.scid  }
0x8b: {  	s0 =	sand.u32 $0x1, s1  }
0x8c: {  	s14 =	sshll.u32 s0, $0xA;
	s2 =	sadd.s32 s3, s2  }
0x8d: {  	s2 =	sadd.s32 s2, s14  }
0x8e: {  	[smem:$0x3FC4] =	sst s2  }
0x8f: {  	_ = 	snop  }
0x90: {  	s2 =	sld [smem:$0x3FD0];
	_ =	sdelay $0x2  }
0x91: {  	s15 =	simm.s32 $0xA;
	s4 =	simm.s32 $0x10  }
0x92: {  	[smem:s4], [sflag:s15] =	dma.local [hbm:s2], $0x1  }
0x93: {  	_ =	swait.eq [sflag:s15], $0x1  }
0x94: {  	[sflag:s15] =	ssyncset.done $0x0  }
0x95: {  	[sflag:s15] =	ssyncadd.s32 $0xFFFFFFFF  }
0x96: {  	s16 =	sld [smem:$0x12];
	(tm) =	ssettm $0x1  }
0x97: {  	s17 =	sld [smem:$0x3FFB];
	_ =	sdelay $0x3  }
0x98: {  	_ =	strace s17  }
0x99: {  	s3 =	sld [smem:$0x3FFC];
	_ =	sdelay $0x3  }
0x9a: {  	_ =	strace s3  }
0x9b: {  	s3 =	sld [smem:$0x3FFD];
	_ =	sdelay $0x3  }
0x9c: {  	_ =	strace s3  }
0x9d: {  	_ =	strace $0x8FFFFFFF  }
0x9e: {  	s18 =	sld [smem:$0x3FDB];
	_ =	sdelay $0x1  }
0x9f: {  	s19 =	simm.s32 $_scs_section_size  }
0xa0: {  	s5 =	simm.s32 $_size__tile_overlayer_lowered;
	s6 =	simm.s32 $_tile_overlayer_lowered  }
0xa1: {  	s22 =	simm.s32 $0x1BFF;
	s21 =	sshll.u32 s6, $0x1;
	s3 =	sadd.s32 s19, s18  }
0xa2: {  	s7 =	simm.s32 $0x0;
	s20 =	sshll.u32 s5, $0x1;
	s5 =	sadd.s32 s21, s3  }
0xa3: {  	[timem:s7], [sflag:s22] =	dma.local [hbm:s5], s20  }
0xa4: {  	_ =	swait.ge [sflag:s22], s20  }
0xa5: {  	s4 =	ssub.s32 $0x0, s20;
	[sflag:s22] =	ssyncset.done $0x0  }
0xa6: {  	[sflag:s22] =	ssyncadd.s32 s4;
	_ =	sdelay $0x1  }
0xa7: {  	s23 =	simm.s32 $0x1B8B  }
0xa8: {  	_ =	swait.ge [sflag:s23], $0x1  }
0xa9: {  	[sflag:s23] =	ssyncset.done $0x0  }
0xaa: {  	s25 =	simm.s32 $0x1B8E;
	s24 =	sld [smem:$0x3FFE];
	[sflag:s23] =	ssyncadd.s32 $0xFFFFFFFF  }
0xab: {  	s26 =	simm.s32 $execute0_lowered;
	[smem:$0x3FD2] =	sst s25  }
0xac: {  	s5 =	sshll.u32 s26, $0x1;
	_ =	strace $0x80000049;
	[dreg:$0x1] =	wrdreg $0xFFFFFFFF  }
0xad: {  	s28 =	simm.s32 $_size_execute0_lowered;
	s3 =	sadd.s32 s3, s5;
	[dreg:$0x0] =	wrdreg $0x0  }
0xae: {  	s5 =	sshll.u32 s28, $0x1;
	[dreg:$0x2] =	wrdreg s3  }
0xaf: {  	[dreg:$0x3] =	wrdreg s5  }
0xb0: {  	[dreg:$0x4] =	wrdreg $0xC0  }
0xb1: {  	_ =	task [dreg:s7], $0x5FFFF  }
0xb2: {  	[dreg:$0x1] =	wrdreg $0xFFFFFFFF  }
0xb3: {  	[dreg:$0x0] =	wrdreg $0x60  }
0xb4: {  	[dreg:$0x2] =	wrdreg s24  }
0xb5: {  	[dreg:$0x3] =	wrdreg s16  }
0xb6: {  	[dreg:$0x4] =	wrdreg $0x9  }
0xb7: {  	_ =	task.clear_ibuf [dreg:s7], $0x5FFFF;
	_ =	strace $0x90000049  }
0xb8: {  	s29 =	simm.s32 $0x9;
	_ =	strace $0x8000004B  }
0xb9: {  	_ =	swait.ge [sflag:s29], $0x1  }
0xba: {  	[sflag:s29] =	ssyncadd.s32 $0xFFFFFFFF  }
0xbb: {  	_ =	strace $0x9000004B  }
0xbc: {  	_ =	sfence  }
0xbd: {  	s30 =	sld [smem:$0x0];
	_ =	sdelay $0x2  }
0xbe: {  	s31 =	sshll.u32 s1, $0xD;
	s1 =	sshrl.u32 s1, $0x2  }
0xbf: {  	s3 =	sand.u32 $0x4000, s31;
	s1 =	sadd.s32 s1, s30  }
0xc0: {  	s0 =	sor.u32 s3, s0;
	s1 =	sshll.u32 s1, $0x11  }
0xc1: {  	s0 =	sor.u32 s1, s0  }
0xc2: {  	s0 =	sadd.s32 $0x8F2B, s0  }
0xc3: {  	[sflag:s0] =	ssyncadd.remote.s32 $0x1  }
0xc4: {  	_ =	sfence.sel $0xFFFF  }
0xc5: {  	[dreg:$0x0] =	wrdreg $0xFFFFFFFF;
	(pc) =	sbr.abs _section_cstart, $3  }
0xc6: {  	[dreg:$0x1] =	wrdreg $0xFFFFFFFF  }
0xc7: {  	_ =	task.clear_ibuf [dreg:s7], $0x2FFFF;
	_ =	strace $0x9FFFFFFF  }
0xc8: {  	(tm) =	ssettm $0x7FFFFFFF  }
0xc9: {  	_ =	shalt  }
tec
execute0_lowered:
.L_overlay_start_1:
0x0: {  	(tag) =	ssettag $0x1  }
0x1: {  	s3 =	rddreg [dreg:$0x0];
	s0 =	stileid.u32  }
0x2: {  	s1 =	srdreg.scid;
	s14 =	rddreg [dreg:$0x1]  }
0x3: {  	s2 =	simm.s32 $0x0;
	s4 =	sand.u32 $0x1, s1;
	s1 =	rddreg [dreg:$0x2]  }
0x4: {  	s5 =	sshll.u32 s0, $0x1;
	[smem:$0x7FF] =	sst s2  }
0x5: {  	s6 =	sshrl.u32 s0, $0x3;
	s15 =	sadd.s32 $0x3000, s3;
	s5 =	sor.u32 s4, s5  }
0x6: {  	_ =	strace $0x8000004A;
	s4 =	ssub.s32 $0x2, s4;
	s7 =	smul.u32 $0x6, s5  }
0x7: {  	s8 =	sshll.u32 s6, $0xC;
	s5 =	smul.u32 $0x300, s5;
	s10 =	sshrl.u32 s4, $0x1  }
0x8: {  	s6 =	smul.u32 $0x60, s6;
	s8 =	sadd.s32 s8, s3;
	s16 =	ssub.s32 s4, s10  }
0x9: {  	s3 =	sadd.s32 $0x1000, s8;
	s9 =	sshrl.u32 s7, $0x3;
	s24 =	sand.u32 $0x300, s5  }
0xa: {  	s25 =	ssub.s32 s7, s6;
	s26 =	sor.u32 $0x1, s7;
	s29 =	sadd.s32 $0x2, s7  }
0xb: {  	s12 =	sadd.s32 $0x3, s7;
	s13 =	sadd.s32 $0x4, s7;
	s17 =	sadd.s32 $0x5, s7  }
0xc: {  	v1 =	vimm.f32 $9.600000000e+01;
	s16 =	smax.u32 s16, $0x1;
	s9 =	smul.u32 $0x1800, s9;
	s28 =	sshll.u32 s26, $0x7  }
0xd: {  	(erf) = vrcp.f32 v1;
	v0 =	vmov s25;
	s10 =	ssub.s32 s26, s6;
	s30 =	ssub.s32 s29, s6;
	s11 =	sshrl.u32 s29, $0x3  }
0xe: {  	s31 =	ssub.s32 s12, s6;
	s19 =	ssub.s32 s13, s6;
	s20 =	ssub.s32 s17, s6;
	v0 =	vcvt.s32.f32 v0;
	v1 =	vmov s10  }
0xf: {  	s21 =	sshrl.u32 s12, $0x3;
	s25 =	sshrl.u32 s13, $0x3;
	s11 =	smul.u32 $0x1800, s11;
	v2 =	vmov s30;
	v1 =	vcvt.s32.f32 v1  }
0x10: {  	s26 =	sshll.u32 s13, $0x7;
	s8 =	sand.u32 $0x380, s28;
	v3 =	vmov s31;
	s23 =	smul.u32 $0x1800, s21;
	v2 =	vcvt.s32.f32 v2;
	v0 =	vadd.f32 $5.000000000e-01, v0  }
0x11: {  	v4 =	vmov s19;
	v5 =	vmov s20;
	s28 =	sshrl.u32 s17, $0x3;
	s17 =	sshll.u32 s17, $0x7;
	s19 =	simm.s32 $0x400;
	v1 =	vadd.f32 $5.000000000e-01, v1  }
0x12: {  	s20 =	simm.s32 $0x8300;
	s21 =	simm.s32 $0x0;
	s5 =	sor.u32 s24, s9;
	v3 =	vcvt.s32.f32 v3;
	v2 =	vadd.f32 $5.000000000e-01, v2;
	v0 =	vadd.f32 v0, v0  }
0x13: {  	s8 =	sor.u32 s9, s8;
	s9 =	sshll.u32 s29, $0x7;
	s24 =	sshll.u32 s12, $0x7;
	v4 =	vcvt.s32.f32 v4;
	v5 =	vcvt.s32.f32 v5;
	v1 =	vadd.f32 v1, v1  }
0x14: {  	s12 =	sand.u32 $0x300, s26;
	s13 =	smul.u32 $0x1800, s28;
	s29 =	sand.u32 $0x380, s17;
	v3 =	vadd.f32 $5.000000000e-01, v3;
	v2 =	vadd.f32 v2, v2  }
0x15: {  	s17 =	simm.s32 $0x1;
	s5 =	sshrl.u32 s5, $0x3;
	s8 =	sshrl.u32 s8, $0x3;
	v4 =	vadd.f32 $5.000000000e-01, v4;
	v5 =	vadd.f32 $5.000000000e-01, v5;
	v1 =	vbroadcast v1, $0x0  }
0x16: {  	s18 =	sand.u32 $0x300, s9;
	s4 =	sadd.s32 s14, s5;
	s5 =	sadd.s32 s15, s5;
	v3 =	vadd.f32 v3, v3;
	v6 =	vbroadcast v0, $0x0;
	v2 =	vbroadcast v2, $0x0;
	v0 =	vpop (erf)  }
0x17: {  	s6 =	sadd.s32 s14, s8;
	s7 =	sor.u32 s18, s11;
	s11 =	sand.u32 $0x380, s24;
	v7 =	vmul.f32 v1, v0;
	v1 =	vadd.f32 v4, v4;
	v4 =	vadd.f32 v5, v5  }
0x18: {  	s13 =	sor.u32 s29, s13;
	s10 =	sor.u32 s11, s23;
	s11 =	smul.u32 $0x1800, s25;
	v3 =	vbroadcast v3, $0x0;
	v6 =	vmul.f32 v6, v0  }
0x19: {  	s22 =	sshrl.u32 s7, $0x3;
	s7 =	sadd.s32 s15, s8;
	s31 =	sshrl.u32 s13, $0x3;
	v5 =	vbroadcast v1, $0x0;
	v4 =	vbroadcast v4, $0x0  }
0x1a: {  	s8 =	sadd.s32 s14, s22;
	s18 =	sshrl.u32 s10, $0x3;
	s11 =	sor.u32 s12, s11;
	v8 =	vmul.f32 v3, v0;
	v1 =	vsub.f32 $1.000000000e+00, v6;
	v6 =	vmul.f32 v2, v0  }
0x1b: {  	s9 =	sadd.s32 s15, s22;
	s10 =	sadd.s32 s14, s18;
	s30 =	sshrl.u32 s11, $0x3;
	v2 =	vsub.f32 $1.000000000e+00, v7;
	v5 =	vmul.f32 v5, v0;
	v7 =	vmul.f32 v4, v0  }
0x1c: {  	s11 =	sadd.s32 s15, s18;
	s18 =	simm.s32 $0x80;
	s12 =	sadd.s32 s14, s30;
	v3 =	vsub.f32 $1.000000000e+00, v6;
	v4 =	vsub.f32 $1.000000000e+00, v8  }
0x1d: {  	s13 =	sadd.s32 s15, s30;
	s14 =	sadd.s32 s14, s31;
	s15 =	sadd.s32 s15, s31;
	v5 =	vsub.f32 $1.000000000e+00, v5;
	v6 =	vsub.f32 $1.000000000e+00, v7;
	v7 =	vlaneseq.u32  }
.LBB2_1:
0x1e: {  	[tilespmem:s2], [sflag:$0x1] =	stream.linear.gather [hbm4b:s3+s2], $0x8000, $0x38;
	[tilespmem:$0x8600] =	vst v63  }
0x1f: {  	_ =	swait.ge [sflag:s17], $0x8000  }
0x20: {  	[sflag:s17] =	ssyncset.done $0x0  }
0x21: {  	s22 =	simm.s32 $0x8000;
	[sflag:s17] =	ssyncadd.s32 $0xFFFF8000  }
0x22: {  	[tilespmem:s22], [sflag:$0x1] =	stream.strided.gather [hbm4b:s4+s18], $0x300, s19, s18, $0x38;
	[tilespmem:$0x8600] =	vst v63  }
0x23: {  	_ =	swait.ge [sflag:s17], $0x300  }
0x24: {  	[sflag:s17] =	ssyncset.done $0x0  }
0x25: {  	[sflag:s17] =	ssyncadd.s32 $0xFFFFFD00  }
0x26: {  	v8 =	vld [tilespmem:s22+$0x0];
	_ =	sdelay $0x4  }
0x27: {  	vm0 =	vlt.s32 v8, $0x0  }
0x28: {  	v8 =	vsel vm0, $0x0, v8  }
0x29: {  	v9 =	vshll.u32 v8, $0x2  }
0x2a: {  	v10 =	vor.u32 s2, v7;
	v8 =	vand.u32 $0x7F, v8;
	v9 =	vand.u32 $0xFFFFFE00, v9  }
0x2b: {  	v8 =	vor.u32 v8, v9;
	v9 =	vshrl.u32 v10, $0x3  }
0x2c: {  	v10 =	vor.u32 $0x80, v8;
	v9 =	vcvt.s32.f32 v9;
	_ =	sdelay $0x1  }
0x2d: {  	v9 =	vadd.f32 $5.000000000e-01, v9;
	_ =	sdelay $0x1  }
0x2e: {  	v8 =	vld.idx.msk [tilespmem:v8+s2+$0x0], $0xffff;
	v9 =	vadd.f32 v9, v9  }
0x2f: {  	v10 =	vld.idx.msk [tilespmem:v10+s2+$0x0], $0xffff  }
0x30: {  	v9 =	vmul.f32 v9, v0;
	_ =	sdelay $0x1  }
0x31: {  	v9 =	vsub.f32 $1.000000000e+00, v9;
	_ =	sdelay $0x1  }
0x32: {  	v8 =	vsub.f32 v8, v9;
	v9 =	vsub.f32 v10, v1;
	_ =	sdelay $0x1  }
0x33: {  	v8 =	vmul.f32 v8, v8;
	v9 =	vmul.f32 v9, v9;
	_ =	sdelay $0x1  }
0x34: {  	v8 =	vadd.f32 v9, v8;
	_ =	sdelay $0x1  }
0x35: {  	v8 =	vsel vm0, $0xBF800000, v8  }
0x36: {  	s24 =	simm.s32 $0x8010;
	[tilespmem:s20+$0x0] =	vst v8  }
0x37: {  	s23 =	simm.s32 $0x10;
	s25 =	simm.s32 $0x20;
	s22 =	simm.s32 $0x8300;
	v8 =	vld [tilespmem:s24+$0x0]  }
.LBB2_2:
0x38: {  	p0 =	sne.s32 s25, $0x2F0;
	_ =	sdelay $0x3  }
0x39: {  	vm0 =	vlt.s32 v8, $0x0  }
0x3a: {  	v8 =	vsel vm0, $0x0, v8  }
0x3b: {  	v9 =	vshll.u32 v8, $0x2  }
0x3c: {  	v8 =	vand.u32 $0x7F, v8;
	v9 =	vand.u32 $0xFFFFFE00, v9  }
0x3d: {  	v8 =	vor.u32 v8, v9;
	v9 =	vor.u32 s23, v7;
	s23 =	smov.u32 s25  }
0x3e: {  	v10 =	vor.u32 $0x80, v8;
	v9 =	vshrl.u32 v9, $0x3  }
0x3f: {  	v9 =	vcvt.s32.f32 v9;
	_ =	sdelay $0x1  }
0x40: {  	v9 =	vadd.f32 $5.000000000e-01, v9  }
0x41: {  	v8 =	vld.idx.msk [tilespmem:v8+s2+$0x0], $0xffff  }
0x42: {  	v10 =	vld.idx.msk [tilespmem:v10+s2+$0x0], $0xffff;
	v9 =	vadd.f32 v9, v9;
	_ =	sdelay $0x1  }
0x43: {  	v9 =	vmul.f32 v9, v0;
	_ =	sdelay $0x1  }
0x44: {  	v9 =	vsub.f32 $1.000000000e+00, v9;
	_ =	sdelay $0x1  }
0x45: {  	v8 =	vsub.f32 v8, v9;
	v9 =	vsub.f32 v10, v1;
	_ =	sdelay $0x1  }
0x46: {  	v8 =	vmul.f32 v8, v8;
	v9 =	vmul.f32 v9, v9;
	_ =	sdelay $0x1  }
.Ltmp0:
0x47: {  	v8 =	vadd.f32 v9, v8;
	(pc) =	sbr.rel @p0 .LBB2_2-.Ltmp0, $4  }
0x48: {  	_ = 	snop  }
0x49: {  	s22 =	sadd.s32 $0x10, s22;
	v8 =	vsel vm0, $0xBF800000, v8  }
0x4a: {  	s24 =	sadd.s32 $0x10, s24;
	[tilespmem:s22+$0x0] =	vst v8  }
0x4b: {  	s25 =	sadd.s32 $0x10, s25;
	v8 =	vld [tilespmem:s24+$0x0]  }
0x4c: {  	_ =	sdelay $0x3  }
0x4d: {  	vm0 =	vlt.s32 v8, $0x0  }
0x4e: {  	v8 =	vsel vm0, $0x0, v8  }
0x4f: {  	v9 =	vshll.u32 v8, $0x2  }
0x50: {  	v10 =	vor.u32 s23, v7;
	v8 =	vand.u32 $0x7F, v8;
	v9 =	vand.u32 $0xFFFFFE00, v9  }
0x51: {  	v8 =	vor.u32 v8, v9;
	v9 =	vshrl.u32 v10, $0x3  }
0x52: {  	v10 =	vor.u32 $0x80, v8;
	v9 =	vcvt.s32.f32 v9;
	_ =	sdelay $0x1  }
0x53: {  	v9 =	vadd.f32 $5.000000000e-01, v9;
	_ =	sdelay $0x1  }
0x54: {  	v8 =	vld.idx.msk [tilespmem:v8+s2+$0x0], $0xffff;
	v9 =	vadd.f32 v9, v9  }
0x55: {  	v10 =	vld.idx.msk [tilespmem:v10+s2+$0x0], $0xffff  }
0x56: {  	v9 =	vmul.f32 v9, v0;
	_ =	sdelay $0x1  }
0x57: {  	v9 =	vsub.f32 $1.000000000e+00, v9;
	_ =	sdelay $0x1  }
0x58: {  	v8 =	vsub.f32 v8, v9;
	v9 =	vsub.f32 v10, v1;
	_ =	sdelay $0x1  }
0x59: {  	v8 =	vmul.f32 v8, v8;
	v9 =	vmul.f32 v9, v9;
	_ =	sdelay $0x1  }
0x5a: {  	v8 =	vadd.f32 v9, v8;
	_ =	sdelay $0x1  }
0x5b: {  	s22 =	sadd.s32 $0x10, s22;
	v8 =	vsel vm0, $0xBF800000, v8  }
0x5c: {  	[tilespmem:s22+$0x0] =	vst v8;
	s22 =	simm.s32 $0x8300  }
0x5d: {  	[hbm4b:s5+s18] =	stream.strided.scatter [tilespmem:s22], [sflag:$0x1], $0x300, s19, s18, $0x38;
	[tilespmem:$0x8600] =	vst v63  }
0x5e: {  	_ =	swait.ge [sflag:s17], $0x300  }
0x5f: {  	[sflag:s17] =	ssyncset.done $0x0  }
0x60: {  	s30 =	simm.s32 $0x8000;
	[sflag:s17] =	ssyncadd.s32 $0xFFFFFD00  }
0x61: {  	[tilespmem:s30], [sflag:$0x1] =	stream.strided.gather [hbm4b:s6+s18], $0x300, s19, s18, $0x38;
	[tilespmem:$0x8600] =	vst v63  }
0x62: {  	_ =	swait.ge [sflag:s17], $0x300  }
0x63: {  	[sflag:s17] =	ssyncset.done $0x0  }
0x64: {  	[sflag:s17] =	ssyncadd.s32 $0xFFFFFD00  }
0x65: {  	v8 =	vld [tilespmem:s30+$0x0];
	_ =	sdelay $0x4  }
0x66: {  	vm15 =	vlt.s32 v8, $0x0  }
0x67: {  	v8 =	vsel vm15, $0x0, v8  }
0x68: {  	s31 =	simm.s32 $0x0;
	v9 =	vshll.u32 v8, $0x2  }
0x69: {  	v10 =	vor.u32 s31, v7;
	v8 =	vand.u32 $0x7F, v8;
	v9 =	vand.u32 $0xFFFFFE00, v9  }
0x6a: {  	v8 =	vor.u32 v8, v9;
	v9 =	vshrl.u32 v10, $0x3  }
0x6b: {  	v10 =	vor.u32 $0x80, v8;
	v9 =	vcvt.s32.f32 v9;
	_ =	sdelay $0x1  }
0x6c: {  	v9 =	vadd.f32 $5.000000000e-01, v9;
	_ =	sdelay $0x1  }
0x6d: {  	v8 =	vld.idx.msk [tilespmem:v8+s2+$0x0], $0xffff;
	v9 =	vadd.f32 v9, v9  }
0x6e: {  	v10 =	vld.idx.msk [tilespmem:v10+s2+$0x0], $0xffff  }
0x6f: {  	v9 =	vmul.f32 v9, v0;
	_ =	sdelay $0x1  }
0x70: {  	v9 =	vsub.f32 $1.000000000e+00, v9;
	_ =	sdelay $0x1  }
0x71: {  	v8 =	vsub.f32 v8, v9;
	v9 =	vsub.f32 v10, v2;
	_ =	sdelay $0x1  }
0x72: {  	v8 =	vmul.f32 v8, v8;
	v9 =	vmul.f32 v9, v9;
	_ =	sdelay $0x1  }
0x73: {  	v8 =	vadd.f32 v9, v8;
	_ =	sdelay $0x1  }
0x74: {  	v8 =	vsel vm15, $0xBF800000, v8  }
0x75: {  	s24 =	simm.s32 $0x8010;
	[tilespmem:s22+$0x0] =	vst v8  }
0x76: {  	s23 =	simm.s32 $0x10;
	s25 =	simm.s32 $0x20;
	v8 =	vld [tilespmem:s24+$0x0]  }
.LBB2_4:
0x77: {  	p0 =	sne.s32 s25, $0x2F0;
	_ =	sdelay $0x3  }
0x78: {  	vm0 =	vlt.s32 v8, $0x0  }
0x79: {  	v8 =	vsel vm0, $0x0, v8  }
0x7a: {  	v9 =	vshll.u32 v8, $0x2  }
0x7b: {  	v8 =	vand.u32 $0x7F, v8;
	v9 =	vand.u32 $0xFFFFFE00, v9  }
0x7c: {  	v8 =	vor.u32 v8, v9;
	v9 =	vor.u32 s23, v7;
	s23 =	smov.u32 s25  }
0x7d: {  	v10 =	vor.u32 $0x80, v8;
	v9 =	vshrl.u32 v9, $0x3  }
0x7e: {  	v9 =	vcvt.s32.f32 v9;
	_ =	sdelay $0x1  }
0x7f: {  	v9 =	vadd.f32 $5.000000000e-01, v9  }
0x80: {  	v8 =	vld.idx.msk [tilespmem:v8+s2+$0x0], $0xffff  }
0x81: {  	v10 =	vld.idx.msk [tilespmem:v10+s2+$0x0], $0xffff;
	v9 =	vadd.f32 v9, v9;
	_ =	sdelay $0x1  }
0x82: {  	v9 =	vmul.f32 v9, v0;
	_ =	sdelay $0x1  }
0x83: {  	v9 =	vsub.f32 $1.000000000e+00, v9;
	_ =	sdelay $0x1  }
0x84: {  	v8 =	vsub.f32 v8, v9;
	v9 =	vsub.f32 v10, v2;
	_ =	sdelay $0x1  }
0x85: {  	v8 =	vmul.f32 v8, v8;
	v9 =	vmul.f32 v9, v9;
	_ =	sdelay $0x1  }
.Ltmp1:
0x86: {  	v8 =	vadd.f32 v9, v8;
	(pc) =	sbr.rel @p0 .LBB2_4-.Ltmp1, $4  }
0x87: {  	_ = 	snop  }
0x88: {  	s22 =	sadd.s32 $0x10, s22;
	v8 =	vsel vm0, $0xBF800000, v8  }
0x89: {  	s24 =	sadd.s32 $0x10, s24;
	[tilespmem:s22+$0x0] =	vst v8  }
0x8a: {  	s25 =	sadd.s32 $0x10, s25;
	v8 =	vld [tilespmem:s24+$0x0]  }
0x8b: {  	_ =	sdelay $0x3  }
0x8c: {  	vm0 =	vlt.s32 v8, $0x0  }
0x8d: {  	v8 =	vsel vm0, $0x0, v8  }
0x8e: {  	v9 =	vshll.u32 v8, $0x2  }
0x8f: {  	v10 =	vor.u32 s23, v7;
	v8 =	vand.u32 $0x7F, v8;
	v9 =	vand.u32 $0xFFFFFE00, v9  }
0x90: {  	v8 =	vor.u32 v8, v9;
	v9 =	vshrl.u32 v10, $0x3  }
0x91: {  	v10 =	vor.u32 $0x80, v8;
	v9 =	vcvt.s32.f32 v9;
	_ =	sdelay $0x1  }
0x92: {  	v9 =	vadd.f32 $5.000000000e-01, v9;
	_ =	sdelay $0x1  }
0x93: {  	v8 =	vld.idx.msk [tilespmem:v8+s2+$0x0], $0xffff;
	v9 =	vadd.f32 v9, v9  }
0x94: {  	v10 =	vld.idx.msk [tilespmem:v10+s2+$0x0], $0xffff  }
0x95: {  	v9 =	vmul.f32 v9, v0;
	_ =	sdelay $0x1  }
0x96: {  	v9 =	vsub.f32 $1.000000000e+00, v9;
	_ =	sdelay $0x1  }
0x97: {  	v8 =	vsub.f32 v8, v9;
	v9 =	vsub.f32 v10, v2;
	_ =	sdelay $0x1  }
0x98: {  	v8 =	vmul.f32 v8, v8;
	v9 =	vmul.f32 v9, v9;
	_ =	sdelay $0x1  }
0x99: {  	v8 =	vadd.f32 v9, v8;
	_ =	sdelay $0x1  }
0x9a: {  	s22 =	sadd.s32 $0x10, s22;
	v8 =	vsel vm0, $0xBF800000, v8  }
0x9b: {  	[tilespmem:s22+$0x0] =	vst v8;
	s22 =	simm.s32 $0x8300  }
0x9c: {  	[hbm4b:s7+s18] =	stream.strided.scatter [tilespmem:s22], [sflag:$0x1], $0x300, s19, s18, $0x38;
	[tilespmem:$0x8600] =	vst v63  }
0x9d: {  	_ =	swait.ge [sflag:s17], $0x300  }
0x9e: {  	[sflag:s17] =	ssyncset.done $0x0  }
0x9f: {  	s30 =	simm.s32 $0x8000;
	[sflag:s17] =	ssyncadd.s32 $0xFFFFFD00  }
0xa0: {  	[tilespmem:s30], [sflag:$0x1] =	stream.strided.gather [hbm4b:s8+s18], $0x300, s19, s18, $0x38;
	[tilespmem:$0x8600] =	vst v63  }
0xa1: {  	_ =	swait.ge [sflag:s17], $0x300  }
0xa2: {  	[sflag:s17] =	ssyncset.done $0x0  }
0xa3: {  	[sflag:s17] =	ssyncadd.s32 $0xFFFFFD00  }
0xa4: {  	v8 =	vld [tilespmem:s30+$0x0];
	_ =	sdelay $0x4  }
0xa5: {  	vm15 =	vlt.s32 v8, $0x0  }
0xa6: {  	v8 =	vsel vm15, $0x0, v8  }
0xa7: {  	s31 =	simm.s32 $0x0;
	v9 =	vshll.u32 v8, $0x2  }
0xa8: {  	v10 =	vor.u32 s31, v7;
	v8 =	vand.u32 $0x7F, v8;
	v9 =	vand.u32 $0xFFFFFE00, v9  }
0xa9: {  	v8 =	vor.u32 v8, v9;
	v9 =	vshrl.u32 v10, $0x3  }
0xaa: {  	v10 =	vor.u32 $0x80, v8;
	v9 =	vcvt.s32.f32 v9;
	_ =	sdelay $0x1  }
0xab: {  	v9 =	vadd.f32 $5.000000000e-01, v9;
	_ =	sdelay $0x1  }
0xac: {  	v8 =	vld.idx.msk [tilespmem:v8+s2+$0x0], $0xffff;
	v9 =	vadd.f32 v9, v9  }
0xad: {  	v10 =	vld.idx.msk [tilespmem:v10+s2+$0x0], $0xffff  }
0xae: {  	v9 =	vmul.f32 v9, v0;
	_ =	sdelay $0x1  }
0xaf: {  	v9 =	vsub.f32 $1.000000000e+00, v9;
	_ =	sdelay $0x1  }
0xb0: {  	v8 =	vsub.f32 v8, v9;
	v9 =	vsub.f32 v10, v3;
	_ =	sdelay $0x1  }
0xb1: {  	v8 =	vmul.f32 v8, v8;
	v9 =	vmul.f32 v9, v9;
	_ =	sdelay $0x1  }
0xb2: {  	v8 =	vadd.f32 v9, v8;
	_ =	sdelay $0x1  }
0xb3: {  	v8 =	vsel vm15, $0xBF800000, v8  }
0xb4: {  	s24 =	simm.s32 $0x8010;
	[tilespmem:s22+$0x0] =	vst v8  }
0xb5: {  	s23 =	simm.s32 $0x10;
	s25 =	simm.s32 $0x20;
	v8 =	vld [tilespmem:s24+$0x0]  }
.LBB2_6:
0xb6: {  	p0 =	sne.s32 s25, $0x2F0;
	_ =	sdelay $0x3  }
0xb7: {  	vm0 =	vlt.s32 v8, $0x0  }
0xb8: {  	v8 =	vsel vm0, $0x0, v8  }
0xb9: {  	v9 =	vshll.u32 v8, $0x2  }
0xba: {  	v8 =	vand.u32 $0x7F, v8;
	v9 =	vand.u32 $0xFFFFFE00, v9  }
0xbb: {  	v8 =	vor.u32 v8, v9;
	v9 =	vor.u32 s23, v7;
	s23 =	smov.u32 s25  }
0xbc: {  	v10 =	vor.u32 $0x80, v8;
	v9 =	vshrl.u32 v9, $0x3  }
0xbd: {  	v9 =	vcvt.s32.f32 v9;
	_ =	sdelay $0x1  }
0xbe: {  	v9 =	vadd.f32 $5.000000000e-01, v9  }
0xbf: {  	v8 =	vld.idx.msk [tilespmem:v8+s2+$0x0], $0xffff  }
0xc0: {  	v10 =	vld.idx.msk [tilespmem:v10+s2+$0x0], $0xffff;
	v9 =	vadd.f32 v9, v9;
	_ =	sdelay $0x1  }
0xc1: {  	v9 =	vmul.f32 v9, v0;
	_ =	sdelay $0x1  }
0xc2: {  	v9 =	vsub.f32 $1.000000000e+00, v9;
	_ =	sdelay $0x1  }
0xc3: {  	v8 =	vsub.f32 v8, v9;
	v9 =	vsub.f32 v10, v3;
	_ =	sdelay $0x1  }
0xc4: {  	v8 =	vmul.f32 v8, v8;
	v9 =	vmul.f32 v9, v9;
	_ =	sdelay $0x1  }
.Ltmp2:
0xc5: {  	v8 =	vadd.f32 v9, v8;
	(pc) =	sbr.rel @p0 .LBB2_6-.Ltmp2, $4  }
0xc6: {  	_ = 	snop  }
0xc7: {  	s22 =	sadd.s32 $0x10, s22;
	v8 =	vsel vm0, $0xBF800000, v8  }
0xc8: {  	s24 =	sadd.s32 $0x10, s24;
	[tilespmem:s22+$0x0] =	vst v8  }
0xc9: {  	s25 =	sadd.s32 $0x10, s25;
	v8 =	vld [tilespmem:s24+$0x0]  }
0xca: {  	_ =	sdelay $0x3  }
0xcb: {  	vm0 =	vlt.s32 v8, $0x0  }
0xcc: {  	v8 =	vsel vm0, $0x0, v8  }
0xcd: {  	v9 =	vshll.u32 v8, $0x2  }
0xce: {  	v10 =	vor.u32 s23, v7;
	v8 =	vand.u32 $0x7F, v8;
	v9 =	vand.u32 $0xFFFFFE00, v9  }
0xcf: {  	v8 =	vor.u32 v8, v9;
	v9 =	vshrl.u32 v10, $0x3  }
0xd0: {  	v10 =	vor.u32 $0x80, v8;
	v9 =	vcvt.s32.f32 v9;
	_ =	sdelay $0x1  }
0xd1: {  	v9 =	vadd.f32 $5.000000000e-01, v9;
	_ =	sdelay $0x1  }
0xd2: {  	v8 =	vld.idx.msk [tilespmem:v8+s2+$0x0], $0xffff;
	v9 =	vadd.f32 v9, v9  }
0xd3: {  	v10 =	vld.idx.msk [tilespmem:v10+s2+$0x0], $0xffff  }
0xd4: {  	v9 =	vmul.f32 v9, v0;
	_ =	sdelay $0x1  }
0xd5: {  	v9 =	vsub.f32 $1.000000000e+00, v9;
	_ =	sdelay $0x1  }
0xd6: {  	v8 =	vsub.f32 v8, v9;
	v9 =	vsub.f32 v10, v3;
	_ =	sdelay $0x1  }
0xd7: {  	v8 =	vmul.f32 v8, v8;
	v9 =	vmul.f32 v9, v9;
	_ =	sdelay $0x1  }
0xd8: {  	v8 =	vadd.f32 v9, v8;
	_ =	sdelay $0x1  }
0xd9: {  	s22 =	sadd.s32 $0x10, s22;
	v8 =	vsel vm0, $0xBF800000, v8  }
0xda: {  	[tilespmem:s22+$0x0] =	vst v8;
	s22 =	simm.s32 $0x8300  }
0xdb: {  	[hbm4b:s9+s18] =	stream.strided.scatter [tilespmem:s22], [sflag:$0x1], $0x300, s19, s18, $0x38;
	[tilespmem:$0x8600] =	vst v63  }
0xdc: {  	_ =	swait.ge [sflag:s17], $0x300  }
0xdd: {  	[sflag:s17] =	ssyncset.done $0x0  }
0xde: {  	s30 =	simm.s32 $0x8000;
	[sflag:s17] =	ssyncadd.s32 $0xFFFFFD00  }
0xdf: {  	[tilespmem:s30], [sflag:$0x1] =	stream.strided.gather [hbm4b:s10+s18], $0x300, s19, s18, $0x38;
	[tilespmem:$0x8600] =	vst v63  }
0xe0: {  	_ =	swait.ge [sflag:s17], $0x300  }
0xe1: {  	[sflag:s17] =	ssyncset.done $0x0  }
0xe2: {  	[sflag:s17] =	ssyncadd.s32 $0xFFFFFD00  }
0xe3: {  	v8 =	vld [tilespmem:s30+$0x0];
	_ =	sdelay $0x4  }
0xe4: {  	vm15 =	vlt.s32 v8, $0x0  }
0xe5: {  	v8 =	vsel vm15, $0x0, v8  }
0xe6: {  	s31 =	simm.s32 $0x0;
	v9 =	vshll.u32 v8, $0x2  }
0xe7: {  	v10 =	vor.u32 s31, v7;
	v8 =	vand.u32 $0x7F, v8;
	v9 =	vand.u32 $0xFFFFFE00, v9  }
0xe8: {  	v8 =	vor.u32 v8, v9;
	v9 =	vshrl.u32 v10, $0x3  }
0xe9: {  	v10 =	vor.u32 $0x80, v8;
	v9 =	vcvt.s32.f32 v9;
	_ =	sdelay $0x1  }
0xea: {  	v9 =	vadd.f32 $5.000000000e-01, v9;
	_ =	sdelay $0x1  }
0xeb: {  	v8 =	vld.idx.msk [tilespmem:v8+s2+$0x0], $0xffff;
	v9 =	vadd.f32 v9, v9  }
0xec: {  	v10 =	vld.idx.msk [tilespmem:v10+s2+$0x0], $0xffff  }
0xed: {  	v9 =	vmul.f32 v9, v0;
	_ =	sdelay $0x1  }
0xee: {  	v9 =	vsub.f32 $1.000000000e+00, v9;
	_ =	sdelay $0x1  }
0xef: {  	v8 =	vsub.f32 v8, v9;
	v9 =	vsub.f32 v10, v4;
	_ =	sdelay $0x1  }
0xf0: {  	v8 =	vmul.f32 v8, v8;
	v9 =	vmul.f32 v9, v9;
	_ =	sdelay $0x1  }
0xf1: {  	v8 =	vadd.f32 v9, v8;
	_ =	sdelay $0x1  }
0xf2: {  	v8 =	vsel vm15, $0xBF800000, v8  }
0xf3: {  	s24 =	simm.s32 $0x8010;
	[tilespmem:s22+$0x0] =	vst v8  }
0xf4: {  	s23 =	simm.s32 $0x10;
	s25 =	simm.s32 $0x20;
	v8 =	vld [tilespmem:s24+$0x0]  }
.LBB2_8:
0xf5: {  	p0 =	sne.s32 s25, $0x2F0;
	_ =	sdelay $0x3  }
0xf6: {  	vm0 =	vlt.s32 v8, $0x0  }
0xf7: {  	v8 =	vsel vm0, $0x0, v8  }
0xf8: {  	v9 =	vshll.u32 v8, $0x2  }
0xf9: {  	v8 =	vand.u32 $0x7F, v8;
	v9 =	vand.u32 $0xFFFFFE00, v9  }
0xfa: {  	v8 =	vor.u32 v8, v9;
	v9 =	vor.u32 s23, v7;
	s23 =	smov.u32 s25  }
0xfb: {  	v10 =	vor.u32 $0x80, v8;
	v9 =	vshrl.u32 v9, $0x3  }
0xfc: {  	v9 =	vcvt.s32.f32 v9;
	_ =	sdelay $0x1  }
0xfd: {  	v9 =	vadd.f32 $5.000000000e-01, v9  }
0xfe: {  	v8 =	vld.idx.msk [tilespmem:v8+s2+$0x0], $0xffff  }
0xff: {  	v10 =	vld.idx.msk [tilespmem:v10+s2+$0x0], $0xffff;
	v9 =	vadd.f32 v9, v9;
	_ =	sdelay $0x1  }
0x100: {  	v9 =	vmul.f32 v9, v0;
	_ =	sdelay $0x1  }
0x101: {  	v9 =	vsub.f32 $1.000000000e+00, v9;
	_ =	sdelay $0x1  }
0x102: {  	v8 =	vsub.f32 v8, v9;
	v9 =	vsub.f32 v10, v4;
	_ =	sdelay $0x1  }
0x103: {  	v8 =	vmul.f32 v8, v8;
	v9 =	vmul.f32 v9, v9;
	_ =	sdelay $0x1  }
.Ltmp3:
0x104: {  	v8 =	vadd.f32 v9, v8;
	(pc) =	sbr.rel @p0 .LBB2_8-.Ltmp3, $4  }
0x105: {  	_ = 	snop  }
0x106: {  	s22 =	sadd.s32 $0x10, s22;
	v8 =	vsel vm0, $0xBF800000, v8  }
0x107: {  	s24 =	sadd.s32 $0x10, s24;
	[tilespmem:s22+$0x0] =	vst v8  }
0x108: {  	s25 =	sadd.s32 $0x10, s25;
	v8 =	vld [tilespmem:s24+$0x0]  }
0x109: {  	_ =	sdelay $0x3  }
0x10a: {  	vm0 =	vlt.s32 v8, $0x0  }
0x10b: {  	v8 =	vsel vm0, $0x0, v8  }
0x10c: {  	v9 =	vshll.u32 v8, $0x2  }
0x10d: {  	v10 =	vor.u32 s23, v7;
	v8 =	vand.u32 $0x7F, v8;
	v9 =	vand.u32 $0xFFFFFE00, v9  }
0x10e: {  	v8 =	vor.u32 v8, v9;
	v9 =	vshrl.u32 v10, $0x3  }
0x10f: {  	v10 =	vor.u32 $0x80, v8;
	v9 =	vcvt.s32.f32 v9;
	_ =	sdelay $0x1  }
0x110: {  	v9 =	vadd.f32 $5.000000000e-01, v9;
	_ =	sdelay $0x1  }
0x111: {  	v8 =	vld.idx.msk [tilespmem:v8+s2+$0x0], $0xffff;
	v9 =	vadd.f32 v9, v9  }
0x112: {  	v10 =	vld.idx.msk [tilespmem:v10+s2+$0x0], $0xffff  }
0x113: {  	v9 =	vmul.f32 v9, v0;
	_ =	sdelay $0x1  }
0x114: {  	v9 =	vsub.f32 $1.000000000e+00, v9;
	_ =	sdelay $0x1  }
0x115: {  	v8 =	vsub.f32 v8, v9;
	v9 =	vsub.f32 v10, v4;
	_ =	sdelay $0x1  }
0x116: {  	v8 =	vmul.f32 v8, v8;
	v9 =	vmul.f32 v9, v9;
	_ =	sdelay $0x1  }
0x117: {  	v8 =	vadd.f32 v9, v8;
	_ =	sdelay $0x1  }
0x118: {  	s22 =	sadd.s32 $0x10, s22;
	v8 =	vsel vm0, $0xBF800000, v8  }
0x119: {  	[tilespmem:s22+$0x0] =	vst v8;
	s22 =	simm.s32 $0x8300  }
0x11a: {  	[hbm4b:s11+s18] =	stream.strided.scatter [tilespmem:s22], [sflag:$0x1], $0x300, s19, s18, $0x38;
	[tilespmem:$0x8600] =	vst v63  }
0x11b: {  	_ =	swait.ge [sflag:s17], $0x300  }
0x11c: {  	[sflag:s17] =	ssyncset.done $0x0  }
0x11d: {  	s30 =	simm.s32 $0x8000;
	[sflag:s17] =	ssyncadd.s32 $0xFFFFFD00  }
0x11e: {  	[tilespmem:s30], [sflag:$0x1] =	stream.strided.gather [hbm4b:s12+s18], $0x300, s19, s18, $0x38;
	[tilespmem:$0x8600] =	vst v63  }
0x11f: {  	_ =	swait.ge [sflag:s17], $0x300  }
0x120: {  	[sflag:s17] =	ssyncset.done $0x0  }
0x121: {  	[sflag:s17] =	ssyncadd.s32 $0xFFFFFD00  }
0x122: {  	v8 =	vld [tilespmem:s30+$0x0];
	_ =	sdelay $0x4  }
0x123: {  	vm15 =	vlt.s32 v8, $0x0  }
0x124: {  	v8 =	vsel vm15, $0x0, v8  }
0x125: {  	s31 =	simm.s32 $0x0;
	v9 =	vshll.u32 v8, $0x2  }
0x126: {  	v10 =	vor.u32 s31, v7;
	v8 =	vand.u32 $0x7F, v8;
	v9 =	vand.u32 $0xFFFFFE00, v9  }
0x127: {  	v8 =	vor.u32 v8, v9;
	v9 =	vshrl.u32 v10, $0x3  }
0x128: {  	v10 =	vor.u32 $0x80, v8;
	v9 =	vcvt.s32.f32 v9;
	_ =	sdelay $0x1  }
0x129: {  	v9 =	vadd.f32 $5.000000000e-01, v9;
	_ =	sdelay $0x1  }
0x12a: {  	v8 =	vld.idx.msk [tilespmem:v8+s2+$0x0], $0xffff;
	v9 =	vadd.f32 v9, v9  }
0x12b: {  	v10 =	vld.idx.msk [tilespmem:v10+s2+$0x0], $0xffff  }
0x12c: {  	v9 =	vmul.f32 v9, v0;
	_ =	sdelay $0x1  }
0x12d: {  	v9 =	vsub.f32 $1.000000000e+00, v9;
	_ =	sdelay $0x1  }
0x12e: {  	v8 =	vsub.f32 v8, v9;
	v9 =	vsub.f32 v10, v5;
	_ =	sdelay $0x1  }
0x12f: {  	v8 =	vmul.f32 v8, v8;
	v9 =	vmul.f32 v9, v9;
	_ =	sdelay $0x1  }
0x130: {  	v8 =	vadd.f32 v9, v8;
	_ =	sdelay $0x1  }
0x131: {  	v8 =	vsel vm15, $0xBF800000, v8  }
0x132: {  	s24 =	simm.s32 $0x8010;
	[tilespmem:s22+$0x0] =	vst v8  }
0x133: {  	s23 =	simm.s32 $0x10;
	s25 =	simm.s32 $0x20;
	v8 =	vld [tilespmem:s24+$0x0]  }
.LBB2_10:
0x134: {  	p0 =	sne.s32 s25, $0x2F0;
	_ =	sdelay $0x3  }
0x135: {  	vm0 =	vlt.s32 v8, $0x0  }
0x136: {  	v8 =	vsel vm0, $0x0, v8  }
0x137: {  	v9 =	vshll.u32 v8, $0x2  }
0x138: {  	v8 =	vand.u32 $0x7F, v8;
	v9 =	vand.u32 $0xFFFFFE00, v9  }
0x139: {  	v8 =	vor.u32 v8, v9;
	v9 =	vor.u32 s23, v7;
	s23 =	smov.u32 s25  }
0x13a: {  	v10 =	vor.u32 $0x80, v8;
	v9 =	vshrl.u32 v9, $0x3  }
0x13b: {  	v9 =	vcvt.s32.f32 v9;
	_ =	sdelay $0x1  }
0x13c: {  	v9 =	vadd.f32 $5.000000000e-01, v9  }
0x13d: {  	v8 =	vld.idx.msk [tilespmem:v8+s2+$0x0], $0xffff  }
0x13e: {  	v10 =	vld.idx.msk [tilespmem:v10+s2+$0x0], $0xffff;
	v9 =	vadd.f32 v9, v9;
	_ =	sdelay $0x1  }
0x13f: {  	v9 =	vmul.f32 v9, v0;
	_ =	sdelay $0x1  }
0x140: {  	v9 =	vsub.f32 $1.000000000e+00, v9;
	_ =	sdelay $0x1  }
0x141: {  	v8 =	vsub.f32 v8, v9;
	v9 =	vsub.f32 v10, v5;
	_ =	sdelay $0x1  }
0x142: {  	v8 =	vmul.f32 v8, v8;
	v9 =	vmul.f32 v9, v9;
	_ =	sdelay $0x1  }
.Ltmp4:
0x143: {  	v8 =	vadd.f32 v9, v8;
	(pc) =	sbr.rel @p0 .LBB2_10-.Ltmp4, $4  }
0x144: {  	_ = 	snop  }
0x145: {  	s22 =	sadd.s32 $0x10, s22;
	v8 =	vsel vm0, $0xBF800000, v8  }
0x146: {  	s24 =	sadd.s32 $0x10, s24;
	[tilespmem:s22+$0x0] =	vst v8  }
0x147: {  	s25 =	sadd.s32 $0x10, s25;
	v8 =	vld [tilespmem:s24+$0x0]  }
0x148: {  	_ =	sdelay $0x3  }
0x149: {  	vm0 =	vlt.s32 v8, $0x0  }
0x14a: {  	v8 =	vsel vm0, $0x0, v8  }
0x14b: {  	v9 =	vshll.u32 v8, $0x2  }
0x14c: {  	v10 =	vor.u32 s23, v7;
	v8 =	vand.u32 $0x7F, v8;
	v9 =	vand.u32 $0xFFFFFE00, v9  }
0x14d: {  	v8 =	vor.u32 v8, v9;
	v9 =	vshrl.u32 v10, $0x3  }
0x14e: {  	v10 =	vor.u32 $0x80, v8;
	v9 =	vcvt.s32.f32 v9;
	_ =	sdelay $0x1  }
0x14f: {  	v9 =	vadd.f32 $5.000000000e-01, v9;
	_ =	sdelay $0x1  }
0x150: {  	v8 =	vld.idx.msk [tilespmem:v8+s2+$0x0], $0xffff;
	v9 =	vadd.f32 v9, v9  }
0x151: {  	v10 =	vld.idx.msk [tilespmem:v10+s2+$0x0], $0xffff  }
0x152: {  	v9 =	vmul.f32 v9, v0;
	_ =	sdelay $0x1  }
0x153: {  	v9 =	vsub.f32 $1.000000000e+00, v9;
	_ =	sdelay $0x1  }
0x154: {  	v8 =	vsub.f32 v8, v9;
	v9 =	vsub.f32 v10, v5;
	_ =	sdelay $0x1  }
0x155: {  	v8 =	vmul.f32 v8, v8;
	v9 =	vmul.f32 v9, v9;
	_ =	sdelay $0x1  }
0x156: {  	v8 =	vadd.f32 v9, v8;
	_ =	sdelay $0x1  }
0x157: {  	s22 =	sadd.s32 $0x10, s22;
	v8 =	vsel vm0, $0xBF800000, v8  }
0x158: {  	[tilespmem:s22+$0x0] =	vst v8;
	s22 =	simm.s32 $0x8300  }
0x159: {  	[hbm4b:s13+s18] =	stream.strided.scatter [tilespmem:s22], [sflag:$0x1], $0x300, s19, s18, $0x38;
	[tilespmem:$0x8600] =	vst v63  }
0x15a: {  	_ =	swait.ge [sflag:s17], $0x300  }
0x15b: {  	[sflag:s17] =	ssyncset.done $0x0  }
0x15c: {  	s30 =	simm.s32 $0x8000;
	[sflag:s17] =	ssyncadd.s32 $0xFFFFFD00  }
0x15d: {  	[tilespmem:s30], [sflag:$0x1] =	stream.strided.gather [hbm4b:s14+s18], $0x300, s19, s18, $0x38;
	[tilespmem:$0x8600] =	vst v63  }
0x15e: {  	_ =	swait.ge [sflag:s17], $0x300  }
0x15f: {  	[sflag:s17] =	ssyncset.done $0x0  }
0x160: {  	[sflag:s17] =	ssyncadd.s32 $0xFFFFFD00  }
0x161: {  	v8 =	vld [tilespmem:s30+$0x0];
	_ =	sdelay $0x4  }
0x162: {  	vm15 =	vlt.s32 v8, $0x0  }
0x163: {  	v8 =	vsel vm15, $0x0, v8  }
0x164: {  	s31 =	simm.s32 $0x0;
	v9 =	vshll.u32 v8, $0x2  }
0x165: {  	v10 =	vor.u32 s31, v7;
	v8 =	vand.u32 $0x7F, v8;
	v9 =	vand.u32 $0xFFFFFE00, v9  }
0x166: {  	v8 =	vor.u32 v8, v9;
	v9 =	vshrl.u32 v10, $0x3  }
0x167: {  	v10 =	vor.u32 $0x80, v8;
	v9 =	vcvt.s32.f32 v9;
	_ =	sdelay $0x1  }
0x168: {  	v9 =	vadd.f32 $5.000000000e-01, v9;
	_ =	sdelay $0x1  }
0x169: {  	v8 =	vld.idx.msk [tilespmem:v8+s2+$0x0], $0xffff;
	v9 =	vadd.f32 v9, v9  }
0x16a: {  	v10 =	vld.idx.msk [tilespmem:v10+s2+$0x0], $0xffff  }
0x16b: {  	v9 =	vmul.f32 v9, v0;
	_ =	sdelay $0x1  }
0x16c: {  	v9 =	vsub.f32 $1.000000000e+00, v9;
	_ =	sdelay $0x1  }
0x16d: {  	v8 =	vsub.f32 v8, v9;
	v9 =	vsub.f32 v10, v6;
	_ =	sdelay $0x1  }
0x16e: {  	v8 =	vmul.f32 v8, v8;
	v9 =	vmul.f32 v9, v9;
	_ =	sdelay $0x1  }
0x16f: {  	v8 =	vadd.f32 v9, v8;
	_ =	sdelay $0x1  }
0x170: {  	v8 =	vsel vm15, $0xBF800000, v8  }
0x171: {  	s24 =	simm.s32 $0x8010;
	[tilespmem:s22+$0x0] =	vst v8  }
0x172: {  	s23 =	simm.s32 $0x10;
	s25 =	simm.s32 $0x20;
	v8 =	vld [tilespmem:s24+$0x0]  }
.LBB2_12:
0x173: {  	p0 =	sne.s32 s25, $0x2F0;
	_ =	sdelay $0x3  }
0x174: {  	vm0 =	vlt.s32 v8, $0x0  }
0x175: {  	v8 =	vsel vm0, $0x0, v8  }
0x176: {  	v9 =	vshll.u32 v8, $0x2  }
0x177: {  	v8 =	vand.u32 $0x7F, v8;
	v9 =	vand.u32 $0xFFFFFE00, v9  }
0x178: {  	v8 =	vor.u32 v8, v9;
	v9 =	vor.u32 s23, v7;
	s23 =	smov.u32 s25  }
0x179: {  	v10 =	vor.u32 $0x80, v8;
	v9 =	vshrl.u32 v9, $0x3  }
0x17a: {  	v9 =	vcvt.s32.f32 v9;
	_ =	sdelay $0x1  }
0x17b: {  	v9 =	vadd.f32 $5.000000000e-01, v9  }
0x17c: {  	v8 =	vld.idx.msk [tilespmem:v8+s2+$0x0], $0xffff  }
0x17d: {  	v10 =	vld.idx.msk [tilespmem:v10+s2+$0x0], $0xffff;
	v9 =	vadd.f32 v9, v9;
	_ =	sdelay $0x1  }
0x17e: {  	v9 =	vmul.f32 v9, v0;
	_ =	sdelay $0x1  }
0x17f: {  	v9 =	vsub.f32 $1.000000000e+00, v9;
	_ =	sdelay $0x1  }
0x180: {  	v8 =	vsub.f32 v8, v9;
	v9 =	vsub.f32 v10, v6;
	_ =	sdelay $0x1  }
0x181: {  	v8 =	vmul.f32 v8, v8;
	v9 =	vmul.f32 v9, v9;
	_ =	sdelay $0x1  }
.Ltmp5:
0x182: {  	v8 =	vadd.f32 v9, v8;
	(pc) =	sbr.rel @p0 .LBB2_12-.Ltmp5, $4  }
0x183: {  	_ = 	snop  }
0x184: {  	s22 =	sadd.s32 $0x10, s22;
	v8 =	vsel vm0, $0xBF800000, v8  }
0x185: {  	s24 =	sadd.s32 $0x10, s24;
	[tilespmem:s22+$0x0] =	vst v8  }
0x186: {  	s25 =	sadd.s32 $0x10, s25;
	v8 =	vld [tilespmem:s24+$0x0]  }
0x187: {  	_ =	sdelay $0x3  }
0x188: {  	vm0 =	vlt.s32 v8, $0x0  }
0x189: {  	v8 =	vsel vm0, $0x0, v8  }
0x18a: {  	v9 =	vshll.u32 v8, $0x2  }
0x18b: {  	v10 =	vor.u32 s23, v7;
	v8 =	vand.u32 $0x7F, v8;
	v9 =	vand.u32 $0xFFFFFE00, v9  }
0x18c: {  	v61 =	vshrl.u32 v10, $0x3;
	v8 =	vor.u32 v8, v9  }
0x18d: {  	v9 =	vcvt.s32.f32 v61;
	v62 =	vor.u32 $0x80, v8;
	_ =	sdelay $0x1  }
0x18e: {  	v9 =	vadd.f32 $5.000000000e-01, v9;
	_ =	sdelay $0x1  }
0x18f: {  	v9 =	vadd.f32 v9, v9;
	v8 =	vld.idx.msk [tilespmem:v8+s2+$0x0], $0xffff  }
0x190: {  	v10 =	vld.idx.msk [tilespmem:v62+s2+$0x0], $0xffff  }
0x191: {  	v9 =	vmul.f32 v9, v0;
	_ =	sdelay $0x1  }
0x192: {  	v9 =	vsub.f32 $1.000000000e+00, v9;
	_ =	sdelay $0x1  }
0x193: {  	v8 =	vsub.f32 v8, v9;
	v63 =	vsub.f32 v10, v6;
	_ =	sdelay $0x1  }
0x194: {  	v8 =	vmul.f32 v8, v8;
	v9 =	vmul.f32 v63, v63;
	_ =	sdelay $0x1  }
0x195: {  	v8 =	vadd.f32 v9, v8  }
0x196: {  	s21 =	sadd.s32 $0x1, s21  }
0x197: {  	s22 =	sadd.s32 $0x10, s22;
	p0 =	sne.s32 s21, s16;
	v8 =	vsel vm0, $0xBF800000, v8  }
.Ltmp6:
0x198: {  	[tilespmem:s22+$0x0] =	vst v8;
	(pc) =	sbr.rel @p0 .LBB2_1-.Ltmp6, $4  }
0x199: {  	[hbm4b:s15+s18] =	stream.strided.scatter [tilespmem:s20], [sflag:$0x1], $0x300, s19, s18, $0x38;
	[tilespmem:$0x8600] =	vst v63  }
0x19a: {  	_ =	swait.ge [sflag:s17], $0x300  }
0x19b: {  	[sflag:s17] =	ssyncset.done $0x0  }
0x19c: {  	[sflag:s17] =	ssyncadd.s32 $0xFFFFFD00  }
0x19d: {  	_ =	sfence.sel $0x180000  }
0x19e: {  	[bflag:$0x0] =	sbarrier.arrive $0xFFFF  }
0x19f: {  	p0 =	sne.s32 s0, $0x0;
	_ =	strace $0x9000004A  }
0x1a0: {  	s0 =	sadd.s32 @!p0 $0x100000, s1;
	[bflag:$0x2] =	sbarrier.arrive $0xFFFF  }
0x1a1: {  	[sflag:s0] =	ssyncadd.tile.s32 @!p0 $0x1;
	_ =	shalt  }
.Lfunc_end2:
_tile_overlayer_lowered:
.L_overlay_start_2:
0x1a2: {  	(tag) =	ssettag $0x2  }
0x1a3: {  	s0 =	rddreg [dreg:$0x0];
	s2 =	stileid.u32  }
0x1a4: {  	s1 =	rddreg [dreg:$0x1];
	p0 =	sne.s32 s2, $0x0  }
0x1a5: {  	s3 =	rddreg [dreg:$0x2];
	[bflag:$0x3] =	sbarrier.arrive $0xFFFF;
	s2 =	simm.s32 @!p0 $0x1C01  }
0x1a6: {  	[timem:s3], [sflag:s2] =	dma.local @!p0 [hbm:s0], s1  }
0x1a7: {  	s0 =	simm.s32 @!p0 $0x1  }
0x1a8: {  	_ =	swait.ge @!p0 [sflag:s0], s1  }
0x1a9: {  	s1 =	ssub.s32 @!p0 $0x0, s1;
	[sflag:s0] =	ssyncset.done @!p0 $0x0  }
0x1aa: {  	[sflag:s0] =	ssyncadd.s32 @!p0 s1  }
0x1ab: {  	[bflag:$0x3] =	sbarrier.arrive $0xFFFF  }
0x1ac: {  	_ =	shalt  }

</sc_bundles>
